<compile_context>
chip_gen: v7x
topology: tpu7x:2x2x1
jax: 0.10.2.dev20260603
libtpu: 0.0.44.dev20260713+nightly
codegen_flags: <defaults>
</compile_context>

<pallas_src>
import functools

import jax
import jax.numpy as jnp
from jax import lax
from jax.experimental import pallas as pl
from jax.experimental.pallas import tpu as pltpu
from jax.experimental.pallas import tpu_sc as plsc

MA_WINDOW = 100
CAPACITY = 0.5
C_KL = 1e-6

TC_CHUNK = 512



def _rowsum_xla(t):
    Tc, D = t.shape
    acc = t[:, 0:128]
    for j in range(1, D // 128):
        acc = acc + t[:, j * 128:(j + 1) * 128]
    tr = acc.T
    z = tr[0:8, :]
    for v in range(1, 16):
        z = z + tr[8 * v:8 * v + 8, :]
    r = z[0:4, :] + z[4:8, :]
    r = r[0:2, :] + r[2:4, :]
    r = r[0:1, :] + r[1:2, :]
    return r


def _score_body(mu_p, mu_q, lv, mu_ch_p, mu_ch_q, lv_ch, d_st_ref, d_ch_ref):
    t_st = lv[...] + ((mu_p[...] - mu_q[...]) ** 2 + C_KL) * jnp.exp(-lv[...])
    t_ch = lv_ch[...] + ((mu_ch_p[...] - mu_ch_q[...]) ** 2 + C_KL) * jnp.exp(-lv_ch[...])
    d_st_ref[0] = 0.5 * (_rowsum_xla(t_st) / t_st.shape[-1])
    d_ch_ref[0] = 0.5 * (_rowsum_xla(t_ch) / t_ch.shape[-1])


def _scores(mu_p, mu_q, log_var_q, mu_ch_p, mu_ch_q, log_var_ch_q):
    B, T, D = mu_p.shape
    N = B * T
    n_steps = N // TC_CHUNK
    args = [x.reshape(N, D) for x in (mu_p, mu_q, log_var_q, mu_ch_p, mu_ch_q, log_var_ch_q)]
    in_spec = pl.BlockSpec((TC_CHUNK, D), lambda i: (i, 0))
    out_spec = pl.BlockSpec((1, 1, TC_CHUNK), lambda i: (i, 0, 0))
    d_st, d_ch = pl.pallas_call(
        _score_body,
        grid=(n_steps,),
        in_specs=[in_spec] * 6,
        out_specs=[out_spec, out_spec],
        out_shape=[jax.ShapeDtypeStruct((n_steps, 1, TC_CHUNK), jnp.float32)] * 2,
    )(*args)
    return d_st.reshape(B, T), d_ch.reshape(B, T)



def _sort_body(g_ref, dst_ref, d0_ref, mcu_ref, bcu_ref, vals_ref, idx_ref, scu_ref):
    R, C = 128, 128
    row = lax.broadcasted_iota(jnp.int32, (R, C), 0)
    lane = lax.broadcasted_iota(jnp.int32, (R, C), 1)
    row32 = row & 31
    flat = row32 * C + lane

    val = g_ref[...]
    idx = flat

    def partner(x, d):
        if d < C:
            lo = jnp.roll(x, -d, axis=1)
            hi = jnp.roll(x, d, axis=1)
            sel = (lane & d) == 0
        else:
            dr = d // C
            lo = jnp.roll(x, -dr, axis=0)
            hi = jnp.roll(x, dr, axis=0)
            sel = (row32 & dr) == 0
        return jnp.where(sel, lo, hi)

    for s in range(12):
        asc = ((flat >> (s + 1)) & 1) == 1
        for sub in range(s, -1, -1):
            d = 1 << sub
            pv = partner(val, d)
            pix = partner(idx, d)
            self_first = (val > pv) | ((val == pv) & (idx < pix))
            flip = ((flat & d) != 0) != asc
            take_self = self_first != flip
            val = jnp.where(take_self, val, pv)
            idx = jnp.where(take_self, idx, pix)

    vals_ref[...] = jnp.concatenate([val[b * 32:b * 32 + 16] for b in range(4)], axis=0)
    idx_ref[...] = jnp.concatenate([idx[b * 32:b * 32 + 16] for b in range(4)], axis=0)

    x = dst_ref[...]
    c = x
    for sh in (1, 2, 4, 8, 16, 32, 64):
        c = c + jnp.where(lane >= sh, jnp.roll(c, sh, axis=1), 0.0)
    rowtot = jnp.broadcast_to(c[:, C - 1:C], (R, C))
    acc = rowtot
    for sh in (1, 2, 4, 8, 16):
        acc = acc + jnp.where(row32 >= sh, jnp.roll(acc, sh, axis=0), 0.0)
    c_full = c + (acc - rowtot)

    W = MA_WINDOW
    shifted = jnp.where(lane >= W, jnp.roll(c_full, W, axis=1),
                        jnp.roll(jnp.roll(c_full, 1, axis=0), W - C, axis=1))
    d0 = d0_ref[...]
    ma = jnp.where(flat >= W,
                   (c_full - shifted) * (1.0 / W),
                   (c_full + (W - 1 - flat).astype(jnp.float32) * d0) * (1.0 / W))
    cu = x - mcu_ref[0, 0] * ma
    z = bcu_ref[0, 0] * cu
    s_cu = 1.0 / (1.0 + jnp.exp(-z))
    scu_ref[...] = jnp.sum(s_cu, axis=(0, 1), keepdims=True) * (1.0 / (R * C))


def _sort_topk(g, d_st, raw_m_cu, beta_cu):
    B, T = g.shape
    g128 = g.reshape(128, 128)
    d128 = d_st.reshape(128, 128)
    d0b = jnp.broadcast_to(d_st[:, :1], (B, T)).reshape(128, 128)
    mcu = jnp.asarray(raw_m_cu, jnp.float32).reshape(1, 1)
    bcu = jnp.asarray(beta_cu, jnp.float32).reshape(1, 1)
    vals, idx, scu = pl.pallas_call(
        _sort_body,
        out_shape=[jax.ShapeDtypeStruct((64, 128), jnp.float32),
                   jax.ShapeDtypeStruct((64, 128), jnp.int32),
                   jax.ShapeDtypeStruct((1, 1), jnp.float32)],
    )(g128, d128, d0b, mcu, bcu)
    return vals, idx, scu



def _make_gather(n_rows, D, rows_per_worker, chunk):
    mesh = plsc.VectorSubcoreMesh(core_axis_name="c", subcore_axis_name="s")
    info = plsc.get_sparse_core_info()
    NC = info.num_cores
    n_chunks = rows_per_worker // chunk

    @functools.partial(
        pl.kernel, mesh=mesh,
        out_type=jax.ShapeDtypeStruct((n_rows, D), jnp.float32),
        scratch_types=[
            pltpu.VMEM((rows_per_worker,), jnp.int32),
            pltpu.VMEM((chunk, D), jnp.float32),
            pltpu.VMEM((chunk, D), jnp.float32),
            pltpu.SemaphoreType.DMA,
            pltpu.SemaphoreType.DMA,
        ],
    )
    def gather_k(table_hbm, idx_hbm, out_hbm, idx_v, rows_a, rows_b, sem_a, sem_b):
        wid = lax.axis_index("s") * NC + lax.axis_index("c")
        base = wid * rows_per_worker
        pltpu.sync_copy(idx_hbm.at[pl.ds(base, rows_per_worker)], idx_v)
        bufs = (rows_a, rows_b)
        sems = (sem_a, sem_b)

        def gather_start(j):
            return pltpu.async_copy(
                table_hbm.at[idx_v.at[pl.ds(j * chunk, chunk)]],
                bufs[j % 2], sems[j % 2])

        cp = gather_start(0)
        for j in range(1, n_chunks):
            cp_next = gather_start(j)
            cp.wait()
            pltpu.sync_copy(bufs[(j - 1) % 2], out_hbm.at[pl.ds(base + (j - 1) * chunk, chunk)])
            cp = cp_next
        cp.wait()
        pltpu.sync_copy(bufs[(n_chunks - 1) % 2],
                        out_hbm.at[pl.ds(base + (n_chunks - 1) * chunk, chunk)])

    return gather_k


def _gather(hidden_flat, gidx):
    n_rows = gidx.shape[0]
    D = hidden_flat.shape[1]
    k = _make_gather(n_rows, D, rows_per_worker=n_rows // 32, chunk=32)
    return k(hidden_flat, gidx)



def kernel(hidden_states, mu_p, mu_q, log_var_q, mu_ch_p, mu_ch_q, log_var_ch_q, beta_ce, beta_cu, raw_o_ce, raw_m_cu):
    B, T, D = hidden_states.shape
    k = min(max(1, int(T * CAPACITY)), T)

    D_st, D_ch = _scores(mu_p, mu_q, log_var_q, mu_ch_p, mu_ch_q, log_var_ch_q)
    CE = D_st - (D_ch - jnp.log(raw_o_ce + 1e-10))
    g_cont = jax.nn.sigmoid(beta_ce * CE)

    vals, idx_local, scu = _sort_topk(g_cont, D_st, raw_m_cu, beta_cu)

    topk_vals = vals.reshape(B, k)
    topk_idx = idx_local.reshape(B, k)
    gidx = (topk_idx + T * jnp.arange(B, dtype=jnp.int32)[:, None]).reshape(-1)

    selected_hidden = _gather(hidden_states.reshape(B * T, D), gidx)

    batch_idx = (jnp.arange(B * k, dtype=jnp.int32) // k)
    return (selected_hidden,
            batch_idx,
            topk_idx.reshape(-1),
            topk_vals.reshape(-1),
            scu[0, 0])

# --- scband reference (transcript-rebuilt; emitter-appended) ---
"""Pipeline reference for scband-base-surprise-router-73031623901313 (READ-ONLY COPY).

The authoritative reference and input builder live on the scoring server;
editing this copy changes nothing except your own understanding.
"""

import jax, jax.numpy as jnp
import numpy as np

MA_WINDOW = 100
CAPACITY = 0.5
C_KL = 1e-6


def _kl_divergence(mu_p, mu_q, log_var_q, c):
    precision_weighted = ((mu_p - mu_q) ** 2 + c) * jnp.exp(-log_var_q)
    return 0.5 * jnp.mean(log_var_q + precision_weighted, axis=-1)


def _moving_average(d_st):
    B, T = d_st.shape
    W = min(MA_WINDOW, T)
    if W <= 1:
        return d_st
    # replicate-pad on the left by W-1 (matches F.pad(..., 'replicate') + avg_pool1d(kernel=W, stride=1))
    padded = jnp.pad(d_st, ((0, 0), (W - 1, 0)), mode='edge')
    cs = jnp.cumsum(padded, axis=1)
    cs0 = jnp.concatenate([jnp.zeros((B, 1), dtype=d_st.dtype), cs], axis=1)
    window_sums = cs0[:, W:] - cs0[:, :-W]
    return window_sums / W


def setup_inputs(seed: int = 0):
    key = jax.random.key(seed)
    ks = jax.random.split(key, 8)
    B, T, D = 4, 4096, 1024
    inp = {
        'hidden_states': jax.random.normal(ks[0], (B, T, D), dtype=jnp.float32),
        'mu_p': jax.random.normal(ks[1], (B, T, D), dtype=jnp.float32),
        'mu_q': jax.random.normal(ks[2], (B, T, D), dtype=jnp.float32),
        'log_var_q': jax.random.normal(ks[3], (B, T, D), dtype=jnp.float32),
        'mu_ch_p': jax.random.normal(ks[4], (B, T, D), dtype=jnp.float32),
        'mu_ch_q': jax.random.normal(ks[5], (B, T, D), dtype=jnp.float32),
        'log_var_ch_q': jax.random.normal(ks[6], (B, T, D), dtype=jnp.float32),
        'beta_ce': jnp.ones((1,), dtype=jnp.float32),
        'beta_cu': jnp.ones((1,), dtype=jnp.float32),
        # learned/buffer scalar params from __init__ (o_ce_init=1.0, m_cu_init=1.1)
        'raw_o_ce': jnp.asarray(1.0, dtype=jnp.float32),
        'raw_m_cu': jnp.asarray(1.1, dtype=jnp.float32),
    }
    return inp


def reference(hidden_states, mu_p, mu_q, log_var_q, mu_ch_p, mu_ch_q, log_var_ch_q, beta_ce, beta_cu, raw_o_ce, raw_m_cu):
    # D_st / D_ch from compute_kl_divergence
    D_st = _kl_divergence(mu_p, mu_q, log_var_q, C_KL)
    D_ch = _kl_divergence(mu_ch_p, mu_ch_q, log_var_ch_q, C_KL)
    # _get_vpr_signals
    CE = D_st - (D_ch - jnp.log(raw_o_ce + 1e-10))
    CU = D_st - raw_m_cu * _moving_average(jax.lax.stop_gradient(D_st))
    S_CE = jax.nn.sigmoid(beta_ce * CE)
    S_CU = jax.nn.sigmoid(beta_cu * CU)
    g_cont = S_CE
    # select_tokens(scores=g_cont, hidden_states)
    B, T, D = hidden_states.shape
    k = max(1, int(T * CAPACITY))
    k = min(k, T)
    topk_vals, topk_idx = jax.lax.top_k(g_cont, k)
    batch_idx = jnp.broadcast_to(jnp.arange(B)[:, None], (B, k))
    selected_hidden = jnp.take_along_axis(hidden_states, topk_idx[:, :, None], axis=1)
    return (selected_hidden.reshape(-1, D),
            batch_idx.reshape(-1),
            topk_idx.reshape(-1),
            topk_vals.reshape(-1),
            S_CU.mean())

if __name__ == "__main__":
    import jax
    _d = setup_inputs()
    print(jax.jit(kernel)(*tuple(_d.values())))

</pallas_src>

<mosaic_0001>
#map = affine_map<(d0, d1) -> (0, 0)>
#map1 = affine_map<(d0, d1) -> (0)>
module attributes {stable_mosaic.version = 14 : i64} {
  func.func @gather_k(%arg0: i32, %arg1: i32, %arg2: memref<16384x1024xf32, #tpu.memory_space<hbm>>, %arg3: memref<8192xi32, #tpu.memory_space<hbm>>, %arg4: memref<8192x1024xf32, #tpu.memory_space<hbm>>, %arg5: memref<256xi32, #tpu.memory_space<vmem>>, %arg6: memref<32x1024xf32, #tpu.memory_space<vmem>>, %arg7: memref<32x1024xf32, #tpu.memory_space<vmem>>, %arg8: memref<!tpu.dma_semaphore, #tpu.memory_space<semaphore_mem>>, %arg9: memref<!tpu.dma_semaphore, #tpu.memory_space<semaphore_mem>>) attributes {dimension_semantics = [#tpu.dimension_semantics<core_parallel>, #tpu.dimension_semantics<subcore_parallel>], iteration_bounds = array<i64: 2, 16>, scalar_prefetch = 0 : i64, scratch_operands = 5 : i64, tpu.core_type = #tpu.core_type<sc_vector_subcore>, window_params = [{transform_indices = #map}, {transform_indices = #map1}, {transform_indices = #map}]} {
    %mul3A = arith.constant 2 : i32
    %mul3A_0 = arith.muli %arg1, %mul3A : i32
    %add3A = arith.addi %mul3A_0, %arg0 : i32
    %mul3A_1 = arith.constant 256 : i32
    %mul3A_2 = arith.muli %add3A, %mul3A_1 : i32
    "tpu.region"() ({
      %run_scoped3A = tpu.sem_alloc : memref<!tpu.dma_semaphore, #tpu.memory_space<semaphore_mem>>
      %dma_start3A_97 = tpu.memref_slice %arg3[%mul3A_2] : memref<8192xi32, #tpu.memory_space<hbm>> -> memref<256xi32, #tpu.memory_space<hbm>>
      %dma_start3A_98 = tpu.memref_slice %arg3[%mul3A_2] : memref<8192xi32, #tpu.memory_space<hbm>> -> memref<256xi32, #tpu.memory_space<hbm>>
      tpu.enqueue_dma source(%dma_start3A_98 : memref<256xi32, #tpu.memory_space<hbm>>) target(%arg5 : memref<256xi32, #tpu.memory_space<vmem>>) target_semaphore(%run_scoped3A : memref<!tpu.dma_semaphore, #tpu.memory_space<semaphore_mem>>)
      %dma_wait3A_99 = tpu.memref_slice %arg3[%mul3A_2] : memref<8192xi32, #tpu.memory_space<hbm>> -> memref<256xi32, #tpu.memory_space<hbm>>
      %dma_wait3A_100 = tpu.memref_slice %arg3[%mul3A_2] : memref<8192xi32, #tpu.memory_space<hbm>> -> memref<256xi32, #tpu.memory_space<hbm>>
      tpu.wait_dma2 semaphore(%run_scoped3A : memref<!tpu.dma_semaphore, #tpu.memory_space<semaphore_mem>>) src(%dma_wait3A_100 : memref<256xi32, #tpu.memory_space<hbm>>) dst(%arg5 : memref<256xi32, #tpu.memory_space<vmem>>)
      tpu.yield
    }) : () -> ()
    %dma_start3A = arith.constant 0 : i32
    %dma_start3A_3 = tpu.memref_slice %arg5[%dma_start3A] : memref<256xi32, #tpu.memory_space<vmem>> -> memref<32xi32, #tpu.memory_space<vmem>>
    %dma_start3A_4 = arith.constant 0 : i32
    %dma_start3A_5 = arith.constant 0 : i32
    %dma_start3A_6 = tpu.memref_slice %arg2[%dma_start3A_4, %dma_start3A_5] : memref<16384x1024xf32, #tpu.memory_space<hbm>> -> memref<16384x1024xf32, #tpu.memory_space<hbm>>
    tpu.enqueue_indirect_dma source(%dma_start3A_6 : memref<16384x1024xf32, #tpu.memory_space<hbm>>) target(%arg6 : memref<32x1024xf32, #tpu.memory_space<vmem>>) offsets(%dma_start3A_3 : memref<32xi32, #tpu.memory_space<vmem>>) semaphore(%arg8 : memref<!tpu.dma_semaphore, #tpu.memory_space<semaphore_mem>>)
    %dma_start3A_7 = arith.constant 32 : i32
    %dma_start3A_8 = tpu.memref_slice %arg5[%dma_start3A_7] : memref<256xi32, #tpu.memory_space<vmem>> -> memref<32xi32, #tpu.memory_space<vmem>>
    %dma_start3A_9 = arith.constant 0 : i32
    %dma_start3A_10 = arith.constant 0 : i32
    %dma_start3A_11 = tpu.memref_slice %arg2[%dma_start3A_9, %dma_start3A_10] : memref<16384x1024xf32, #tpu.memory_space<hbm>> -> memref<16384x1024xf32, #tpu.memory_space<hbm>>
    tpu.enqueue_indirect_dma source(%dma_start3A_11 : memref<16384x1024xf32, #tpu.memory_space<hbm>>) target(%arg7 : memref<32x1024xf32, #tpu.memory_space<vmem>>) offsets(%dma_start3A_8 : memref<32xi32, #tpu.memory_space<vmem>>) semaphore(%arg9 : memref<!tpu.dma_semaphore, #tpu.memory_space<semaphore_mem>>)
    %dma_wait3A = arith.constant 0 : i32
    %dma_wait3A_12 = tpu.memref_slice %arg5[%dma_wait3A] : memref<256xi32, #tpu.memory_space<vmem>> -> memref<32xi32, #tpu.memory_space<vmem>>
    %dma_wait3A_13 = arith.constant 0 : i32
    %dma_wait3A_14 = arith.constant 0 : i32
    %dma_wait3A_15 = tpu.memref_slice %arg2[%dma_wait3A_13, %dma_wait3A_14] : memref<16384x1024xf32, #tpu.memory_space<hbm>> -> memref<16384x1024xf32, #tpu.memory_space<hbm>>
    tpu.wait_indirect_dma semaphore(%arg8 : memref<!tpu.dma_semaphore, #tpu.memory_space<semaphore_mem>>) src(%dma_wait3A_15 : memref<16384x1024xf32, #tpu.memory_space<hbm>>) dst(%arg6 : memref<32x1024xf32, #tpu.memory_space<vmem>>)
    %add3A_16 = arith.constant 0 : i32
    %add3A_17 = arith.addi %mul3A_2, %add3A_16 : i32
    "tpu.region"() ({
      %run_scoped3A = tpu.sem_alloc : memref<!tpu.dma_semaphore, #tpu.memory_space<semaphore_mem>>
      %dma_start3A_97 = arith.constant 0 : i32
      %dma_start3A_98 = tpu.memref_slice %arg4[%add3A_17, %dma_start3A_97] : memref<8192x1024xf32, #tpu.memory_space<hbm>> -> memref<32x1024xf32, #tpu.memory_space<hbm>>
      %dma_start3A_99 = arith.constant 0 : i32
      %dma_start3A_100 = tpu.memref_slice %arg4[%add3A_17, %dma_start3A_99] : memref<8192x1024xf32, #tpu.memory_space<hbm>> -> memref<32x1024xf32, #tpu.memory_space<hbm>>
      tpu.enqueue_dma source(%arg6 : memref<32x1024xf32, #tpu.memory_space<vmem>>) target(%dma_start3A_100 : memref<32x1024xf32, #tpu.memory_space<hbm>>) target_semaphore(%run_scoped3A : memref<!tpu.dma_semaphore, #tpu.memory_space<semaphore_mem>>)
      %dma_wait3A_101 = arith.constant 0 : i32
      %dma_wait3A_102 = tpu.memref_slice %arg4[%add3A_17, %dma_wait3A_101] : memref<8192x1024xf32, #tpu.memory_space<hbm>> -> memref<32x1024xf32, #tpu.memory_space<hbm>>
      %dma_wait3A_103 = arith.constant 0 : i32
      %dma_wait3A_104 = tpu.memref_slice %arg4[%add3A_17, %dma_wait3A_103] : memref<8192x1024xf32, #tpu.memory_space<hbm>> -> memref<32x1024xf32, #tpu.memory_space<hbm>>
      tpu.wait_dma2 semaphore(%run_scoped3A : memref<!tpu.dma_semaphore, #tpu.memory_space<semaphore_mem>>) src(%arg6 : memref<32x1024xf32, #tpu.memory_space<vmem>>) dst(%dma_wait3A_104 : memref<32x1024xf32, #tpu.memory_space<hbm>>)
      tpu.yield
    }) : () -> ()
    %dma_start3A_18 = arith.constant 64 : i32
    %dma_start3A_19 = tpu.memref_slice %arg5[%dma_start3A_18] : memref<256xi32, #tpu.memory_space<vmem>> -> memref<32xi32, #tpu.memory_space<vmem>>
    %dma_start3A_20 = arith.constant 0 : i32
    %dma_start3A_21 = arith.constant 0 : i32
    %dma_start3A_22 = tpu.memref_slice %arg2[%dma_start3A_20, %dma_start3A_21] : memref<16384x1024xf32, #tpu.memory_space<hbm>> -> memref<16384x1024xf32, #tpu.memory_space<hbm>>
    tpu.enqueue_indirect_dma source(%dma_start3A_22 : memref<16384x1024xf32, #tpu.memory_space<hbm>>) target(%arg6 : memref<32x1024xf32, #tpu.memory_space<vmem>>) offsets(%dma_start3A_19 : memref<32xi32, #tpu.memory_space<vmem>>) semaphore(%arg8 : memref<!tpu.dma_semaphore, #tpu.memory_space<semaphore_mem>>)
    %dma_wait3A_23 = arith.constant 32 : i32
    %dma_wait3A_24 = tpu.memref_slice %arg5[%dma_wait3A_23] : memref<256xi32, #tpu.memory_space<vmem>> -> memref<32xi32, #tpu.memory_space<vmem>>
    %dma_wait3A_25 = arith.constant 0 : i32
    %dma_wait3A_26 = arith.constant 0 : i32
    %dma_wait3A_27 = tpu.memref_slice %arg2[%dma_wait3A_25, %dma_wait3A_26] : memref<16384x1024xf32, #tpu.memory_space<hbm>> -> memref<16384x1024xf32, #tpu.memory_space<hbm>>
    tpu.wait_indirect_dma semaphore(%arg9 : memref<!tpu.dma_semaphore, #tpu.memory_space<semaphore_mem>>) src(%dma_wait3A_27 : memref<16384x1024xf32, #tpu.memory_space<hbm>>) dst(%arg7 : memref<32x1024xf32, #tpu.memory_space<vmem>>)
    %add3A_28 = arith.constant 32 : i32
    %add3A_29 = arith.addi %mul3A_2, %add3A_28 : i32
    "tpu.region"() ({
      %run_scoped3A = tpu.sem_alloc : memref<!tpu.dma_semaphore, #tpu.memory_space<semaphore_mem>>
      %dma_start3A_97 = arith.constant 0 : i32
      %dma_start3A_98 = tpu.memref_slice %arg4[%add3A_29, %dma_start3A_97] : memref<8192x1024xf32, #tpu.memory_space<hbm>> -> memref<32x1024xf32, #tpu.memory_space<hbm>>
      %dma_start3A_99 = arith.constant 0 : i32
      %dma_start3A_100 = tpu.memref_slice %arg4[%add3A_29, %dma_start3A_99] : memref<8192x1024xf32, #tpu.memory_space<hbm>> -> memref<32x1024xf32, #tpu.memory_space<hbm>>
      tpu.enqueue_dma source(%arg7 : memref<32x1024xf32, #tpu.memory_space<vmem>>) target(%dma_start3A_100 : memref<32x1024xf32, #tpu.memory_space<hbm>>) target_semaphore(%run_scoped3A : memref<!tpu.dma_semaphore, #tpu.memory_space<semaphore_mem>>)
      %dma_wait3A_101 = arith.constant 0 : i32
      %dma_wait3A_102 = tpu.memref_slice %arg4[%add3A_29, %dma_wait3A_101] : memref<8192x1024xf32, #tpu.memory_space<hbm>> -> memref<32x1024xf32, #tpu.memory_space<hbm>>
      %dma_wait3A_103 = arith.constant 0 : i32
      %dma_wait3A_104 = tpu.memref_slice %arg4[%add3A_29, %dma_wait3A_103] : memref<8192x1024xf32, #tpu.memory_space<hbm>> -> memref<32x1024xf32, #tpu.memory_space<hbm>>
      tpu.wait_dma2 semaphore(%run_scoped3A : memref<!tpu.dma_semaphore, #tpu.memory_space<semaphore_mem>>) src(%arg7 : memref<32x1024xf32, #tpu.memory_space<vmem>>) dst(%dma_wait3A_104 : memref<32x1024xf32, #tpu.memory_space<hbm>>)
      tpu.yield
    }) : () -> ()
    %dma_start3A_30 = arith.constant 96 : i32
    %dma_start3A_31 = tpu.memref_slice %arg5[%dma_start3A_30] : memref<256xi32, #tpu.memory_space<vmem>> -> memref<32xi32, #tpu.memory_space<vmem>>
    %dma_start3A_32 = arith.constant 0 : i32
    %dma_start3A_33 = arith.constant 0 : i32
    %dma_start3A_34 = tpu.memref_slice %arg2[%dma_start3A_32, %dma_start3A_33] : memref<16384x1024xf32, #tpu.memory_space<hbm>> -> memref<16384x1024xf32, #tpu.memory_space<hbm>>
    tpu.enqueue_indirect_dma source(%dma_start3A_34 : memref<16384x1024xf32, #tpu.memory_space<hbm>>) target(%arg7 : memref<32x1024xf32, #tpu.memory_space<vmem>>) offsets(%dma_start3A_31 : memref<32xi32, #tpu.memory_space<vmem>>) semaphore(%arg9 : memref<!tpu.dma_semaphore, #tpu.memory_space<semaphore_mem>>)
    %dma_wait3A_35 = arith.constant 64 : i32
    %dma_wait3A_36 = tpu.memref_slice %arg5[%dma_wait3A_35] : memref<256xi32, #tpu.memory_space<vmem>> -> memref<32xi32, #tpu.memory_space<vmem>>
    %dma_wait3A_37 = arith.constant 0 : i32
    %dma_wait3A_38 = arith.constant 0 : i32
    %dma_wait3A_39 = tpu.memref_slice %arg2[%dma_wait3A_37, %dma_wait3A_38] : memref<16384x1024xf32, #tpu.memory_space<hbm>> -> memref<16384x1024xf32, #tpu.memory_space<hbm>>
    tpu.wait_indirect_dma semaphore(%arg8 : memref<!tpu.dma_semaphore, #tpu.memory_space<semaphore_mem>>) src(%dma_wait3A_39 : memref<16384x1024xf32, #tpu.memory_space<hbm>>) dst(%arg6 : memref<32x1024xf32, #tpu.memory_space<vmem>>)
    %add3A_40 = arith.constant 64 : i32
    %add3A_41 = arith.addi %mul3A_2, %add3A_40 : i32
    "tpu.region"() ({
      %run_scoped3A = tpu.sem_alloc : memref<!tpu.dma_semaphore, #tpu.memory_space<semaphore_mem>>
      %dma_start3A_97 = arith.constant 0 : i32
      %dma_start3A_98 = tpu.memref_slice %arg4[%add3A_41, %dma_start3A_97] : memref<8192x1024xf32, #tpu.memory_space<hbm>> -> memref<32x1024xf32, #tpu.memory_space<hbm>>
      %dma_start3A_99 = arith.constant 0 : i32
      %dma_start3A_100 = tpu.memref_slice %arg4[%add3A_41, %dma_start3A_99] : memref<8192x1024xf32, #tpu.memory_space<hbm>> -> memref<32x1024xf32, #tpu.memory_space<hbm>>
      tpu.enqueue_dma source(%arg6 : memref<32x1024xf32, #tpu.memory_space<vmem>>) target(%dma_start3A_100 : memref<32x1024xf32, #tpu.memory_space<hbm>>) target_semaphore(%run_scoped3A : memref<!tpu.dma_semaphore, #tpu.memory_space<semaphore_mem>>)
      %dma_wait3A_101 = arith.constant 0 : i32
      %dma_wait3A_102 = tpu.memref_slice %arg4[%add3A_41, %dma_wait3A_101] : memref<8192x1024xf32, #tpu.memory_space<hbm>> -> memref<32x1024xf32, #tpu.memory_space<hbm>>
      %dma_wait3A_103 = arith.constant 0 : i32
      %dma_wait3A_104 = tpu.memref_slice %arg4[%add3A_41, %dma_wait3A_103] : memref<8192x1024xf32, #tpu.memory_space<hbm>> -> memref<32x1024xf32, #tpu.memory_space<hbm>>
      tpu.wait_dma2 semaphore(%run_scoped3A : memref<!tpu.dma_semaphore, #tpu.memory_space<semaphore_mem>>) src(%arg6 : memref<32x1024xf32, #tpu.memory_space<vmem>>) dst(%dma_wait3A_104 : memref<32x1024xf32, #tpu.memory_space<hbm>>)
      tpu.yield
    }) : () -> ()
    %dma_start3A_42 = arith.constant 128 : i32
    %dma_start3A_43 = tpu.memref_slice %arg5[%dma_start3A_42] : memref<256xi32, #tpu.memory_space<vmem>> -> memref<32xi32, #tpu.memory_space<vmem>>
    %dma_start3A_44 = arith.constant 0 : i32
    %dma_start3A_45 = arith.constant 0 : i32
    %dma_start3A_46 = tpu.memref_slice %arg2[%dma_start3A_44, %dma_start3A_45] : memref<16384x1024xf32, #tpu.memory_space<hbm>> -> memref<16384x1024xf32, #tpu.memory_space<hbm>>
    tpu.enqueue_indirect_dma source(%dma_start3A_46 : memref<16384x1024xf32, #tpu.memory_space<hbm>>) target(%arg6 : memref<32x1024xf32, #tpu.memory_space<vmem>>) offsets(%dma_start3A_43 : memref<32xi32, #tpu.memory_space<vmem>>) semaphore(%arg8 : memref<!tpu.dma_semaphore, #tpu.memory_space<semaphore_mem>>)
    %dma_wait3A_47 = arith.constant 96 : i32
    %dma_wait3A_48 = tpu.memref_slice %arg5[%dma_wait3A_47] : memref<256xi32, #tpu.memory_space<vmem>> -> memref<32xi32, #tpu.memory_space<vmem>>
    %dma_wait3A_49 = arith.constant 0 : i32
    %dma_wait3A_50 = arith.constant 0 : i32
    %dma_wait3A_51 = tpu.memref_slice %arg2[%dma_wait3A_49, %dma_wait3A_50] : memref<16384x1024xf32, #tpu.memory_space<hbm>> -> memref<16384x1024xf32, #tpu.memory_space<hbm>>
    tpu.wait_indirect_dma semaphore(%arg9 : memref<!tpu.dma_semaphore, #tpu.memory_space<semaphore_mem>>) src(%dma_wait3A_51 : memref<16384x1024xf32, #tpu.memory_space<hbm>>) dst(%arg7 : memref<32x1024xf32, #tpu.memory_space<vmem>>)
    %add3A_52 = arith.constant 96 : i32
    %add3A_53 = arith.addi %mul3A_2, %add3A_52 : i32
    "tpu.region"() ({
      %run_scoped3A = tpu.sem_alloc : memref<!tpu.dma_semaphore, #tpu.memory_space<semaphore_mem>>
      %dma_start3A_97 = arith.constant 0 : i32
      %dma_start3A_98 = tpu.memref_slice %arg4[%add3A_53, %dma_start3A_97] : memref<8192x1024xf32, #tpu.memory_space<hbm>> -> memref<32x1024xf32, #tpu.memory_space<hbm>>
      %dma_start3A_99 = arith.constant 0 : i32
      %dma_start3A_100 = tpu.memref_slice %arg4[%add3A_53, %dma_start3A_99] : memref<8192x1024xf32, #tpu.memory_space<hbm>> -> memref<32x1024xf32, #tpu.memory_space<hbm>>
      tpu.enqueue_dma source(%arg7 : memref<32x1024xf32, #tpu.memory_space<vmem>>) target(%dma_start3A_100 : memref<32x1024xf32, #tpu.memory_space<hbm>>) target_semaphore(%run_scoped3A : memref<!tpu.dma_semaphore, #tpu.memory_space<semaphore_mem>>)
      %dma_wait3A_101 = arith.constant 0 : i32
      %dma_wait3A_102 = tpu.memref_slice %arg4[%add3A_53, %dma_wait3A_101] : memref<8192x1024xf32, #tpu.memory_space<hbm>> -> memref<32x1024xf32, #tpu.memory_space<hbm>>
      %dma_wait3A_103 = arith.constant 0 : i32
      %dma_wait3A_104 = tpu.memref_slice %arg4[%add3A_53, %dma_wait3A_103] : memref<8192x1024xf32, #tpu.memory_space<hbm>> -> memref<32x1024xf32, #tpu.memory_space<hbm>>
      tpu.wait_dma2 semaphore(%run_scoped3A : memref<!tpu.dma_semaphore, #tpu.memory_space<semaphore_mem>>) src(%arg7 : memref<32x1024xf32, #tpu.memory_space<vmem>>) dst(%dma_wait3A_104 : memref<32x1024xf32, #tpu.memory_space<hbm>>)
      tpu.yield
    }) : () -> ()
    %dma_start3A_54 = arith.constant 160 : i32
    %dma_start3A_55 = tpu.memref_slice %arg5[%dma_start3A_54] : memref<256xi32, #tpu.memory_space<vmem>> -> memref<32xi32, #tpu.memory_space<vmem>>
    %dma_start3A_56 = arith.constant 0 : i32
    %dma_start3A_57 = arith.constant 0 : i32
    %dma_start3A_58 = tpu.memref_slice %arg2[%dma_start3A_56, %dma_start3A_57] : memref<16384x1024xf32, #tpu.memory_space<hbm>> -> memref<16384x1024xf32, #tpu.memory_space<hbm>>
    tpu.enqueue_indirect_dma source(%dma_start3A_58 : memref<16384x1024xf32, #tpu.memory_space<hbm>>) target(%arg7 : memref<32x1024xf32, #tpu.memory_space<vmem>>) offsets(%dma_start3A_55 : memref<32xi32, #tpu.memory_space<vmem>>) semaphore(%arg9 : memref<!tpu.dma_semaphore, #tpu.memory_space<semaphore_mem>>)
    %dma_wait3A_59 = arith.constant 128 : i32
    %dma_wait3A_60 = tpu.memref_slice %arg5[%dma_wait3A_59] : memref<256xi32, #tpu.memory_space<vmem>> -> memref<32xi32, #tpu.memory_space<vmem>>
    %dma_wait3A_61 = arith.constant 0 : i32
    %dma_wait3A_62 = arith.constant 0 : i32
    %dma_wait3A_63 = tpu.memref_slice %arg2[%dma_wait3A_61, %dma_wait3A_62] : memref<16384x1024xf32, #tpu.memory_space<hbm>> -> memref<16384x1024xf32, #tpu.memory_space<hbm>>
    tpu.wait_indirect_dma semaphore(%arg8 : memref<!tpu.dma_semaphore, #tpu.memory_space<semaphore_mem>>) src(%dma_wait3A_63 : memref<16384x1024xf32, #tpu.memory_space<hbm>>) dst(%arg6 : memref<32x1024xf32, #tpu.memory_space<vmem>>)
    %add3A_64 = arith.constant 128 : i32
    %add3A_65 = arith.addi %mul3A_2, %add3A_64 : i32
    "tpu.region"() ({
      %run_scoped3A = tpu.sem_alloc : memref<!tpu.dma_semaphore, #tpu.memory_space<semaphore_mem>>
      %dma_start3A_97 = arith.constant 0 : i32
      %dma_start3A_98 = tpu.memref_slice %arg4[%add3A_65, %dma_start3A_97] : memref<8192x1024xf32, #tpu.memory_space<hbm>> -> memref<32x1024xf32, #tpu.memory_space<hbm>>
      %dma_start3A_99 = arith.constant 0 : i32
      %dma_start3A_100 = tpu.memref_slice %arg4[%add3A_65, %dma_start3A_99] : memref<8192x1024xf32, #tpu.memory_space<hbm>> -> memref<32x1024xf32, #tpu.memory_space<hbm>>
      tpu.enqueue_dma source(%arg6 : memref<32x1024xf32, #tpu.memory_space<vmem>>) target(%dma_start3A_100 : memref<32x1024xf32, #tpu.memory_space<hbm>>) target_semaphore(%run_scoped3A : memref<!tpu.dma_semaphore, #tpu.memory_space<semaphore_mem>>)
      %dma_wait3A_101 = arith.constant 0 : i32
      %dma_wait3A_102 = tpu.memref_slice %arg4[%add3A_65, %dma_wait3A_101] : memref<8192x1024xf32, #tpu.memory_space<hbm>> -> memref<32x1024xf32, #tpu.memory_space<hbm>>
      %dma_wait3A_103 = arith.constant 0 : i32
      %dma_wait3A_104 = tpu.memref_slice %arg4[%add3A_65, %dma_wait3A_103] : memref<8192x1024xf32, #tpu.memory_space<hbm>> -> memref<32x1024xf32, #tpu.memory_space<hbm>>
      tpu.wait_dma2 semaphore(%run_scoped3A : memref<!tpu.dma_semaphore, #tpu.memory_space<semaphore_mem>>) src(%arg6 : memref<32x1024xf32, #tpu.memory_space<vmem>>) dst(%dma_wait3A_104 : memref<32x1024xf32, #tpu.memory_space<hbm>>)
      tpu.yield
    }) : () -> ()
    %dma_start3A_66 = arith.constant 192 : i32
    %dma_start3A_67 = tpu.memref_slice %arg5[%dma_start3A_66] : memref<256xi32, #tpu.memory_space<vmem>> -> memref<32xi32, #tpu.memory_space<vmem>>
    %dma_start3A_68 = arith.constant 0 : i32
    %dma_start3A_69 = arith.constant 0 : i32
    %dma_start3A_70 = tpu.memref_slice %arg2[%dma_start3A_68, %dma_start3A_69] : memref<16384x1024xf32, #tpu.memory_space<hbm>> -> memref<16384x1024xf32, #tpu.memory_space<hbm>>
    tpu.enqueue_indirect_dma source(%dma_start3A_70 : memref<16384x1024xf32, #tpu.memory_space<hbm>>) target(%arg6 : memref<32x1024xf32, #tpu.memory_space<vmem>>) offsets(%dma_start3A_67 : memref<32xi32, #tpu.memory_space<vmem>>) semaphore(%arg8 : memref<!tpu.dma_semaphore, #tpu.memory_space<semaphore_mem>>)
    %dma_wait3A_71 = arith.constant 160 : i32
    %dma_wait3A_72 = tpu.memref_slice %arg5[%dma_wait3A_71] : memref<256xi32, #tpu.memory_space<vmem>> -> memref<32xi32, #tpu.memory_space<vmem>>
    %dma_wait3A_73 = arith.constant 0 : i32
    %dma_wait3A_74 = arith.constant 0 : i32
    %dma_wait3A_75 = tpu.memref_slice %arg2[%dma_wait3A_73, %dma_wait3A_74] : memref<16384x1024xf32, #tpu.memory_space<hbm>> -> memref<16384x1024xf32, #tpu.memory_space<hbm>>
    tpu.wait_indirect_dma semaphore(%arg9 : memref<!tpu.dma_semaphore, #tpu.memory_space<semaphore_mem>>) src(%dma_wait3A_75 : memref<16384x1024xf32, #tpu.memory_space<hbm>>) dst(%arg7 : memref<32x1024xf32, #tpu.memory_space<vmem>>)
    %add3A_76 = arith.constant 160 : i32
    %add3A_77 = arith.addi %mul3A_2, %add3A_76 : i32
    "tpu.region"() ({
      %run_scoped3A = tpu.sem_alloc : memref<!tpu.dma_semaphore, #tpu.memory_space<semaphore_mem>>
      %dma_start3A_97 = arith.constant 0 : i32
      %dma_start3A_98 = tpu.memref_slice %arg4[%add3A_77, %dma_start3A_97] : memref<8192x1024xf32, #tpu.memory_space<hbm>> -> memref<32x1024xf32, #tpu.memory_space<hbm>>
      %dma_start3A_99 = arith.constant 0 : i32
      %dma_start3A_100 = tpu.memref_slice %arg4[%add3A_77, %dma_start3A_99] : memref<8192x1024xf32, #tpu.memory_space<hbm>> -> memref<32x1024xf32, #tpu.memory_space<hbm>>
      tpu.enqueue_dma source(%arg7 : memref<32x1024xf32, #tpu.memory_space<vmem>>) target(%dma_start3A_100 : memref<32x1024xf32, #tpu.memory_space<hbm>>) target_semaphore(%run_scoped3A : memref<!tpu.dma_semaphore, #tpu.memory_space<semaphore_mem>>)
      %dma_wait3A_101 = arith.constant 0 : i32
      %dma_wait3A_102 = tpu.memref_slice %arg4[%add3A_77, %dma_wait3A_101] : memref<8192x1024xf32, #tpu.memory_space<hbm>> -> memref<32x1024xf32, #tpu.memory_space<hbm>>
      %dma_wait3A_103 = arith.constant 0 : i32
      %dma_wait3A_104 = tpu.memref_slice %arg4[%add3A_77, %dma_wait3A_103] : memref<8192x1024xf32, #tpu.memory_space<hbm>> -> memref<32x1024xf32, #tpu.memory_space<hbm>>
      tpu.wait_dma2 semaphore(%run_scoped3A : memref<!tpu.dma_semaphore, #tpu.memory_space<semaphore_mem>>) src(%arg7 : memref<32x1024xf32, #tpu.memory_space<vmem>>) dst(%dma_wait3A_104 : memref<32x1024xf32, #tpu.memory_space<hbm>>)
      tpu.yield
    }) : () -> ()
    %dma_start3A_78 = arith.constant 224 : i32
    %dma_start3A_79 = tpu.memref_slice %arg5[%dma_start3A_78] : memref<256xi32, #tpu.memory_space<vmem>> -> memref<32xi32, #tpu.memory_space<vmem>>
    %dma_start3A_80 = arith.constant 0 : i32
    %dma_start3A_81 = arith.constant 0 : i32
    %dma_start3A_82 = tpu.memref_slice %arg2[%dma_start3A_80, %dma_start3A_81] : memref<16384x1024xf32, #tpu.memory_space<hbm>> -> memref<16384x1024xf32, #tpu.memory_space<hbm>>
    tpu.enqueue_indirect_dma source(%dma_start3A_82 : memref<16384x1024xf32, #tpu.memory_space<hbm>>) target(%arg7 : memref<32x1024xf32, #tpu.memory_space<vmem>>) offsets(%dma_start3A_79 : memref<32xi32, #tpu.memory_space<vmem>>) semaphore(%arg9 : memref<!tpu.dma_semaphore, #tpu.memory_space<semaphore_mem>>)
    %dma_wait3A_83 = arith.constant 192 : i32
    %dma_wait3A_84 = tpu.memref_slice %arg5[%dma_wait3A_83] : memref<256xi32, #tpu.memory_space<vmem>> -> memref<32xi32, #tpu.memory_space<vmem>>
    %dma_wait3A_85 = arith.constant 0 : i32
    %dma_wait3A_86 = arith.constant 0 : i32
    %dma_wait3A_87 = tpu.memref_slice %arg2[%dma_wait3A_85, %dma_wait3A_86] : memref<16384x1024xf32, #tpu.memory_space<hbm>> -> memref<16384x1024xf32, #tpu.memory_space<hbm>>
    tpu.wait_indirect_dma semaphore(%arg8 : memref<!tpu.dma_semaphore, #tpu.memory_space<semaphore_mem>>) src(%dma_wait3A_87 : memref<16384x1024xf32, #tpu.memory_space<hbm>>) dst(%arg6 : memref<32x1024xf32, #tpu.memory_space<vmem>>)
    %add3A_88 = arith.constant 192 : i32
    %add3A_89 = arith.addi %mul3A_2, %add3A_88 : i32
    "tpu.region"() ({
      %run_scoped3A = tpu.sem_alloc : memref<!tpu.dma_semaphore, #tpu.memory_space<semaphore_mem>>
      %dma_start3A_97 = arith.constant 0 : i32
      %dma_start3A_98 = tpu.memref_slice %arg4[%add3A_89, %dma_start3A_97] : memref<8192x1024xf32, #tpu.memory_space<hbm>> -> memref<32x1024xf32, #tpu.memory_space<hbm>>
      %dma_start3A_99 = arith.constant 0 : i32
      %dma_start3A_100 = tpu.memref_slice %arg4[%add3A_89, %dma_start3A_99] : memref<8192x1024xf32, #tpu.memory_space<hbm>> -> memref<32x1024xf32, #tpu.memory_space<hbm>>
      tpu.enqueue_dma source(%arg6 : memref<32x1024xf32, #tpu.memory_space<vmem>>) target(%dma_start3A_100 : memref<32x1024xf32, #tpu.memory_space<hbm>>) target_semaphore(%run_scoped3A : memref<!tpu.dma_semaphore, #tpu.memory_space<semaphore_mem>>)
      %dma_wait3A_101 = arith.constant 0 : i32
      %dma_wait3A_102 = tpu.memref_slice %arg4[%add3A_89, %dma_wait3A_101] : memref<8192x1024xf32, #tpu.memory_space<hbm>> -> memref<32x1024xf32, #tpu.memory_space<hbm>>
      %dma_wait3A_103 = arith.constant 0 : i32
      %dma_wait3A_104 = tpu.memref_slice %arg4[%add3A_89, %dma_wait3A_103] : memref<8192x1024xf32, #tpu.memory_space<hbm>> -> memref<32x1024xf32, #tpu.memory_space<hbm>>
      tpu.wait_dma2 semaphore(%run_scoped3A : memref<!tpu.dma_semaphore, #tpu.memory_space<semaphore_mem>>) src(%arg6 : memref<32x1024xf32, #tpu.memory_space<vmem>>) dst(%dma_wait3A_104 : memref<32x1024xf32, #tpu.memory_space<hbm>>)
      tpu.yield
    }) : () -> ()
    %dma_wait3A_90 = arith.constant 224 : i32
    %dma_wait3A_91 = tpu.memref_slice %arg5[%dma_wait3A_90] : memref<256xi32, #tpu.memory_space<vmem>> -> memref<32xi32, #tpu.memory_space<vmem>>
    %dma_wait3A_92 = arith.constant 0 : i32
    %dma_wait3A_93 = arith.constant 0 : i32
    %dma_wait3A_94 = tpu.memref_slice %arg2[%dma_wait3A_92, %dma_wait3A_93] : memref<16384x1024xf32, #tpu.memory_space<hbm>> -> memref<16384x1024xf32, #tpu.memory_space<hbm>>
    tpu.wait_indirect_dma semaphore(%arg9 : memref<!tpu.dma_semaphore, #tpu.memory_space<semaphore_mem>>) src(%dma_wait3A_94 : memref<16384x1024xf32, #tpu.memory_space<hbm>>) dst(%arg7 : memref<32x1024xf32, #tpu.memory_space<vmem>>)
    %add3A_95 = arith.constant 224 : i32
    %add3A_96 = arith.addi %mul3A_2, %add3A_95 : i32
    "tpu.region"() ({
      %run_scoped3A = tpu.sem_alloc : memref<!tpu.dma_semaphore, #tpu.memory_space<semaphore_mem>>
      %dma_start3A_97 = arith.constant 0 : i32
      %dma_start3A_98 = tpu.memref_slice %arg4[%add3A_96, %dma_start3A_97] : memref<8192x1024xf32, #tpu.memory_space<hbm>> -> memref<32x1024xf32, #tpu.memory_space<hbm>>
      %dma_start3A_99 = arith.constant 0 : i32
      %dma_start3A_100 = tpu.memref_slice %arg4[%add3A_96, %dma_start3A_99] : memref<8192x1024xf32, #tpu.memory_space<hbm>> -> memref<32x1024xf32, #tpu.memory_space<hbm>>
      tpu.enqueue_dma source(%arg7 : memref<32x1024xf32, #tpu.memory_space<vmem>>) target(%dma_start3A_100 : memref<32x1024xf32, #tpu.memory_space<hbm>>) target_semaphore(%run_scoped3A : memref<!tpu.dma_semaphore, #tpu.memory_space<semaphore_mem>>)
      %dma_wait3A_101 = arith.constant 0 : i32
      %dma_wait3A_102 = tpu.memref_slice %arg4[%add3A_96, %dma_wait3A_101] : memref<8192x1024xf32, #tpu.memory_space<hbm>> -> memref<32x1024xf32, #tpu.memory_space<hbm>>
      %dma_wait3A_103 = arith.constant 0 : i32
      %dma_wait3A_104 = tpu.memref_slice %arg4[%add3A_96, %dma_wait3A_103] : memref<8192x1024xf32, #tpu.memory_space<hbm>> -> memref<32x1024xf32, #tpu.memory_space<hbm>>
      tpu.wait_dma2 semaphore(%run_scoped3A : memref<!tpu.dma_semaphore, #tpu.memory_space<semaphore_mem>>) src(%arg7 : memref<32x1024xf32, #tpu.memory_space<vmem>>) dst(%dma_wait3A_104 : memref<32x1024xf32, #tpu.memory_space<hbm>>)
      tpu.yield
    }) : () -> ()
    return
  }
}

module attributes {stable_mosaic.version = 14 : i64} {
  func.func @_score_body(%arg0: i32, %arg1: memref<512x1024xf32, #tpu.memory_space<vmem>>, %arg2: memref<512x1024xf32, #tpu.memory_space<vmem>>, %arg3: memref<512x1024xf32, #tpu.memory_space<vmem>>, %arg4: memref<512x1024xf32, #tpu.memory_space<vmem>>, %arg5: memref<512x1024xf32, #tpu.memory_space<vmem>>, %arg6: memref<512x1024xf32, #tpu.memory_space<vmem>>, %arg7: memref<1x1x512xf32, #tpu.memory_space<vmem>>, %arg8: memref<1x1x512xf32, #tpu.memory_space<vmem>>) attributes {dimension_semantics = [#tpu.dimension_semantics<arbitrary>], iteration_bounds = array<i64: 32>, scalar_prefetch = 0 : i64, scratch_operands = 0 : i64, tpu.core_type = #tpu.core_type<tc>, window_params = [{transform_indices = @transform_0, window_bounds = array<i64: 512, 1024>}, {transform_indices = @transform_1, window_bounds = array<i64: 512, 1024>}, {transform_indices = @transform_2, window_bounds = array<i64: 512, 1024>}, {transform_indices = @transform_3, window_bounds = array<i64: 512, 1024>}, {transform_indices = @transform_4, window_bounds = array<i64: 512, 1024>}, {transform_indices = @transform_5, window_bounds = array<i64: 512, 1024>}, {transform_indices = @transform_6, window_bounds = array<i64: 1, 1, 512>}, {transform_indices = @transform_7, window_bounds = array<i64: 1, 1, 512>}]} {
    %get3A = arith.constant 0 : index
    %get3A_0 = arith.constant 0 : index
    %get3A_1 = vector.load %arg3[%get3A, %get3A_0] : memref<512x1024xf32, #tpu.memory_space<vmem>>, vector<512x1024xf32>
    %get3A_2 = arith.constant 0 : index
    %get3A_3 = arith.constant 0 : index
    %get3A_4 = vector.load %arg1[%get3A_2, %get3A_3] : memref<512x1024xf32, #tpu.memory_space<vmem>>, vector<512x1024xf32>
    %get3A_5 = arith.constant 0 : index
    %get3A_6 = arith.constant 0 : index
    %get3A_7 = vector.load %arg2[%get3A_5, %get3A_6] : memref<512x1024xf32, #tpu.memory_space<vmem>>, vector<512x1024xf32>
    %sub3A = arith.subf %get3A_4, %get3A_7 : vector<512x1024xf32>
    %integer_pow3A = arith.mulf %sub3A, %sub3A : vector<512x1024xf32>
    %add3A = arith.constant 9.99999997E-7 : f32
    %add3A_8 = vector.broadcast %add3A : f32 to vector<512x1024xf32>
    %add3A_9 = arith.addf %integer_pow3A, %add3A_8 : vector<512x1024xf32>
    %get3A_10 = arith.constant 0 : index
    %get3A_11 = arith.constant 0 : index
    %get3A_12 = vector.load %arg3[%get3A_10, %get3A_11] : memref<512x1024xf32, #tpu.memory_space<vmem>>, vector<512x1024xf32>
    %neg3A = arith.constant 0.000000e+00 : f32
    %neg3A_13 = vector.broadcast %neg3A : f32 to vector<512x1024xf32>
    %neg3A_14 = arith.subf %neg3A_13, %get3A_12 : vector<512x1024xf32>
    %exp3A = math.exp %neg3A_14 : vector<512x1024xf32>
    %mul3A = arith.mulf %add3A_9, %exp3A : vector<512x1024xf32>
    %add3A_15 = arith.addf %get3A_1, %mul3A : vector<512x1024xf32>
    %get3A_16 = arith.constant 0 : index
    %get3A_17 = arith.constant 0 : index
    %get3A_18 = vector.load %arg6[%get3A_16, %get3A_17] : memref<512x1024xf32, #tpu.memory_space<vmem>>, vector<512x1024xf32>
    %get3A_19 = arith.constant 0 : index
    %get3A_20 = arith.constant 0 : index
    %get3A_21 = vector.load %arg4[%get3A_19, %get3A_20] : memref<512x1024xf32, #tpu.memory_space<vmem>>, vector<512x1024xf32>
    %get3A_22 = arith.constant 0 : index
    %get3A_23 = arith.constant 0 : index
    %get3A_24 = vector.load %arg5[%get3A_22, %get3A_23] : memref<512x1024xf32, #tpu.memory_space<vmem>>, vector<512x1024xf32>
    %sub3A_25 = arith.subf %get3A_21, %get3A_24 : vector<512x1024xf32>
    %integer_pow3A_26 = arith.mulf %sub3A_25, %sub3A_25 : vector<512x1024xf32>
    %add3A_27 = arith.constant 9.99999997E-7 : f32
    %add3A_28 = vector.broadcast %add3A_27 : f32 to vector<512x1024xf32>
    %add3A_29 = arith.addf %integer_pow3A_26, %add3A_28 : vector<512x1024xf32>
    %get3A_30 = arith.constant 0 : index
    %get3A_31 = arith.constant 0 : index
    %get3A_32 = vector.load %arg6[%get3A_30, %get3A_31] : memref<512x1024xf32, #tpu.memory_space<vmem>>, vector<512x1024xf32>
    %neg3A_33 = arith.constant 0.000000e+00 : f32
    %neg3A_34 = vector.broadcast %neg3A_33 : f32 to vector<512x1024xf32>
    %neg3A_35 = arith.subf %neg3A_34, %get3A_32 : vector<512x1024xf32>
    %exp3A_36 = math.exp %neg3A_35 : vector<512x1024xf32>
    %mul3A_37 = arith.mulf %add3A_29, %exp3A_36 : vector<512x1024xf32>
    %add3A_38 = arith.addf %get3A_18, %mul3A_37 : vector<512x1024xf32>
    %slice3A = vector.extract_strided_slice %add3A_15 {offsets = [0, 0], sizes = [512, 128], strides = [1, 1]} : vector<512x1024xf32> to vector<512x128xf32>
    %slice3A_39 = vector.extract_strided_slice %add3A_15 {offsets = [0, 128], sizes = [512, 128], strides = [1, 1]} : vector<512x1024xf32> to vector<512x128xf32>
    %add3A_40 = arith.addf %slice3A, %slice3A_39 : vector<512x128xf32>
    %slice3A_41 = vector.extract_strided_slice %add3A_15 {offsets = [0, 256], sizes = [512, 128], strides = [1, 1]} : vector<512x1024xf32> to vector<512x128xf32>
    %add3A_42 = arith.addf %add3A_40, %slice3A_41 : vector<512x128xf32>
    %slice3A_43 = vector.extract_strided_slice %add3A_15 {offsets = [0, 384], sizes = [512, 128], strides = [1, 1]} : vector<512x1024xf32> to vector<512x128xf32>
    %add3A_44 = arith.addf %add3A_42, %slice3A_43 : vector<512x128xf32>
    %slice3A_45 = vector.extract_strided_slice %add3A_15 {offsets = [0, 512], sizes = [512, 128], strides = [1, 1]} : vector<512x1024xf32> to vector<512x128xf32>
    %add3A_46 = arith.addf %add3A_44, %slice3A_45 : vector<512x128xf32>
    %slice3A_47 = vector.extract_strided_slice %add3A_15 {offsets = [0, 640], sizes = [512, 128], strides = [1, 1]} : vector<512x1024xf32> to vector<512x128xf32>
    %add3A_48 = arith.addf %add3A_46, %slice3A_47 : vector<512x128xf32>
    %slice3A_49 = vector.extract_strided_slice %add3A_15 {offsets = [0, 768], sizes = [512, 128], strides = [1, 1]} : vector<512x1024xf32> to vector<512x128xf32>
    %add3A_50 = arith.addf %add3A_48, %slice3A_49 : vector<512x128xf32>
    %slice3A_51 = vector.extract_strided_slice %add3A_15 {offsets = [0, 896], sizes = [512, 128], strides = [1, 1]} : vector<512x1024xf32> to vector<512x128xf32>
    %add3A_52 = arith.addf %add3A_50, %slice3A_51 : vector<512x128xf32>
    %transpose3A = tpu.transpose %add3A_52, [1, 0] : vector<512x128xf32> -> vector<128x512xf32>
    %slice3A_53 = vector.extract_strided_slice %transpose3A {offsets = [0, 0], sizes = [8, 512], strides = [1, 1]} : vector<128x512xf32> to vector<8x512xf32>
    %slice3A_54 = vector.extract_strided_slice %transpose3A {offsets = [8, 0], sizes = [8, 512], strides = [1, 1]} : vector<128x512xf32> to vector<8x512xf32>
    %add3A_55 = arith.addf %slice3A_53, %slice3A_54 : vector<8x512xf32>
    %slice3A_56 = vector.extract_strided_slice %transpose3A {offsets = [16, 0], sizes = [8, 512], strides = [1, 1]} : vector<128x512xf32> to vector<8x512xf32>
    %add3A_57 = arith.addf %add3A_55, %slice3A_56 : vector<8x512xf32>
    %slice3A_58 = vector.extract_strided_slice %transpose3A {offsets = [24, 0], sizes = [8, 512], strides = [1, 1]} : vector<128x512xf32> to vector<8x512xf32>
    %add3A_59 = arith.addf %add3A_57, %slice3A_58 : vector<8x512xf32>
    %slice3A_60 = vector.extract_strided_slice %transpose3A {offsets = [32, 0], sizes = [8, 512], strides = [1, 1]} : vector<128x512xf32> to vector<8x512xf32>
    %add3A_61 = arith.addf %add3A_59, %slice3A_60 : vector<8x512xf32>
    %slice3A_62 = vector.extract_strided_slice %transpose3A {offsets = [40, 0], sizes = [8, 512], strides = [1, 1]} : vector<128x512xf32> to vector<8x512xf32>
    %add3A_63 = arith.addf %add3A_61, %slice3A_62 : vector<8x512xf32>
    %slice3A_64 = vector.extract_strided_slice %transpose3A {offsets = [48, 0], sizes = [8, 512], strides = [1, 1]} : vector<128x512xf32> to vector<8x512xf32>
    %add3A_65 = arith.addf %add3A_63, %slice3A_64 : vector<8x512xf32>
    %slice3A_66 = vector.extract_strided_slice %transpose3A {offsets = [56, 0], sizes = [8, 512], strides = [1, 1]} : vector<128x512xf32> to vector<8x512xf32>
    %add3A_67 = arith.addf %add3A_65, %slice3A_66 : vector<8x512xf32>
    %slice3A_68 = vector.extract_strided_slice %transpose3A {offsets = [64, 0], sizes = [8, 512], strides = [1, 1]} : vector<128x512xf32> to vector<8x512xf32>
    %add3A_69 = arith.addf %add3A_67, %slice3A_68 : vector<8x512xf32>
    %slice3A_70 = vector.extract_strided_slice %transpose3A {offsets = [72, 0], sizes = [8, 512], strides = [1, 1]} : vector<128x512xf32> to vector<8x512xf32>
    %add3A_71 = arith.addf %add3A_69, %slice3A_70 : vector<8x512xf32>
    %slice3A_72 = vector.extract_strided_slice %transpose3A {offsets = [80, 0], sizes = [8, 512], strides = [1, 1]} : vector<128x512xf32> to vector<8x512xf32>
    %add3A_73 = arith.addf %add3A_71, %slice3A_72 : vector<8x512xf32>
    %slice3A_74 = vector.extract_strided_slice %transpose3A {offsets = [88, 0], sizes = [8, 512], strides = [1, 1]} : vector<128x512xf32> to vector<8x512xf32>
    %add3A_75 = arith.addf %add3A_73, %slice3A_74 : vector<8x512xf32>
    %slice3A_76 = vector.extract_strided_slice %transpose3A {offsets = [96, 0], sizes = [8, 512], strides = [1, 1]} : vector<128x512xf32> to vector<8x512xf32>
    %add3A_77 = arith.addf %add3A_75, %slice3A_76 : vector<8x512xf32>
    %slice3A_78 = vector.extract_strided_slice %transpose3A {offsets = [104, 0], sizes = [8, 512], strides = [1, 1]} : vector<128x512xf32> to vector<8x512xf32>
    %add3A_79 = arith.addf %add3A_77, %slice3A_78 : vector<8x512xf32>
    %slice3A_80 = vector.extract_strided_slice %transpose3A {offsets = [112, 0], sizes = [8, 512], strides = [1, 1]} : vector<128x512xf32> to vector<8x512xf32>
    %add3A_81 = arith.addf %add3A_79, %slice3A_80 : vector<8x512xf32>
    %slice3A_82 = vector.extract_strided_slice %transpose3A {offsets = [120, 0], sizes = [8, 512], strides = [1, 1]} : vector<128x512xf32> to vector<8x512xf32>
    %add3A_83 = arith.addf %add3A_81, %slice3A_82 : vector<8x512xf32>
    %slice3A_84 = vector.extract_strided_slice %add3A_83 {offsets = [0, 0], sizes = [4, 512], strides = [1, 1]} : vector<8x512xf32> to vector<4x512xf32>
    %slice3A_85 = vector.extract_strided_slice %add3A_83 {offsets = [4, 0], sizes = [4, 512], strides = [1, 1]} : vector<8x512xf32> to vector<4x512xf32>
    %add3A_86 = arith.addf %slice3A_84, %slice3A_85 : vector<4x512xf32>
    %slice3A_87 = vector.extract_strided_slice %add3A_86 {offsets = [0, 0], sizes = [2, 512], strides = [1, 1]} : vector<4x512xf32> to vector<2x512xf32>
    %slice3A_88 = vector.extract_strided_slice %add3A_86 {offsets = [2, 0], sizes = [2, 512], strides = [1, 1]} : vector<4x512xf32> to vector<2x512xf32>
    %add3A_89 = arith.addf %slice3A_87, %slice3A_88 : vector<2x512xf32>
    %slice3A_90 = vector.extract_strided_slice %add3A_89 {offsets = [0, 0], sizes = [1, 512], strides = [1, 1]} : vector<2x512xf32> to vector<1x512xf32>
    %slice3A_91 = vector.extract_strided_slice %add3A_89 {offsets = [1, 0], sizes = [1, 512], strides = [1, 1]} : vector<2x512xf32> to vector<1x512xf32>
    %add3A_92 = arith.addf %slice3A_90, %slice3A_91 : vector<1x512xf32>
    %div3A = arith.constant 1.024000e+03 : f32
    %div3A_93 = vector.broadcast %div3A : f32 to vector<1x512xf32>
    %div3A_94 = arith.divf %add3A_92, %div3A_93 : vector<1x512xf32>
    %mul3A_95 = arith.constant 5.000000e-01 : f32
    %mul3A_96 = vector.broadcast %mul3A_95 : f32 to vector<1x512xf32>
    %mul3A_97 = arith.mulf %mul3A_96, %div3A_94 : vector<1x512xf32>
    %swap3A = arith.constant 0 : index
    %swap3A_98 = arith.constant 0 : index
    %swap3A_99 = arith.constant 0 : index
    %swap3A_100 = vector.load %arg7[%swap3A, %swap3A_98, %swap3A_99] : memref<1x1x512xf32, #tpu.memory_space<vmem>>, vector<1x1x512xf32>
    %swap3A_101 = vector.shape_cast %swap3A_100 : vector<1x1x512xf32> to vector<1x512xf32>
    %swap3A_102 = vector.shape_cast %mul3A_97 : vector<1x512xf32> to vector<1x1x512xf32>
    tpu.vector_store %arg7[%swap3A, %swap3A_98, %swap3A_99], %swap3A_102 {strides = array<i32>} : memref<1x1x512xf32, #tpu.memory_space<vmem>>, vector<1x1x512xf32>,
    %slice3A_103 = vector.extract_strided_slice %add3A_38 {offsets = [0, 0], sizes = [512, 128], strides = [1, 1]} : vector<512x1024xf32> to vector<512x128xf32>
    %slice3A_104 = vector.extract_strided_slice %add3A_38 {offsets = [0, 128], sizes = [512, 128], strides = [1, 1]} : vector<512x1024xf32> to vector<512x128xf32>
    %add3A_105 = arith.addf %slice3A_103, %slice3A_104 : vector<512x128xf32>
    %slice3A_106 = vector.extract_strided_slice %add3A_38 {offsets = [0, 256], sizes = [512, 128], strides = [1, 1]} : vector<512x1024xf32> to vector<512x128xf32>
    %add3A_107 = arith.addf %add3A_105, %slice3A_106 : vector<512x128xf32>
    %slice3A_108 = vector.extract_strided_slice %add3A_38 {offsets = [0, 384], sizes = [512, 128], strides = [1, 1]} : vector<512x1024xf32> to vector<512x128xf32>
    %add3A_109 = arith.addf %add3A_107, %slice3A_108 : vector<512x128xf32>
    %slice3A_110 = vector.extract_strided_slice %add3A_38 {offsets = [0, 512], sizes = [512, 128], strides = [1, 1]} : vector<512x1024xf32> to vector<512x128xf32>
    %add3A_111 = arith.addf %add3A_109, %slice3A_110 : vector<512x128xf32>
    %slice3A_112 = vector.extract_strided_slice %add3A_38 {offsets = [0, 640], sizes = [512, 128], strides = [1, 1]} : vector<512x1024xf32> to vector<512x128xf32>
    %add3A_113 = arith.addf %add3A_111, %slice3A_112 : vector<512x128xf32>
    %slice3A_114 = vector.extract_strided_slice %add3A_38 {offsets = [0, 768], sizes = [512, 128], strides = [1, 1]} : vector<512x1024xf32> to vector<512x128xf32>
    %add3A_115 = arith.addf %add3A_113, %slice3A_114 : vector<512x128xf32>
    %slice3A_116 = vector.extract_strided_slice %add3A_38 {offsets = [0, 896], sizes = [512, 128], strides = [1, 1]} : vector<512x1024xf32> to vector<512x128xf32>
    %add3A_117 = arith.addf %add3A_115, %slice3A_116 : vector<512x128xf32>
    %transpose3A_118 = tpu.transpose %add3A_117, [1, 0] : vector<512x128xf32> -> vector<128x512xf32>
    %slice3A_119 = vector.extract_strided_slice %transpose3A_118 {offsets = [0, 0], sizes = [8, 512], strides = [1, 1]} : vector<128x512xf32> to vector<8x512xf32>
    %slice3A_120 = vector.extract_strided_slice %transpose3A_118 {offsets = [8, 0], sizes = [8, 512], strides = [1, 1]} : vector<128x512xf32> to vector<8x512xf32>
    %add3A_121 = arith.addf %slice3A_119, %slice3A_120 : vector<8x512xf32>
    %slice3A_122 = vector.extract_strided_slice %transpose3A_118 {offsets = [16, 0], sizes = [8, 512], strides = [1, 1]} : vector<128x512xf32> to vector<8x512xf32>
    %add3A_123 = arith.addf %add3A_121, %slice3A_122 : vector<8x512xf32>
    %slice3A_124 = vector.extract_strided_slice %transpose3A_118 {offsets = [24, 0], sizes = [8, 512], strides = [1, 1]} : vector<128x512xf32> to vector<8x512xf32>
    %add3A_125 = arith.addf %add3A_123, %slice3A_124 : vector<8x512xf32>
    %slice3A_126 = vector.extract_strided_slice %transpose3A_118 {offsets = [32, 0], sizes = [8, 512], strides = [1, 1]} : vector<128x512xf32> to vector<8x512xf32>
    %add3A_127 = arith.addf %add3A_125, %slice3A_126 : vector<8x512xf32>
    %slice3A_128 = vector.extract_strided_slice %transpose3A_118 {offsets = [40, 0], sizes = [8, 512], strides = [1, 1]} : vector<128x512xf32> to vector<8x512xf32>
    %add3A_129 = arith.addf %add3A_127, %slice3A_128 : vector<8x512xf32>
    %slice3A_130 = vector.extract_strided_slice %transpose3A_118 {offsets = [48, 0], sizes = [8, 512], strides = [1, 1]} : vector<128x512xf32> to vector<8x512xf32>
    %add3A_131 = arith.addf %add3A_129, %slice3A_130 : vector<8x512xf32>
    %slice3A_132 = vector.extract_strided_slice %transpose3A_118 {offsets = [56, 0], sizes = [8, 512], strides = [1, 1]} : vector<128x512xf32> to vector<8x512xf32>
    %add3A_133 = arith.addf %add3A_131, %slice3A_132 : vector<8x512xf32>
    %slice3A_134 = vector.extract_strided_slice %transpose3A_118 {offsets = [64, 0], sizes = [8, 512], strides = [1, 1]} : vector<128x512xf32> to vector<8x512xf32>
    %add3A_135 = arith.addf %add3A_133, %slice3A_134 : vector<8x512xf32>
    %slice3A_136 = vector.extract_strided_slice %transpose3A_118 {offsets = [72, 0], sizes = [8, 512], strides = [1, 1]} : vector<128x512xf32> to vector<8x512xf32>
    %add3A_137 = arith.addf %add3A_135, %slice3A_136 : vector<8x512xf32>
    %slice3A_138 = vector.extract_strided_slice %transpose3A_118 {offsets = [80, 0], sizes = [8, 512], strides = [1, 1]} : vector<128x512xf32> to vector<8x512xf32>
    %add3A_139 = arith.addf %add3A_137, %slice3A_138 : vector<8x512xf32>
    %slice3A_140 = vector.extract_strided_slice %transpose3A_118 {offsets = [88, 0], sizes = [8, 512], strides = [1, 1]} : vector<128x512xf32> to vector<8x512xf32>
    %add3A_141 = arith.addf %add3A_139, %slice3A_140 : vector<8x512xf32>
    %slice3A_142 = vector.extract_strided_slice %transpose3A_118 {offsets = [96, 0], sizes = [8, 512], strides = [1, 1]} : vector<128x512xf32> to vector<8x512xf32>
    %add3A_143 = arith.addf %add3A_141, %slice3A_142 : vector<8x512xf32>
    %slice3A_144 = vector.extract_strided_slice %transpose3A_118 {offsets = [104, 0], sizes = [8, 512], strides = [1, 1]} : vector<128x512xf32> to vector<8x512xf32>
    %add3A_145 = arith.addf %add3A_143, %slice3A_144 : vector<8x512xf32>
    %slice3A_146 = vector.extract_strided_slice %transpose3A_118 {offsets = [112, 0], sizes = [8, 512], strides = [1, 1]} : vector<128x512xf32> to vector<8x512xf32>
    %add3A_147 = arith.addf %add3A_145, %slice3A_146 : vector<8x512xf32>
    %slice3A_148 = vector.extract_strided_slice %transpose3A_118 {offsets = [120, 0], sizes = [8, 512], strides = [1, 1]} : vector<128x512xf32> to vector<8x512xf32>
    %add3A_149 = arith.addf %add3A_147, %slice3A_148 : vector<8x512xf32>
    %slice3A_150 = vector.extract_strided_slice %add3A_149 {offsets = [0, 0], sizes = [4, 512], strides = [1, 1]} : vector<8x512xf32> to vector<4x512xf32>
    %slice3A_151 = vector.extract_strided_slice %add3A_149 {offsets = [4, 0], sizes = [4, 512], strides = [1, 1]} : vector<8x512xf32> to vector<4x512xf32>
    %add3A_152 = arith.addf %slice3A_150, %slice3A_151 : vector<4x512xf32>
    %slice3A_153 = vector.extract_strided_slice %add3A_152 {offsets = [0, 0], sizes = [2, 512], strides = [1, 1]} : vector<4x512xf32> to vector<2x512xf32>
    %slice3A_154 = vector.extract_strided_slice %add3A_152 {offsets = [2, 0], sizes = [2, 512], strides = [1, 1]} : vector<4x512xf32> to vector<2x512xf32>
    %add3A_155 = arith.addf %slice3A_153, %slice3A_154 : vector<2x512xf32>
    %slice3A_156 = vector.extract_strided_slice %add3A_155 {offsets = [0, 0], sizes = [1, 512], strides = [1, 1]} : vector<2x512xf32> to vector<1x512xf32>
    %slice3A_157 = vector.extract_strided_slice %add3A_155 {offsets = [1, 0], sizes = [1, 512], strides = [1, 1]} : vector<2x512xf32> to vector<1x512xf32>
    %add3A_158 = arith.addf %slice3A_156, %slice3A_157 : vector<1x512xf32>
    %div3A_159 = arith.constant 1.024000e+03 : f32
    %div3A_160 = vector.broadcast %div3A_159 : f32 to vector<1x512xf32>
    %div3A_161 = arith.divf %add3A_158, %div3A_160 : vector<1x512xf32>
    %mul3A_162 = arith.constant 5.000000e-01 : f32
    %mul3A_163 = vector.broadcast %mul3A_162 : f32 to vector<1x512xf32>
    %mul3A_164 = arith.mulf %mul3A_163, %div3A_161 : vector<1x512xf32>
    %swap3A_165 = arith.constant 0 : index
    %swap3A_166 = arith.constant 0 : index
    %swap3A_167 = arith.constant 0 : index
    %swap3A_168 = vector.load %arg8[%swap3A_165, %swap3A_166, %swap3A_167] : memref<1x1x512xf32, #tpu.memory_space<vmem>>, vector<1x1x512xf32>
    %swap3A_169 = vector.shape_cast %swap3A_168 : vector<1x1x512xf32> to vector<1x512xf32>
    %swap3A_170 = vector.shape_cast %mul3A_164 : vector<1x512xf32> to vector<1x1x512xf32>
    tpu.vector_store %arg8[%swap3A_165, %swap3A_166, %swap3A_167], %swap3A_170 {strides = array<i32>} : memref<1x1x512xf32, #tpu.memory_space<vmem>>, vector<1x1x512xf32>,
    return
  }
  func.func @transform_0(%arg0: i32) -> (i32, i32) {
    %c0_i32 = arith.constant 0 : i32
    %c0_i32_0 = arith.constant 0 : i32
    return %arg0, %c0_i32 : i32, i32
  }
  func.func @transform_1(%arg0: i32) -> (i32, i32) {
    %c0_i32 = arith.constant 0 : i32
    %c0_i32_0 = arith.constant 0 : i32
    return %arg0, %c0_i32 : i32, i32
  }
  func.func @transform_2(%arg0: i32) -> (i32, i32) {
    %c0_i32 = arith.constant 0 : i32
    %c0_i32_0 = arith.constant 0 : i32
    return %arg0, %c0_i32 : i32, i32
  }
  func.func @transform_3(%arg0: i32) -> (i32, i32) {
    %c0_i32 = arith.constant 0 : i32
    %c0_i32_0 = arith.constant 0 : i32
    return %arg0, %c0_i32 : i32, i32
  }
  func.func @transform_4(%arg0: i32) -> (i32, i32) {
    %c0_i32 = arith.constant 0 : i32
    %c0_i32_0 = arith.constant 0 : i32
    return %arg0, %c0_i32 : i32, i32
  }
  func.func @transform_5(%arg0: i32) -> (i32, i32) {
    %c0_i32 = arith.constant 0 : i32
    %c0_i32_0 = arith.constant 0 : i32
    return %arg0, %c0_i32 : i32, i32
  }
  func.func @transform_6(%arg0: i32) -> (i32, i32, i32) {
    %c0_i32 = arith.constant 0 : i32
    %c0_i32_0 = arith.constant 0 : i32
    %c0_i32_1 = arith.constant 0 : i32
    return %arg0, %c0_i32, %c0_i32_0 : i32, i32, i32
  }
  func.func @transform_7(%arg0: i32) -> (i32, i32, i32) {
    %c0_i32 = arith.constant 0 : i32
    %c0_i32_0 = arith.constant 0 : i32
    %c0_i32_1 = arith.constant 0 : i32
    return %arg0, %c0_i32, %c0_i32_0 : i32, i32, i32
  }
}

module attributes {stable_mosaic.version = 14 : i64} {
  func.func @_sort_body(%arg0: memref<128x128xf32, #tpu.memory_space<vmem>>, %arg1: memref<128x128xf32, #tpu.memory_space<vmem>>, %arg2: memref<128x128xf32, #tpu.memory_space<vmem>>, %arg3: memref<1x1xf32, #tpu.memory_space<vmem>>, %arg4: memref<1x1xf32, #tpu.memory_space<vmem>>, %arg5: memref<64x128xf32, #tpu.memory_space<vmem>>, %arg6: memref<64x128xi32, #tpu.memory_space<vmem>>, %arg7: memref<1x1xf32, #tpu.memory_space<vmem>>) attributes {dimension_semantics = [], scalar_prefetch = 0 : i64, scratch_operands = 0 : i64, tpu.core_type = #tpu.core_type<tc>} {
    %iota3A = tpu.iota {dimensions = array<i32: 0>} : vector<128x128xi32>
    %iota3A_0 = tpu.iota {dimensions = array<i32: 1>} : vector<128x128xi32>
    %and3A = arith.constant 31 : i32
    %and3A_1 = vector.broadcast %and3A : i32 to vector<128x128xi32>
    %and3A_2 = arith.andi %iota3A, %and3A_1 : vector<128x128xi32>
    %mul3A = arith.constant 128 : i32
    %mul3A_3 = vector.broadcast %mul3A : i32 to vector<128x128xi32>
    %mul3A_4 = arith.muli %and3A_2, %mul3A_3 : vector<128x128xi32>
    %add3A = arith.addi %mul3A_4, %iota3A_0 : vector<128x128xi32>
    %get3A = arith.constant 0 : index
    %get3A_5 = arith.constant 0 : index
    %get3A_6 = vector.load %arg0[%get3A, %get3A_5] : memref<128x128xf32, #tpu.memory_space<vmem>>, vector<128x128xf32>
    %shift_right_arithmetic3A = arith.constant 1 : i32
    %shift_right_arithmetic3A_7 = vector.broadcast %shift_right_arithmetic3A : i32 to vector<128x128xi32>
    %shift_right_arithmetic3A_8 = arith.shrsi %add3A, %shift_right_arithmetic3A_7 : vector<128x128xi32>
    %and3A_9 = arith.constant 1 : i32
    %and3A_10 = vector.broadcast %and3A_9 : i32 to vector<128x128xi32>
    %and3A_11 = arith.andi %shift_right_arithmetic3A_8, %and3A_10 : vector<128x128xi32>
    %eq3A = arith.constant 1 : i32
    %eq3A_12 = vector.broadcast %eq3A : i32 to vector<128x128xi32>
    %eq3A_13 = arith.cmpi eq, %and3A_11, %eq3A_12 : vector<128x128xi32>
    %slice3A = vector.extract_strided_slice %get3A_6 {offsets = [0, 1], sizes = [128, 127], strides = [1, 1]} : vector<128x128xf32> to vector<128x127xf32>
    %slice3A_14 = vector.extract_strided_slice %get3A_6 {offsets = [0, 0], sizes = [128, 1], strides = [1, 1]} : vector<128x128xf32> to vector<128x1xf32>
    %concatenate3A = tpu.concatenate %slice3A, %slice3A_14 in 1 : vector<128x127xf32>, vector<128x1xf32> -> vector<128x128xf32>
    %slice3A_15 = vector.extract_strided_slice %get3A_6 {offsets = [0, 127], sizes = [128, 1], strides = [1, 1]} : vector<128x128xf32> to vector<128x1xf32>
    %slice3A_16 = vector.extract_strided_slice %get3A_6 {offsets = [0, 0], sizes = [128, 127], strides = [1, 1]} : vector<128x128xf32> to vector<128x127xf32>
    %concatenate3A_17 = tpu.concatenate %slice3A_15, %slice3A_16 in 1 : vector<128x1xf32>, vector<128x127xf32> -> vector<128x128xf32>
    %and3A_18 = arith.constant 1 : i32
    %and3A_19 = vector.broadcast %and3A_18 : i32 to vector<128x128xi32>
    %and3A_20 = arith.andi %iota3A_0, %and3A_19 : vector<128x128xi32>
    %eq3A_21 = arith.constant 0 : i32
    %eq3A_22 = vector.broadcast %eq3A_21 : i32 to vector<128x128xi32>
    %eq3A_23 = arith.cmpi eq, %and3A_20, %eq3A_22 : vector<128x128xi32>
    %select_n3A = arith.select %eq3A_23, %concatenate3A, %concatenate3A_17 : vector<128x128xi1>, vector<128x128xf32>
    %slice3A_24 = vector.extract_strided_slice %add3A {offsets = [0, 1], sizes = [128, 127], strides = [1, 1]} : vector<128x128xi32> to vector<128x127xi32>
    %slice3A_25 = vector.extract_strided_slice %add3A {offsets = [0, 0], sizes = [128, 1], strides = [1, 1]} : vector<128x128xi32> to vector<128x1xi32>
    %concatenate3A_26 = tpu.concatenate %slice3A_24, %slice3A_25 in 1 : vector<128x127xi32>, vector<128x1xi32> -> vector<128x128xi32>
    %slice3A_27 = vector.extract_strided_slice %add3A {offsets = [0, 127], sizes = [128, 1], strides = [1, 1]} : vector<128x128xi32> to vector<128x1xi32>
    %slice3A_28 = vector.extract_strided_slice %add3A {offsets = [0, 0], sizes = [128, 127], strides = [1, 1]} : vector<128x128xi32> to vector<128x127xi32>
    %concatenate3A_29 = tpu.concatenate %slice3A_27, %slice3A_28 in 1 : vector<128x1xi32>, vector<128x127xi32> -> vector<128x128xi32>
    %and3A_30 = arith.constant 1 : i32
    %and3A_31 = vector.broadcast %and3A_30 : i32 to vector<128x128xi32>
    %and3A_32 = arith.andi %iota3A_0, %and3A_31 : vector<128x128xi32>
    %eq3A_33 = arith.constant 0 : i32
    %eq3A_34 = vector.broadcast %eq3A_33 : i32 to vector<128x128xi32>
    %eq3A_35 = arith.cmpi eq, %and3A_32, %eq3A_34 : vector<128x128xi32>
    %select_n3A_36 = arith.select %eq3A_35, %concatenate3A_26, %concatenate3A_29 : vector<128x128xi1>, vector<128x128xi32>
    %gt3A = arith.cmpf ogt, %get3A_6, %select_n3A : vector<128x128xf32>
    %eq3A_37 = arith.cmpf oeq, %get3A_6, %select_n3A : vector<128x128xf32>
    %lt3A = arith.cmpi slt, %add3A, %select_n3A_36 : vector<128x128xi32>
    %and3A_38 = arith.andi %eq3A_37, %lt3A : vector<128x128xi1>
    %or3A = arith.ori %gt3A, %and3A_38 : vector<128x128xi1>
    %and3A_39 = arith.constant 1 : i32
    %and3A_40 = vector.broadcast %and3A_39 : i32 to vector<128x128xi32>
    %and3A_41 = arith.andi %add3A, %and3A_40 : vector<128x128xi32>
    %ne3A = arith.constant 0 : i32
    %ne3A_42 = vector.broadcast %ne3A : i32 to vector<128x128xi32>
    %ne3A_43 = arith.cmpi ne, %and3A_41, %ne3A_42 : vector<128x128xi32>
    %ne3A_44 = arith.xori %ne3A_43, %eq3A_13 : vector<128x128xi1>
    %ne3A_45 = arith.xori %or3A, %ne3A_44 : vector<128x128xi1>
    %select_n3A_46 = arith.select %ne3A_45, %get3A_6, %select_n3A : vector<128x128xi1>, vector<128x128xf32>
    %select_n3A_47 = arith.select %ne3A_45, %add3A, %select_n3A_36 : vector<128x128xi1>, vector<128x128xi32>
    %shift_right_arithmetic3A_48 = arith.constant 2 : i32
    %shift_right_arithmetic3A_49 = vector.broadcast %shift_right_arithmetic3A_48 : i32 to vector<128x128xi32>
    %shift_right_arithmetic3A_50 = arith.shrsi %add3A, %shift_right_arithmetic3A_49 : vector<128x128xi32>
    %and3A_51 = arith.constant 1 : i32
    %and3A_52 = vector.broadcast %and3A_51 : i32 to vector<128x128xi32>
    %and3A_53 = arith.andi %shift_right_arithmetic3A_50, %and3A_52 : vector<128x128xi32>
    %eq3A_54 = arith.constant 1 : i32
    %eq3A_55 = vector.broadcast %eq3A_54 : i32 to vector<128x128xi32>
    %eq3A_56 = arith.cmpi eq, %and3A_53, %eq3A_55 : vector<128x128xi32>
    %slice3A_57 = vector.extract_strided_slice %select_n3A_46 {offsets = [0, 2], sizes = [128, 126], strides = [1, 1]} : vector<128x128xf32> to vector<128x126xf32>
    %slice3A_58 = vector.extract_strided_slice %select_n3A_46 {offsets = [0, 0], sizes = [128, 2], strides = [1, 1]} : vector<128x128xf32> to vector<128x2xf32>
    %concatenate3A_59 = tpu.concatenate %slice3A_57, %slice3A_58 in 1 : vector<128x126xf32>, vector<128x2xf32> -> vector<128x128xf32>
    %slice3A_60 = vector.extract_strided_slice %select_n3A_46 {offsets = [0, 126], sizes = [128, 2], strides = [1, 1]} : vector<128x128xf32> to vector<128x2xf32>
    %slice3A_61 = vector.extract_strided_slice %select_n3A_46 {offsets = [0, 0], sizes = [128, 126], strides = [1, 1]} : vector<128x128xf32> to vector<128x126xf32>
    %concatenate3A_62 = tpu.concatenate %slice3A_60, %slice3A_61 in 1 : vector<128x2xf32>, vector<128x126xf32> -> vector<128x128xf32>
    %and3A_63 = arith.constant 2 : i32
    %and3A_64 = vector.broadcast %and3A_63 : i32 to vector<128x128xi32>
    %and3A_65 = arith.andi %iota3A_0, %and3A_64 : vector<128x128xi32>
    %eq3A_66 = arith.constant 0 : i32
    %eq3A_67 = vector.broadcast %eq3A_66 : i32 to vector<128x128xi32>
    %eq3A_68 = arith.cmpi eq, %and3A_65, %eq3A_67 : vector<128x128xi32>
    %select_n3A_69 = arith.select %eq3A_68, %concatenate3A_59, %concatenate3A_62 : vector<128x128xi1>, vector<128x128xf32>
    %slice3A_70 = vector.extract_strided_slice %select_n3A_47 {offsets = [0, 2], sizes = [128, 126], strides = [1, 1]} : vector<128x128xi32> to vector<128x126xi32>
    %slice3A_71 = vector.extract_strided_slice %select_n3A_47 {offsets = [0, 0], sizes = [128, 2], strides = [1, 1]} : vector<128x128xi32> to vector<128x2xi32>
    %concatenate3A_72 = tpu.concatenate %slice3A_70, %slice3A_71 in 1 : vector<128x126xi32>, vector<128x2xi32> -> vector<128x128xi32>
    %slice3A_73 = vector.extract_strided_slice %select_n3A_47 {offsets = [0, 126], sizes = [128, 2], strides = [1, 1]} : vector<128x128xi32> to vector<128x2xi32>
    %slice3A_74 = vector.extract_strided_slice %select_n3A_47 {offsets = [0, 0], sizes = [128, 126], strides = [1, 1]} : vector<128x128xi32> to vector<128x126xi32>
    %concatenate3A_75 = tpu.concatenate %slice3A_73, %slice3A_74 in 1 : vector<128x2xi32>, vector<128x126xi32> -> vector<128x128xi32>
    %and3A_76 = arith.constant 2 : i32
    %and3A_77 = vector.broadcast %and3A_76 : i32 to vector<128x128xi32>
    %and3A_78 = arith.andi %iota3A_0, %and3A_77 : vector<128x128xi32>
    %eq3A_79 = arith.constant 0 : i32
    %eq3A_80 = vector.broadcast %eq3A_79 : i32 to vector<128x128xi32>
    %eq3A_81 = arith.cmpi eq, %and3A_78, %eq3A_80 : vector<128x128xi32>
    %select_n3A_82 = arith.select %eq3A_81, %concatenate3A_72, %concatenate3A_75 : vector<128x128xi1>, vector<128x128xi32>
    %gt3A_83 = arith.cmpf ogt, %select_n3A_46, %select_n3A_69 : vector<128x128xf32>
    %eq3A_84 = arith.cmpf oeq, %select_n3A_46, %select_n3A_69 : vector<128x128xf32>
    %lt3A_85 = arith.cmpi slt, %select_n3A_47, %select_n3A_82 : vector<128x128xi32>
    %and3A_86 = arith.andi %eq3A_84, %lt3A_85 : vector<128x128xi1>
    %or3A_87 = arith.ori %gt3A_83, %and3A_86 : vector<128x128xi1>
    %and3A_88 = arith.constant 2 : i32
    %and3A_89 = vector.broadcast %and3A_88 : i32 to vector<128x128xi32>
    %and3A_90 = arith.andi %add3A, %and3A_89 : vector<128x128xi32>
    %ne3A_91 = arith.constant 0 : i32
    %ne3A_92 = vector.broadcast %ne3A_91 : i32 to vector<128x128xi32>
    %ne3A_93 = arith.cmpi ne, %and3A_90, %ne3A_92 : vector<128x128xi32>
    %ne3A_94 = arith.xori %ne3A_93, %eq3A_56 : vector<128x128xi1>
    %ne3A_95 = arith.xori %or3A_87, %ne3A_94 : vector<128x128xi1>
    %select_n3A_96 = arith.select %ne3A_95, %select_n3A_46, %select_n3A_69 : vector<128x128xi1>, vector<128x128xf32>
    %select_n3A_97 = arith.select %ne3A_95, %select_n3A_47, %select_n3A_82 : vector<128x128xi1>, vector<128x128xi32>
    %slice3A_98 = vector.extract_strided_slice %select_n3A_96 {offsets = [0, 1], sizes = [128, 127], strides = [1, 1]} : vector<128x128xf32> to vector<128x127xf32>
    %slice3A_99 = vector.extract_strided_slice %select_n3A_96 {offsets = [0, 0], sizes = [128, 1], strides = [1, 1]} : vector<128x128xf32> to vector<128x1xf32>
    %concatenate3A_100 = tpu.concatenate %slice3A_98, %slice3A_99 in 1 : vector<128x127xf32>, vector<128x1xf32> -> vector<128x128xf32>
    %slice3A_101 = vector.extract_strided_slice %select_n3A_96 {offsets = [0, 127], sizes = [128, 1], strides = [1, 1]} : vector<128x128xf32> to vector<128x1xf32>
    %slice3A_102 = vector.extract_strided_slice %select_n3A_96 {offsets = [0, 0], sizes = [128, 127], strides = [1, 1]} : vector<128x128xf32> to vector<128x127xf32>
    %concatenate3A_103 = tpu.concatenate %slice3A_101, %slice3A_102 in 1 : vector<128x1xf32>, vector<128x127xf32> -> vector<128x128xf32>
    %and3A_104 = arith.constant 1 : i32
    %and3A_105 = vector.broadcast %and3A_104 : i32 to vector<128x128xi32>
    %and3A_106 = arith.andi %iota3A_0, %and3A_105 : vector<128x128xi32>
    %eq3A_107 = arith.constant 0 : i32
    %eq3A_108 = vector.broadcast %eq3A_107 : i32 to vector<128x128xi32>
    %eq3A_109 = arith.cmpi eq, %and3A_106, %eq3A_108 : vector<128x128xi32>
    %select_n3A_110 = arith.select %eq3A_109, %concatenate3A_100, %concatenate3A_103 : vector<128x128xi1>, vector<128x128xf32>
    %slice3A_111 = vector.extract_strided_slice %select_n3A_97 {offsets = [0, 1], sizes = [128, 127], strides = [1, 1]} : vector<128x128xi32> to vector<128x127xi32>
    %slice3A_112 = vector.extract_strided_slice %select_n3A_97 {offsets = [0, 0], sizes = [128, 1], strides = [1, 1]} : vector<128x128xi32> to vector<128x1xi32>
    %concatenate3A_113 = tpu.concatenate %slice3A_111, %slice3A_112 in 1 : vector<128x127xi32>, vector<128x1xi32> -> vector<128x128xi32>
    %slice3A_114 = vector.extract_strided_slice %select_n3A_97 {offsets = [0, 127], sizes = [128, 1], strides = [1, 1]} : vector<128x128xi32> to vector<128x1xi32>
    %slice3A_115 = vector.extract_strided_slice %select_n3A_97 {offsets = [0, 0], sizes = [128, 127], strides = [1, 1]} : vector<128x128xi32> to vector<128x127xi32>
    %concatenate3A_116 = tpu.concatenate %slice3A_114, %slice3A_115 in 1 : vector<128x1xi32>, vector<128x127xi32> -> vector<128x128xi32>
    %and3A_117 = arith.constant 1 : i32
    %and3A_118 = vector.broadcast %and3A_117 : i32 to vector<128x128xi32>
    %and3A_119 = arith.andi %iota3A_0, %and3A_118 : vector<128x128xi32>
    %eq3A_120 = arith.constant 0 : i32
    %eq3A_121 = vector.broadcast %eq3A_120 : i32 to vector<128x128xi32>
    %eq3A_122 = arith.cmpi eq, %and3A_119, %eq3A_121 : vector<128x128xi32>
    %select_n3A_123 = arith.select %eq3A_122, %concatenate3A_113, %concatenate3A_116 : vector<128x128xi1>, vector<128x128xi32>
    %gt3A_124 = arith.cmpf ogt, %select_n3A_96, %select_n3A_110 : vector<128x128xf32>
    %eq3A_125 = arith.cmpf oeq, %select_n3A_96, %select_n3A_110 : vector<128x128xf32>
    %lt3A_126 = arith.cmpi slt, %select_n3A_97, %select_n3A_123 : vector<128x128xi32>
    %and3A_127 = arith.andi %eq3A_125, %lt3A_126 : vector<128x128xi1>
    %or3A_128 = arith.ori %gt3A_124, %and3A_127 : vector<128x128xi1>
    %and3A_129 = arith.constant 1 : i32
    %and3A_130 = vector.broadcast %and3A_129 : i32 to vector<128x128xi32>
    %and3A_131 = arith.andi %add3A, %and3A_130 : vector<128x128xi32>
    %ne3A_132 = arith.constant 0 : i32
    %ne3A_133 = vector.broadcast %ne3A_132 : i32 to vector<128x128xi32>
    %ne3A_134 = arith.cmpi ne, %and3A_131, %ne3A_133 : vector<128x128xi32>
    %ne3A_135 = arith.xori %ne3A_134, %eq3A_56 : vector<128x128xi1>
    %ne3A_136 = arith.xori %or3A_128, %ne3A_135 : vector<128x128xi1>
    %select_n3A_137 = arith.select %ne3A_136, %select_n3A_96, %select_n3A_110 : vector<128x128xi1>, vector<128x128xf32>
    %select_n3A_138 = arith.select %ne3A_136, %select_n3A_97, %select_n3A_123 : vector<128x128xi1>, vector<128x128xi32>
    %shift_right_arithmetic3A_139 = arith.constant 3 : i32
    %shift_right_arithmetic3A_140 = vector.broadcast %shift_right_arithmetic3A_139 : i32 to vector<128x128xi32>
    %shift_right_arithmetic3A_141 = arith.shrsi %add3A, %shift_right_arithmetic3A_140 : vector<128x128xi32>
    %and3A_142 = arith.constant 1 : i32
    %and3A_143 = vector.broadcast %and3A_142 : i32 to vector<128x128xi32>
    %and3A_144 = arith.andi %shift_right_arithmetic3A_141, %and3A_143 : vector<128x128xi32>
    %eq3A_145 = arith.constant 1 : i32
    %eq3A_146 = vector.broadcast %eq3A_145 : i32 to vector<128x128xi32>
    %eq3A_147 = arith.cmpi eq, %and3A_144, %eq3A_146 : vector<128x128xi32>
    %slice3A_148 = vector.extract_strided_slice %select_n3A_137 {offsets = [0, 4], sizes = [128, 124], strides = [1, 1]} : vector<128x128xf32> to vector<128x124xf32>
    %slice3A_149 = vector.extract_strided_slice %select_n3A_137 {offsets = [0, 0], sizes = [128, 4], strides = [1, 1]} : vector<128x128xf32> to vector<128x4xf32>
    %concatenate3A_150 = tpu.concatenate %slice3A_148, %slice3A_149 in 1 : vector<128x124xf32>, vector<128x4xf32> -> vector<128x128xf32>
    %slice3A_151 = vector.extract_strided_slice %select_n3A_137 {offsets = [0, 124], sizes = [128, 4], strides = [1, 1]} : vector<128x128xf32> to vector<128x4xf32>
    %slice3A_152 = vector.extract_strided_slice %select_n3A_137 {offsets = [0, 0], sizes = [128, 124], strides = [1, 1]} : vector<128x128xf32> to vector<128x124xf32>
    %concatenate3A_153 = tpu.concatenate %slice3A_151, %slice3A_152 in 1 : vector<128x4xf32>, vector<128x124xf32> -> vector<128x128xf32>
    %and3A_154 = arith.constant 4 : i32
    %and3A_155 = vector.broadcast %and3A_154 : i32 to vector<128x128xi32>
    %and3A_156 = arith.andi %iota3A_0, %and3A_155 : vector<128x128xi32>
    %eq3A_157 = arith.constant 0 : i32
    %eq3A_158 = vector.broadcast %eq3A_157 : i32 to vector<128x128xi32>
    %eq3A_159 = arith.cmpi eq, %and3A_156, %eq3A_158 : vector<128x128xi32>
    %select_n3A_160 = arith.select %eq3A_159, %concatenate3A_150, %concatenate3A_153 : vector<128x128xi1>, vector<128x128xf32>
    %slice3A_161 = vector.extract_strided_slice %select_n3A_138 {offsets = [0, 4], sizes = [128, 124], strides = [1, 1]} : vector<128x128xi32> to vector<128x124xi32>
    %slice3A_162 = vector.extract_strided_slice %select_n3A_138 {offsets = [0, 0], sizes = [128, 4], strides = [1, 1]} : vector<128x128xi32> to vector<128x4xi32>
    %concatenate3A_163 = tpu.concatenate %slice3A_161, %slice3A_162 in 1 : vector<128x124xi32>, vector<128x4xi32> -> vector<128x128xi32>
    %slice3A_164 = vector.extract_strided_slice %select_n3A_138 {offsets = [0, 124], sizes = [128, 4], strides = [1, 1]} : vector<128x128xi32> to vector<128x4xi32>
    %slice3A_165 = vector.extract_strided_slice %select_n3A_138 {offsets = [0, 0], sizes = [128, 124], strides = [1, 1]} : vector<128x128xi32> to vector<128x124xi32>
    %concatenate3A_166 = tpu.concatenate %slice3A_164, %slice3A_165 in 1 : vector<128x4xi32>, vector<128x124xi32> -> vector<128x128xi32>
    %and3A_167 = arith.constant 4 : i32
    %and3A_168 = vector.broadcast %and3A_167 : i32 to vector<128x128xi32>
    %and3A_169 = arith.andi %iota3A_0, %and3A_168 : vector<128x128xi32>
    %eq3A_170 = arith.constant 0 : i32
    %eq3A_171 = vector.broadcast %eq3A_170 : i32 to vector<128x128xi32>
    %eq3A_172 = arith.cmpi eq, %and3A_169, %eq3A_171 : vector<128x128xi32>
    %select_n3A_173 = arith.select %eq3A_172, %concatenate3A_163, %concatenate3A_166 : vector<128x128xi1>, vector<128x128xi32>
    %gt3A_174 = arith.cmpf ogt, %select_n3A_137, %select_n3A_160 : vector<128x128xf32>
    %eq3A_175 = arith.cmpf oeq, %select_n3A_137, %select_n3A_160 : vector<128x128xf32>
    %lt3A_176 = arith.cmpi slt, %select_n3A_138, %select_n3A_173 : vector<128x128xi32>
    %and3A_177 = arith.andi %eq3A_175, %lt3A_176 : vector<128x128xi1>
    %or3A_178 = arith.ori %gt3A_174, %and3A_177 : vector<128x128xi1>
    %and3A_179 = arith.constant 4 : i32
    %and3A_180 = vector.broadcast %and3A_179 : i32 to vector<128x128xi32>
    %and3A_181 = arith.andi %add3A, %and3A_180 : vector<128x128xi32>
    %ne3A_182 = arith.constant 0 : i32
    %ne3A_183 = vector.broadcast %ne3A_182 : i32 to vector<128x128xi32>
    %ne3A_184 = arith.cmpi ne, %and3A_181, %ne3A_183 : vector<128x128xi32>
    %ne3A_185 = arith.xori %ne3A_184, %eq3A_147 : vector<128x128xi1>
    %ne3A_186 = arith.xori %or3A_178, %ne3A_185 : vector<128x128xi1>
    %select_n3A_187 = arith.select %ne3A_186, %select_n3A_137, %select_n3A_160 : vector<128x128xi1>, vector<128x128xf32>
    %select_n3A_188 = arith.select %ne3A_186, %select_n3A_138, %select_n3A_173 : vector<128x128xi1>, vector<128x128xi32>
    %slice3A_189 = vector.extract_strided_slice %select_n3A_187 {offsets = [0, 2], sizes = [128, 126], strides = [1, 1]} : vector<128x128xf32> to vector<128x126xf32>
    %slice3A_190 = vector.extract_strided_slice %select_n3A_187 {offsets = [0, 0], sizes = [128, 2], strides = [1, 1]} : vector<128x128xf32> to vector<128x2xf32>
    %concatenate3A_191 = tpu.concatenate %slice3A_189, %slice3A_190 in 1 : vector<128x126xf32>, vector<128x2xf32> -> vector<128x128xf32>
    %slice3A_192 = vector.extract_strided_slice %select_n3A_187 {offsets = [0, 126], sizes = [128, 2], strides = [1, 1]} : vector<128x128xf32> to vector<128x2xf32>
    %slice3A_193 = vector.extract_strided_slice %select_n3A_187 {offsets = [0, 0], sizes = [128, 126], strides = [1, 1]} : vector<128x128xf32> to vector<128x126xf32>
    %concatenate3A_194 = tpu.concatenate %slice3A_192, %slice3A_193 in 1 : vector<128x2xf32>, vector<128x126xf32> -> vector<128x128xf32>
    %and3A_195 = arith.constant 2 : i32
    %and3A_196 = vector.broadcast %and3A_195 : i32 to vector<128x128xi32>
    %and3A_197 = arith.andi %iota3A_0, %and3A_196 : vector<128x128xi32>
    %eq3A_198 = arith.constant 0 : i32
    %eq3A_199 = vector.broadcast %eq3A_198 : i32 to vector<128x128xi32>
    %eq3A_200 = arith.cmpi eq, %and3A_197, %eq3A_199 : vector<128x128xi32>
    %select_n3A_201 = arith.select %eq3A_200, %concatenate3A_191, %concatenate3A_194 : vector<128x128xi1>, vector<128x128xf32>
    %slice3A_202 = vector.extract_strided_slice %select_n3A_188 {offsets = [0, 2], sizes = [128, 126], strides = [1, 1]} : vector<128x128xi32> to vector<128x126xi32>
    %slice3A_203 = vector.extract_strided_slice %select_n3A_188 {offsets = [0, 0], sizes = [128, 2], strides = [1, 1]} : vector<128x128xi32> to vector<128x2xi32>
    %concatenate3A_204 = tpu.concatenate %slice3A_202, %slice3A_203 in 1 : vector<128x126xi32>, vector<128x2xi32> -> vector<128x128xi32>
    %slice3A_205 = vector.extract_strided_slice %select_n3A_188 {offsets = [0, 126], sizes = [128, 2], strides = [1, 1]} : vector<128x128xi32> to vector<128x2xi32>
    %slice3A_206 = vector.extract_strided_slice %select_n3A_188 {offsets = [0, 0], sizes = [128, 126], strides = [1, 1]} : vector<128x128xi32> to vector<128x126xi32>
    %concatenate3A_207 = tpu.concatenate %slice3A_205, %slice3A_206 in 1 : vector<128x2xi32>, vector<128x126xi32> -> vector<128x128xi32>
    %and3A_208 = arith.constant 2 : i32
    %and3A_209 = vector.broadcast %and3A_208 : i32 to vector<128x128xi32>
    %and3A_210 = arith.andi %iota3A_0, %and3A_209 : vector<128x128xi32>
    %eq3A_211 = arith.constant 0 : i32
    %eq3A_212 = vector.broadcast %eq3A_211 : i32 to vector<128x128xi32>
    %eq3A_213 = arith.cmpi eq, %and3A_210, %eq3A_212 : vector<128x128xi32>
    %select_n3A_214 = arith.select %eq3A_213, %concatenate3A_204, %concatenate3A_207 : vector<128x128xi1>, vector<128x128xi32>
    %gt3A_215 = arith.cmpf ogt, %select_n3A_187, %select_n3A_201 : vector<128x128xf32>
    %eq3A_216 = arith.cmpf oeq, %select_n3A_187, %select_n3A_201 : vector<128x128xf32>
    %lt3A_217 = arith.cmpi slt, %select_n3A_188, %select_n3A_214 : vector<128x128xi32>
    %and3A_218 = arith.andi %eq3A_216, %lt3A_217 : vector<128x128xi1>
    %or3A_219 = arith.ori %gt3A_215, %and3A_218 : vector<128x128xi1>
    %and3A_220 = arith.constant 2 : i32
    %and3A_221 = vector.broadcast %and3A_220 : i32 to vector<128x128xi32>
    %and3A_222 = arith.andi %add3A, %and3A_221 : vector<128x128xi32>
    %ne3A_223 = arith.constant 0 : i32
    %ne3A_224 = vector.broadcast %ne3A_223 : i32 to vector<128x128xi32>
    %ne3A_225 = arith.cmpi ne, %and3A_222, %ne3A_224 : vector<128x128xi32>
    %ne3A_226 = arith.xori %ne3A_225, %eq3A_147 : vector<128x128xi1>
    %ne3A_227 = arith.xori %or3A_219, %ne3A_226 : vector<128x128xi1>
    %select_n3A_228 = arith.select %ne3A_227, %select_n3A_187, %select_n3A_201 : vector<128x128xi1>, vector<128x128xf32>
    %select_n3A_229 = arith.select %ne3A_227, %select_n3A_188, %select_n3A_214 : vector<128x128xi1>, vector<128x128xi32>
    %slice3A_230 = vector.extract_strided_slice %select_n3A_228 {offsets = [0, 1], sizes = [128, 127], strides = [1, 1]} : vector<128x128xf32> to vector<128x127xf32>
    %slice3A_231 = vector.extract_strided_slice %select_n3A_228 {offsets = [0, 0], sizes = [128, 1], strides = [1, 1]} : vector<128x128xf32> to vector<128x1xf32>
    %concatenate3A_232 = tpu.concatenate %slice3A_230, %slice3A_231 in 1 : vector<128x127xf32>, vector<128x1xf32> -> vector<128x128xf32>
    %slice3A_233 = vector.extract_strided_slice %select_n3A_228 {offsets = [0, 127], sizes = [128, 1], strides = [1, 1]} : vector<128x128xf32> to vector<128x1xf32>
    %slice3A_234 = vector.extract_strided_slice %select_n3A_228 {offsets = [0, 0], sizes = [128, 127], strides = [1, 1]} : vector<128x128xf32> to vector<128x127xf32>
    %concatenate3A_235 = tpu.concatenate %slice3A_233, %slice3A_234 in 1 : vector<128x1xf32>, vector<128x127xf32> -> vector<128x128xf32>
    %and3A_236 = arith.constant 1 : i32
    %and3A_237 = vector.broadcast %and3A_236 : i32 to vector<128x128xi32>
    %and3A_238 = arith.andi %iota3A_0, %and3A_237 : vector<128x128xi32>
    %eq3A_239 = arith.constant 0 : i32
    %eq3A_240 = vector.broadcast %eq3A_239 : i32 to vector<128x128xi32>
    %eq3A_241 = arith.cmpi eq, %and3A_238, %eq3A_240 : vector<128x128xi32>
    %select_n3A_242 = arith.select %eq3A_241, %concatenate3A_232, %concatenate3A_235 : vector<128x128xi1>, vector<128x128xf32>
    %slice3A_243 = vector.extract_strided_slice %select_n3A_229 {offsets = [0, 1], sizes = [128, 127], strides = [1, 1]} : vector<128x128xi32> to vector<128x127xi32>
    %slice3A_244 = vector.extract_strided_slice %select_n3A_229 {offsets = [0, 0], sizes = [128, 1], strides = [1, 1]} : vector<128x128xi32> to vector<128x1xi32>
    %concatenate3A_245 = tpu.concatenate %slice3A_243, %slice3A_244 in 1 : vector<128x127xi32>, vector<128x1xi32> -> vector<128x128xi32>
    %slice3A_246 = vector.extract_strided_slice %select_n3A_229 {offsets = [0, 127], sizes = [128, 1], strides = [1, 1]} : vector<128x128xi32> to vector<128x1xi32>
    %slice3A_247 = vector.extract_strided_slice %select_n3A_229 {offsets = [0, 0], sizes = [128, 127], strides = [1, 1]} : vector<128x128xi32> to vector<128x127xi32>
    %concatenate3A_248 = tpu.concatenate %slice3A_246, %slice3A_247 in 1 : vector<128x1xi32>, vector<128x127xi32> -> vector<128x128xi32>
    %and3A_249 = arith.constant 1 : i32
    %and3A_250 = vector.broadcast %and3A_249 : i32 to vector<128x128xi32>
    %and3A_251 = arith.andi %iota3A_0, %and3A_250 : vector<128x128xi32>
    %eq3A_252 = arith.constant 0 : i32
    %eq3A_253 = vector.broadcast %eq3A_252 : i32 to vector<128x128xi32>
    %eq3A_254 = arith.cmpi eq, %and3A_251, %eq3A_253 : vector<128x128xi32>
    %select_n3A_255 = arith.select %eq3A_254, %concatenate3A_245, %concatenate3A_248 : vector<128x128xi1>, vector<128x128xi32>
    %gt3A_256 = arith.cmpf ogt, %select_n3A_228, %select_n3A_242 : vector<128x128xf32>
    %eq3A_257 = arith.cmpf oeq, %select_n3A_228, %select_n3A_242 : vector<128x128xf32>
    %lt3A_258 = arith.cmpi slt, %select_n3A_229, %select_n3A_255 : vector<128x128xi32>
    %and3A_259 = arith.andi %eq3A_257, %lt3A_258 : vector<128x128xi1>
    %or3A_260 = arith.ori %gt3A_256, %and3A_259 : vector<128x128xi1>
    %and3A_261 = arith.constant 1 : i32
    %and3A_262 = vector.broadcast %and3A_261 : i32 to vector<128x128xi32>
    %and3A_263 = arith.andi %add3A, %and3A_262 : vector<128x128xi32>
    %ne3A_264 = arith.constant 0 : i32
    %ne3A_265 = vector.broadcast %ne3A_264 : i32 to vector<128x128xi32>
    %ne3A_266 = arith.cmpi ne, %and3A_263, %ne3A_265 : vector<128x128xi32>
    %ne3A_267 = arith.xori %ne3A_266, %eq3A_147 : vector<128x128xi1>
    %ne3A_268 = arith.xori %or3A_260, %ne3A_267 : vector<128x128xi1>
    %select_n3A_269 = arith.select %ne3A_268, %select_n3A_228, %select_n3A_242 : vector<128x128xi1>, vector<128x128xf32>
    %select_n3A_270 = arith.select %ne3A_268, %select_n3A_229, %select_n3A_255 : vector<128x128xi1>, vector<128x128xi32>
    %shift_right_arithmetic3A_271 = arith.constant 4 : i32
    %shift_right_arithmetic3A_272 = vector.broadcast %shift_right_arithmetic3A_271 : i32 to vector<128x128xi32>
    %shift_right_arithmetic3A_273 = arith.shrsi %add3A, %shift_right_arithmetic3A_272 : vector<128x128xi32>
    %and3A_274 = arith.constant 1 : i32
    %and3A_275 = vector.broadcast %and3A_274 : i32 to vector<128x128xi32>
    %and3A_276 = arith.andi %shift_right_arithmetic3A_273, %and3A_275 : vector<128x128xi32>
    %eq3A_277 = arith.constant 1 : i32
    %eq3A_278 = vector.broadcast %eq3A_277 : i32 to vector<128x128xi32>
    %eq3A_279 = arith.cmpi eq, %and3A_276, %eq3A_278 : vector<128x128xi32>
    %slice3A_280 = vector.extract_strided_slice %select_n3A_269 {offsets = [0, 8], sizes = [128, 120], strides = [1, 1]} : vector<128x128xf32> to vector<128x120xf32>
    %slice3A_281 = vector.extract_strided_slice %select_n3A_269 {offsets = [0, 0], sizes = [128, 8], strides = [1, 1]} : vector<128x128xf32> to vector<128x8xf32>
    %concatenate3A_282 = tpu.concatenate %slice3A_280, %slice3A_281 in 1 : vector<128x120xf32>, vector<128x8xf32> -> vector<128x128xf32>
    %slice3A_283 = vector.extract_strided_slice %select_n3A_269 {offsets = [0, 120], sizes = [128, 8], strides = [1, 1]} : vector<128x128xf32> to vector<128x8xf32>
    %slice3A_284 = vector.extract_strided_slice %select_n3A_269 {offsets = [0, 0], sizes = [128, 120], strides = [1, 1]} : vector<128x128xf32> to vector<128x120xf32>
    %concatenate3A_285 = tpu.concatenate %slice3A_283, %slice3A_284 in 1 : vector<128x8xf32>, vector<128x120xf32> -> vector<128x128xf32>
    %and3A_286 = arith.constant 8 : i32
    %and3A_287 = vector.broadcast %and3A_286 : i32 to vector<128x128xi32>
    %and3A_288 = arith.andi %iota3A_0, %and3A_287 : vector<128x128xi32>
    %eq3A_289 = arith.constant 0 : i32
    %eq3A_290 = vector.broadcast %eq3A_289 : i32 to vector<128x128xi32>
    %eq3A_291 = arith.cmpi eq, %and3A_288, %eq3A_290 : vector<128x128xi32>
    %select_n3A_292 = arith.select %eq3A_291, %concatenate3A_282, %concatenate3A_285 : vector<128x128xi1>, vector<128x128xf32>
    %slice3A_293 = vector.extract_strided_slice %select_n3A_270 {offsets = [0, 8], sizes = [128, 120], strides = [1, 1]} : vector<128x128xi32> to vector<128x120xi32>
    %slice3A_294 = vector.extract_strided_slice %select_n3A_270 {offsets = [0, 0], sizes = [128, 8], strides = [1, 1]} : vector<128x128xi32> to vector<128x8xi32>
    %concatenate3A_295 = tpu.concatenate %slice3A_293, %slice3A_294 in 1 : vector<128x120xi32>, vector<128x8xi32> -> vector<128x128xi32>
    %slice3A_296 = vector.extract_strided_slice %select_n3A_270 {offsets = [0, 120], sizes = [128, 8], strides = [1, 1]} : vector<128x128xi32> to vector<128x8xi32>
    %slice3A_297 = vector.extract_strided_slice %select_n3A_270 {offsets = [0, 0], sizes = [128, 120], strides = [1, 1]} : vector<128x128xi32> to vector<128x120xi32>
    %concatenate3A_298 = tpu.concatenate %slice3A_296, %slice3A_297 in 1 : vector<128x8xi32>, vector<128x120xi32> -> vector<128x128xi32>
    %and3A_299 = arith.constant 8 : i32
    %and3A_300 = vector.broadcast %and3A_299 : i32 to vector<128x128xi32>
    %and3A_301 = arith.andi %iota3A_0, %and3A_300 : vector<128x128xi32>
    %eq3A_302 = arith.constant 0 : i32
    %eq3A_303 = vector.broadcast %eq3A_302 : i32 to vector<128x128xi32>
    %eq3A_304 = arith.cmpi eq, %and3A_301, %eq3A_303 : vector<128x128xi32>
    %select_n3A_305 = arith.select %eq3A_304, %concatenate3A_295, %concatenate3A_298 : vector<128x128xi1>, vector<128x128xi32>
    %gt3A_306 = arith.cmpf ogt, %select_n3A_269, %select_n3A_292 : vector<128x128xf32>
    %eq3A_307 = arith.cmpf oeq, %select_n3A_269, %select_n3A_292 : vector<128x128xf32>
    %lt3A_308 = arith.cmpi slt, %select_n3A_270, %select_n3A_305 : vector<128x128xi32>
    %and3A_309 = arith.andi %eq3A_307, %lt3A_308 : vector<128x128xi1>
    %or3A_310 = arith.ori %gt3A_306, %and3A_309 : vector<128x128xi1>
    %and3A_311 = arith.constant 8 : i32
    %and3A_312 = vector.broadcast %and3A_311 : i32 to vector<128x128xi32>
    %and3A_313 = arith.andi %add3A, %and3A_312 : vector<128x128xi32>
    %ne3A_314 = arith.constant 0 : i32
    %ne3A_315 = vector.broadcast %ne3A_314 : i32 to vector<128x128xi32>
    %ne3A_316 = arith.cmpi ne, %and3A_313, %ne3A_315 : vector<128x128xi32>
    %ne3A_317 = arith.xori %ne3A_316, %eq3A_279 : vector<128x128xi1>
    %ne3A_318 = arith.xori %or3A_310, %ne3A_317 : vector<128x128xi1>
    %select_n3A_319 = arith.select %ne3A_318, %select_n3A_269, %select_n3A_292 : vector<128x128xi1>, vector<128x128xf32>
    %select_n3A_320 = arith.select %ne3A_318, %select_n3A_270, %select_n3A_305 : vector<128x128xi1>, vector<128x128xi32>
    %slice3A_321 = vector.extract_strided_slice %select_n3A_319 {offsets = [0, 4], sizes = [128, 124], strides = [1, 1]} : vector<128x128xf32> to vector<128x124xf32>
    %slice3A_322 = vector.extract_strided_slice %select_n3A_319 {offsets = [0, 0], sizes = [128, 4], strides = [1, 1]} : vector<128x128xf32> to vector<128x4xf32>
    %concatenate3A_323 = tpu.concatenate %slice3A_321, %slice3A_322 in 1 : vector<128x124xf32>, vector<128x4xf32> -> vector<128x128xf32>
    %slice3A_324 = vector.extract_strided_slice %select_n3A_319 {offsets = [0, 124], sizes = [128, 4], strides = [1, 1]} : vector<128x128xf32> to vector<128x4xf32>
    %slice3A_325 = vector.extract_strided_slice %select_n3A_319 {offsets = [0, 0], sizes = [128, 124], strides = [1, 1]} : vector<128x128xf32> to vector<128x124xf32>
    %concatenate3A_326 = tpu.concatenate %slice3A_324, %slice3A_325 in 1 : vector<128x4xf32>, vector<128x124xf32> -> vector<128x128xf32>
    %and3A_327 = arith.constant 4 : i32
    %and3A_328 = vector.broadcast %and3A_327 : i32 to vector<128x128xi32>
    %and3A_329 = arith.andi %iota3A_0, %and3A_328 : vector<128x128xi32>
    %eq3A_330 = arith.constant 0 : i32
    %eq3A_331 = vector.broadcast %eq3A_330 : i32 to vector<128x128xi32>
    %eq3A_332 = arith.cmpi eq, %and3A_329, %eq3A_331 : vector<128x128xi32>
    %select_n3A_333 = arith.select %eq3A_332, %concatenate3A_323, %concatenate3A_326 : vector<128x128xi1>, vector<128x128xf32>
    %slice3A_334 = vector.extract_strided_slice %select_n3A_320 {offsets = [0, 4], sizes = [128, 124], strides = [1, 1]} : vector<128x128xi32> to vector<128x124xi32>
    %slice3A_335 = vector.extract_strided_slice %select_n3A_320 {offsets = [0, 0], sizes = [128, 4], strides = [1, 1]} : vector<128x128xi32> to vector<128x4xi32>
    %concatenate3A_336 = tpu.concatenate %slice3A_334, %slice3A_335 in 1 : vector<128x124xi32>, vector<128x4xi32> -> vector<128x128xi32>
    %slice3A_337 = vector.extract_strided_slice %select_n3A_320 {offsets = [0, 124], sizes = [128, 4], strides = [1, 1]} : vector<128x128xi32> to vector<128x4xi32>
    %slice3A_338 = vector.extract_strided_slice %select_n3A_320 {offsets = [0, 0], sizes = [128, 124], strides = [1, 1]} : vector<128x128xi32> to vector<128x124xi32>
    %concatenate3A_339 = tpu.concatenate %slice3A_337, %slice3A_338 in 1 : vector<128x4xi32>, vector<128x124xi32> -> vector<128x128xi32>
    %and3A_340 = arith.constant 4 : i32
    %and3A_341 = vector.broadcast %and3A_340 : i32 to vector<128x128xi32>
    %and3A_342 = arith.andi %iota3A_0, %and3A_341 : vector<128x128xi32>
    %eq3A_343 = arith.constant 0 : i32
    %eq3A_344 = vector.broadcast %eq3A_343 : i32 to vector<128x128xi32>
    %eq3A_345 = arith.cmpi eq, %and3A_342, %eq3A_344 : vector<128x128xi32>
    %select_n3A_346 = arith.select %eq3A_345, %concatenate3A_336, %concatenate3A_339 : vector<128x128xi1>, vector<128x128xi32>
    %gt3A_347 = arith.cmpf ogt, %select_n3A_319, %select_n3A_333 : vector<128x128xf32>
    %eq3A_348 = arith.cmpf oeq, %select_n3A_319, %select_n3A_333 : vector<128x128xf32>
    %lt3A_349 = arith.cmpi slt, %select_n3A_320, %select_n3A_346 : vector<128x128xi32>
    %and3A_350 = arith.andi %eq3A_348, %lt3A_349 : vector<128x128xi1>
    %or3A_351 = arith.ori %gt3A_347, %and3A_350 : vector<128x128xi1>
    %and3A_352 = arith.constant 4 : i32
    %and3A_353 = vector.broadcast %and3A_352 : i32 to vector<128x128xi32>
    %and3A_354 = arith.andi %add3A, %and3A_353 : vector<128x128xi32>
    %ne3A_355 = arith.constant 0 : i32
    %ne3A_356 = vector.broadcast %ne3A_355 : i32 to vector<128x128xi32>
    %ne3A_357 = arith.cmpi ne, %and3A_354, %ne3A_356 : vector<128x128xi32>
    %ne3A_358 = arith.xori %ne3A_357, %eq3A_279 : vector<128x128xi1>
    %ne3A_359 = arith.xori %or3A_351, %ne3A_358 : vector<128x128xi1>
    %select_n3A_360 = arith.select %ne3A_359, %select_n3A_319, %select_n3A_333 : vector<128x128xi1>, vector<128x128xf32>
    %select_n3A_361 = arith.select %ne3A_359, %select_n3A_320, %select_n3A_346 : vector<128x128xi1>, vector<128x128xi32>
    %slice3A_362 = vector.extract_strided_slice %select_n3A_360 {offsets = [0, 2], sizes = [128, 126], strides = [1, 1]} : vector<128x128xf32> to vector<128x126xf32>
    %slice3A_363 = vector.extract_strided_slice %select_n3A_360 {offsets = [0, 0], sizes = [128, 2], strides = [1, 1]} : vector<128x128xf32> to vector<128x2xf32>
    %concatenate3A_364 = tpu.concatenate %slice3A_362, %slice3A_363 in 1 : vector<128x126xf32>, vector<128x2xf32> -> vector<128x128xf32>
    %slice3A_365 = vector.extract_strided_slice %select_n3A_360 {offsets = [0, 126], sizes = [128, 2], strides = [1, 1]} : vector<128x128xf32> to vector<128x2xf32>
    %slice3A_366 = vector.extract_strided_slice %select_n3A_360 {offsets = [0, 0], sizes = [128, 126], strides = [1, 1]} : vector<128x128xf32> to vector<128x126xf32>
    %concatenate3A_367 = tpu.concatenate %slice3A_365, %slice3A_366 in 1 : vector<128x2xf32>, vector<128x126xf32> -> vector<128x128xf32>
    %and3A_368 = arith.constant 2 : i32
    %and3A_369 = vector.broadcast %and3A_368 : i32 to vector<128x128xi32>
    %and3A_370 = arith.andi %iota3A_0, %and3A_369 : vector<128x128xi32>
    %eq3A_371 = arith.constant 0 : i32
    %eq3A_372 = vector.broadcast %eq3A_371 : i32 to vector<128x128xi32>
    %eq3A_373 = arith.cmpi eq, %and3A_370, %eq3A_372 : vector<128x128xi32>
    %select_n3A_374 = arith.select %eq3A_373, %concatenate3A_364, %concatenate3A_367 : vector<128x128xi1>, vector<128x128xf32>
    %slice3A_375 = vector.extract_strided_slice %select_n3A_361 {offsets = [0, 2], sizes = [128, 126], strides = [1, 1]} : vector<128x128xi32> to vector<128x126xi32>
    %slice3A_376 = vector.extract_strided_slice %select_n3A_361 {offsets = [0, 0], sizes = [128, 2], strides = [1, 1]} : vector<128x128xi32> to vector<128x2xi32>
    %concatenate3A_377 = tpu.concatenate %slice3A_375, %slice3A_376 in 1 : vector<128x126xi32>, vector<128x2xi32> -> vector<128x128xi32>
    %slice3A_378 = vector.extract_strided_slice %select_n3A_361 {offsets = [0, 126], sizes = [128, 2], strides = [1, 1]} : vector<128x128xi32> to vector<128x2xi32>
    %slice3A_379 = vector.extract_strided_slice %select_n3A_361 {offsets = [0, 0], sizes = [128, 126], strides = [1, 1]} : vector<128x128xi32> to vector<128x126xi32>
    %concatenate3A_380 = tpu.concatenate %slice3A_378, %slice3A_379 in 1 : vector<128x2xi32>, vector<128x126xi32> -> vector<128x128xi32>
    %and3A_381 = arith.constant 2 : i32
    %and3A_382 = vector.broadcast %and3A_381 : i32 to vector<128x128xi32>
    %and3A_383 = arith.andi %iota3A_0, %and3A_382 : vector<128x128xi32>
    %eq3A_384 = arith.constant 0 : i32
    %eq3A_385 = vector.broadcast %eq3A_384 : i32 to vector<128x128xi32>
    %eq3A_386 = arith.cmpi eq, %and3A_383, %eq3A_385 : vector<128x128xi32>
    %select_n3A_387 = arith.select %eq3A_386, %concatenate3A_377, %concatenate3A_380 : vector<128x128xi1>, vector<128x128xi32>
    %gt3A_388 = arith.cmpf ogt, %select_n3A_360, %select_n3A_374 : vector<128x128xf32>
    %eq3A_389 = arith.cmpf oeq, %select_n3A_360, %select_n3A_374 : vector<128x128xf32>
    %lt3A_390 = arith.cmpi slt, %select_n3A_361, %select_n3A_387 : vector<128x128xi32>
    %and3A_391 = arith.andi %eq3A_389, %lt3A_390 : vector<128x128xi1>
    %or3A_392 = arith.ori %gt3A_388, %and3A_391 : vector<128x128xi1>
    %and3A_393 = arith.constant 2 : i32
    %and3A_394 = vector.broadcast %and3A_393 : i32 to vector<128x128xi32>
    %and3A_395 = arith.andi %add3A, %and3A_394 : vector<128x128xi32>
    %ne3A_396 = arith.constant 0 : i32
    %ne3A_397 = vector.broadcast %ne3A_396 : i32 to vector<128x128xi32>
    %ne3A_398 = arith.cmpi ne, %and3A_395, %ne3A_397 : vector<128x128xi32>
    %ne3A_399 = arith.xori %ne3A_398, %eq3A_279 : vector<128x128xi1>
    %ne3A_400 = arith.xori %or3A_392, %ne3A_399 : vector<128x128xi1>
    %select_n3A_401 = arith.select %ne3A_400, %select_n3A_360, %select_n3A_374 : vector<128x128xi1>, vector<128x128xf32>
    %select_n3A_402 = arith.select %ne3A_400, %select_n3A_361, %select_n3A_387 : vector<128x128xi1>, vector<128x128xi32>
    %slice3A_403 = vector.extract_strided_slice %select_n3A_401 {offsets = [0, 1], sizes = [128, 127], strides = [1, 1]} : vector<128x128xf32> to vector<128x127xf32>
    %slice3A_404 = vector.extract_strided_slice %select_n3A_401 {offsets = [0, 0], sizes = [128, 1], strides = [1, 1]} : vector<128x128xf32> to vector<128x1xf32>
    %concatenate3A_405 = tpu.concatenate %slice3A_403, %slice3A_404 in 1 : vector<128x127xf32>, vector<128x1xf32> -> vector<128x128xf32>
    %slice3A_406 = vector.extract_strided_slice %select_n3A_401 {offsets = [0, 127], sizes = [128, 1], strides = [1, 1]} : vector<128x128xf32> to vector<128x1xf32>
    %slice3A_407 = vector.extract_strided_slice %select_n3A_401 {offsets = [0, 0], sizes = [128, 127], strides = [1, 1]} : vector<128x128xf32> to vector<128x127xf32>
    %concatenate3A_408 = tpu.concatenate %slice3A_406, %slice3A_407 in 1 : vector<128x1xf32>, vector<128x127xf32> -> vector<128x128xf32>
    %and3A_409 = arith.constant 1 : i32
    %and3A_410 = vector.broadcast %and3A_409 : i32 to vector<128x128xi32>
    %and3A_411 = arith.andi %iota3A_0, %and3A_410 : vector<128x128xi32>
    %eq3A_412 = arith.constant 0 : i32
    %eq3A_413 = vector.broadcast %eq3A_412 : i32 to vector<128x128xi32>
    %eq3A_414 = arith.cmpi eq, %and3A_411, %eq3A_413 : vector<128x128xi32>
    %select_n3A_415 = arith.select %eq3A_414, %concatenate3A_405, %concatenate3A_408 : vector<128x128xi1>, vector<128x128xf32>
    %slice3A_416 = vector.extract_strided_slice %select_n3A_402 {offsets = [0, 1], sizes = [128, 127], strides = [1, 1]} : vector<128x128xi32> to vector<128x127xi32>
    %slice3A_417 = vector.extract_strided_slice %select_n3A_402 {offsets = [0, 0], sizes = [128, 1], strides = [1, 1]} : vector<128x128xi32> to vector<128x1xi32>
    %concatenate3A_418 = tpu.concatenate %slice3A_416, %slice3A_417 in 1 : vector<128x127xi32>, vector<128x1xi32> -> vector<128x128xi32>
    %slice3A_419 = vector.extract_strided_slice %select_n3A_402 {offsets = [0, 127], sizes = [128, 1], strides = [1, 1]} : vector<128x128xi32> to vector<128x1xi32>
    %slice3A_420 = vector.extract_strided_slice %select_n3A_402 {offsets = [0, 0], sizes = [128, 127], strides = [1, 1]} : vector<128x128xi32> to vector<128x127xi32>
    %concatenate3A_421 = tpu.concatenate %slice3A_419, %slice3A_420 in 1 : vector<128x1xi32>, vector<128x127xi32> -> vector<128x128xi32>
    %and3A_422 = arith.constant 1 : i32
    %and3A_423 = vector.broadcast %and3A_422 : i32 to vector<128x128xi32>
    %and3A_424 = arith.andi %iota3A_0, %and3A_423 : vector<128x128xi32>
    %eq3A_425 = arith.constant 0 : i32
    %eq3A_426 = vector.broadcast %eq3A_425 : i32 to vector<128x128xi32>
    %eq3A_427 = arith.cmpi eq, %and3A_424, %eq3A_426 : vector<128x128xi32>
    %select_n3A_428 = arith.select %eq3A_427, %concatenate3A_418, %concatenate3A_421 : vector<128x128xi1>, vector<128x128xi32>
    %gt3A_429 = arith.cmpf ogt, %select_n3A_401, %select_n3A_415 : vector<128x128xf32>
    %eq3A_430 = arith.cmpf oeq, %select_n3A_401, %select_n3A_415 : vector<128x128xf32>
    %lt3A_431 = arith.cmpi slt, %select_n3A_402, %select_n3A_428 : vector<128x128xi32>
    %and3A_432 = arith.andi %eq3A_430, %lt3A_431 : vector<128x128xi1>
    %or3A_433 = arith.ori %gt3A_429, %and3A_432 : vector<128x128xi1>
    %and3A_434 = arith.constant 1 : i32
    %and3A_435 = vector.broadcast %and3A_434 : i32 to vector<128x128xi32>
    %and3A_436 = arith.andi %add3A, %and3A_435 : vector<128x128xi32>
    %ne3A_437 = arith.constant 0 : i32
    %ne3A_438 = vector.broadcast %ne3A_437 : i32 to vector<128x128xi32>
    %ne3A_439 = arith.cmpi ne, %and3A_436, %ne3A_438 : vector<128x128xi32>
    %ne3A_440 = arith.xori %ne3A_439, %eq3A_279 : vector<128x128xi1>
    %ne3A_441 = arith.xori %or3A_433, %ne3A_440 : vector<128x128xi1>
    %select_n3A_442 = arith.select %ne3A_441, %select_n3A_401, %select_n3A_415 : vector<128x128xi1>, vector<128x128xf32>
    %select_n3A_443 = arith.select %ne3A_441, %select_n3A_402, %select_n3A_428 : vector<128x128xi1>, vector<128x128xi32>
    %shift_right_arithmetic3A_444 = arith.constant 5 : i32
    %shift_right_arithmetic3A_445 = vector.broadcast %shift_right_arithmetic3A_444 : i32 to vector<128x128xi32>
    %shift_right_arithmetic3A_446 = arith.shrsi %add3A, %shift_right_arithmetic3A_445 : vector<128x128xi32>
    %and3A_447 = arith.constant 1 : i32
    %and3A_448 = vector.broadcast %and3A_447 : i32 to vector<128x128xi32>
    %and3A_449 = arith.andi %shift_right_arithmetic3A_446, %and3A_448 : vector<128x128xi32>
    %eq3A_450 = arith.constant 1 : i32
    %eq3A_451 = vector.broadcast %eq3A_450 : i32 to vector<128x128xi32>
    %eq3A_452 = arith.cmpi eq, %and3A_449, %eq3A_451 : vector<128x128xi32>
    %slice3A_453 = vector.extract_strided_slice %select_n3A_442 {offsets = [0, 16], sizes = [128, 112], strides = [1, 1]} : vector<128x128xf32> to vector<128x112xf32>
    %slice3A_454 = vector.extract_strided_slice %select_n3A_442 {offsets = [0, 0], sizes = [128, 16], strides = [1, 1]} : vector<128x128xf32> to vector<128x16xf32>
    %concatenate3A_455 = tpu.concatenate %slice3A_453, %slice3A_454 in 1 : vector<128x112xf32>, vector<128x16xf32> -> vector<128x128xf32>
    %slice3A_456 = vector.extract_strided_slice %select_n3A_442 {offsets = [0, 112], sizes = [128, 16], strides = [1, 1]} : vector<128x128xf32> to vector<128x16xf32>
    %slice3A_457 = vector.extract_strided_slice %select_n3A_442 {offsets = [0, 0], sizes = [128, 112], strides = [1, 1]} : vector<128x128xf32> to vector<128x112xf32>
    %concatenate3A_458 = tpu.concatenate %slice3A_456, %slice3A_457 in 1 : vector<128x16xf32>, vector<128x112xf32> -> vector<128x128xf32>
    %and3A_459 = arith.constant 16 : i32
    %and3A_460 = vector.broadcast %and3A_459 : i32 to vector<128x128xi32>
    %and3A_461 = arith.andi %iota3A_0, %and3A_460 : vector<128x128xi32>
    %eq3A_462 = arith.constant 0 : i32
    %eq3A_463 = vector.broadcast %eq3A_462 : i32 to vector<128x128xi32>
    %eq3A_464 = arith.cmpi eq, %and3A_461, %eq3A_463 : vector<128x128xi32>
    %select_n3A_465 = arith.select %eq3A_464, %concatenate3A_455, %concatenate3A_458 : vector<128x128xi1>, vector<128x128xf32>
    %slice3A_466 = vector.extract_strided_slice %select_n3A_443 {offsets = [0, 16], sizes = [128, 112], strides = [1, 1]} : vector<128x128xi32> to vector<128x112xi32>
    %slice3A_467 = vector.extract_strided_slice %select_n3A_443 {offsets = [0, 0], sizes = [128, 16], strides = [1, 1]} : vector<128x128xi32> to vector<128x16xi32>
    %concatenate3A_468 = tpu.concatenate %slice3A_466, %slice3A_467 in 1 : vector<128x112xi32>, vector<128x16xi32> -> vector<128x128xi32>
    %slice3A_469 = vector.extract_strided_slice %select_n3A_443 {offsets = [0, 112], sizes = [128, 16], strides = [1, 1]} : vector<128x128xi32> to vector<128x16xi32>
    %slice3A_470 = vector.extract_strided_slice %select_n3A_443 {offsets = [0, 0], sizes = [128, 112], strides = [1, 1]} : vector<128x128xi32> to vector<128x112xi32>
    %concatenate3A_471 = tpu.concatenate %slice3A_469, %slice3A_470 in 1 : vector<128x16xi32>, vector<128x112xi32> -> vector<128x128xi32>
    %and3A_472 = arith.constant 16 : i32
    %and3A_473 = vector.broadcast %and3A_472 : i32 to vector<128x128xi32>
    %and3A_474 = arith.andi %iota3A_0, %and3A_473 : vector<128x128xi32>
    %eq3A_475 = arith.constant 0 : i32
    %eq3A_476 = vector.broadcast %eq3A_475 : i32 to vector<128x128xi32>
    %eq3A_477 = arith.cmpi eq, %and3A_474, %eq3A_476 : vector<128x128xi32>
    %select_n3A_478 = arith.select %eq3A_477, %concatenate3A_468, %concatenate3A_471 : vector<128x128xi1>, vector<128x128xi32>
    %gt3A_479 = arith.cmpf ogt, %select_n3A_442, %select_n3A_465 : vector<128x128xf32>
    %eq3A_480 = arith.cmpf oeq, %select_n3A_442, %select_n3A_465 : vector<128x128xf32>
    %lt3A_481 = arith.cmpi slt, %select_n3A_443, %select_n3A_478 : vector<128x128xi32>
    %and3A_482 = arith.andi %eq3A_480, %lt3A_481 : vector<128x128xi1>
    %or3A_483 = arith.ori %gt3A_479, %and3A_482 : vector<128x128xi1>
    %and3A_484 = arith.constant 16 : i32
    %and3A_485 = vector.broadcast %and3A_484 : i32 to vector<128x128xi32>
    %and3A_486 = arith.andi %add3A, %and3A_485 : vector<128x128xi32>
    %ne3A_487 = arith.constant 0 : i32
    %ne3A_488 = vector.broadcast %ne3A_487 : i32 to vector<128x128xi32>
    %ne3A_489 = arith.cmpi ne, %and3A_486, %ne3A_488 : vector<128x128xi32>
    %ne3A_490 = arith.xori %ne3A_489, %eq3A_452 : vector<128x128xi1>
    %ne3A_491 = arith.xori %or3A_483, %ne3A_490 : vector<128x128xi1>
    %select_n3A_492 = arith.select %ne3A_491, %select_n3A_442, %select_n3A_465 : vector<128x128xi1>, vector<128x128xf32>
    %select_n3A_493 = arith.select %ne3A_491, %select_n3A_443, %select_n3A_478 : vector<128x128xi1>, vector<128x128xi32>
    %slice3A_494 = vector.extract_strided_slice %select_n3A_492 {offsets = [0, 8], sizes = [128, 120], strides = [1, 1]} : vector<128x128xf32> to vector<128x120xf32>
    %slice3A_495 = vector.extract_strided_slice %select_n3A_492 {offsets = [0, 0], sizes = [128, 8], strides = [1, 1]} : vector<128x128xf32> to vector<128x8xf32>
    %concatenate3A_496 = tpu.concatenate %slice3A_494, %slice3A_495 in 1 : vector<128x120xf32>, vector<128x8xf32> -> vector<128x128xf32>
    %slice3A_497 = vector.extract_strided_slice %select_n3A_492 {offsets = [0, 120], sizes = [128, 8], strides = [1, 1]} : vector<128x128xf32> to vector<128x8xf32>
    %slice3A_498 = vector.extract_strided_slice %select_n3A_492 {offsets = [0, 0], sizes = [128, 120], strides = [1, 1]} : vector<128x128xf32> to vector<128x120xf32>
    %concatenate3A_499 = tpu.concatenate %slice3A_497, %slice3A_498 in 1 : vector<128x8xf32>, vector<128x120xf32> -> vector<128x128xf32>
    %and3A_500 = arith.constant 8 : i32
    %and3A_501 = vector.broadcast %and3A_500 : i32 to vector<128x128xi32>
    %and3A_502 = arith.andi %iota3A_0, %and3A_501 : vector<128x128xi32>
    %eq3A_503 = arith.constant 0 : i32
    %eq3A_504 = vector.broadcast %eq3A_503 : i32 to vector<128x128xi32>
    %eq3A_505 = arith.cmpi eq, %and3A_502, %eq3A_504 : vector<128x128xi32>
    %select_n3A_506 = arith.select %eq3A_505, %concatenate3A_496, %concatenate3A_499 : vector<128x128xi1>, vector<128x128xf32>
    %slice3A_507 = vector.extract_strided_slice %select_n3A_493 {offsets = [0, 8], sizes = [128, 120], strides = [1, 1]} : vector<128x128xi32> to vector<128x120xi32>
    %slice3A_508 = vector.extract_strided_slice %select_n3A_493 {offsets = [0, 0], sizes = [128, 8], strides = [1, 1]} : vector<128x128xi32> to vector<128x8xi32>
    %concatenate3A_509 = tpu.concatenate %slice3A_507, %slice3A_508 in 1 : vector<128x120xi32>, vector<128x8xi32> -> vector<128x128xi32>
    %slice3A_510 = vector.extract_strided_slice %select_n3A_493 {offsets = [0, 120], sizes = [128, 8], strides = [1, 1]} : vector<128x128xi32> to vector<128x8xi32>
    %slice3A_511 = vector.extract_strided_slice %select_n3A_493 {offsets = [0, 0], sizes = [128, 120], strides = [1, 1]} : vector<128x128xi32> to vector<128x120xi32>
    %concatenate3A_512 = tpu.concatenate %slice3A_510, %slice3A_511 in 1 : vector<128x8xi32>, vector<128x120xi32> -> vector<128x128xi32>
    %and3A_513 = arith.constant 8 : i32
    %and3A_514 = vector.broadcast %and3A_513 : i32 to vector<128x128xi32>
    %and3A_515 = arith.andi %iota3A_0, %and3A_514 : vector<128x128xi32>
    %eq3A_516 = arith.constant 0 : i32
    %eq3A_517 = vector.broadcast %eq3A_516 : i32 to vector<128x128xi32>
    %eq3A_518 = arith.cmpi eq, %and3A_515, %eq3A_517 : vector<128x128xi32>
    %select_n3A_519 = arith.select %eq3A_518, %concatenate3A_509, %concatenate3A_512 : vector<128x128xi1>, vector<128x128xi32>
    %gt3A_520 = arith.cmpf ogt, %select_n3A_492, %select_n3A_506 : vector<128x128xf32>
    %eq3A_521 = arith.cmpf oeq, %select_n3A_492, %select_n3A_506 : vector<128x128xf32>
    %lt3A_522 = arith.cmpi slt, %select_n3A_493, %select_n3A_519 : vector<128x128xi32>
    %and3A_523 = arith.andi %eq3A_521, %lt3A_522 : vector<128x128xi1>
    %or3A_524 = arith.ori %gt3A_520, %and3A_523 : vector<128x128xi1>
    %and3A_525 = arith.constant 8 : i32
    %and3A_526 = vector.broadcast %and3A_525 : i32 to vector<128x128xi32>
    %and3A_527 = arith.andi %add3A, %and3A_526 : vector<128x128xi32>
    %ne3A_528 = arith.constant 0 : i32
    %ne3A_529 = vector.broadcast %ne3A_528 : i32 to vector<128x128xi32>
    %ne3A_530 = arith.cmpi ne, %and3A_527, %ne3A_529 : vector<128x128xi32>
    %ne3A_531 = arith.xori %ne3A_530, %eq3A_452 : vector<128x128xi1>
    %ne3A_532 = arith.xori %or3A_524, %ne3A_531 : vector<128x128xi1>
    %select_n3A_533 = arith.select %ne3A_532, %select_n3A_492, %select_n3A_506 : vector<128x128xi1>, vector<128x128xf32>
    %select_n3A_534 = arith.select %ne3A_532, %select_n3A_493, %select_n3A_519 : vector<128x128xi1>, vector<128x128xi32>
    %slice3A_535 = vector.extract_strided_slice %select_n3A_533 {offsets = [0, 4], sizes = [128, 124], strides = [1, 1]} : vector<128x128xf32> to vector<128x124xf32>
    %slice3A_536 = vector.extract_strided_slice %select_n3A_533 {offsets = [0, 0], sizes = [128, 4], strides = [1, 1]} : vector<128x128xf32> to vector<128x4xf32>
    %concatenate3A_537 = tpu.concatenate %slice3A_535, %slice3A_536 in 1 : vector<128x124xf32>, vector<128x4xf32> -> vector<128x128xf32>
    %slice3A_538 = vector.extract_strided_slice %select_n3A_533 {offsets = [0, 124], sizes = [128, 4], strides = [1, 1]} : vector<128x128xf32> to vector<128x4xf32>
    %slice3A_539 = vector.extract_strided_slice %select_n3A_533 {offsets = [0, 0], sizes = [128, 124], strides = [1, 1]} : vector<128x128xf32> to vector<128x124xf32>
    %concatenate3A_540 = tpu.concatenate %slice3A_538, %slice3A_539 in 1 : vector<128x4xf32>, vector<128x124xf32> -> vector<128x128xf32>
    %and3A_541 = arith.constant 4 : i32
    %and3A_542 = vector.broadcast %and3A_541 : i32 to vector<128x128xi32>
    %and3A_543 = arith.andi %iota3A_0, %and3A_542 : vector<128x128xi32>
    %eq3A_544 = arith.constant 0 : i32
    %eq3A_545 = vector.broadcast %eq3A_544 : i32 to vector<128x128xi32>
    %eq3A_546 = arith.cmpi eq, %and3A_543, %eq3A_545 : vector<128x128xi32>
    %select_n3A_547 = arith.select %eq3A_546, %concatenate3A_537, %concatenate3A_540 : vector<128x128xi1>, vector<128x128xf32>
    %slice3A_548 = vector.extract_strided_slice %select_n3A_534 {offsets = [0, 4], sizes = [128, 124], strides = [1, 1]} : vector<128x128xi32> to vector<128x124xi32>
    %slice3A_549 = vector.extract_strided_slice %select_n3A_534 {offsets = [0, 0], sizes = [128, 4], strides = [1, 1]} : vector<128x128xi32> to vector<128x4xi32>
    %concatenate3A_550 = tpu.concatenate %slice3A_548, %slice3A_549 in 1 : vector<128x124xi32>, vector<128x4xi32> -> vector<128x128xi32>
    %slice3A_551 = vector.extract_strided_slice %select_n3A_534 {offsets = [0, 124], sizes = [128, 4], strides = [1, 1]} : vector<128x128xi32> to vector<128x4xi32>
    %slice3A_552 = vector.extract_strided_slice %select_n3A_534 {offsets = [0, 0], sizes = [128, 124], strides = [1, 1]} : vector<128x128xi32> to vector<128x124xi32>
    %concatenate3A_553 = tpu.concatenate %slice3A_551, %slice3A_552 in 1 : vector<128x4xi32>, vector<128x124xi32> -> vector<128x128xi32>
    %and3A_554 = arith.constant 4 : i32
    %and3A_555 = vector.broadcast %and3A_554 : i32 to vector<128x128xi32>
    %and3A_556 = arith.andi %iota3A_0, %and3A_555 : vector<128x128xi32>
    %eq3A_557 = arith.constant 0 : i32
    %eq3A_558 = vector.broadcast %eq3A_557 : i32 to vector<128x128xi32>
    %eq3A_559 = arith.cmpi eq, %and3A_556, %eq3A_558 : vector<128x128xi32>
    %select_n3A_560 = arith.select %eq3A_559, %concatenate3A_550, %concatenate3A_553 : vector<128x128xi1>, vector<128x128xi32>
    %gt3A_561 = arith.cmpf ogt, %select_n3A_533, %select_n3A_547 : vector<128x128xf32>
    %eq3A_562 = arith.cmpf oeq, %select_n3A_533, %select_n3A_547 : vector<128x128xf32>
    %lt3A_563 = arith.cmpi slt, %select_n3A_534, %select_n3A_560 : vector<128x128xi32>
    %and3A_564 = arith.andi %eq3A_562, %lt3A_563 : vector<128x128xi1>
    %or3A_565 = arith.ori %gt3A_561, %and3A_564 : vector<128x128xi1>
    %and3A_566 = arith.constant 4 : i32
    %and3A_567 = vector.broadcast %and3A_566 : i32 to vector<128x128xi32>
    %and3A_568 = arith.andi %add3A, %and3A_567 : vector<128x128xi32>
    %ne3A_569 = arith.constant 0 : i32
    %ne3A_570 = vector.broadcast %ne3A_569 : i32 to vector<128x128xi32>
    %ne3A_571 = arith.cmpi ne, %and3A_568, %ne3A_570 : vector<128x128xi32>
    %ne3A_572 = arith.xori %ne3A_571, %eq3A_452 : vector<128x128xi1>
    %ne3A_573 = arith.xori %or3A_565, %ne3A_572 : vector<128x128xi1>
    %select_n3A_574 = arith.select %ne3A_573, %select_n3A_533, %select_n3A_547 : vector<128x128xi1>, vector<128x128xf32>
    %select_n3A_575 = arith.select %ne3A_573, %select_n3A_534, %select_n3A_560 : vector<128x128xi1>, vector<128x128xi32>
    %slice3A_576 = vector.extract_strided_slice %select_n3A_574 {offsets = [0, 2], sizes = [128, 126], strides = [1, 1]} : vector<128x128xf32> to vector<128x126xf32>
    %slice3A_577 = vector.extract_strided_slice %select_n3A_574 {offsets = [0, 0], sizes = [128, 2], strides = [1, 1]} : vector<128x128xf32> to vector<128x2xf32>
    %concatenate3A_578 = tpu.concatenate %slice3A_576, %slice3A_577 in 1 : vector<128x126xf32>, vector<128x2xf32> -> vector<128x128xf32>
    %slice3A_579 = vector.extract_strided_slice %select_n3A_574 {offsets = [0, 126], sizes = [128, 2], strides = [1, 1]} : vector<128x128xf32> to vector<128x2xf32>
    %slice3A_580 = vector.extract_strided_slice %select_n3A_574 {offsets = [0, 0], sizes = [128, 126], strides = [1, 1]} : vector<128x128xf32> to vector<128x126xf32>
    %concatenate3A_581 = tpu.concatenate %slice3A_579, %slice3A_580 in 1 : vector<128x2xf32>, vector<128x126xf32> -> vector<128x128xf32>
    %and3A_582 = arith.constant 2 : i32
    %and3A_583 = vector.broadcast %and3A_582 : i32 to vector<128x128xi32>
    %and3A_584 = arith.andi %iota3A_0, %and3A_583 : vector<128x128xi32>
    %eq3A_585 = arith.constant 0 : i32
    %eq3A_586 = vector.broadcast %eq3A_585 : i32 to vector<128x128xi32>
    %eq3A_587 = arith.cmpi eq, %and3A_584, %eq3A_586 : vector<128x128xi32>
    %select_n3A_588 = arith.select %eq3A_587, %concatenate3A_578, %concatenate3A_581 : vector<128x128xi1>, vector<128x128xf32>
    %slice3A_589 = vector.extract_strided_slice %select_n3A_575 {offsets = [0, 2], sizes = [128, 126], strides = [1, 1]} : vector<128x128xi32> to vector<128x126xi32>
    %slice3A_590 = vector.extract_strided_slice %select_n3A_575 {offsets = [0, 0], sizes = [128, 2], strides = [1, 1]} : vector<128x128xi32> to vector<128x2xi32>
    %concatenate3A_591 = tpu.concatenate %slice3A_589, %slice3A_590 in 1 : vector<128x126xi32>, vector<128x2xi32> -> vector<128x128xi32>
    %slice3A_592 = vector.extract_strided_slice %select_n3A_575 {offsets = [0, 126], sizes = [128, 2], strides = [1, 1]} : vector<128x128xi32> to vector<128x2xi32>
    %slice3A_593 = vector.extract_strided_slice %select_n3A_575 {offsets = [0, 0], sizes = [128, 126], strides = [1, 1]} : vector<128x128xi32> to vector<128x126xi32>
    %concatenate3A_594 = tpu.concatenate %slice3A_592, %slice3A_593 in 1 : vector<128x2xi32>, vector<128x126xi32> -> vector<128x128xi32>
    %and3A_595 = arith.constant 2 : i32
    %and3A_596 = vector.broadcast %and3A_595 : i32 to vector<128x128xi32>
    %and3A_597 = arith.andi %iota3A_0, %and3A_596 : vector<128x128xi32>
    %eq3A_598 = arith.constant 0 : i32
    %eq3A_599 = vector.broadcast %eq3A_598 : i32 to vector<128x128xi32>
    %eq3A_600 = arith.cmpi eq, %and3A_597, %eq3A_599 : vector<128x128xi32>
    %select_n3A_601 = arith.select %eq3A_600, %concatenate3A_591, %concatenate3A_594 : vector<128x128xi1>, vector<128x128xi32>
    %gt3A_602 = arith.cmpf ogt, %select_n3A_574, %select_n3A_588 : vector<128x128xf32>
    %eq3A_603 = arith.cmpf oeq, %select_n3A_574, %select_n3A_588 : vector<128x128xf32>
    %lt3A_604 = arith.cmpi slt, %select_n3A_575, %select_n3A_601 : vector<128x128xi32>
    %and3A_605 = arith.andi %eq3A_603, %lt3A_604 : vector<128x128xi1>
    %or3A_606 = arith.ori %gt3A_602, %and3A_605 : vector<128x128xi1>
    %and3A_607 = arith.constant 2 : i32
    %and3A_608 = vector.broadcast %and3A_607 : i32 to vector<128x128xi32>
    %and3A_609 = arith.andi %add3A, %and3A_608 : vector<128x128xi32>
    %ne3A_610 = arith.constant 0 : i32
    %ne3A_611 = vector.broadcast %ne3A_610 : i32 to vector<128x128xi32>
    %ne3A_612 = arith.cmpi ne, %and3A_609, %ne3A_611 : vector<128x128xi32>
    %ne3A_613 = arith.xori %ne3A_612, %eq3A_452 : vector<128x128xi1>
    %ne3A_614 = arith.xori %or3A_606, %ne3A_613 : vector<128x128xi1>
    %select_n3A_615 = arith.select %ne3A_614, %select_n3A_574, %select_n3A_588 : vector<128x128xi1>, vector<128x128xf32>
    %select_n3A_616 = arith.select %ne3A_614, %select_n3A_575, %select_n3A_601 : vector<128x128xi1>, vector<128x128xi32>
    %slice3A_617 = vector.extract_strided_slice %select_n3A_615 {offsets = [0, 1], sizes = [128, 127], strides = [1, 1]} : vector<128x128xf32> to vector<128x127xf32>
    %slice3A_618 = vector.extract_strided_slice %select_n3A_615 {offsets = [0, 0], sizes = [128, 1], strides = [1, 1]} : vector<128x128xf32> to vector<128x1xf32>
    %concatenate3A_619 = tpu.concatenate %slice3A_617, %slice3A_618 in 1 : vector<128x127xf32>, vector<128x1xf32> -> vector<128x128xf32>
    %slice3A_620 = vector.extract_strided_slice %select_n3A_615 {offsets = [0, 127], sizes = [128, 1], strides = [1, 1]} : vector<128x128xf32> to vector<128x1xf32>
    %slice3A_621 = vector.extract_strided_slice %select_n3A_615 {offsets = [0, 0], sizes = [128, 127], strides = [1, 1]} : vector<128x128xf32> to vector<128x127xf32>
    %concatenate3A_622 = tpu.concatenate %slice3A_620, %slice3A_621 in 1 : vector<128x1xf32>, vector<128x127xf32> -> vector<128x128xf32>
    %and3A_623 = arith.constant 1 : i32
    %and3A_624 = vector.broadcast %and3A_623 : i32 to vector<128x128xi32>
    %and3A_625 = arith.andi %iota3A_0, %and3A_624 : vector<128x128xi32>
    %eq3A_626 = arith.constant 0 : i32
    %eq3A_627 = vector.broadcast %eq3A_626 : i32 to vector<128x128xi32>
    %eq3A_628 = arith.cmpi eq, %and3A_625, %eq3A_627 : vector<128x128xi32>
    %select_n3A_629 = arith.select %eq3A_628, %concatenate3A_619, %concatenate3A_622 : vector<128x128xi1>, vector<128x128xf32>
    %slice3A_630 = vector.extract_strided_slice %select_n3A_616 {offsets = [0, 1], sizes = [128, 127], strides = [1, 1]} : vector<128x128xi32> to vector<128x127xi32>
    %slice3A_631 = vector.extract_strided_slice %select_n3A_616 {offsets = [0, 0], sizes = [128, 1], strides = [1, 1]} : vector<128x128xi32> to vector<128x1xi32>
    %concatenate3A_632 = tpu.concatenate %slice3A_630, %slice3A_631 in 1 : vector<128x127xi32>, vector<128x1xi32> -> vector<128x128xi32>
    %slice3A_633 = vector.extract_strided_slice %select_n3A_616 {offsets = [0, 127], sizes = [128, 1], strides = [1, 1]} : vector<128x128xi32> to vector<128x1xi32>
    %slice3A_634 = vector.extract_strided_slice %select_n3A_616 {offsets = [0, 0], sizes = [128, 127], strides = [1, 1]} : vector<128x128xi32> to vector<128x127xi32>
    %concatenate3A_635 = tpu.concatenate %slice3A_633, %slice3A_634 in 1 : vector<128x1xi32>, vector<128x127xi32> -> vector<128x128xi32>
    %and3A_636 = arith.constant 1 : i32
    %and3A_637 = vector.broadcast %and3A_636 : i32 to vector<128x128xi32>
    %and3A_638 = arith.andi %iota3A_0, %and3A_637 : vector<128x128xi32>
    %eq3A_639 = arith.constant 0 : i32
    %eq3A_640 = vector.broadcast %eq3A_639 : i32 to vector<128x128xi32>
    %eq3A_641 = arith.cmpi eq, %and3A_638, %eq3A_640 : vector<128x128xi32>
    %select_n3A_642 = arith.select %eq3A_641, %concatenate3A_632, %concatenate3A_635 : vector<128x128xi1>, vector<128x128xi32>
    %gt3A_643 = arith.cmpf ogt, %select_n3A_615, %select_n3A_629 : vector<128x128xf32>
    %eq3A_644 = arith.cmpf oeq, %select_n3A_615, %select_n3A_629 : vector<128x128xf32>
    %lt3A_645 = arith.cmpi slt, %select_n3A_616, %select_n3A_642 : vector<128x128xi32>
    %and3A_646 = arith.andi %eq3A_644, %lt3A_645 : vector<128x128xi1>
    %or3A_647 = arith.ori %gt3A_643, %and3A_646 : vector<128x128xi1>
    %and3A_648 = arith.constant 1 : i32
    %and3A_649 = vector.broadcast %and3A_648 : i32 to vector<128x128xi32>
    %and3A_650 = arith.andi %add3A, %and3A_649 : vector<128x128xi32>
    %ne3A_651 = arith.constant 0 : i32
    %ne3A_652 = vector.broadcast %ne3A_651 : i32 to vector<128x128xi32>
    %ne3A_653 = arith.cmpi ne, %and3A_650, %ne3A_652 : vector<128x128xi32>
    %ne3A_654 = arith.xori %ne3A_653, %eq3A_452 : vector<128x128xi1>
    %ne3A_655 = arith.xori %or3A_647, %ne3A_654 : vector<128x128xi1>
    %select_n3A_656 = arith.select %ne3A_655, %select_n3A_615, %select_n3A_629 : vector<128x128xi1>, vector<128x128xf32>
    %select_n3A_657 = arith.select %ne3A_655, %select_n3A_616, %select_n3A_642 : vector<128x128xi1>, vector<128x128xi32>
    %shift_right_arithmetic3A_658 = arith.constant 6 : i32
    %shift_right_arithmetic3A_659 = vector.broadcast %shift_right_arithmetic3A_658 : i32 to vector<128x128xi32>
    %shift_right_arithmetic3A_660 = arith.shrsi %add3A, %shift_right_arithmetic3A_659 : vector<128x128xi32>
    %and3A_661 = arith.constant 1 : i32
    %and3A_662 = vector.broadcast %and3A_661 : i32 to vector<128x128xi32>
    %and3A_663 = arith.andi %shift_right_arithmetic3A_660, %and3A_662 : vector<128x128xi32>
    %eq3A_664 = arith.constant 1 : i32
    %eq3A_665 = vector.broadcast %eq3A_664 : i32 to vector<128x128xi32>
    %eq3A_666 = arith.cmpi eq, %and3A_663, %eq3A_665 : vector<128x128xi32>
    %slice3A_667 = vector.extract_strided_slice %select_n3A_656 {offsets = [0, 32], sizes = [128, 96], strides = [1, 1]} : vector<128x128xf32> to vector<128x96xf32>
    %slice3A_668 = vector.extract_strided_slice %select_n3A_656 {offsets = [0, 0], sizes = [128, 32], strides = [1, 1]} : vector<128x128xf32> to vector<128x32xf32>
    %concatenate3A_669 = tpu.concatenate %slice3A_667, %slice3A_668 in 1 : vector<128x96xf32>, vector<128x32xf32> -> vector<128x128xf32>
    %slice3A_670 = vector.extract_strided_slice %select_n3A_656 {offsets = [0, 96], sizes = [128, 32], strides = [1, 1]} : vector<128x128xf32> to vector<128x32xf32>
    %slice3A_671 = vector.extract_strided_slice %select_n3A_656 {offsets = [0, 0], sizes = [128, 96], strides = [1, 1]} : vector<128x128xf32> to vector<128x96xf32>
    %concatenate3A_672 = tpu.concatenate %slice3A_670, %slice3A_671 in 1 : vector<128x32xf32>, vector<128x96xf32> -> vector<128x128xf32>
    %and3A_673 = arith.constant 32 : i32
    %and3A_674 = vector.broadcast %and3A_673 : i32 to vector<128x128xi32>
    %and3A_675 = arith.andi %iota3A_0, %and3A_674 : vector<128x128xi32>
    %eq3A_676 = arith.constant 0 : i32
    %eq3A_677 = vector.broadcast %eq3A_676 : i32 to vector<128x128xi32>
    %eq3A_678 = arith.cmpi eq, %and3A_675, %eq3A_677 : vector<128x128xi32>
    %select_n3A_679 = arith.select %eq3A_678, %concatenate3A_669, %concatenate3A_672 : vector<128x128xi1>, vector<128x128xf32>
    %slice3A_680 = vector.extract_strided_slice %select_n3A_657 {offsets = [0, 32], sizes = [128, 96], strides = [1, 1]} : vector<128x128xi32> to vector<128x96xi32>
    %slice3A_681 = vector.extract_strided_slice %select_n3A_657 {offsets = [0, 0], sizes = [128, 32], strides = [1, 1]} : vector<128x128xi32> to vector<128x32xi32>
    %concatenate3A_682 = tpu.concatenate %slice3A_680, %slice3A_681 in 1 : vector<128x96xi32>, vector<128x32xi32> -> vector<128x128xi32>
    %slice3A_683 = vector.extract_strided_slice %select_n3A_657 {offsets = [0, 96], sizes = [128, 32], strides = [1, 1]} : vector<128x128xi32> to vector<128x32xi32>
    %slice3A_684 = vector.extract_strided_slice %select_n3A_657 {offsets = [0, 0], sizes = [128, 96], strides = [1, 1]} : vector<128x128xi32> to vector<128x96xi32>
    %concatenate3A_685 = tpu.concatenate %slice3A_683, %slice3A_684 in 1 : vector<128x32xi32>, vector<128x96xi32> -> vector<128x128xi32>
    %and3A_686 = arith.constant 32 : i32
    %and3A_687 = vector.broadcast %and3A_686 : i32 to vector<128x128xi32>
    %and3A_688 = arith.andi %iota3A_0, %and3A_687 : vector<128x128xi32>
    %eq3A_689 = arith.constant 0 : i32
    %eq3A_690 = vector.broadcast %eq3A_689 : i32 to vector<128x128xi32>
    %eq3A_691 = arith.cmpi eq, %and3A_688, %eq3A_690 : vector<128x128xi32>
    %select_n3A_692 = arith.select %eq3A_691, %concatenate3A_682, %concatenate3A_685 : vector<128x128xi1>, vector<128x128xi32>
    %gt3A_693 = arith.cmpf ogt, %select_n3A_656, %select_n3A_679 : vector<128x128xf32>
    %eq3A_694 = arith.cmpf oeq, %select_n3A_656, %select_n3A_679 : vector<128x128xf32>
    %lt3A_695 = arith.cmpi slt, %select_n3A_657, %select_n3A_692 : vector<128x128xi32>
    %and3A_696 = arith.andi %eq3A_694, %lt3A_695 : vector<128x128xi1>
    %or3A_697 = arith.ori %gt3A_693, %and3A_696 : vector<128x128xi1>
    %and3A_698 = arith.constant 32 : i32
    %and3A_699 = vector.broadcast %and3A_698 : i32 to vector<128x128xi32>
    %and3A_700 = arith.andi %add3A, %and3A_699 : vector<128x128xi32>
    %ne3A_701 = arith.constant 0 : i32
    %ne3A_702 = vector.broadcast %ne3A_701 : i32 to vector<128x128xi32>
    %ne3A_703 = arith.cmpi ne, %and3A_700, %ne3A_702 : vector<128x128xi32>
    %ne3A_704 = arith.xori %ne3A_703, %eq3A_666 : vector<128x128xi1>
    %ne3A_705 = arith.xori %or3A_697, %ne3A_704 : vector<128x128xi1>
    %select_n3A_706 = arith.select %ne3A_705, %select_n3A_656, %select_n3A_679 : vector<128x128xi1>, vector<128x128xf32>
    %select_n3A_707 = arith.select %ne3A_705, %select_n3A_657, %select_n3A_692 : vector<128x128xi1>, vector<128x128xi32>
    %slice3A_708 = vector.extract_strided_slice %select_n3A_706 {offsets = [0, 16], sizes = [128, 112], strides = [1, 1]} : vector<128x128xf32> to vector<128x112xf32>
    %slice3A_709 = vector.extract_strided_slice %select_n3A_706 {offsets = [0, 0], sizes = [128, 16], strides = [1, 1]} : vector<128x128xf32> to vector<128x16xf32>
    %concatenate3A_710 = tpu.concatenate %slice3A_708, %slice3A_709 in 1 : vector<128x112xf32>, vector<128x16xf32> -> vector<128x128xf32>
    %slice3A_711 = vector.extract_strided_slice %select_n3A_706 {offsets = [0, 112], sizes = [128, 16], strides = [1, 1]} : vector<128x128xf32> to vector<128x16xf32>
    %slice3A_712 = vector.extract_strided_slice %select_n3A_706 {offsets = [0, 0], sizes = [128, 112], strides = [1, 1]} : vector<128x128xf32> to vector<128x112xf32>
    %concatenate3A_713 = tpu.concatenate %slice3A_711, %slice3A_712 in 1 : vector<128x16xf32>, vector<128x112xf32> -> vector<128x128xf32>
    %and3A_714 = arith.constant 16 : i32
    %and3A_715 = vector.broadcast %and3A_714 : i32 to vector<128x128xi32>
    %and3A_716 = arith.andi %iota3A_0, %and3A_715 : vector<128x128xi32>
    %eq3A_717 = arith.constant 0 : i32
    %eq3A_718 = vector.broadcast %eq3A_717 : i32 to vector<128x128xi32>
    %eq3A_719 = arith.cmpi eq, %and3A_716, %eq3A_718 : vector<128x128xi32>
    %select_n3A_720 = arith.select %eq3A_719, %concatenate3A_710, %concatenate3A_713 : vector<128x128xi1>, vector<128x128xf32>
    %slice3A_721 = vector.extract_strided_slice %select_n3A_707 {offsets = [0, 16], sizes = [128, 112], strides = [1, 1]} : vector<128x128xi32> to vector<128x112xi32>
    %slice3A_722 = vector.extract_strided_slice %select_n3A_707 {offsets = [0, 0], sizes = [128, 16], strides = [1, 1]} : vector<128x128xi32> to vector<128x16xi32>
    %concatenate3A_723 = tpu.concatenate %slice3A_721, %slice3A_722 in 1 : vector<128x112xi32>, vector<128x16xi32> -> vector<128x128xi32>
    %slice3A_724 = vector.extract_strided_slice %select_n3A_707 {offsets = [0, 112], sizes = [128, 16], strides = [1, 1]} : vector<128x128xi32> to vector<128x16xi32>
    %slice3A_725 = vector.extract_strided_slice %select_n3A_707 {offsets = [0, 0], sizes = [128, 112], strides = [1, 1]} : vector<128x128xi32> to vector<128x112xi32>
    %concatenate3A_726 = tpu.concatenate %slice3A_724, %slice3A_725 in 1 : vector<128x16xi32>, vector<128x112xi32> -> vector<128x128xi32>
    %and3A_727 = arith.constant 16 : i32
    %and3A_728 = vector.broadcast %and3A_727 : i32 to vector<128x128xi32>
    %and3A_729 = arith.andi %iota3A_0, %and3A_728 : vector<128x128xi32>
    %eq3A_730 = arith.constant 0 : i32
    %eq3A_731 = vector.broadcast %eq3A_730 : i32 to vector<128x128xi32>
    %eq3A_732 = arith.cmpi eq, %and3A_729, %eq3A_731 : vector<128x128xi32>
    %select_n3A_733 = arith.select %eq3A_732, %concatenate3A_723, %concatenate3A_726 : vector<128x128xi1>, vector<128x128xi32>
    %gt3A_734 = arith.cmpf ogt, %select_n3A_706, %select_n3A_720 : vector<128x128xf32>
    %eq3A_735 = arith.cmpf oeq, %select_n3A_706, %select_n3A_720 : vector<128x128xf32>
    %lt3A_736 = arith.cmpi slt, %select_n3A_707, %select_n3A_733 : vector<128x128xi32>
    %and3A_737 = arith.andi %eq3A_735, %lt3A_736 : vector<128x128xi1>
    %or3A_738 = arith.ori %gt3A_734, %and3A_737 : vector<128x128xi1>
    %and3A_739 = arith.constant 16 : i32
    %and3A_740 = vector.broadcast %and3A_739 : i32 to vector<128x128xi32>
    %and3A_741 = arith.andi %add3A, %and3A_740 : vector<128x128xi32>
    %ne3A_742 = arith.constant 0 : i32
    %ne3A_743 = vector.broadcast %ne3A_742 : i32 to vector<128x128xi32>
    %ne3A_744 = arith.cmpi ne, %and3A_741, %ne3A_743 : vector<128x128xi32>
    %ne3A_745 = arith.xori %ne3A_744, %eq3A_666 : vector<128x128xi1>
    %ne3A_746 = arith.xori %or3A_738, %ne3A_745 : vector<128x128xi1>
    %select_n3A_747 = arith.select %ne3A_746, %select_n3A_706, %select_n3A_720 : vector<128x128xi1>, vector<128x128xf32>
    %select_n3A_748 = arith.select %ne3A_746, %select_n3A_707, %select_n3A_733 : vector<128x128xi1>, vector<128x128xi32>
    %slice3A_749 = vector.extract_strided_slice %select_n3A_747 {offsets = [0, 8], sizes = [128, 120], strides = [1, 1]} : vector<128x128xf32> to vector<128x120xf32>
    %slice3A_750 = vector.extract_strided_slice %select_n3A_747 {offsets = [0, 0], sizes = [128, 8], strides = [1, 1]} : vector<128x128xf32> to vector<128x8xf32>
    %concatenate3A_751 = tpu.concatenate %slice3A_749, %slice3A_750 in 1 : vector<128x120xf32>, vector<128x8xf32> -> vector<128x128xf32>
    %slice3A_752 = vector.extract_strided_slice %select_n3A_747 {offsets = [0, 120], sizes = [128, 8], strides = [1, 1]} : vector<128x128xf32> to vector<128x8xf32>
    %slice3A_753 = vector.extract_strided_slice %select_n3A_747 {offsets = [0, 0], sizes = [128, 120], strides = [1, 1]} : vector<128x128xf32> to vector<128x120xf32>
    %concatenate3A_754 = tpu.concatenate %slice3A_752, %slice3A_753 in 1 : vector<128x8xf32>, vector<128x120xf32> -> vector<128x128xf32>
    %and3A_755 = arith.constant 8 : i32
    %and3A_756 = vector.broadcast %and3A_755 : i32 to vector<128x128xi32>
    %and3A_757 = arith.andi %iota3A_0, %and3A_756 : vector<128x128xi32>
    %eq3A_758 = arith.constant 0 : i32
    %eq3A_759 = vector.broadcast %eq3A_758 : i32 to vector<128x128xi32>
    %eq3A_760 = arith.cmpi eq, %and3A_757, %eq3A_759 : vector<128x128xi32>
    %select_n3A_761 = arith.select %eq3A_760, %concatenate3A_751, %concatenate3A_754 : vector<128x128xi1>, vector<128x128xf32>
    %slice3A_762 = vector.extract_strided_slice %select_n3A_748 {offsets = [0, 8], sizes = [128, 120], strides = [1, 1]} : vector<128x128xi32> to vector<128x120xi32>
    %slice3A_763 = vector.extract_strided_slice %select_n3A_748 {offsets = [0, 0], sizes = [128, 8], strides = [1, 1]} : vector<128x128xi32> to vector<128x8xi32>
    %concatenate3A_764 = tpu.concatenate %slice3A_762, %slice3A_763 in 1 : vector<128x120xi32>, vector<128x8xi32> -> vector<128x128xi32>
    %slice3A_765 = vector.extract_strided_slice %select_n3A_748 {offsets = [0, 120], sizes = [128, 8], strides = [1, 1]} : vector<128x128xi32> to vector<128x8xi32>
    %slice3A_766 = vector.extract_strided_slice %select_n3A_748 {offsets = [0, 0], sizes = [128, 120], strides = [1, 1]} : vector<128x128xi32> to vector<128x120xi32>
    %concatenate3A_767 = tpu.concatenate %slice3A_765, %slice3A_766 in 1 : vector<128x8xi32>, vector<128x120xi32> -> vector<128x128xi32>
    %and3A_768 = arith.constant 8 : i32
    %and3A_769 = vector.broadcast %and3A_768 : i32 to vector<128x128xi32>
    %and3A_770 = arith.andi %iota3A_0, %and3A_769 : vector<128x128xi32>
    %eq3A_771 = arith.constant 0 : i32
    %eq3A_772 = vector.broadcast %eq3A_771 : i32 to vector<128x128xi32>
    %eq3A_773 = arith.cmpi eq, %and3A_770, %eq3A_772 : vector<128x128xi32>
    %select_n3A_774 = arith.select %eq3A_773, %concatenate3A_764, %concatenate3A_767 : vector<128x128xi1>, vector<128x128xi32>
    %gt3A_775 = arith.cmpf ogt, %select_n3A_747, %select_n3A_761 : vector<128x128xf32>
    %eq3A_776 = arith.cmpf oeq, %select_n3A_747, %select_n3A_761 : vector<128x128xf32>
    %lt3A_777 = arith.cmpi slt, %select_n3A_748, %select_n3A_774 : vector<128x128xi32>
    %and3A_778 = arith.andi %eq3A_776, %lt3A_777 : vector<128x128xi1>
    %or3A_779 = arith.ori %gt3A_775, %and3A_778 : vector<128x128xi1>
    %and3A_780 = arith.constant 8 : i32
    %and3A_781 = vector.broadcast %and3A_780 : i32 to vector<128x128xi32>
    %and3A_782 = arith.andi %add3A, %and3A_781 : vector<128x128xi32>
    %ne3A_783 = arith.constant 0 : i32
    %ne3A_784 = vector.broadcast %ne3A_783 : i32 to vector<128x128xi32>
    %ne3A_785 = arith.cmpi ne, %and3A_782, %ne3A_784 : vector<128x128xi32>
    %ne3A_786 = arith.xori %ne3A_785, %eq3A_666 : vector<128x128xi1>
    %ne3A_787 = arith.xori %or3A_779, %ne3A_786 : vector<128x128xi1>
    %select_n3A_788 = arith.select %ne3A_787, %select_n3A_747, %select_n3A_761 : vector<128x128xi1>, vector<128x128xf32>
    %select_n3A_789 = arith.select %ne3A_787, %select_n3A_748, %select_n3A_774 : vector<128x128xi1>, vector<128x128xi32>
    %slice3A_790 = vector.extract_strided_slice %select_n3A_788 {offsets = [0, 4], sizes = [128, 124], strides = [1, 1]} : vector<128x128xf32> to vector<128x124xf32>
    %slice3A_791 = vector.extract_strided_slice %select_n3A_788 {offsets = [0, 0], sizes = [128, 4], strides = [1, 1]} : vector<128x128xf32> to vector<128x4xf32>
    %concatenate3A_792 = tpu.concatenate %slice3A_790, %slice3A_791 in 1 : vector<128x124xf32>, vector<128x4xf32> -> vector<128x128xf32>
    %slice3A_793 = vector.extract_strided_slice %select_n3A_788 {offsets = [0, 124], sizes = [128, 4], strides = [1, 1]} : vector<128x128xf32> to vector<128x4xf32>
    %slice3A_794 = vector.extract_strided_slice %select_n3A_788 {offsets = [0, 0], sizes = [128, 124], strides = [1, 1]} : vector<128x128xf32> to vector<128x124xf32>
    %concatenate3A_795 = tpu.concatenate %slice3A_793, %slice3A_794 in 1 : vector<128x4xf32>, vector<128x124xf32> -> vector<128x128xf32>
    %and3A_796 = arith.constant 4 : i32
    %and3A_797 = vector.broadcast %and3A_796 : i32 to vector<128x128xi32>
    %and3A_798 = arith.andi %iota3A_0, %and3A_797 : vector<128x128xi32>
    %eq3A_799 = arith.constant 0 : i32
    %eq3A_800 = vector.broadcast %eq3A_799 : i32 to vector<128x128xi32>
    %eq3A_801 = arith.cmpi eq, %and3A_798, %eq3A_800 : vector<128x128xi32>
    %select_n3A_802 = arith.select %eq3A_801, %concatenate3A_792, %concatenate3A_795 : vector<128x128xi1>, vector<128x128xf32>
    %slice3A_803 = vector.extract_strided_slice %select_n3A_789 {offsets = [0, 4], sizes = [128, 124], strides = [1, 1]} : vector<128x128xi32> to vector<128x124xi32>
    %slice3A_804 = vector.extract_strided_slice %select_n3A_789 {offsets = [0, 0], sizes = [128, 4], strides = [1, 1]} : vector<128x128xi32> to vector<128x4xi32>
    %concatenate3A_805 = tpu.concatenate %slice3A_803, %slice3A_804 in 1 : vector<128x124xi32>, vector<128x4xi32> -> vector<128x128xi32>
    %slice3A_806 = vector.extract_strided_slice %select_n3A_789 {offsets = [0, 124], sizes = [128, 4], strides = [1, 1]} : vector<128x128xi32> to vector<128x4xi32>
    %slice3A_807 = vector.extract_strided_slice %select_n3A_789 {offsets = [0, 0], sizes = [128, 124], strides = [1, 1]} : vector<128x128xi32> to vector<128x124xi32>
    %concatenate3A_808 = tpu.concatenate %slice3A_806, %slice3A_807 in 1 : vector<128x4xi32>, vector<128x124xi32> -> vector<128x128xi32>
    %and3A_809 = arith.constant 4 : i32
    %and3A_810 = vector.broadcast %and3A_809 : i32 to vector<128x128xi32>
    %and3A_811 = arith.andi %iota3A_0, %and3A_810 : vector<128x128xi32>
    %eq3A_812 = arith.constant 0 : i32
    %eq3A_813 = vector.broadcast %eq3A_812 : i32 to vector<128x128xi32>
    %eq3A_814 = arith.cmpi eq, %and3A_811, %eq3A_813 : vector<128x128xi32>
    %select_n3A_815 = arith.select %eq3A_814, %concatenate3A_805, %concatenate3A_808 : vector<128x128xi1>, vector<128x128xi32>
    %gt3A_816 = arith.cmpf ogt, %select_n3A_788, %select_n3A_802 : vector<128x128xf32>
    %eq3A_817 = arith.cmpf oeq, %select_n3A_788, %select_n3A_802 : vector<128x128xf32>
    %lt3A_818 = arith.cmpi slt, %select_n3A_789, %select_n3A_815 : vector<128x128xi32>
    %and3A_819 = arith.andi %eq3A_817, %lt3A_818 : vector<128x128xi1>
    %or3A_820 = arith.ori %gt3A_816, %and3A_819 : vector<128x128xi1>
    %and3A_821 = arith.constant 4 : i32
    %and3A_822 = vector.broadcast %and3A_821 : i32 to vector<128x128xi32>
    %and3A_823 = arith.andi %add3A, %and3A_822 : vector<128x128xi32>
    %ne3A_824 = arith.constant 0 : i32
    %ne3A_825 = vector.broadcast %ne3A_824 : i32 to vector<128x128xi32>
    %ne3A_826 = arith.cmpi ne, %and3A_823, %ne3A_825 : vector<128x128xi32>
    %ne3A_827 = arith.xori %ne3A_826, %eq3A_666 : vector<128x128xi1>
    %ne3A_828 = arith.xori %or3A_820, %ne3A_827 : vector<128x128xi1>
    %select_n3A_829 = arith.select %ne3A_828, %select_n3A_788, %select_n3A_802 : vector<128x128xi1>, vector<128x128xf32>
    %select_n3A_830 = arith.select %ne3A_828, %select_n3A_789, %select_n3A_815 : vector<128x128xi1>, vector<128x128xi32>
    %slice3A_831 = vector.extract_strided_slice %select_n3A_829 {offsets = [0, 2], sizes = [128, 126], strides = [1, 1]} : vector<128x128xf32> to vector<128x126xf32>
    %slice3A_832 = vector.extract_strided_slice %select_n3A_829 {offsets = [0, 0], sizes = [128, 2], strides = [1, 1]} : vector<128x128xf32> to vector<128x2xf32>
    %concatenate3A_833 = tpu.concatenate %slice3A_831, %slice3A_832 in 1 : vector<128x126xf32>, vector<128x2xf32> -> vector<128x128xf32>
    %slice3A_834 = vector.extract_strided_slice %select_n3A_829 {offsets = [0, 126], sizes = [128, 2], strides = [1, 1]} : vector<128x128xf32> to vector<128x2xf32>
    %slice3A_835 = vector.extract_strided_slice %select_n3A_829 {offsets = [0, 0], sizes = [128, 126], strides = [1, 1]} : vector<128x128xf32> to vector<128x126xf32>
    %concatenate3A_836 = tpu.concatenate %slice3A_834, %slice3A_835 in 1 : vector<128x2xf32>, vector<128x126xf32> -> vector<128x128xf32>
    %and3A_837 = arith.constant 2 : i32
    %and3A_838 = vector.broadcast %and3A_837 : i32 to vector<128x128xi32>
    %and3A_839 = arith.andi %iota3A_0, %and3A_838 : vector<128x128xi32>
    %eq3A_840 = arith.constant 0 : i32
    %eq3A_841 = vector.broadcast %eq3A_840 : i32 to vector<128x128xi32>
    %eq3A_842 = arith.cmpi eq, %and3A_839, %eq3A_841 : vector<128x128xi32>
    %select_n3A_843 = arith.select %eq3A_842, %concatenate3A_833, %concatenate3A_836 : vector<128x128xi1>, vector<128x128xf32>
    %slice3A_844 = vector.extract_strided_slice %select_n3A_830 {offsets = [0, 2], sizes = [128, 126], strides = [1, 1]} : vector<128x128xi32> to vector<128x126xi32>
    %slice3A_845 = vector.extract_strided_slice %select_n3A_830 {offsets = [0, 0], sizes = [128, 2], strides = [1, 1]} : vector<128x128xi32> to vector<128x2xi32>
    %concatenate3A_846 = tpu.concatenate %slice3A_844, %slice3A_845 in 1 : vector<128x126xi32>, vector<128x2xi32> -> vector<128x128xi32>
    %slice3A_847 = vector.extract_strided_slice %select_n3A_830 {offsets = [0, 126], sizes = [128, 2], strides = [1, 1]} : vector<128x128xi32> to vector<128x2xi32>
    %slice3A_848 = vector.extract_strided_slice %select_n3A_830 {offsets = [0, 0], sizes = [128, 126], strides = [1, 1]} : vector<128x128xi32> to vector<128x126xi32>
    %concatenate3A_849 = tpu.concatenate %slice3A_847, %slice3A_848 in 1 : vector<128x2xi32>, vector<128x126xi32> -> vector<128x128xi32>
    %and3A_850 = arith.constant 2 : i32
    %and3A_851 = vector.broadcast %and3A_850 : i32 to vector<128x128xi32>
    %and3A_852 = arith.andi %iota3A_0, %and3A_851 : vector<128x128xi32>
    %eq3A_853 = arith.constant 0 : i32
    %eq3A_854 = vector.broadcast %eq3A_853 : i32 to vector<128x128xi32>
    %eq3A_855 = arith.cmpi eq, %and3A_852, %eq3A_854 : vector<128x128xi32>
    %select_n3A_856 = arith.select %eq3A_855, %concatenate3A_846, %concatenate3A_849 : vector<128x128xi1>, vector<128x128xi32>
    %gt3A_857 = arith.cmpf ogt, %select_n3A_829, %select_n3A_843 : vector<128x128xf32>
    %eq3A_858 = arith.cmpf oeq, %select_n3A_829, %select_n3A_843 : vector<128x128xf32>
    %lt3A_859 = arith.cmpi slt, %select_n3A_830, %select_n3A_856 : vector<128x128xi32>
    %and3A_860 = arith.andi %eq3A_858, %lt3A_859 : vector<128x128xi1>
    %or3A_861 = arith.ori %gt3A_857, %and3A_860 : vector<128x128xi1>
    %and3A_862 = arith.constant 2 : i32
    %and3A_863 = vector.broadcast %and3A_862 : i32 to vector<128x128xi32>
    %and3A_864 = arith.andi %add3A, %and3A_863 : vector<128x128xi32>
    %ne3A_865 = arith.constant 0 : i32
    %ne3A_866 = vector.broadcast %ne3A_865 : i32 to vector<128x128xi32>
    %ne3A_867 = arith.cmpi ne, %and3A_864, %ne3A_866 : vector<128x128xi32>
    %ne3A_868 = arith.xori %ne3A_867, %eq3A_666 : vector<128x128xi1>
    %ne3A_869 = arith.xori %or3A_861, %ne3A_868 : vector<128x128xi1>
    %select_n3A_870 = arith.select %ne3A_869, %select_n3A_829, %select_n3A_843 : vector<128x128xi1>, vector<128x128xf32>
    %select_n3A_871 = arith.select %ne3A_869, %select_n3A_830, %select_n3A_856 : vector<128x128xi1>, vector<128x128xi32>
    %slice3A_872 = vector.extract_strided_slice %select_n3A_870 {offsets = [0, 1], sizes = [128, 127], strides = [1, 1]} : vector<128x128xf32> to vector<128x127xf32>
    %slice3A_873 = vector.extract_strided_slice %select_n3A_870 {offsets = [0, 0], sizes = [128, 1], strides = [1, 1]} : vector<128x128xf32> to vector<128x1xf32>
    %concatenate3A_874 = tpu.concatenate %slice3A_872, %slice3A_873 in 1 : vector<128x127xf32>, vector<128x1xf32> -> vector<128x128xf32>
    %slice3A_875 = vector.extract_strided_slice %select_n3A_870 {offsets = [0, 127], sizes = [128, 1], strides = [1, 1]} : vector<128x128xf32> to vector<128x1xf32>
    %slice3A_876 = vector.extract_strided_slice %select_n3A_870 {offsets = [0, 0], sizes = [128, 127], strides = [1, 1]} : vector<128x128xf32> to vector<128x127xf32>
    %concatenate3A_877 = tpu.concatenate %slice3A_875, %slice3A_876 in 1 : vector<128x1xf32>, vector<128x127xf32> -> vector<128x128xf32>
    %and3A_878 = arith.constant 1 : i32
    %and3A_879 = vector.broadcast %and3A_878 : i32 to vector<128x128xi32>
    %and3A_880 = arith.andi %iota3A_0, %and3A_879 : vector<128x128xi32>
    %eq3A_881 = arith.constant 0 : i32
    %eq3A_882 = vector.broadcast %eq3A_881 : i32 to vector<128x128xi32>
    %eq3A_883 = arith.cmpi eq, %and3A_880, %eq3A_882 : vector<128x128xi32>
    %select_n3A_884 = arith.select %eq3A_883, %concatenate3A_874, %concatenate3A_877 : vector<128x128xi1>, vector<128x128xf32>
    %slice3A_885 = vector.extract_strided_slice %select_n3A_871 {offsets = [0, 1], sizes = [128, 127], strides = [1, 1]} : vector<128x128xi32> to vector<128x127xi32>
    %slice3A_886 = vector.extract_strided_slice %select_n3A_871 {offsets = [0, 0], sizes = [128, 1], strides = [1, 1]} : vector<128x128xi32> to vector<128x1xi32>
    %concatenate3A_887 = tpu.concatenate %slice3A_885, %slice3A_886 in 1 : vector<128x127xi32>, vector<128x1xi32> -> vector<128x128xi32>
    %slice3A_888 = vector.extract_strided_slice %select_n3A_871 {offsets = [0, 127], sizes = [128, 1], strides = [1, 1]} : vector<128x128xi32> to vector<128x1xi32>
    %slice3A_889 = vector.extract_strided_slice %select_n3A_871 {offsets = [0, 0], sizes = [128, 127], strides = [1, 1]} : vector<128x128xi32> to vector<128x127xi32>
    %concatenate3A_890 = tpu.concatenate %slice3A_888, %slice3A_889 in 1 : vector<128x1xi32>, vector<128x127xi32> -> vector<128x128xi32>
    %and3A_891 = arith.constant 1 : i32
    %and3A_892 = vector.broadcast %and3A_891 : i32 to vector<128x128xi32>
    %and3A_893 = arith.andi %iota3A_0, %and3A_892 : vector<128x128xi32>
    %eq3A_894 = arith.constant 0 : i32
    %eq3A_895 = vector.broadcast %eq3A_894 : i32 to vector<128x128xi32>
    %eq3A_896 = arith.cmpi eq, %and3A_893, %eq3A_895 : vector<128x128xi32>
    %select_n3A_897 = arith.select %eq3A_896, %concatenate3A_887, %concatenate3A_890 : vector<128x128xi1>, vector<128x128xi32>
    %gt3A_898 = arith.cmpf ogt, %select_n3A_870, %select_n3A_884 : vector<128x128xf32>
    %eq3A_899 = arith.cmpf oeq, %select_n3A_870, %select_n3A_884 : vector<128x128xf32>
    %lt3A_900 = arith.cmpi slt, %select_n3A_871, %select_n3A_897 : vector<128x128xi32>
    %and3A_901 = arith.andi %eq3A_899, %lt3A_900 : vector<128x128xi1>
    %or3A_902 = arith.ori %gt3A_898, %and3A_901 : vector<128x128xi1>
    %and3A_903 = arith.constant 1 : i32
    %and3A_904 = vector.broadcast %and3A_903 : i32 to vector<128x128xi32>
    %and3A_905 = arith.andi %add3A, %and3A_904 : vector<128x128xi32>
    %ne3A_906 = arith.constant 0 : i32
    %ne3A_907 = vector.broadcast %ne3A_906 : i32 to vector<128x128xi32>
    %ne3A_908 = arith.cmpi ne, %and3A_905, %ne3A_907 : vector<128x128xi32>
    %ne3A_909 = arith.xori %ne3A_908, %eq3A_666 : vector<128x128xi1>
    %ne3A_910 = arith.xori %or3A_902, %ne3A_909 : vector<128x128xi1>
    %select_n3A_911 = arith.select %ne3A_910, %select_n3A_870, %select_n3A_884 : vector<128x128xi1>, vector<128x128xf32>
    %select_n3A_912 = arith.select %ne3A_910, %select_n3A_871, %select_n3A_897 : vector<128x128xi1>, vector<128x128xi32>
    %shift_right_arithmetic3A_913 = arith.constant 7 : i32
    %shift_right_arithmetic3A_914 = vector.broadcast %shift_right_arithmetic3A_913 : i32 to vector<128x128xi32>
    %shift_right_arithmetic3A_915 = arith.shrsi %add3A, %shift_right_arithmetic3A_914 : vector<128x128xi32>
    %and3A_916 = arith.constant 1 : i32
    %and3A_917 = vector.broadcast %and3A_916 : i32 to vector<128x128xi32>
    %and3A_918 = arith.andi %shift_right_arithmetic3A_915, %and3A_917 : vector<128x128xi32>
    %eq3A_919 = arith.constant 1 : i32
    %eq3A_920 = vector.broadcast %eq3A_919 : i32 to vector<128x128xi32>
    %eq3A_921 = arith.cmpi eq, %and3A_918, %eq3A_920 : vector<128x128xi32>
    %slice3A_922 = vector.extract_strided_slice %select_n3A_911 {offsets = [0, 64], sizes = [128, 64], strides = [1, 1]} : vector<128x128xf32> to vector<128x64xf32>
    %slice3A_923 = vector.extract_strided_slice %select_n3A_911 {offsets = [0, 0], sizes = [128, 64], strides = [1, 1]} : vector<128x128xf32> to vector<128x64xf32>
    %concatenate3A_924 = tpu.concatenate %slice3A_922, %slice3A_923 in 1 : vector<128x64xf32>, vector<128x64xf32> -> vector<128x128xf32>
    %slice3A_925 = vector.extract_strided_slice %select_n3A_911 {offsets = [0, 64], sizes = [128, 64], strides = [1, 1]} : vector<128x128xf32> to vector<128x64xf32>
    %slice3A_926 = vector.extract_strided_slice %select_n3A_911 {offsets = [0, 0], sizes = [128, 64], strides = [1, 1]} : vector<128x128xf32> to vector<128x64xf32>
    %concatenate3A_927 = tpu.concatenate %slice3A_925, %slice3A_926 in 1 : vector<128x64xf32>, vector<128x64xf32> -> vector<128x128xf32>
    %and3A_928 = arith.constant 64 : i32
    %and3A_929 = vector.broadcast %and3A_928 : i32 to vector<128x128xi32>
    %and3A_930 = arith.andi %iota3A_0, %and3A_929 : vector<128x128xi32>
    %eq3A_931 = arith.constant 0 : i32
    %eq3A_932 = vector.broadcast %eq3A_931 : i32 to vector<128x128xi32>
    %eq3A_933 = arith.cmpi eq, %and3A_930, %eq3A_932 : vector<128x128xi32>
    %select_n3A_934 = arith.select %eq3A_933, %concatenate3A_924, %concatenate3A_927 : vector<128x128xi1>, vector<128x128xf32>
    %slice3A_935 = vector.extract_strided_slice %select_n3A_912 {offsets = [0, 64], sizes = [128, 64], strides = [1, 1]} : vector<128x128xi32> to vector<128x64xi32>
    %slice3A_936 = vector.extract_strided_slice %select_n3A_912 {offsets = [0, 0], sizes = [128, 64], strides = [1, 1]} : vector<128x128xi32> to vector<128x64xi32>
    %concatenate3A_937 = tpu.concatenate %slice3A_935, %slice3A_936 in 1 : vector<128x64xi32>, vector<128x64xi32> -> vector<128x128xi32>
    %slice3A_938 = vector.extract_strided_slice %select_n3A_912 {offsets = [0, 64], sizes = [128, 64], strides = [1, 1]} : vector<128x128xi32> to vector<128x64xi32>
    %slice3A_939 = vector.extract_strided_slice %select_n3A_912 {offsets = [0, 0], sizes = [128, 64], strides = [1, 1]} : vector<128x128xi32> to vector<128x64xi32>
    %concatenate3A_940 = tpu.concatenate %slice3A_938, %slice3A_939 in 1 : vector<128x64xi32>, vector<128x64xi32> -> vector<128x128xi32>
    %and3A_941 = arith.constant 64 : i32
    %and3A_942 = vector.broadcast %and3A_941 : i32 to vector<128x128xi32>
    %and3A_943 = arith.andi %iota3A_0, %and3A_942 : vector<128x128xi32>
    %eq3A_944 = arith.constant 0 : i32
    %eq3A_945 = vector.broadcast %eq3A_944 : i32 to vector<128x128xi32>
    %eq3A_946 = arith.cmpi eq, %and3A_943, %eq3A_945 : vector<128x128xi32>
    %select_n3A_947 = arith.select %eq3A_946, %concatenate3A_937, %concatenate3A_940 : vector<128x128xi1>, vector<128x128xi32>
    %gt3A_948 = arith.cmpf ogt, %select_n3A_911, %select_n3A_934 : vector<128x128xf32>
    %eq3A_949 = arith.cmpf oeq, %select_n3A_911, %select_n3A_934 : vector<128x128xf32>
    %lt3A_950 = arith.cmpi slt, %select_n3A_912, %select_n3A_947 : vector<128x128xi32>
    %and3A_951 = arith.andi %eq3A_949, %lt3A_950 : vector<128x128xi1>
    %or3A_952 = arith.ori %gt3A_948, %and3A_951 : vector<128x128xi1>
    %and3A_953 = arith.constant 64 : i32
    %and3A_954 = vector.broadcast %and3A_953 : i32 to vector<128x128xi32>
    %and3A_955 = arith.andi %add3A, %and3A_954 : vector<128x128xi32>
    %ne3A_956 = arith.constant 0 : i32
    %ne3A_957 = vector.broadcast %ne3A_956 : i32 to vector<128x128xi32>
    %ne3A_958 = arith.cmpi ne, %and3A_955, %ne3A_957 : vector<128x128xi32>
    %ne3A_959 = arith.xori %ne3A_958, %eq3A_921 : vector<128x128xi1>
    %ne3A_960 = arith.xori %or3A_952, %ne3A_959 : vector<128x128xi1>
    %select_n3A_961 = arith.select %ne3A_960, %select_n3A_911, %select_n3A_934 : vector<128x128xi1>, vector<128x128xf32>
    %select_n3A_962 = arith.select %ne3A_960, %select_n3A_912, %select_n3A_947 : vector<128x128xi1>, vector<128x128xi32>
    %slice3A_963 = vector.extract_strided_slice %select_n3A_961 {offsets = [0, 32], sizes = [128, 96], strides = [1, 1]} : vector<128x128xf32> to vector<128x96xf32>
    %slice3A_964 = vector.extract_strided_slice %select_n3A_961 {offsets = [0, 0], sizes = [128, 32], strides = [1, 1]} : vector<128x128xf32> to vector<128x32xf32>
    %concatenate3A_965 = tpu.concatenate %slice3A_963, %slice3A_964 in 1 : vector<128x96xf32>, vector<128x32xf32> -> vector<128x128xf32>
    %slice3A_966 = vector.extract_strided_slice %select_n3A_961 {offsets = [0, 96], sizes = [128, 32], strides = [1, 1]} : vector<128x128xf32> to vector<128x32xf32>
    %slice3A_967 = vector.extract_strided_slice %select_n3A_961 {offsets = [0, 0], sizes = [128, 96], strides = [1, 1]} : vector<128x128xf32> to vector<128x96xf32>
    %concatenate3A_968 = tpu.concatenate %slice3A_966, %slice3A_967 in 1 : vector<128x32xf32>, vector<128x96xf32> -> vector<128x128xf32>
    %and3A_969 = arith.constant 32 : i32
    %and3A_970 = vector.broadcast %and3A_969 : i32 to vector<128x128xi32>
    %and3A_971 = arith.andi %iota3A_0, %and3A_970 : vector<128x128xi32>
    %eq3A_972 = arith.constant 0 : i32
    %eq3A_973 = vector.broadcast %eq3A_972 : i32 to vector<128x128xi32>
    %eq3A_974 = arith.cmpi eq, %and3A_971, %eq3A_973 : vector<128x128xi32>
    %select_n3A_975 = arith.select %eq3A_974, %concatenate3A_965, %concatenate3A_968 : vector<128x128xi1>, vector<128x128xf32>
    %slice3A_976 = vector.extract_strided_slice %select_n3A_962 {offsets = [0, 32], sizes = [128, 96], strides = [1, 1]} : vector<128x128xi32> to vector<128x96xi32>
    %slice3A_977 = vector.extract_strided_slice %select_n3A_962 {offsets = [0, 0], sizes = [128, 32], strides = [1, 1]} : vector<128x128xi32> to vector<128x32xi32>
    %concatenate3A_978 = tpu.concatenate %slice3A_976, %slice3A_977 in 1 : vector<128x96xi32>, vector<128x32xi32> -> vector<128x128xi32>
    %slice3A_979 = vector.extract_strided_slice %select_n3A_962 {offsets = [0, 96], sizes = [128, 32], strides = [1, 1]} : vector<128x128xi32> to vector<128x32xi32>
    %slice3A_980 = vector.extract_strided_slice %select_n3A_962 {offsets = [0, 0], sizes = [128, 96], strides = [1, 1]} : vector<128x128xi32> to vector<128x96xi32>
    %concatenate3A_981 = tpu.concatenate %slice3A_979, %slice3A_980 in 1 : vector<128x32xi32>, vector<128x96xi32> -> vector<128x128xi32>
    %and3A_982 = arith.constant 32 : i32
    %and3A_983 = vector.broadcast %and3A_982 : i32 to vector<128x128xi32>
    %and3A_984 = arith.andi %iota3A_0, %and3A_983 : vector<128x128xi32>
    %eq3A_985 = arith.constant 0 : i32
    %eq3A_986 = vector.broadcast %eq3A_985 : i32 to vector<128x128xi32>
    %eq3A_987 = arith.cmpi eq, %and3A_984, %eq3A_986 : vector<128x128xi32>
    %select_n3A_988 = arith.select %eq3A_987, %concatenate3A_978, %concatenate3A_981 : vector<128x128xi1>, vector<128x128xi32>
    %gt3A_989 = arith.cmpf ogt, %select_n3A_961, %select_n3A_975 : vector<128x128xf32>
    %eq3A_990 = arith.cmpf oeq, %select_n3A_961, %select_n3A_975 : vector<128x128xf32>
    %lt3A_991 = arith.cmpi slt, %select_n3A_962, %select_n3A_988 : vector<128x128xi32>
    %and3A_992 = arith.andi %eq3A_990, %lt3A_991 : vector<128x128xi1>
    %or3A_993 = arith.ori %gt3A_989, %and3A_992 : vector<128x128xi1>
    %and3A_994 = arith.constant 32 : i32
    %and3A_995 = vector.broadcast %and3A_994 : i32 to vector<128x128xi32>
    %and3A_996 = arith.andi %add3A, %and3A_995 : vector<128x128xi32>
    %ne3A_997 = arith.constant 0 : i32
    %ne3A_998 = vector.broadcast %ne3A_997 : i32 to vector<128x128xi32>
    %ne3A_999 = arith.cmpi ne, %and3A_996, %ne3A_998 : vector<128x128xi32>
    %ne3A_1000 = arith.xori %ne3A_999, %eq3A_921 : vector<128x128xi1>
    %ne3A_1001 = arith.xori %or3A_993, %ne3A_1000 : vector<128x128xi1>
    %select_n3A_1002 = arith.select %ne3A_1001, %select_n3A_961, %select_n3A_975 : vector<128x128xi1>, vector<128x128xf32>
    %select_n3A_1003 = arith.select %ne3A_1001, %select_n3A_962, %select_n3A_988 : vector<128x128xi1>, vector<128x128xi32>
    %slice3A_1004 = vector.extract_strided_slice %select_n3A_1002 {offsets = [0, 16], sizes = [128, 112], strides = [1, 1]} : vector<128x128xf32> to vector<128x112xf32>
    %slice3A_1005 = vector.extract_strided_slice %select_n3A_1002 {offsets = [0, 0], sizes = [128, 16], strides = [1, 1]} : vector<128x128xf32> to vector<128x16xf32>
    %concatenate3A_1006 = tpu.concatenate %slice3A_1004, %slice3A_1005 in 1 : vector<128x112xf32>, vector<128x16xf32> -> vector<128x128xf32>
    %slice3A_1007 = vector.extract_strided_slice %select_n3A_1002 {offsets = [0, 112], sizes = [128, 16], strides = [1, 1]} : vector<128x128xf32> to vector<128x16xf32>
    %slice3A_1008 = vector.extract_strided_slice %select_n3A_1002 {offsets = [0, 0], sizes = [128, 112], strides = [1, 1]} : vector<128x128xf32> to vector<128x112xf32>
    %concatenate3A_1009 = tpu.concatenate %slice3A_1007, %slice3A_1008 in 1 : vector<128x16xf32>, vector<128x112xf32> -> vector<128x128xf32>
    %and3A_1010 = arith.constant 16 : i32
    %and3A_1011 = vector.broadcast %and3A_1010 : i32 to vector<128x128xi32>
    %and3A_1012 = arith.andi %iota3A_0, %and3A_1011 : vector<128x128xi32>
    %eq3A_1013 = arith.constant 0 : i32
    %eq3A_1014 = vector.broadcast %eq3A_1013 : i32 to vector<128x128xi32>
    %eq3A_1015 = arith.cmpi eq, %and3A_1012, %eq3A_1014 : vector<128x128xi32>
    %select_n3A_1016 = arith.select %eq3A_1015, %concatenate3A_1006, %concatenate3A_1009 : vector<128x128xi1>, vector<128x128xf32>
    %slice3A_1017 = vector.extract_strided_slice %select_n3A_1003 {offsets = [0, 16], sizes = [128, 112], strides = [1, 1]} : vector<128x128xi32> to vector<128x112xi32>
    %slice3A_1018 = vector.extract_strided_slice %select_n3A_1003 {offsets = [0, 0], sizes = [128, 16], strides = [1, 1]} : vector<128x128xi32> to vector<128x16xi32>
    %concatenate3A_1019 = tpu.concatenate %slice3A_1017, %slice3A_1018 in 1 : vector<128x112xi32>, vector<128x16xi32> -> vector<128x128xi32>
    %slice3A_1020 = vector.extract_strided_slice %select_n3A_1003 {offsets = [0, 112], sizes = [128, 16], strides = [1, 1]} : vector<128x128xi32> to vector<128x16xi32>
    %slice3A_1021 = vector.extract_strided_slice %select_n3A_1003 {offsets = [0, 0], sizes = [128, 112], strides = [1, 1]} : vector<128x128xi32> to vector<128x112xi32>
    %concatenate3A_1022 = tpu.concatenate %slice3A_1020, %slice3A_1021 in 1 : vector<128x16xi32>, vector<128x112xi32> -> vector<128x128xi32>
    %and3A_1023 = arith.constant 16 : i32
    %and3A_1024 = vector.broadcast %and3A_1023 : i32 to vector<128x128xi32>
    %and3A_1025 = arith.andi %iota3A_0, %and3A_1024 : vector<128x128xi32>
    %eq3A_1026 = arith.constant 0 : i32
    %eq3A_1027 = vector.broadcast %eq3A_1026 : i32 to vector<128x128xi32>
    %eq3A_1028 = arith.cmpi eq, %and3A_1025, %eq3A_1027 : vector<128x128xi32>
    %select_n3A_1029 = arith.select %eq3A_1028, %concatenate3A_1019, %concatenate3A_1022 : vector<128x128xi1>, vector<128x128xi32>
    %gt3A_1030 = arith.cmpf ogt, %select_n3A_1002, %select_n3A_1016 : vector<128x128xf32>
    %eq3A_1031 = arith.cmpf oeq, %select_n3A_1002, %select_n3A_1016 : vector<128x128xf32>
    %lt3A_1032 = arith.cmpi slt, %select_n3A_1003, %select_n3A_1029 : vector<128x128xi32>
    %and3A_1033 = arith.andi %eq3A_1031, %lt3A_1032 : vector<128x128xi1>
    %or3A_1034 = arith.ori %gt3A_1030, %and3A_1033 : vector<128x128xi1>
    %and3A_1035 = arith.constant 16 : i32
    %and3A_1036 = vector.broadcast %and3A_1035 : i32 to vector<128x128xi32>
    %and3A_1037 = arith.andi %add3A, %and3A_1036 : vector<128x128xi32>
    %ne3A_1038 = arith.constant 0 : i32
    %ne3A_1039 = vector.broadcast %ne3A_1038 : i32 to vector<128x128xi32>
    %ne3A_1040 = arith.cmpi ne, %and3A_1037, %ne3A_1039 : vector<128x128xi32>
    %ne3A_1041 = arith.xori %ne3A_1040, %eq3A_921 : vector<128x128xi1>
    %ne3A_1042 = arith.xori %or3A_1034, %ne3A_1041 : vector<128x128xi1>
    %select_n3A_1043 = arith.select %ne3A_1042, %select_n3A_1002, %select_n3A_1016 : vector<128x128xi1>, vector<128x128xf32>
    %select_n3A_1044 = arith.select %ne3A_1042, %select_n3A_1003, %select_n3A_1029 : vector<128x128xi1>, vector<128x128xi32>
    %slice3A_1045 = vector.extract_strided_slice %select_n3A_1043 {offsets = [0, 8], sizes = [128, 120], strides = [1, 1]} : vector<128x128xf32> to vector<128x120xf32>
    %slice3A_1046 = vector.extract_strided_slice %select_n3A_1043 {offsets = [0, 0], sizes = [128, 8], strides = [1, 1]} : vector<128x128xf32> to vector<128x8xf32>
    %concatenate3A_1047 = tpu.concatenate %slice3A_1045, %slice3A_1046 in 1 : vector<128x120xf32>, vector<128x8xf32> -> vector<128x128xf32>
    %slice3A_1048 = vector.extract_strided_slice %select_n3A_1043 {offsets = [0, 120], sizes = [128, 8], strides = [1, 1]} : vector<128x128xf32> to vector<128x8xf32>
    %slice3A_1049 = vector.extract_strided_slice %select_n3A_1043 {offsets = [0, 0], sizes = [128, 120], strides = [1, 1]} : vector<128x128xf32> to vector<128x120xf32>
    %concatenate3A_1050 = tpu.concatenate %slice3A_1048, %slice3A_1049 in 1 : vector<128x8xf32>, vector<128x120xf32> -> vector<128x128xf32>
    %and3A_1051 = arith.constant 8 : i32
    %and3A_1052 = vector.broadcast %and3A_1051 : i32 to vector<128x128xi32>
    %and3A_1053 = arith.andi %iota3A_0, %and3A_1052 : vector<128x128xi32>
    %eq3A_1054 = arith.constant 0 : i32
    %eq3A_1055 = vector.broadcast %eq3A_1054 : i32 to vector<128x128xi32>
    %eq3A_1056 = arith.cmpi eq, %and3A_1053, %eq3A_1055 : vector<128x128xi32>
    %select_n3A_1057 = arith.select %eq3A_1056, %concatenate3A_1047, %concatenate3A_1050 : vector<128x128xi1>, vector<128x128xf32>
    %slice3A_1058 = vector.extract_strided_slice %select_n3A_1044 {offsets = [0, 8], sizes = [128, 120], strides = [1, 1]} : vector<128x128xi32> to vector<128x120xi32>
    %slice3A_1059 = vector.extract_strided_slice %select_n3A_1044 {offsets = [0, 0], sizes = [128, 8], strides = [1, 1]} : vector<128x128xi32> to vector<128x8xi32>
    %concatenate3A_1060 = tpu.concatenate %slice3A_1058, %slice3A_1059 in 1 : vector<128x120xi32>, vector<128x8xi32> -> vector<128x128xi32>
    %slice3A_1061 = vector.extract_strided_slice %select_n3A_1044 {offsets = [0, 120], sizes = [128, 8], strides = [1, 1]} : vector<128x128xi32> to vector<128x8xi32>
    %slice3A_1062 = vector.extract_strided_slice %select_n3A_1044 {offsets = [0, 0], sizes = [128, 120], strides = [1, 1]} : vector<128x128xi32> to vector<128x120xi32>
    %concatenate3A_1063 = tpu.concatenate %slice3A_1061, %slice3A_1062 in 1 : vector<128x8xi32>, vector<128x120xi32> -> vector<128x128xi32>
    %and3A_1064 = arith.constant 8 : i32
    %and3A_1065 = vector.broadcast %and3A_1064 : i32 to vector<128x128xi32>
    %and3A_1066 = arith.andi %iota3A_0, %and3A_1065 : vector<128x128xi32>
    %eq3A_1067 = arith.constant 0 : i32
    %eq3A_1068 = vector.broadcast %eq3A_1067 : i32 to vector<128x128xi32>
    %eq3A_1069 = arith.cmpi eq, %and3A_1066, %eq3A_1068 : vector<128x128xi32>
    %select_n3A_1070 = arith.select %eq3A_1069, %concatenate3A_1060, %concatenate3A_1063 : vector<128x128xi1>, vector<128x128xi32>
    %gt3A_1071 = arith.cmpf ogt, %select_n3A_1043, %select_n3A_1057 : vector<128x128xf32>
    %eq3A_1072 = arith.cmpf oeq, %select_n3A_1043, %select_n3A_1057 : vector<128x128xf32>
    %lt3A_1073 = arith.cmpi slt, %select_n3A_1044, %select_n3A_1070 : vector<128x128xi32>
    %and3A_1074 = arith.andi %eq3A_1072, %lt3A_1073 : vector<128x128xi1>
    %or3A_1075 = arith.ori %gt3A_1071, %and3A_1074 : vector<128x128xi1>
    %and3A_1076 = arith.constant 8 : i32
    %and3A_1077 = vector.broadcast %and3A_1076 : i32 to vector<128x128xi32>
    %and3A_1078 = arith.andi %add3A, %and3A_1077 : vector<128x128xi32>
    %ne3A_1079 = arith.constant 0 : i32
    %ne3A_1080 = vector.broadcast %ne3A_1079 : i32 to vector<128x128xi32>
    %ne3A_1081 = arith.cmpi ne, %and3A_1078, %ne3A_1080 : vector<128x128xi32>
    %ne3A_1082 = arith.xori %ne3A_1081, %eq3A_921 : vector<128x128xi1>
    %ne3A_1083 = arith.xori %or3A_1075, %ne3A_1082 : vector<128x128xi1>
    %select_n3A_1084 = arith.select %ne3A_1083, %select_n3A_1043, %select_n3A_1057 : vector<128x128xi1>, vector<128x128xf32>
    %select_n3A_1085 = arith.select %ne3A_1083, %select_n3A_1044, %select_n3A_1070 : vector<128x128xi1>, vector<128x128xi32>
    %slice3A_1086 = vector.extract_strided_slice %select_n3A_1084 {offsets = [0, 4], sizes = [128, 124], strides = [1, 1]} : vector<128x128xf32> to vector<128x124xf32>
    %slice3A_1087 = vector.extract_strided_slice %select_n3A_1084 {offsets = [0, 0], sizes = [128, 4], strides = [1, 1]} : vector<128x128xf32> to vector<128x4xf32>
    %concatenate3A_1088 = tpu.concatenate %slice3A_1086, %slice3A_1087 in 1 : vector<128x124xf32>, vector<128x4xf32> -> vector<128x128xf32>
    %slice3A_1089 = vector.extract_strided_slice %select_n3A_1084 {offsets = [0, 124], sizes = [128, 4], strides = [1, 1]} : vector<128x128xf32> to vector<128x4xf32>
    %slice3A_1090 = vector.extract_strided_slice %select_n3A_1084 {offsets = [0, 0], sizes = [128, 124], strides = [1, 1]} : vector<128x128xf32> to vector<128x124xf32>
    %concatenate3A_1091 = tpu.concatenate %slice3A_1089, %slice3A_1090 in 1 : vector<128x4xf32>, vector<128x124xf32> -> vector<128x128xf32>
    %and3A_1092 = arith.constant 4 : i32
    %and3A_1093 = vector.broadcast %and3A_1092 : i32 to vector<128x128xi32>
    %and3A_1094 = arith.andi %iota3A_0, %and3A_1093 : vector<128x128xi32>
    %eq3A_1095 = arith.constant 0 : i32
    %eq3A_1096 = vector.broadcast %eq3A_1095 : i32 to vector<128x128xi32>
    %eq3A_1097 = arith.cmpi eq, %and3A_1094, %eq3A_1096 : vector<128x128xi32>
    %select_n3A_1098 = arith.select %eq3A_1097, %concatenate3A_1088, %concatenate3A_1091 : vector<128x128xi1>, vector<128x128xf32>
    %slice3A_1099 = vector.extract_strided_slice %select_n3A_1085 {offsets = [0, 4], sizes = [128, 124], strides = [1, 1]} : vector<128x128xi32> to vector<128x124xi32>
    %slice3A_1100 = vector.extract_strided_slice %select_n3A_1085 {offsets = [0, 0], sizes = [128, 4], strides = [1, 1]} : vector<128x128xi32> to vector<128x4xi32>
    %concatenate3A_1101 = tpu.concatenate %slice3A_1099, %slice3A_1100 in 1 : vector<128x124xi32>, vector<128x4xi32> -> vector<128x128xi32>
    %slice3A_1102 = vector.extract_strided_slice %select_n3A_1085 {offsets = [0, 124], sizes = [128, 4], strides = [1, 1]} : vector<128x128xi32> to vector<128x4xi32>
    %slice3A_1103 = vector.extract_strided_slice %select_n3A_1085 {offsets = [0, 0], sizes = [128, 124], strides = [1, 1]} : vector<128x128xi32> to vector<128x124xi32>
    %concatenate3A_1104 = tpu.concatenate %slice3A_1102, %slice3A_1103 in 1 : vector<128x4xi32>, vector<128x124xi32> -> vector<128x128xi32>
    %and3A_1105 = arith.constant 4 : i32
    %and3A_1106 = vector.broadcast %and3A_1105 : i32 to vector<128x128xi32>
    %and3A_1107 = arith.andi %iota3A_0, %and3A_1106 : vector<128x128xi32>
    %eq3A_1108 = arith.constant 0 : i32
    %eq3A_1109 = vector.broadcast %eq3A_1108 : i32 to vector<128x128xi32>
    %eq3A_1110 = arith.cmpi eq, %and3A_1107, %eq3A_1109 : vector<128x128xi32>
    %select_n3A_1111 = arith.select %eq3A_1110, %concatenate3A_1101, %concatenate3A_1104 : vector<128x128xi1>, vector<128x128xi32>
    %gt3A_1112 = arith.cmpf ogt, %select_n3A_1084, %select_n3A_1098 : vector<128x128xf32>
    %eq3A_1113 = arith.cmpf oeq, %select_n3A_1084, %select_n3A_1098 : vector<128x128xf32>
    %lt3A_1114 = arith.cmpi slt, %select_n3A_1085, %select_n3A_1111 : vector<128x128xi32>
    %and3A_1115 = arith.andi %eq3A_1113, %lt3A_1114 : vector<128x128xi1>
    %or3A_1116 = arith.ori %gt3A_1112, %and3A_1115 : vector<128x128xi1>
    %and3A_1117 = arith.constant 4 : i32
    %and3A_1118 = vector.broadcast %and3A_1117 : i32 to vector<128x128xi32>
    %and3A_1119 = arith.andi %add3A, %and3A_1118 : vector<128x128xi32>
    %ne3A_1120 = arith.constant 0 : i32
    %ne3A_1121 = vector.broadcast %ne3A_1120 : i32 to vector<128x128xi32>
    %ne3A_1122 = arith.cmpi ne, %and3A_1119, %ne3A_1121 : vector<128x128xi32>
    %ne3A_1123 = arith.xori %ne3A_1122, %eq3A_921 : vector<128x128xi1>
    %ne3A_1124 = arith.xori %or3A_1116, %ne3A_1123 : vector<128x128xi1>
    %select_n3A_1125 = arith.select %ne3A_1124, %select_n3A_1084, %select_n3A_1098 : vector<128x128xi1>, vector<128x128xf32>
    %select_n3A_1126 = arith.select %ne3A_1124, %select_n3A_1085, %select_n3A_1111 : vector<128x128xi1>, vector<128x128xi32>
    %slice3A_1127 = vector.extract_strided_slice %select_n3A_1125 {offsets = [0, 2], sizes = [128, 126], strides = [1, 1]} : vector<128x128xf32> to vector<128x126xf32>
    %slice3A_1128 = vector.extract_strided_slice %select_n3A_1125 {offsets = [0, 0], sizes = [128, 2], strides = [1, 1]} : vector<128x128xf32> to vector<128x2xf32>
    %concatenate3A_1129 = tpu.concatenate %slice3A_1127, %slice3A_1128 in 1 : vector<128x126xf32>, vector<128x2xf32> -> vector<128x128xf32>
    %slice3A_1130 = vector.extract_strided_slice %select_n3A_1125 {offsets = [0, 126], sizes = [128, 2], strides = [1, 1]} : vector<128x128xf32> to vector<128x2xf32>
    %slice3A_1131 = vector.extract_strided_slice %select_n3A_1125 {offsets = [0, 0], sizes = [128, 126], strides = [1, 1]} : vector<128x128xf32> to vector<128x126xf32>
    %concatenate3A_1132 = tpu.concatenate %slice3A_1130, %slice3A_1131 in 1 : vector<128x2xf32>, vector<128x126xf32> -> vector<128x128xf32>
    %and3A_1133 = arith.constant 2 : i32
    %and3A_1134 = vector.broadcast %and3A_1133 : i32 to vector<128x128xi32>
    %and3A_1135 = arith.andi %iota3A_0, %and3A_1134 : vector<128x128xi32>
    %eq3A_1136 = arith.constant 0 : i32
    %eq3A_1137 = vector.broadcast %eq3A_1136 : i32 to vector<128x128xi32>
    %eq3A_1138 = arith.cmpi eq, %and3A_1135, %eq3A_1137 : vector<128x128xi32>
    %select_n3A_1139 = arith.select %eq3A_1138, %concatenate3A_1129, %concatenate3A_1132 : vector<128x128xi1>, vector<128x128xf32>
    %slice3A_1140 = vector.extract_strided_slice %select_n3A_1126 {offsets = [0, 2], sizes = [128, 126], strides = [1, 1]} : vector<128x128xi32> to vector<128x126xi32>
    %slice3A_1141 = vector.extract_strided_slice %select_n3A_1126 {offsets = [0, 0], sizes = [128, 2], strides = [1, 1]} : vector<128x128xi32> to vector<128x2xi32>
    %concatenate3A_1142 = tpu.concatenate %slice3A_1140, %slice3A_1141 in 1 : vector<128x126xi32>, vector<128x2xi32> -> vector<128x128xi32>
    %slice3A_1143 = vector.extract_strided_slice %select_n3A_1126 {offsets = [0, 126], sizes = [128, 2], strides = [1, 1]} : vector<128x128xi32> to vector<128x2xi32>
    %slice3A_1144 = vector.extract_strided_slice %select_n3A_1126 {offsets = [0, 0], sizes = [128, 126], strides = [1, 1]} : vector<128x128xi32> to vector<128x126xi32>
    %concatenate3A_1145 = tpu.concatenate %slice3A_1143, %slice3A_1144 in 1 : vector<128x2xi32>, vector<128x126xi32> -> vector<128x128xi32>
    %and3A_1146 = arith.constant 2 : i32
    %and3A_1147 = vector.broadcast %and3A_1146 : i32 to vector<128x128xi32>
    %and3A_1148 = arith.andi %iota3A_0, %and3A_1147 : vector<128x128xi32>
    %eq3A_1149 = arith.constant 0 : i32
    %eq3A_1150 = vector.broadcast %eq3A_1149 : i32 to vector<128x128xi32>
    %eq3A_1151 = arith.cmpi eq, %and3A_1148, %eq3A_1150 : vector<128x128xi32>
    %select_n3A_1152 = arith.select %eq3A_1151, %concatenate3A_1142, %concatenate3A_1145 : vector<128x128xi1>, vector<128x128xi32>
    %gt3A_1153 = arith.cmpf ogt, %select_n3A_1125, %select_n3A_1139 : vector<128x128xf32>
    %eq3A_1154 = arith.cmpf oeq, %select_n3A_1125, %select_n3A_1139 : vector<128x128xf32>
    %lt3A_1155 = arith.cmpi slt, %select_n3A_1126, %select_n3A_1152 : vector<128x128xi32>
    %and3A_1156 = arith.andi %eq3A_1154, %lt3A_1155 : vector<128x128xi1>
    %or3A_1157 = arith.ori %gt3A_1153, %and3A_1156 : vector<128x128xi1>
    %and3A_1158 = arith.constant 2 : i32
    %and3A_1159 = vector.broadcast %and3A_1158 : i32 to vector<128x128xi32>
    %and3A_1160 = arith.andi %add3A, %and3A_1159 : vector<128x128xi32>
    %ne3A_1161 = arith.constant 0 : i32
    %ne3A_1162 = vector.broadcast %ne3A_1161 : i32 to vector<128x128xi32>
    %ne3A_1163 = arith.cmpi ne, %and3A_1160, %ne3A_1162 : vector<128x128xi32>
    %ne3A_1164 = arith.xori %ne3A_1163, %eq3A_921 : vector<128x128xi1>
    %ne3A_1165 = arith.xori %or3A_1157, %ne3A_1164 : vector<128x128xi1>
    %select_n3A_1166 = arith.select %ne3A_1165, %select_n3A_1125, %select_n3A_1139 : vector<128x128xi1>, vector<128x128xf32>
    %select_n3A_1167 = arith.select %ne3A_1165, %select_n3A_1126, %select_n3A_1152 : vector<128x128xi1>, vector<128x128xi32>
    %slice3A_1168 = vector.extract_strided_slice %select_n3A_1166 {offsets = [0, 1], sizes = [128, 127], strides = [1, 1]} : vector<128x128xf32> to vector<128x127xf32>
    %slice3A_1169 = vector.extract_strided_slice %select_n3A_1166 {offsets = [0, 0], sizes = [128, 1], strides = [1, 1]} : vector<128x128xf32> to vector<128x1xf32>
    %concatenate3A_1170 = tpu.concatenate %slice3A_1168, %slice3A_1169 in 1 : vector<128x127xf32>, vector<128x1xf32> -> vector<128x128xf32>
    %slice3A_1171 = vector.extract_strided_slice %select_n3A_1166 {offsets = [0, 127], sizes = [128, 1], strides = [1, 1]} : vector<128x128xf32> to vector<128x1xf32>
    %slice3A_1172 = vector.extract_strided_slice %select_n3A_1166 {offsets = [0, 0], sizes = [128, 127], strides = [1, 1]} : vector<128x128xf32> to vector<128x127xf32>
    %concatenate3A_1173 = tpu.concatenate %slice3A_1171, %slice3A_1172 in 1 : vector<128x1xf32>, vector<128x127xf32> -> vector<128x128xf32>
    %and3A_1174 = arith.constant 1 : i32
    %and3A_1175 = vector.broadcast %and3A_1174 : i32 to vector<128x128xi32>
    %and3A_1176 = arith.andi %iota3A_0, %and3A_1175 : vector<128x128xi32>
    %eq3A_1177 = arith.constant 0 : i32
    %eq3A_1178 = vector.broadcast %eq3A_1177 : i32 to vector<128x128xi32>
    %eq3A_1179 = arith.cmpi eq, %and3A_1176, %eq3A_1178 : vector<128x128xi32>
    %select_n3A_1180 = arith.select %eq3A_1179, %concatenate3A_1170, %concatenate3A_1173 : vector<128x128xi1>, vector<128x128xf32>
    %slice3A_1181 = vector.extract_strided_slice %select_n3A_1167 {offsets = [0, 1], sizes = [128, 127], strides = [1, 1]} : vector<128x128xi32> to vector<128x127xi32>
    %slice3A_1182 = vector.extract_strided_slice %select_n3A_1167 {offsets = [0, 0], sizes = [128, 1], strides = [1, 1]} : vector<128x128xi32> to vector<128x1xi32>
    %concatenate3A_1183 = tpu.concatenate %slice3A_1181, %slice3A_1182 in 1 : vector<128x127xi32>, vector<128x1xi32> -> vector<128x128xi32>
    %slice3A_1184 = vector.extract_strided_slice %select_n3A_1167 {offsets = [0, 127], sizes = [128, 1], strides = [1, 1]} : vector<128x128xi32> to vector<128x1xi32>
    %slice3A_1185 = vector.extract_strided_slice %select_n3A_1167 {offsets = [0, 0], sizes = [128, 127], strides = [1, 1]} : vector<128x128xi32> to vector<128x127xi32>
    %concatenate3A_1186 = tpu.concatenate %slice3A_1184, %slice3A_1185 in 1 : vector<128x1xi32>, vector<128x127xi32> -> vector<128x128xi32>
    %and3A_1187 = arith.constant 1 : i32
    %and3A_1188 = vector.broadcast %and3A_1187 : i32 to vector<128x128xi32>
    %and3A_1189 = arith.andi %iota3A_0, %and3A_1188 : vector<128x128xi32>
    %eq3A_1190 = arith.constant 0 : i32
    %eq3A_1191 = vector.broadcast %eq3A_1190 : i32 to vector<128x128xi32>
    %eq3A_1192 = arith.cmpi eq, %and3A_1189, %eq3A_1191 : vector<128x128xi32>
    %select_n3A_1193 = arith.select %eq3A_1192, %concatenate3A_1183, %concatenate3A_1186 : vector<128x128xi1>, vector<128x128xi32>
    %gt3A_1194 = arith.cmpf ogt, %select_n3A_1166, %select_n3A_1180 : vector<128x128xf32>
    %eq3A_1195 = arith.cmpf oeq, %select_n3A_1166, %select_n3A_1180 : vector<128x128xf32>
    %lt3A_1196 = arith.cmpi slt, %select_n3A_1167, %select_n3A_1193 : vector<128x128xi32>
    %and3A_1197 = arith.andi %eq3A_1195, %lt3A_1196 : vector<128x128xi1>
    %or3A_1198 = arith.ori %gt3A_1194, %and3A_1197 : vector<128x128xi1>
    %and3A_1199 = arith.constant 1 : i32
    %and3A_1200 = vector.broadcast %and3A_1199 : i32 to vector<128x128xi32>
    %and3A_1201 = arith.andi %add3A, %and3A_1200 : vector<128x128xi32>
    %ne3A_1202 = arith.constant 0 : i32
    %ne3A_1203 = vector.broadcast %ne3A_1202 : i32 to vector<128x128xi32>
    %ne3A_1204 = arith.cmpi ne, %and3A_1201, %ne3A_1203 : vector<128x128xi32>
    %ne3A_1205 = arith.xori %ne3A_1204, %eq3A_921 : vector<128x128xi1>
    %ne3A_1206 = arith.xori %or3A_1198, %ne3A_1205 : vector<128x128xi1>
    %select_n3A_1207 = arith.select %ne3A_1206, %select_n3A_1166, %select_n3A_1180 : vector<128x128xi1>, vector<128x128xf32>
    %select_n3A_1208 = arith.select %ne3A_1206, %select_n3A_1167, %select_n3A_1193 : vector<128x128xi1>, vector<128x128xi32>
    %shift_right_arithmetic3A_1209 = arith.constant 8 : i32
    %shift_right_arithmetic3A_1210 = vector.broadcast %shift_right_arithmetic3A_1209 : i32 to vector<128x128xi32>
    %shift_right_arithmetic3A_1211 = arith.shrsi %add3A, %shift_right_arithmetic3A_1210 : vector<128x128xi32>
    %and3A_1212 = arith.constant 1 : i32
    %and3A_1213 = vector.broadcast %and3A_1212 : i32 to vector<128x128xi32>
    %and3A_1214 = arith.andi %shift_right_arithmetic3A_1211, %and3A_1213 : vector<128x128xi32>
    %eq3A_1215 = arith.constant 1 : i32
    %eq3A_1216 = vector.broadcast %eq3A_1215 : i32 to vector<128x128xi32>
    %eq3A_1217 = arith.cmpi eq, %and3A_1214, %eq3A_1216 : vector<128x128xi32>
    %slice3A_1218 = vector.extract_strided_slice %select_n3A_1207 {offsets = [1, 0], sizes = [127, 128], strides = [1, 1]} : vector<128x128xf32> to vector<127x128xf32>
    %slice3A_1219 = vector.extract_strided_slice %select_n3A_1207 {offsets = [0, 0], sizes = [1, 128], strides = [1, 1]} : vector<128x128xf32> to vector<1x128xf32>
    %concatenate3A_1220 = tpu.concatenate %slice3A_1218, %slice3A_1219 in 0 : vector<127x128xf32>, vector<1x128xf32> -> vector<128x128xf32>
    %slice3A_1221 = vector.extract_strided_slice %select_n3A_1207 {offsets = [127, 0], sizes = [1, 128], strides = [1, 1]} : vector<128x128xf32> to vector<1x128xf32>
    %slice3A_1222 = vector.extract_strided_slice %select_n3A_1207 {offsets = [0, 0], sizes = [127, 128], strides = [1, 1]} : vector<128x128xf32> to vector<127x128xf32>
    %concatenate3A_1223 = tpu.concatenate %slice3A_1221, %slice3A_1222 in 0 : vector<1x128xf32>, vector<127x128xf32> -> vector<128x128xf32>
    %and3A_1224 = arith.constant 1 : i32
    %and3A_1225 = vector.broadcast %and3A_1224 : i32 to vector<128x128xi32>
    %and3A_1226 = arith.andi %and3A_2, %and3A_1225 : vector<128x128xi32>
    %eq3A_1227 = arith.constant 0 : i32
    %eq3A_1228 = vector.broadcast %eq3A_1227 : i32 to vector<128x128xi32>
    %eq3A_1229 = arith.cmpi eq, %and3A_1226, %eq3A_1228 : vector<128x128xi32>
    %select_n3A_1230 = arith.select %eq3A_1229, %concatenate3A_1220, %concatenate3A_1223 : vector<128x128xi1>, vector<128x128xf32>
    %slice3A_1231 = vector.extract_strided_slice %select_n3A_1208 {offsets = [1, 0], sizes = [127, 128], strides = [1, 1]} : vector<128x128xi32> to vector<127x128xi32>
    %slice3A_1232 = vector.extract_strided_slice %select_n3A_1208 {offsets = [0, 0], sizes = [1, 128], strides = [1, 1]} : vector<128x128xi32> to vector<1x128xi32>
    %concatenate3A_1233 = tpu.concatenate %slice3A_1231, %slice3A_1232 in 0 : vector<127x128xi32>, vector<1x128xi32> -> vector<128x128xi32>
    %slice3A_1234 = vector.extract_strided_slice %select_n3A_1208 {offsets = [127, 0], sizes = [1, 128], strides = [1, 1]} : vector<128x128xi32> to vector<1x128xi32>
    %slice3A_1235 = vector.extract_strided_slice %select_n3A_1208 {offsets = [0, 0], sizes = [127, 128], strides = [1, 1]} : vector<128x128xi32> to vector<127x128xi32>
    %concatenate3A_1236 = tpu.concatenate %slice3A_1234, %slice3A_1235 in 0 : vector<1x128xi32>, vector<127x128xi32> -> vector<128x128xi32>
    %and3A_1237 = arith.constant 1 : i32
    %and3A_1238 = vector.broadcast %and3A_1237 : i32 to vector<128x128xi32>
    %and3A_1239 = arith.andi %and3A_2, %and3A_1238 : vector<128x128xi32>
    %eq3A_1240 = arith.constant 0 : i32
    %eq3A_1241 = vector.broadcast %eq3A_1240 : i32 to vector<128x128xi32>
    %eq3A_1242 = arith.cmpi eq, %and3A_1239, %eq3A_1241 : vector<128x128xi32>
    %select_n3A_1243 = arith.select %eq3A_1242, %concatenate3A_1233, %concatenate3A_1236 : vector<128x128xi1>, vector<128x128xi32>
    %gt3A_1244 = arith.cmpf ogt, %select_n3A_1207, %select_n3A_1230 : vector<128x128xf32>
    %eq3A_1245 = arith.cmpf oeq, %select_n3A_1207, %select_n3A_1230 : vector<128x128xf32>
    %lt3A_1246 = arith.cmpi slt, %select_n3A_1208, %select_n3A_1243 : vector<128x128xi32>
    %and3A_1247 = arith.andi %eq3A_1245, %lt3A_1246 : vector<128x128xi1>
    %or3A_1248 = arith.ori %gt3A_1244, %and3A_1247 : vector<128x128xi1>
    %and3A_1249 = arith.constant 128 : i32
    %and3A_1250 = vector.broadcast %and3A_1249 : i32 to vector<128x128xi32>
    %and3A_1251 = arith.andi %add3A, %and3A_1250 : vector<128x128xi32>
    %ne3A_1252 = arith.constant 0 : i32
    %ne3A_1253 = vector.broadcast %ne3A_1252 : i32 to vector<128x128xi32>
    %ne3A_1254 = arith.cmpi ne, %and3A_1251, %ne3A_1253 : vector<128x128xi32>
    %ne3A_1255 = arith.xori %ne3A_1254, %eq3A_1217 : vector<128x128xi1>
    %ne3A_1256 = arith.xori %or3A_1248, %ne3A_1255 : vector<128x128xi1>
    %select_n3A_1257 = arith.select %ne3A_1256, %select_n3A_1207, %select_n3A_1230 : vector<128x128xi1>, vector<128x128xf32>
    %select_n3A_1258 = arith.select %ne3A_1256, %select_n3A_1208, %select_n3A_1243 : vector<128x128xi1>, vector<128x128xi32>
    %slice3A_1259 = vector.extract_strided_slice %select_n3A_1257 {offsets = [0, 64], sizes = [128, 64], strides = [1, 1]} : vector<128x128xf32> to vector<128x64xf32>
    %slice3A_1260 = vector.extract_strided_slice %select_n3A_1257 {offsets = [0, 0], sizes = [128, 64], strides = [1, 1]} : vector<128x128xf32> to vector<128x64xf32>
    %concatenate3A_1261 = tpu.concatenate %slice3A_1259, %slice3A_1260 in 1 : vector<128x64xf32>, vector<128x64xf32> -> vector<128x128xf32>
    %slice3A_1262 = vector.extract_strided_slice %select_n3A_1257 {offsets = [0, 64], sizes = [128, 64], strides = [1, 1]} : vector<128x128xf32> to vector<128x64xf32>
    %slice3A_1263 = vector.extract_strided_slice %select_n3A_1257 {offsets = [0, 0], sizes = [128, 64], strides = [1, 1]} : vector<128x128xf32> to vector<128x64xf32>
    %concatenate3A_1264 = tpu.concatenate %slice3A_1262, %slice3A_1263 in 1 : vector<128x64xf32>, vector<128x64xf32> -> vector<128x128xf32>
    %and3A_1265 = arith.constant 64 : i32
    %and3A_1266 = vector.broadcast %and3A_1265 : i32 to vector<128x128xi32>
    %and3A_1267 = arith.andi %iota3A_0, %and3A_1266 : vector<128x128xi32>
    %eq3A_1268 = arith.constant 0 : i32
    %eq3A_1269 = vector.broadcast %eq3A_1268 : i32 to vector<128x128xi32>
    %eq3A_1270 = arith.cmpi eq, %and3A_1267, %eq3A_1269 : vector<128x128xi32>
    %select_n3A_1271 = arith.select %eq3A_1270, %concatenate3A_1261, %concatenate3A_1264 : vector<128x128xi1>, vector<128x128xf32>
    %slice3A_1272 = vector.extract_strided_slice %select_n3A_1258 {offsets = [0, 64], sizes = [128, 64], strides = [1, 1]} : vector<128x128xi32> to vector<128x64xi32>
    %slice3A_1273 = vector.extract_strided_slice %select_n3A_1258 {offsets = [0, 0], sizes = [128, 64], strides = [1, 1]} : vector<128x128xi32> to vector<128x64xi32>
    %concatenate3A_1274 = tpu.concatenate %slice3A_1272, %slice3A_1273 in 1 : vector<128x64xi32>, vector<128x64xi32> -> vector<128x128xi32>
    %slice3A_1275 = vector.extract_strided_slice %select_n3A_1258 {offsets = [0, 64], sizes = [128, 64], strides = [1, 1]} : vector<128x128xi32> to vector<128x64xi32>
    %slice3A_1276 = vector.extract_strided_slice %select_n3A_1258 {offsets = [0, 0], sizes = [128, 64], strides = [1, 1]} : vector<128x128xi32> to vector<128x64xi32>
    %concatenate3A_1277 = tpu.concatenate %slice3A_1275, %slice3A_1276 in 1 : vector<128x64xi32>, vector<128x64xi32> -> vector<128x128xi32>
    %and3A_1278 = arith.constant 64 : i32
    %and3A_1279 = vector.broadcast %and3A_1278 : i32 to vector<128x128xi32>
    %and3A_1280 = arith.andi %iota3A_0, %and3A_1279 : vector<128x128xi32>
    %eq3A_1281 = arith.constant 0 : i32
    %eq3A_1282 = vector.broadcast %eq3A_1281 : i32 to vector<128x128xi32>
    %eq3A_1283 = arith.cmpi eq, %and3A_1280, %eq3A_1282 : vector<128x128xi32>
    %select_n3A_1284 = arith.select %eq3A_1283, %concatenate3A_1274, %concatenate3A_1277 : vector<128x128xi1>, vector<128x128xi32>
    %gt3A_1285 = arith.cmpf ogt, %select_n3A_1257, %select_n3A_1271 : vector<128x128xf32>
    %eq3A_1286 = arith.cmpf oeq, %select_n3A_1257, %select_n3A_1271 : vector<128x128xf32>
    %lt3A_1287 = arith.cmpi slt, %select_n3A_1258, %select_n3A_1284 : vector<128x128xi32>
    %and3A_1288 = arith.andi %eq3A_1286, %lt3A_1287 : vector<128x128xi1>
    %or3A_1289 = arith.ori %gt3A_1285, %and3A_1288 : vector<128x128xi1>
    %and3A_1290 = arith.constant 64 : i32
    %and3A_1291 = vector.broadcast %and3A_1290 : i32 to vector<128x128xi32>
    %and3A_1292 = arith.andi %add3A, %and3A_1291 : vector<128x128xi32>
    %ne3A_1293 = arith.constant 0 : i32
    %ne3A_1294 = vector.broadcast %ne3A_1293 : i32 to vector<128x128xi32>
    %ne3A_1295 = arith.cmpi ne, %and3A_1292, %ne3A_1294 : vector<128x128xi32>
    %ne3A_1296 = arith.xori %ne3A_1295, %eq3A_1217 : vector<128x128xi1>
    %ne3A_1297 = arith.xori %or3A_1289, %ne3A_1296 : vector<128x128xi1>
    %select_n3A_1298 = arith.select %ne3A_1297, %select_n3A_1257, %select_n3A_1271 : vector<128x128xi1>, vector<128x128xf32>
    %select_n3A_1299 = arith.select %ne3A_1297, %select_n3A_1258, %select_n3A_1284 : vector<128x128xi1>, vector<128x128xi32>
    %slice3A_1300 = vector.extract_strided_slice %select_n3A_1298 {offsets = [0, 32], sizes = [128, 96], strides = [1, 1]} : vector<128x128xf32> to vector<128x96xf32>
    %slice3A_1301 = vector.extract_strided_slice %select_n3A_1298 {offsets = [0, 0], sizes = [128, 32], strides = [1, 1]} : vector<128x128xf32> to vector<128x32xf32>
    %concatenate3A_1302 = tpu.concatenate %slice3A_1300, %slice3A_1301 in 1 : vector<128x96xf32>, vector<128x32xf32> -> vector<128x128xf32>
    %slice3A_1303 = vector.extract_strided_slice %select_n3A_1298 {offsets = [0, 96], sizes = [128, 32], strides = [1, 1]} : vector<128x128xf32> to vector<128x32xf32>
    %slice3A_1304 = vector.extract_strided_slice %select_n3A_1298 {offsets = [0, 0], sizes = [128, 96], strides = [1, 1]} : vector<128x128xf32> to vector<128x96xf32>
    %concatenate3A_1305 = tpu.concatenate %slice3A_1303, %slice3A_1304 in 1 : vector<128x32xf32>, vector<128x96xf32> -> vector<128x128xf32>
    %and3A_1306 = arith.constant 32 : i32
    %and3A_1307 = vector.broadcast %and3A_1306 : i32 to vector<128x128xi32>
    %and3A_1308 = arith.andi %iota3A_0, %and3A_1307 : vector<128x128xi32>
    %eq3A_1309 = arith.constant 0 : i32
    %eq3A_1310 = vector.broadcast %eq3A_1309 : i32 to vector<128x128xi32>
    %eq3A_1311 = arith.cmpi eq, %and3A_1308, %eq3A_1310 : vector<128x128xi32>
    %select_n3A_1312 = arith.select %eq3A_1311, %concatenate3A_1302, %concatenate3A_1305 : vector<128x128xi1>, vector<128x128xf32>
    %slice3A_1313 = vector.extract_strided_slice %select_n3A_1299 {offsets = [0, 32], sizes = [128, 96], strides = [1, 1]} : vector<128x128xi32> to vector<128x96xi32>
    %slice3A_1314 = vector.extract_strided_slice %select_n3A_1299 {offsets = [0, 0], sizes = [128, 32], strides = [1, 1]} : vector<128x128xi32> to vector<128x32xi32>
    %concatenate3A_1315 = tpu.concatenate %slice3A_1313, %slice3A_1314 in 1 : vector<128x96xi32>, vector<128x32xi32> -> vector<128x128xi32>
    %slice3A_1316 = vector.extract_strided_slice %select_n3A_1299 {offsets = [0, 96], sizes = [128, 32], strides = [1, 1]} : vector<128x128xi32> to vector<128x32xi32>
    %slice3A_1317 = vector.extract_strided_slice %select_n3A_1299 {offsets = [0, 0], sizes = [128, 96], strides = [1, 1]} : vector<128x128xi32> to vector<128x96xi32>
    %concatenate3A_1318 = tpu.concatenate %slice3A_1316, %slice3A_1317 in 1 : vector<128x32xi32>, vector<128x96xi32> -> vector<128x128xi32>
    %and3A_1319 = arith.constant 32 : i32
    %and3A_1320 = vector.broadcast %and3A_1319 : i32 to vector<128x128xi32>
    %and3A_1321 = arith.andi %iota3A_0, %and3A_1320 : vector<128x128xi32>
    %eq3A_1322 = arith.constant 0 : i32
    %eq3A_1323 = vector.broadcast %eq3A_1322 : i32 to vector<128x128xi32>
    %eq3A_1324 = arith.cmpi eq, %and3A_1321, %eq3A_1323 : vector<128x128xi32>
    %select_n3A_1325 = arith.select %eq3A_1324, %concatenate3A_1315, %concatenate3A_1318 : vector<128x128xi1>, vector<128x128xi32>
    %gt3A_1326 = arith.cmpf ogt, %select_n3A_1298, %select_n3A_1312 : vector<128x128xf32>
    %eq3A_1327 = arith.cmpf oeq, %select_n3A_1298, %select_n3A_1312 : vector<128x128xf32>
    %lt3A_1328 = arith.cmpi slt, %select_n3A_1299, %select_n3A_1325 : vector<128x128xi32>
    %and3A_1329 = arith.andi %eq3A_1327, %lt3A_1328 : vector<128x128xi1>
    %or3A_1330 = arith.ori %gt3A_1326, %and3A_1329 : vector<128x128xi1>
    %and3A_1331 = arith.constant 32 : i32
    %and3A_1332 = vector.broadcast %and3A_1331 : i32 to vector<128x128xi32>
    %and3A_1333 = arith.andi %add3A, %and3A_1332 : vector<128x128xi32>
    %ne3A_1334 = arith.constant 0 : i32
    %ne3A_1335 = vector.broadcast %ne3A_1334 : i32 to vector<128x128xi32>
    %ne3A_1336 = arith.cmpi ne, %and3A_1333, %ne3A_1335 : vector<128x128xi32>
    %ne3A_1337 = arith.xori %ne3A_1336, %eq3A_1217 : vector<128x128xi1>
    %ne3A_1338 = arith.xori %or3A_1330, %ne3A_1337 : vector<128x128xi1>
    %select_n3A_1339 = arith.select %ne3A_1338, %select_n3A_1298, %select_n3A_1312 : vector<128x128xi1>, vector<128x128xf32>
    %select_n3A_1340 = arith.select %ne3A_1338, %select_n3A_1299, %select_n3A_1325 : vector<128x128xi1>, vector<128x128xi32>
    %slice3A_1341 = vector.extract_strided_slice %select_n3A_1339 {offsets = [0, 16], sizes = [128, 112], strides = [1, 1]} : vector<128x128xf32> to vector<128x112xf32>
    %slice3A_1342 = vector.extract_strided_slice %select_n3A_1339 {offsets = [0, 0], sizes = [128, 16], strides = [1, 1]} : vector<128x128xf32> to vector<128x16xf32>
    %concatenate3A_1343 = tpu.concatenate %slice3A_1341, %slice3A_1342 in 1 : vector<128x112xf32>, vector<128x16xf32> -> vector<128x128xf32>
    %slice3A_1344 = vector.extract_strided_slice %select_n3A_1339 {offsets = [0, 112], sizes = [128, 16], strides = [1, 1]} : vector<128x128xf32> to vector<128x16xf32>
    %slice3A_1345 = vector.extract_strided_slice %select_n3A_1339 {offsets = [0, 0], sizes = [128, 112], strides = [1, 1]} : vector<128x128xf32> to vector<128x112xf32>
    %concatenate3A_1346 = tpu.concatenate %slice3A_1344, %slice3A_1345 in 1 : vector<128x16xf32>, vector<128x112xf32> -> vector<128x128xf32>
    %and3A_1347 = arith.constant 16 : i32
    %and3A_1348 = vector.broadcast %and3A_1347 : i32 to vector<128x128xi32>
    %and3A_1349 = arith.andi %iota3A_0, %and3A_1348 : vector<128x128xi32>
    %eq3A_1350 = arith.constant 0 : i32
    %eq3A_1351 = vector.broadcast %eq3A_1350 : i32 to vector<128x128xi32>
    %eq3A_1352 = arith.cmpi eq, %and3A_1349, %eq3A_1351 : vector<128x128xi32>
    %select_n3A_1353 = arith.select %eq3A_1352, %concatenate3A_1343, %concatenate3A_1346 : vector<128x128xi1>, vector<128x128xf32>
    %slice3A_1354 = vector.extract_strided_slice %select_n3A_1340 {offsets = [0, 16], sizes = [128, 112], strides = [1, 1]} : vector<128x128xi32> to vector<128x112xi32>
    %slice3A_1355 = vector.extract_strided_slice %select_n3A_1340 {offsets = [0, 0], sizes = [128, 16], strides = [1, 1]} : vector<128x128xi32> to vector<128x16xi32>
    %concatenate3A_1356 = tpu.concatenate %slice3A_1354, %slice3A_1355 in 1 : vector<128x112xi32>, vector<128x16xi32> -> vector<128x128xi32>
    %slice3A_1357 = vector.extract_strided_slice %select_n3A_1340 {offsets = [0, 112], sizes = [128, 16], strides = [1, 1]} : vector<128x128xi32> to vector<128x16xi32>
    %slice3A_1358 = vector.extract_strided_slice %select_n3A_1340 {offsets = [0, 0], sizes = [128, 112], strides = [1, 1]} : vector<128x128xi32> to vector<128x112xi32>
    %concatenate3A_1359 = tpu.concatenate %slice3A_1357, %slice3A_1358 in 1 : vector<128x16xi32>, vector<128x112xi32> -> vector<128x128xi32>
    %and3A_1360 = arith.constant 16 : i32
    %and3A_1361 = vector.broadcast %and3A_1360 : i32 to vector<128x128xi32>
    %and3A_1362 = arith.andi %iota3A_0, %and3A_1361 : vector<128x128xi32>
    %eq3A_1363 = arith.constant 0 : i32
    %eq3A_1364 = vector.broadcast %eq3A_1363 : i32 to vector<128x128xi32>
    %eq3A_1365 = arith.cmpi eq, %and3A_1362, %eq3A_1364 : vector<128x128xi32>
    %select_n3A_1366 = arith.select %eq3A_1365, %concatenate3A_1356, %concatenate3A_1359 : vector<128x128xi1>, vector<128x128xi32>
    %gt3A_1367 = arith.cmpf ogt, %select_n3A_1339, %select_n3A_1353 : vector<128x128xf32>
    %eq3A_1368 = arith.cmpf oeq, %select_n3A_1339, %select_n3A_1353 : vector<128x128xf32>
    %lt3A_1369 = arith.cmpi slt, %select_n3A_1340, %select_n3A_1366 : vector<128x128xi32>
    %and3A_1370 = arith.andi %eq3A_1368, %lt3A_1369 : vector<128x128xi1>
    %or3A_1371 = arith.ori %gt3A_1367, %and3A_1370 : vector<128x128xi1>
    %and3A_1372 = arith.constant 16 : i32
    %and3A_1373 = vector.broadcast %and3A_1372 : i32 to vector<128x128xi32>
    %and3A_1374 = arith.andi %add3A, %and3A_1373 : vector<128x128xi32>
    %ne3A_1375 = arith.constant 0 : i32
    %ne3A_1376 = vector.broadcast %ne3A_1375 : i32 to vector<128x128xi32>
    %ne3A_1377 = arith.cmpi ne, %and3A_1374, %ne3A_1376 : vector<128x128xi32>
    %ne3A_1378 = arith.xori %ne3A_1377, %eq3A_1217 : vector<128x128xi1>
    %ne3A_1379 = arith.xori %or3A_1371, %ne3A_1378 : vector<128x128xi1>
    %select_n3A_1380 = arith.select %ne3A_1379, %select_n3A_1339, %select_n3A_1353 : vector<128x128xi1>, vector<128x128xf32>
    %select_n3A_1381 = arith.select %ne3A_1379, %select_n3A_1340, %select_n3A_1366 : vector<128x128xi1>, vector<128x128xi32>
    %slice3A_1382 = vector.extract_strided_slice %select_n3A_1380 {offsets = [0, 8], sizes = [128, 120], strides = [1, 1]} : vector<128x128xf32> to vector<128x120xf32>
    %slice3A_1383 = vector.extract_strided_slice %select_n3A_1380 {offsets = [0, 0], sizes = [128, 8], strides = [1, 1]} : vector<128x128xf32> to vector<128x8xf32>
    %concatenate3A_1384 = tpu.concatenate %slice3A_1382, %slice3A_1383 in 1 : vector<128x120xf32>, vector<128x8xf32> -> vector<128x128xf32>
    %slice3A_1385 = vector.extract_strided_slice %select_n3A_1380 {offsets = [0, 120], sizes = [128, 8], strides = [1, 1]} : vector<128x128xf32> to vector<128x8xf32>
    %slice3A_1386 = vector.extract_strided_slice %select_n3A_1380 {offsets = [0, 0], sizes = [128, 120], strides = [1, 1]} : vector<128x128xf32> to vector<128x120xf32>
    %concatenate3A_1387 = tpu.concatenate %slice3A_1385, %slice3A_1386 in 1 : vector<128x8xf32>, vector<128x120xf32> -> vector<128x128xf32>
    %and3A_1388 = arith.constant 8 : i32
    %and3A_1389 = vector.broadcast %and3A_1388 : i32 to vector<128x128xi32>
    %and3A_1390 = arith.andi %iota3A_0, %and3A_1389 : vector<128x128xi32>
    %eq3A_1391 = arith.constant 0 : i32
    %eq3A_1392 = vector.broadcast %eq3A_1391 : i32 to vector<128x128xi32>
    %eq3A_1393 = arith.cmpi eq, %and3A_1390, %eq3A_1392 : vector<128x128xi32>
    %select_n3A_1394 = arith.select %eq3A_1393, %concatenate3A_1384, %concatenate3A_1387 : vector<128x128xi1>, vector<128x128xf32>
    %slice3A_1395 = vector.extract_strided_slice %select_n3A_1381 {offsets = [0, 8], sizes = [128, 120], strides = [1, 1]} : vector<128x128xi32> to vector<128x120xi32>
    %slice3A_1396 = vector.extract_strided_slice %select_n3A_1381 {offsets = [0, 0], sizes = [128, 8], strides = [1, 1]} : vector<128x128xi32> to vector<128x8xi32>
    %concatenate3A_1397 = tpu.concatenate %slice3A_1395, %slice3A_1396 in 1 : vector<128x120xi32>, vector<128x8xi32> -> vector<128x128xi32>
    %slice3A_1398 = vector.extract_strided_slice %select_n3A_1381 {offsets = [0, 120], sizes = [128, 8], strides = [1, 1]} : vector<128x128xi32> to vector<128x8xi32>
    %slice3A_1399 = vector.extract_strided_slice %select_n3A_1381 {offsets = [0, 0], sizes = [128, 120], strides = [1, 1]} : vector<128x128xi32> to vector<128x120xi32>
    %concatenate3A_1400 = tpu.concatenate %slice3A_1398, %slice3A_1399 in 1 : vector<128x8xi32>, vector<128x120xi32> -> vector<128x128xi32>
    %and3A_1401 = arith.constant 8 : i32
    %and3A_1402 = vector.broadcast %and3A_1401 : i32 to vector<128x128xi32>
    %and3A_1403 = arith.andi %iota3A_0, %and3A_1402 : vector<128x128xi32>
    %eq3A_1404 = arith.constant 0 : i32
    %eq3A_1405 = vector.broadcast %eq3A_1404 : i32 to vector<128x128xi32>
    %eq3A_1406 = arith.cmpi eq, %and3A_1403, %eq3A_1405 : vector<128x128xi32>
    %select_n3A_1407 = arith.select %eq3A_1406, %concatenate3A_1397, %concatenate3A_1400 : vector<128x128xi1>, vector<128x128xi32>
    %gt3A_1408 = arith.cmpf ogt, %select_n3A_1380, %select_n3A_1394 : vector<128x128xf32>
    %eq3A_1409 = arith.cmpf oeq, %select_n3A_1380, %select_n3A_1394 : vector<128x128xf32>
    %lt3A_1410 = arith.cmpi slt, %select_n3A_1381, %select_n3A_1407 : vector<128x128xi32>
    %and3A_1411 = arith.andi %eq3A_1409, %lt3A_1410 : vector<128x128xi1>
    %or3A_1412 = arith.ori %gt3A_1408, %and3A_1411 : vector<128x128xi1>
    %and3A_1413 = arith.constant 8 : i32
    %and3A_1414 = vector.broadcast %and3A_1413 : i32 to vector<128x128xi32>
    %and3A_1415 = arith.andi %add3A, %and3A_1414 : vector<128x128xi32>
    %ne3A_1416 = arith.constant 0 : i32
    %ne3A_1417 = vector.broadcast %ne3A_1416 : i32 to vector<128x128xi32>
    %ne3A_1418 = arith.cmpi ne, %and3A_1415, %ne3A_1417 : vector<128x128xi32>
    %ne3A_1419 = arith.xori %ne3A_1418, %eq3A_1217 : vector<128x128xi1>
    %ne3A_1420 = arith.xori %or3A_1412, %ne3A_1419 : vector<128x128xi1>
    %select_n3A_1421 = arith.select %ne3A_1420, %select_n3A_1380, %select_n3A_1394 : vector<128x128xi1>, vector<128x128xf32>
    %select_n3A_1422 = arith.select %ne3A_1420, %select_n3A_1381, %select_n3A_1407 : vector<128x128xi1>, vector<128x128xi32>
    %slice3A_1423 = vector.extract_strided_slice %select_n3A_1421 {offsets = [0, 4], sizes = [128, 124], strides = [1, 1]} : vector<128x128xf32> to vector<128x124xf32>
    %slice3A_1424 = vector.extract_strided_slice %select_n3A_1421 {offsets = [0, 0], sizes = [128, 4], strides = [1, 1]} : vector<128x128xf32> to vector<128x4xf32>
    %concatenate3A_1425 = tpu.concatenate %slice3A_1423, %slice3A_1424 in 1 : vector<128x124xf32>, vector<128x4xf32> -> vector<128x128xf32>
    %slice3A_1426 = vector.extract_strided_slice %select_n3A_1421 {offsets = [0, 124], sizes = [128, 4], strides = [1, 1]} : vector<128x128xf32> to vector<128x4xf32>
    %slice3A_1427 = vector.extract_strided_slice %select_n3A_1421 {offsets = [0, 0], sizes = [128, 124], strides = [1, 1]} : vector<128x128xf32> to vector<128x124xf32>
    %concatenate3A_1428 = tpu.concatenate %slice3A_1426, %slice3A_1427 in 1 : vector<128x4xf32>, vector<128x124xf32> -> vector<128x128xf32>
    %and3A_1429 = arith.constant 4 : i32
    %and3A_1430 = vector.broadcast %and3A_1429 : i32 to vector<128x128xi32>
    %and3A_1431 = arith.andi %iota3A_0, %and3A_1430 : vector<128x128xi32>
    %eq3A_1432 = arith.constant 0 : i32
    %eq3A_1433 = vector.broadcast %eq3A_1432 : i32 to vector<128x128xi32>
    %eq3A_1434 = arith.cmpi eq, %and3A_1431, %eq3A_1433 : vector<128x128xi32>
    %select_n3A_1435 = arith.select %eq3A_1434, %concatenate3A_1425, %concatenate3A_1428 : vector<128x128xi1>, vector<128x128xf32>
    %slice3A_1436 = vector.extract_strided_slice %select_n3A_1422 {offsets = [0, 4], sizes = [128, 124], strides = [1, 1]} : vector<128x128xi32> to vector<128x124xi32>
    %slice3A_1437 = vector.extract_strided_slice %select_n3A_1422 {offsets = [0, 0], sizes = [128, 4], strides = [1, 1]} : vector<128x128xi32> to vector<128x4xi32>
    %concatenate3A_1438 = tpu.concatenate %slice3A_1436, %slice3A_1437 in 1 : vector<128x124xi32>, vector<128x4xi32> -> vector<128x128xi32>
    %slice3A_1439 = vector.extract_strided_slice %select_n3A_1422 {offsets = [0, 124], sizes = [128, 4], strides = [1, 1]} : vector<128x128xi32> to vector<128x4xi32>
    %slice3A_1440 = vector.extract_strided_slice %select_n3A_1422 {offsets = [0, 0], sizes = [128, 124], strides = [1, 1]} : vector<128x128xi32> to vector<128x124xi32>
    %concatenate3A_1441 = tpu.concatenate %slice3A_1439, %slice3A_1440 in 1 : vector<128x4xi32>, vector<128x124xi32> -> vector<128x128xi32>
    %and3A_1442 = arith.constant 4 : i32
    %and3A_1443 = vector.broadcast %and3A_1442 : i32 to vector<128x128xi32>
    %and3A_1444 = arith.andi %iota3A_0, %and3A_1443 : vector<128x128xi32>
    %eq3A_1445 = arith.constant 0 : i32
    %eq3A_1446 = vector.broadcast %eq3A_1445 : i32 to vector<128x128xi32>
    %eq3A_1447 = arith.cmpi eq, %and3A_1444, %eq3A_1446 : vector<128x128xi32>
    %select_n3A_1448 = arith.select %eq3A_1447, %concatenate3A_1438, %concatenate3A_1441 : vector<128x128xi1>, vector<128x128xi32>
    %gt3A_1449 = arith.cmpf ogt, %select_n3A_1421, %select_n3A_1435 : vector<128x128xf32>
    %eq3A_1450 = arith.cmpf oeq, %select_n3A_1421, %select_n3A_1435 : vector<128x128xf32>
    %lt3A_1451 = arith.cmpi slt, %select_n3A_1422, %select_n3A_1448 : vector<128x128xi32>
    %and3A_1452 = arith.andi %eq3A_1450, %lt3A_1451 : vector<128x128xi1>
    %or3A_1453 = arith.ori %gt3A_1449, %and3A_1452 : vector<128x128xi1>
    %and3A_1454 = arith.constant 4 : i32
    %and3A_1455 = vector.broadcast %and3A_1454 : i32 to vector<128x128xi32>
    %and3A_1456 = arith.andi %add3A, %and3A_1455 : vector<128x128xi32>
    %ne3A_1457 = arith.constant 0 : i32
    %ne3A_1458 = vector.broadcast %ne3A_1457 : i32 to vector<128x128xi32>
    %ne3A_1459 = arith.cmpi ne, %and3A_1456, %ne3A_1458 : vector<128x128xi32>
    %ne3A_1460 = arith.xori %ne3A_1459, %eq3A_1217 : vector<128x128xi1>
    %ne3A_1461 = arith.xori %or3A_1453, %ne3A_1460 : vector<128x128xi1>
    %select_n3A_1462 = arith.select %ne3A_1461, %select_n3A_1421, %select_n3A_1435 : vector<128x128xi1>, vector<128x128xf32>
    %select_n3A_1463 = arith.select %ne3A_1461, %select_n3A_1422, %select_n3A_1448 : vector<128x128xi1>, vector<128x128xi32>
    %slice3A_1464 = vector.extract_strided_slice %select_n3A_1462 {offsets = [0, 2], sizes = [128, 126], strides = [1, 1]} : vector<128x128xf32> to vector<128x126xf32>
    %slice3A_1465 = vector.extract_strided_slice %select_n3A_1462 {offsets = [0, 0], sizes = [128, 2], strides = [1, 1]} : vector<128x128xf32> to vector<128x2xf32>
    %concatenate3A_1466 = tpu.concatenate %slice3A_1464, %slice3A_1465 in 1 : vector<128x126xf32>, vector<128x2xf32> -> vector<128x128xf32>
    %slice3A_1467 = vector.extract_strided_slice %select_n3A_1462 {offsets = [0, 126], sizes = [128, 2], strides = [1, 1]} : vector<128x128xf32> to vector<128x2xf32>
    %slice3A_1468 = vector.extract_strided_slice %select_n3A_1462 {offsets = [0, 0], sizes = [128, 126], strides = [1, 1]} : vector<128x128xf32> to vector<128x126xf32>
    %concatenate3A_1469 = tpu.concatenate %slice3A_1467, %slice3A_1468 in 1 : vector<128x2xf32>, vector<128x126xf32> -> vector<128x128xf32>
    %and3A_1470 = arith.constant 2 : i32
    %and3A_1471 = vector.broadcast %and3A_1470 : i32 to vector<128x128xi32>
    %and3A_1472 = arith.andi %iota3A_0, %and3A_1471 : vector<128x128xi32>
    %eq3A_1473 = arith.constant 0 : i32
    %eq3A_1474 = vector.broadcast %eq3A_1473 : i32 to vector<128x128xi32>
    %eq3A_1475 = arith.cmpi eq, %and3A_1472, %eq3A_1474 : vector<128x128xi32>
    %select_n3A_1476 = arith.select %eq3A_1475, %concatenate3A_1466, %concatenate3A_1469 : vector<128x128xi1>, vector<128x128xf32>
    %slice3A_1477 = vector.extract_strided_slice %select_n3A_1463 {offsets = [0, 2], sizes = [128, 126], strides = [1, 1]} : vector<128x128xi32> to vector<128x126xi32>
    %slice3A_1478 = vector.extract_strided_slice %select_n3A_1463 {offsets = [0, 0], sizes = [128, 2], strides = [1, 1]} : vector<128x128xi32> to vector<128x2xi32>
    %concatenate3A_1479 = tpu.concatenate %slice3A_1477, %slice3A_1478 in 1 : vector<128x126xi32>, vector<128x2xi32> -> vector<128x128xi32>
    %slice3A_1480 = vector.extract_strided_slice %select_n3A_1463 {offsets = [0, 126], sizes = [128, 2], strides = [1, 1]} : vector<128x128xi32> to vector<128x2xi32>
    %slice3A_1481 = vector.extract_strided_slice %select_n3A_1463 {offsets = [0, 0], sizes = [128, 126], strides = [1, 1]} : vector<128x128xi32> to vector<128x126xi32>
    %concatenate3A_1482 = tpu.concatenate %slice3A_1480, %slice3A_1481 in 1 : vector<128x2xi32>, vector<128x126xi32> -> vector<128x128xi32>
    %and3A_1483 = arith.constant 2 : i32
    %and3A_1484 = vector.broadcast %and3A_1483 : i32 to vector<128x128xi32>
    %and3A_1485 = arith.andi %iota3A_0, %and3A_1484 : vector<128x128xi32>
    %eq3A_1486 = arith.constant 0 : i32
    %eq3A_1487 = vector.broadcast %eq3A_1486 : i32 to vector<128x128xi32>
    %eq3A_1488 = arith.cmpi eq, %and3A_1485, %eq3A_1487 : vector<128x128xi32>
    %select_n3A_1489 = arith.select %eq3A_1488, %concatenate3A_1479, %concatenate3A_1482 : vector<128x128xi1>, vector<128x128xi32>
    %gt3A_1490 = arith.cmpf ogt, %select_n3A_1462, %select_n3A_1476 : vector<128x128xf32>
    %eq3A_1491 = arith.cmpf oeq, %select_n3A_1462, %select_n3A_1476 : vector<128x128xf32>
    %lt3A_1492 = arith.cmpi slt, %select_n3A_1463, %select_n3A_1489 : vector<128x128xi32>
    %and3A_1493 = arith.andi %eq3A_1491, %lt3A_1492 : vector<128x128xi1>
    %or3A_1494 = arith.ori %gt3A_1490, %and3A_1493 : vector<128x128xi1>
    %and3A_1495 = arith.constant 2 : i32
    %and3A_1496 = vector.broadcast %and3A_1495 : i32 to vector<128x128xi32>
    %and3A_1497 = arith.andi %add3A, %and3A_1496 : vector<128x128xi32>
    %ne3A_1498 = arith.constant 0 : i32
    %ne3A_1499 = vector.broadcast %ne3A_1498 : i32 to vector<128x128xi32>
    %ne3A_1500 = arith.cmpi ne, %and3A_1497, %ne3A_1499 : vector<128x128xi32>
    %ne3A_1501 = arith.xori %ne3A_1500, %eq3A_1217 : vector<128x128xi1>
    %ne3A_1502 = arith.xori %or3A_1494, %ne3A_1501 : vector<128x128xi1>
    %select_n3A_1503 = arith.select %ne3A_1502, %select_n3A_1462, %select_n3A_1476 : vector<128x128xi1>, vector<128x128xf32>
    %select_n3A_1504 = arith.select %ne3A_1502, %select_n3A_1463, %select_n3A_1489 : vector<128x128xi1>, vector<128x128xi32>
    %slice3A_1505 = vector.extract_strided_slice %select_n3A_1503 {offsets = [0, 1], sizes = [128, 127], strides = [1, 1]} : vector<128x128xf32> to vector<128x127xf32>
    %slice3A_1506 = vector.extract_strided_slice %select_n3A_1503 {offsets = [0, 0], sizes = [128, 1], strides = [1, 1]} : vector<128x128xf32> to vector<128x1xf32>
    %concatenate3A_1507 = tpu.concatenate %slice3A_1505, %slice3A_1506 in 1 : vector<128x127xf32>, vector<128x1xf32> -> vector<128x128xf32>
    %slice3A_1508 = vector.extract_strided_slice %select_n3A_1503 {offsets = [0, 127], sizes = [128, 1], strides = [1, 1]} : vector<128x128xf32> to vector<128x1xf32>
    %slice3A_1509 = vector.extract_strided_slice %select_n3A_1503 {offsets = [0, 0], sizes = [128, 127], strides = [1, 1]} : vector<128x128xf32> to vector<128x127xf32>
    %concatenate3A_1510 = tpu.concatenate %slice3A_1508, %slice3A_1509 in 1 : vector<128x1xf32>, vector<128x127xf32> -> vector<128x128xf32>
    %and3A_1511 = arith.constant 1 : i32
    %and3A_1512 = vector.broadcast %and3A_1511 : i32 to vector<128x128xi32>
    %and3A_1513 = arith.andi %iota3A_0, %and3A_1512 : vector<128x128xi32>
    %eq3A_1514 = arith.constant 0 : i32
    %eq3A_1515 = vector.broadcast %eq3A_1514 : i32 to vector<128x128xi32>
    %eq3A_1516 = arith.cmpi eq, %and3A_1513, %eq3A_1515 : vector<128x128xi32>
    %select_n3A_1517 = arith.select %eq3A_1516, %concatenate3A_1507, %concatenate3A_1510 : vector<128x128xi1>, vector<128x128xf32>
    %slice3A_1518 = vector.extract_strided_slice %select_n3A_1504 {offsets = [0, 1], sizes = [128, 127], strides = [1, 1]} : vector<128x128xi32> to vector<128x127xi32>
    %slice3A_1519 = vector.extract_strided_slice %select_n3A_1504 {offsets = [0, 0], sizes = [128, 1], strides = [1, 1]} : vector<128x128xi32> to vector<128x1xi32>
    %concatenate3A_1520 = tpu.concatenate %slice3A_1518, %slice3A_1519 in 1 : vector<128x127xi32>, vector<128x1xi32> -> vector<128x128xi32>
    %slice3A_1521 = vector.extract_strided_slice %select_n3A_1504 {offsets = [0, 127], sizes = [128, 1], strides = [1, 1]} : vector<128x128xi32> to vector<128x1xi32>
    %slice3A_1522 = vector.extract_strided_slice %select_n3A_1504 {offsets = [0, 0], sizes = [128, 127], strides = [1, 1]} : vector<128x128xi32> to vector<128x127xi32>
    %concatenate3A_1523 = tpu.concatenate %slice3A_1521, %slice3A_1522 in 1 : vector<128x1xi32>, vector<128x127xi32> -> vector<128x128xi32>
    %and3A_1524 = arith.constant 1 : i32
    %and3A_1525 = vector.broadcast %and3A_1524 : i32 to vector<128x128xi32>
    %and3A_1526 = arith.andi %iota3A_0, %and3A_1525 : vector<128x128xi32>
    %eq3A_1527 = arith.constant 0 : i32
    %eq3A_1528 = vector.broadcast %eq3A_1527 : i32 to vector<128x128xi32>
    %eq3A_1529 = arith.cmpi eq, %and3A_1526, %eq3A_1528 : vector<128x128xi32>
    %select_n3A_1530 = arith.select %eq3A_1529, %concatenate3A_1520, %concatenate3A_1523 : vector<128x128xi1>, vector<128x128xi32>
    %gt3A_1531 = arith.cmpf ogt, %select_n3A_1503, %select_n3A_1517 : vector<128x128xf32>
    %eq3A_1532 = arith.cmpf oeq, %select_n3A_1503, %select_n3A_1517 : vector<128x128xf32>
    %lt3A_1533 = arith.cmpi slt, %select_n3A_1504, %select_n3A_1530 : vector<128x128xi32>
    %and3A_1534 = arith.andi %eq3A_1532, %lt3A_1533 : vector<128x128xi1>
    %or3A_1535 = arith.ori %gt3A_1531, %and3A_1534 : vector<128x128xi1>
    %and3A_1536 = arith.constant 1 : i32
    %and3A_1537 = vector.broadcast %and3A_1536 : i32 to vector<128x128xi32>
    %and3A_1538 = arith.andi %add3A, %and3A_1537 : vector<128x128xi32>
    %ne3A_1539 = arith.constant 0 : i32
    %ne3A_1540 = vector.broadcast %ne3A_1539 : i32 to vector<128x128xi32>
    %ne3A_1541 = arith.cmpi ne, %and3A_1538, %ne3A_1540 : vector<128x128xi32>
    %ne3A_1542 = arith.xori %ne3A_1541, %eq3A_1217 : vector<128x128xi1>
    %ne3A_1543 = arith.xori %or3A_1535, %ne3A_1542 : vector<128x128xi1>
    %select_n3A_1544 = arith.select %ne3A_1543, %select_n3A_1503, %select_n3A_1517 : vector<128x128xi1>, vector<128x128xf32>
    %select_n3A_1545 = arith.select %ne3A_1543, %select_n3A_1504, %select_n3A_1530 : vector<128x128xi1>, vector<128x128xi32>
    %shift_right_arithmetic3A_1546 = arith.constant 9 : i32
    %shift_right_arithmetic3A_1547 = vector.broadcast %shift_right_arithmetic3A_1546 : i32 to vector<128x128xi32>
    %shift_right_arithmetic3A_1548 = arith.shrsi %add3A, %shift_right_arithmetic3A_1547 : vector<128x128xi32>
    %and3A_1549 = arith.constant 1 : i32
    %and3A_1550 = vector.broadcast %and3A_1549 : i32 to vector<128x128xi32>
    %and3A_1551 = arith.andi %shift_right_arithmetic3A_1548, %and3A_1550 : vector<128x128xi32>
    %eq3A_1552 = arith.constant 1 : i32
    %eq3A_1553 = vector.broadcast %eq3A_1552 : i32 to vector<128x128xi32>
    %eq3A_1554 = arith.cmpi eq, %and3A_1551, %eq3A_1553 : vector<128x128xi32>
    %slice3A_1555 = vector.extract_strided_slice %select_n3A_1544 {offsets = [2, 0], sizes = [126, 128], strides = [1, 1]} : vector<128x128xf32> to vector<126x128xf32>
    %slice3A_1556 = vector.extract_strided_slice %select_n3A_1544 {offsets = [0, 0], sizes = [2, 128], strides = [1, 1]} : vector<128x128xf32> to vector<2x128xf32>
    %concatenate3A_1557 = tpu.concatenate %slice3A_1555, %slice3A_1556 in 0 : vector<126x128xf32>, vector<2x128xf32> -> vector<128x128xf32>
    %slice3A_1558 = vector.extract_strided_slice %select_n3A_1544 {offsets = [126, 0], sizes = [2, 128], strides = [1, 1]} : vector<128x128xf32> to vector<2x128xf32>
    %slice3A_1559 = vector.extract_strided_slice %select_n3A_1544 {offsets = [0, 0], sizes = [126, 128], strides = [1, 1]} : vector<128x128xf32> to vector<126x128xf32>
    %concatenate3A_1560 = tpu.concatenate %slice3A_1558, %slice3A_1559 in 0 : vector<2x128xf32>, vector<126x128xf32> -> vector<128x128xf32>
    %and3A_1561 = arith.constant 2 : i32
    %and3A_1562 = vector.broadcast %and3A_1561 : i32 to vector<128x128xi32>
    %and3A_1563 = arith.andi %and3A_2, %and3A_1562 : vector<128x128xi32>
    %eq3A_1564 = arith.constant 0 : i32
    %eq3A_1565 = vector.broadcast %eq3A_1564 : i32 to vector<128x128xi32>
    %eq3A_1566 = arith.cmpi eq, %and3A_1563, %eq3A_1565 : vector<128x128xi32>
    %select_n3A_1567 = arith.select %eq3A_1566, %concatenate3A_1557, %concatenate3A_1560 : vector<128x128xi1>, vector<128x128xf32>
    %slice3A_1568 = vector.extract_strided_slice %select_n3A_1545 {offsets = [2, 0], sizes = [126, 128], strides = [1, 1]} : vector<128x128xi32> to vector<126x128xi32>
    %slice3A_1569 = vector.extract_strided_slice %select_n3A_1545 {offsets = [0, 0], sizes = [2, 128], strides = [1, 1]} : vector<128x128xi32> to vector<2x128xi32>
    %concatenate3A_1570 = tpu.concatenate %slice3A_1568, %slice3A_1569 in 0 : vector<126x128xi32>, vector<2x128xi32> -> vector<128x128xi32>
    %slice3A_1571 = vector.extract_strided_slice %select_n3A_1545 {offsets = [126, 0], sizes = [2, 128], strides = [1, 1]} : vector<128x128xi32> to vector<2x128xi32>
    %slice3A_1572 = vector.extract_strided_slice %select_n3A_1545 {offsets = [0, 0], sizes = [126, 128], strides = [1, 1]} : vector<128x128xi32> to vector<126x128xi32>
    %concatenate3A_1573 = tpu.concatenate %slice3A_1571, %slice3A_1572 in 0 : vector<2x128xi32>, vector<126x128xi32> -> vector<128x128xi32>
    %and3A_1574 = arith.constant 2 : i32
    %and3A_1575 = vector.broadcast %and3A_1574 : i32 to vector<128x128xi32>
    %and3A_1576 = arith.andi %and3A_2, %and3A_1575 : vector<128x128xi32>
    %eq3A_1577 = arith.constant 0 : i32
    %eq3A_1578 = vector.broadcast %eq3A_1577 : i32 to vector<128x128xi32>
    %eq3A_1579 = arith.cmpi eq, %and3A_1576, %eq3A_1578 : vector<128x128xi32>
    %select_n3A_1580 = arith.select %eq3A_1579, %concatenate3A_1570, %concatenate3A_1573 : vector<128x128xi1>, vector<128x128xi32>
    %gt3A_1581 = arith.cmpf ogt, %select_n3A_1544, %select_n3A_1567 : vector<128x128xf32>
    %eq3A_1582 = arith.cmpf oeq, %select_n3A_1544, %select_n3A_1567 : vector<128x128xf32>
    %lt3A_1583 = arith.cmpi slt, %select_n3A_1545, %select_n3A_1580 : vector<128x128xi32>
    %and3A_1584 = arith.andi %eq3A_1582, %lt3A_1583 : vector<128x128xi1>
    %or3A_1585 = arith.ori %gt3A_1581, %and3A_1584 : vector<128x128xi1>
    %and3A_1586 = arith.constant 256 : i32
    %and3A_1587 = vector.broadcast %and3A_1586 : i32 to vector<128x128xi32>
    %and3A_1588 = arith.andi %add3A, %and3A_1587 : vector<128x128xi32>
    %ne3A_1589 = arith.constant 0 : i32
    %ne3A_1590 = vector.broadcast %ne3A_1589 : i32 to vector<128x128xi32>
    %ne3A_1591 = arith.cmpi ne, %and3A_1588, %ne3A_1590 : vector<128x128xi32>
    %ne3A_1592 = arith.xori %ne3A_1591, %eq3A_1554 : vector<128x128xi1>
    %ne3A_1593 = arith.xori %or3A_1585, %ne3A_1592 : vector<128x128xi1>
    %select_n3A_1594 = arith.select %ne3A_1593, %select_n3A_1544, %select_n3A_1567 : vector<128x128xi1>, vector<128x128xf32>
    %select_n3A_1595 = arith.select %ne3A_1593, %select_n3A_1545, %select_n3A_1580 : vector<128x128xi1>, vector<128x128xi32>
    %slice3A_1596 = vector.extract_strided_slice %select_n3A_1594 {offsets = [1, 0], sizes = [127, 128], strides = [1, 1]} : vector<128x128xf32> to vector<127x128xf32>
    %slice3A_1597 = vector.extract_strided_slice %select_n3A_1594 {offsets = [0, 0], sizes = [1, 128], strides = [1, 1]} : vector<128x128xf32> to vector<1x128xf32>
    %concatenate3A_1598 = tpu.concatenate %slice3A_1596, %slice3A_1597 in 0 : vector<127x128xf32>, vector<1x128xf32> -> vector<128x128xf32>
    %slice3A_1599 = vector.extract_strided_slice %select_n3A_1594 {offsets = [127, 0], sizes = [1, 128], strides = [1, 1]} : vector<128x128xf32> to vector<1x128xf32>
    %slice3A_1600 = vector.extract_strided_slice %select_n3A_1594 {offsets = [0, 0], sizes = [127, 128], strides = [1, 1]} : vector<128x128xf32> to vector<127x128xf32>
    %concatenate3A_1601 = tpu.concatenate %slice3A_1599, %slice3A_1600 in 0 : vector<1x128xf32>, vector<127x128xf32> -> vector<128x128xf32>
    %and3A_1602 = arith.constant 1 : i32
    %and3A_1603 = vector.broadcast %and3A_1602 : i32 to vector<128x128xi32>
    %and3A_1604 = arith.andi %and3A_2, %and3A_1603 : vector<128x128xi32>
    %eq3A_1605 = arith.constant 0 : i32
    %eq3A_1606 = vector.broadcast %eq3A_1605 : i32 to vector<128x128xi32>
    %eq3A_1607 = arith.cmpi eq, %and3A_1604, %eq3A_1606 : vector<128x128xi32>
    %select_n3A_1608 = arith.select %eq3A_1607, %concatenate3A_1598, %concatenate3A_1601 : vector<128x128xi1>, vector<128x128xf32>
    %slice3A_1609 = vector.extract_strided_slice %select_n3A_1595 {offsets = [1, 0], sizes = [127, 128], strides = [1, 1]} : vector<128x128xi32> to vector<127x128xi32>
    %slice3A_1610 = vector.extract_strided_slice %select_n3A_1595 {offsets = [0, 0], sizes = [1, 128], strides = [1, 1]} : vector<128x128xi32> to vector<1x128xi32>
    %concatenate3A_1611 = tpu.concatenate %slice3A_1609, %slice3A_1610 in 0 : vector<127x128xi32>, vector<1x128xi32> -> vector<128x128xi32>
    %slice3A_1612 = vector.extract_strided_slice %select_n3A_1595 {offsets = [127, 0], sizes = [1, 128], strides = [1, 1]} : vector<128x128xi32> to vector<1x128xi32>
    %slice3A_1613 = vector.extract_strided_slice %select_n3A_1595 {offsets = [0, 0], sizes = [127, 128], strides = [1, 1]} : vector<128x128xi32> to vector<127x128xi32>
    %concatenate3A_1614 = tpu.concatenate %slice3A_1612, %slice3A_1613 in 0 : vector<1x128xi32>, vector<127x128xi32> -> vector<128x128xi32>
    %and3A_1615 = arith.constant 1 : i32
    %and3A_1616 = vector.broadcast %and3A_1615 : i32 to vector<128x128xi32>
    %and3A_1617 = arith.andi %and3A_2, %and3A_1616 : vector<128x128xi32>
    %eq3A_1618 = arith.constant 0 : i32
    %eq3A_1619 = vector.broadcast %eq3A_1618 : i32 to vector<128x128xi32>
    %eq3A_1620 = arith.cmpi eq, %and3A_1617, %eq3A_1619 : vector<128x128xi32>
    %select_n3A_1621 = arith.select %eq3A_1620, %concatenate3A_1611, %concatenate3A_1614 : vector<128x128xi1>, vector<128x128xi32>
    %gt3A_1622 = arith.cmpf ogt, %select_n3A_1594, %select_n3A_1608 : vector<128x128xf32>
    %eq3A_1623 = arith.cmpf oeq, %select_n3A_1594, %select_n3A_1608 : vector<128x128xf32>
    %lt3A_1624 = arith.cmpi slt, %select_n3A_1595, %select_n3A_1621 : vector<128x128xi32>
    %and3A_1625 = arith.andi %eq3A_1623, %lt3A_1624 : vector<128x128xi1>
    %or3A_1626 = arith.ori %gt3A_1622, %and3A_1625 : vector<128x128xi1>
    %and3A_1627 = arith.constant 128 : i32
    %and3A_1628 = vector.broadcast %and3A_1627 : i32 to vector<128x128xi32>
    %and3A_1629 = arith.andi %add3A, %and3A_1628 : vector<128x128xi32>
    %ne3A_1630 = arith.constant 0 : i32
    %ne3A_1631 = vector.broadcast %ne3A_1630 : i32 to vector<128x128xi32>
    %ne3A_1632 = arith.cmpi ne, %and3A_1629, %ne3A_1631 : vector<128x128xi32>
    %ne3A_1633 = arith.xori %ne3A_1632, %eq3A_1554 : vector<128x128xi1>
    %ne3A_1634 = arith.xori %or3A_1626, %ne3A_1633 : vector<128x128xi1>
    %select_n3A_1635 = arith.select %ne3A_1634, %select_n3A_1594, %select_n3A_1608 : vector<128x128xi1>, vector<128x128xf32>
    %select_n3A_1636 = arith.select %ne3A_1634, %select_n3A_1595, %select_n3A_1621 : vector<128x128xi1>, vector<128x128xi32>
    %slice3A_1637 = vector.extract_strided_slice %select_n3A_1635 {offsets = [0, 64], sizes = [128, 64], strides = [1, 1]} : vector<128x128xf32> to vector<128x64xf32>
    %slice3A_1638 = vector.extract_strided_slice %select_n3A_1635 {offsets = [0, 0], sizes = [128, 64], strides = [1, 1]} : vector<128x128xf32> to vector<128x64xf32>
    %concatenate3A_1639 = tpu.concatenate %slice3A_1637, %slice3A_1638 in 1 : vector<128x64xf32>, vector<128x64xf32> -> vector<128x128xf32>
    %slice3A_1640 = vector.extract_strided_slice %select_n3A_1635 {offsets = [0, 64], sizes = [128, 64], strides = [1, 1]} : vector<128x128xf32> to vector<128x64xf32>
    %slice3A_1641 = vector.extract_strided_slice %select_n3A_1635 {offsets = [0, 0], sizes = [128, 64], strides = [1, 1]} : vector<128x128xf32> to vector<128x64xf32>
    %concatenate3A_1642 = tpu.concatenate %slice3A_1640, %slice3A_1641 in 1 : vector<128x64xf32>, vector<128x64xf32> -> vector<128x128xf32>
    %and3A_1643 = arith.constant 64 : i32
    %and3A_1644 = vector.broadcast %and3A_1643 : i32 to vector<128x128xi32>
    %and3A_1645 = arith.andi %iota3A_0, %and3A_1644 : vector<128x128xi32>
    %eq3A_1646 = arith.constant 0 : i32
    %eq3A_1647 = vector.broadcast %eq3A_1646 : i32 to vector<128x128xi32>
    %eq3A_1648 = arith.cmpi eq, %and3A_1645, %eq3A_1647 : vector<128x128xi32>
    %select_n3A_1649 = arith.select %eq3A_1648, %concatenate3A_1639, %concatenate3A_1642 : vector<128x128xi1>, vector<128x128xf32>
    %slice3A_1650 = vector.extract_strided_slice %select_n3A_1636 {offsets = [0, 64], sizes = [128, 64], strides = [1, 1]} : vector<128x128xi32> to vector<128x64xi32>
    %slice3A_1651 = vector.extract_strided_slice %select_n3A_1636 {offsets = [0, 0], sizes = [128, 64], strides = [1, 1]} : vector<128x128xi32> to vector<128x64xi32>
    %concatenate3A_1652 = tpu.concatenate %slice3A_1650, %slice3A_1651 in 1 : vector<128x64xi32>, vector<128x64xi32> -> vector<128x128xi32>
    %slice3A_1653 = vector.extract_strided_slice %select_n3A_1636 {offsets = [0, 64], sizes = [128, 64], strides = [1, 1]} : vector<128x128xi32> to vector<128x64xi32>
    %slice3A_1654 = vector.extract_strided_slice %select_n3A_1636 {offsets = [0, 0], sizes = [128, 64], strides = [1, 1]} : vector<128x128xi32> to vector<128x64xi32>
    %concatenate3A_1655 = tpu.concatenate %slice3A_1653, %slice3A_1654 in 1 : vector<128x64xi32>, vector<128x64xi32> -> vector<128x128xi32>
    %and3A_1656 = arith.constant 64 : i32
    %and3A_1657 = vector.broadcast %and3A_1656 : i32 to vector<128x128xi32>
    %and3A_1658 = arith.andi %iota3A_0, %and3A_1657 : vector<128x128xi32>
    %eq3A_1659 = arith.constant 0 : i32
    %eq3A_1660 = vector.broadcast %eq3A_1659 : i32 to vector<128x128xi32>
    %eq3A_1661 = arith.cmpi eq, %and3A_1658, %eq3A_1660 : vector<128x128xi32>
    %select_n3A_1662 = arith.select %eq3A_1661, %concatenate3A_1652, %concatenate3A_1655 : vector<128x128xi1>, vector<128x128xi32>
    %gt3A_1663 = arith.cmpf ogt, %select_n3A_1635, %select_n3A_1649 : vector<128x128xf32>
    %eq3A_1664 = arith.cmpf oeq, %select_n3A_1635, %select_n3A_1649 : vector<128x128xf32>
    %lt3A_1665 = arith.cmpi slt, %select_n3A_1636, %select_n3A_1662 : vector<128x128xi32>
    %and3A_1666 = arith.andi %eq3A_1664, %lt3A_1665 : vector<128x128xi1>
    %or3A_1667 = arith.ori %gt3A_1663, %and3A_1666 : vector<128x128xi1>
    %and3A_1668 = arith.constant 64 : i32
    %and3A_1669 = vector.broadcast %and3A_1668 : i32 to vector<128x128xi32>
    %and3A_1670 = arith.andi %add3A, %and3A_1669 : vector<128x128xi32>
    %ne3A_1671 = arith.constant 0 : i32
    %ne3A_1672 = vector.broadcast %ne3A_1671 : i32 to vector<128x128xi32>
    %ne3A_1673 = arith.cmpi ne, %and3A_1670, %ne3A_1672 : vector<128x128xi32>
    %ne3A_1674 = arith.xori %ne3A_1673, %eq3A_1554 : vector<128x128xi1>
    %ne3A_1675 = arith.xori %or3A_1667, %ne3A_1674 : vector<128x128xi1>
    %select_n3A_1676 = arith.select %ne3A_1675, %select_n3A_1635, %select_n3A_1649 : vector<128x128xi1>, vector<128x128xf32>
    %select_n3A_1677 = arith.select %ne3A_1675, %select_n3A_1636, %select_n3A_1662 : vector<128x128xi1>, vector<128x128xi32>
    %slice3A_1678 = vector.extract_strided_slice %select_n3A_1676 {offsets = [0, 32], sizes = [128, 96], strides = [1, 1]} : vector<128x128xf32> to vector<128x96xf32>
    %slice3A_1679 = vector.extract_strided_slice %select_n3A_1676 {offsets = [0, 0], sizes = [128, 32], strides = [1, 1]} : vector<128x128xf32> to vector<128x32xf32>
    %concatenate3A_1680 = tpu.concatenate %slice3A_1678, %slice3A_1679 in 1 : vector<128x96xf32>, vector<128x32xf32> -> vector<128x128xf32>
    %slice3A_1681 = vector.extract_strided_slice %select_n3A_1676 {offsets = [0, 96], sizes = [128, 32], strides = [1, 1]} : vector<128x128xf32> to vector<128x32xf32>
    %slice3A_1682 = vector.extract_strided_slice %select_n3A_1676 {offsets = [0, 0], sizes = [128, 96], strides = [1, 1]} : vector<128x128xf32> to vector<128x96xf32>
    %concatenate3A_1683 = tpu.concatenate %slice3A_1681, %slice3A_1682 in 1 : vector<128x32xf32>, vector<128x96xf32> -> vector<128x128xf32>
    %and3A_1684 = arith.constant 32 : i32
    %and3A_1685 = vector.broadcast %and3A_1684 : i32 to vector<128x128xi32>
    %and3A_1686 = arith.andi %iota3A_0, %and3A_1685 : vector<128x128xi32>
    %eq3A_1687 = arith.constant 0 : i32
    %eq3A_1688 = vector.broadcast %eq3A_1687 : i32 to vector<128x128xi32>
    %eq3A_1689 = arith.cmpi eq, %and3A_1686, %eq3A_1688 : vector<128x128xi32>
    %select_n3A_1690 = arith.select %eq3A_1689, %concatenate3A_1680, %concatenate3A_1683 : vector<128x128xi1>, vector<128x128xf32>
    %slice3A_1691 = vector.extract_strided_slice %select_n3A_1677 {offsets = [0, 32], sizes = [128, 96], strides = [1, 1]} : vector<128x128xi32> to vector<128x96xi32>
    %slice3A_1692 = vector.extract_strided_slice %select_n3A_1677 {offsets = [0, 0], sizes = [128, 32], strides = [1, 1]} : vector<128x128xi32> to vector<128x32xi32>
    %concatenate3A_1693 = tpu.concatenate %slice3A_1691, %slice3A_1692 in 1 : vector<128x96xi32>, vector<128x32xi32> -> vector<128x128xi32>
    %slice3A_1694 = vector.extract_strided_slice %select_n3A_1677 {offsets = [0, 96], sizes = [128, 32], strides = [1, 1]} : vector<128x128xi32> to vector<128x32xi32>
    %slice3A_1695 = vector.extract_strided_slice %select_n3A_1677 {offsets = [0, 0], sizes = [128, 96], strides = [1, 1]} : vector<128x128xi32> to vector<128x96xi32>
    %concatenate3A_1696 = tpu.concatenate %slice3A_1694, %slice3A_1695 in 1 : vector<128x32xi32>, vector<128x96xi32> -> vector<128x128xi32>
    %and3A_1697 = arith.constant 32 : i32
    %and3A_1698 = vector.broadcast %and3A_1697 : i32 to vector<128x128xi32>
    %and3A_1699 = arith.andi %iota3A_0, %and3A_1698 : vector<128x128xi32>
    %eq3A_1700 = arith.constant 0 : i32
    %eq3A_1701 = vector.broadcast %eq3A_1700 : i32 to vector<128x128xi32>
    %eq3A_1702 = arith.cmpi eq, %and3A_1699, %eq3A_1701 : vector<128x128xi32>
    %select_n3A_1703 = arith.select %eq3A_1702, %concatenate3A_1693, %concatenate3A_1696 : vector<128x128xi1>, vector<128x128xi32>
    %gt3A_1704 = arith.cmpf ogt, %select_n3A_1676, %select_n3A_1690 : vector<128x128xf32>
    %eq3A_1705 = arith.cmpf oeq, %select_n3A_1676, %select_n3A_1690 : vector<128x128xf32>
    %lt3A_1706 = arith.cmpi slt, %select_n3A_1677, %select_n3A_1703 : vector<128x128xi32>
    %and3A_1707 = arith.andi %eq3A_1705, %lt3A_1706 : vector<128x128xi1>
    %or3A_1708 = arith.ori %gt3A_1704, %and3A_1707 : vector<128x128xi1>
    %and3A_1709 = arith.constant 32 : i32
    %and3A_1710 = vector.broadcast %and3A_1709 : i32 to vector<128x128xi32>
    %and3A_1711 = arith.andi %add3A, %and3A_1710 : vector<128x128xi32>
    %ne3A_1712 = arith.constant 0 : i32
    %ne3A_1713 = vector.broadcast %ne3A_1712 : i32 to vector<128x128xi32>
    %ne3A_1714 = arith.cmpi ne, %and3A_1711, %ne3A_1713 : vector<128x128xi32>
    %ne3A_1715 = arith.xori %ne3A_1714, %eq3A_1554 : vector<128x128xi1>
    %ne3A_1716 = arith.xori %or3A_1708, %ne3A_1715 : vector<128x128xi1>
    %select_n3A_1717 = arith.select %ne3A_1716, %select_n3A_1676, %select_n3A_1690 : vector<128x128xi1>, vector<128x128xf32>
    %select_n3A_1718 = arith.select %ne3A_1716, %select_n3A_1677, %select_n3A_1703 : vector<128x128xi1>, vector<128x128xi32>
    %slice3A_1719 = vector.extract_strided_slice %select_n3A_1717 {offsets = [0, 16], sizes = [128, 112], strides = [1, 1]} : vector<128x128xf32> to vector<128x112xf32>
    %slice3A_1720 = vector.extract_strided_slice %select_n3A_1717 {offsets = [0, 0], sizes = [128, 16], strides = [1, 1]} : vector<128x128xf32> to vector<128x16xf32>
    %concatenate3A_1721 = tpu.concatenate %slice3A_1719, %slice3A_1720 in 1 : vector<128x112xf32>, vector<128x16xf32> -> vector<128x128xf32>
    %slice3A_1722 = vector.extract_strided_slice %select_n3A_1717 {offsets = [0, 112], sizes = [128, 16], strides = [1, 1]} : vector<128x128xf32> to vector<128x16xf32>
    %slice3A_1723 = vector.extract_strided_slice %select_n3A_1717 {offsets = [0, 0], sizes = [128, 112], strides = [1, 1]} : vector<128x128xf32> to vector<128x112xf32>
    %concatenate3A_1724 = tpu.concatenate %slice3A_1722, %slice3A_1723 in 1 : vector<128x16xf32>, vector<128x112xf32> -> vector<128x128xf32>
    %and3A_1725 = arith.constant 16 : i32
    %and3A_1726 = vector.broadcast %and3A_1725 : i32 to vector<128x128xi32>
    %and3A_1727 = arith.andi %iota3A_0, %and3A_1726 : vector<128x128xi32>
    %eq3A_1728 = arith.constant 0 : i32
    %eq3A_1729 = vector.broadcast %eq3A_1728 : i32 to vector<128x128xi32>
    %eq3A_1730 = arith.cmpi eq, %and3A_1727, %eq3A_1729 : vector<128x128xi32>
    %select_n3A_1731 = arith.select %eq3A_1730, %concatenate3A_1721, %concatenate3A_1724 : vector<128x128xi1>, vector<128x128xf32>
    %slice3A_1732 = vector.extract_strided_slice %select_n3A_1718 {offsets = [0, 16], sizes = [128, 112], strides = [1, 1]} : vector<128x128xi32> to vector<128x112xi32>
    %slice3A_1733 = vector.extract_strided_slice %select_n3A_1718 {offsets = [0, 0], sizes = [128, 16], strides = [1, 1]} : vector<128x128xi32> to vector<128x16xi32>
    %concatenate3A_1734 = tpu.concatenate %slice3A_1732, %slice3A_1733 in 1 : vector<128x112xi32>, vector<128x16xi32> -> vector<128x128xi32>
    %slice3A_1735 = vector.extract_strided_slice %select_n3A_1718 {offsets = [0, 112], sizes = [128, 16], strides = [1, 1]} : vector<128x128xi32> to vector<128x16xi32>
    %slice3A_1736 = vector.extract_strided_slice %select_n3A_1718 {offsets = [0, 0], sizes = [128, 112], strides = [1, 1]} : vector<128x128xi32> to vector<128x112xi32>
    %concatenate3A_1737 = tpu.concatenate %slice3A_1735, %slice3A_1736 in 1 : vector<128x16xi32>, vector<128x112xi32> -> vector<128x128xi32>
    %and3A_1738 = arith.constant 16 : i32
    %and3A_1739 = vector.broadcast %and3A_1738 : i32 to vector<128x128xi32>
    %and3A_1740 = arith.andi %iota3A_0, %and3A_1739 : vector<128x128xi32>
    %eq3A_1741 = arith.constant 0 : i32
    %eq3A_1742 = vector.broadcast %eq3A_1741 : i32 to vector<128x128xi32>
    %eq3A_1743 = arith.cmpi eq, %and3A_1740, %eq3A_1742 : vector<128x128xi32>
    %select_n3A_1744 = arith.select %eq3A_1743, %concatenate3A_1734, %concatenate3A_1737 : vector<128x128xi1>, vector<128x128xi32>
    %gt3A_1745 = arith.cmpf ogt, %select_n3A_1717, %select_n3A_1731 : vector<128x128xf32>
    %eq3A_1746 = arith.cmpf oeq, %select_n3A_1717, %select_n3A_1731 : vector<128x128xf32>
    %lt3A_1747 = arith.cmpi slt, %select_n3A_1718, %select_n3A_1744 : vector<128x128xi32>
    %and3A_1748 = arith.andi %eq3A_1746, %lt3A_1747 : vector<128x128xi1>
    %or3A_1749 = arith.ori %gt3A_1745, %and3A_1748 : vector<128x128xi1>
    %and3A_1750 = arith.constant 16 : i32
    %and3A_1751 = vector.broadcast %and3A_1750 : i32 to vector<128x128xi32>
    %and3A_1752 = arith.andi %add3A, %and3A_1751 : vector<128x128xi32>
    %ne3A_1753 = arith.constant 0 : i32
    %ne3A_1754 = vector.broadcast %ne3A_1753 : i32 to vector<128x128xi32>
    %ne3A_1755 = arith.cmpi ne, %and3A_1752, %ne3A_1754 : vector<128x128xi32>
    %ne3A_1756 = arith.xori %ne3A_1755, %eq3A_1554 : vector<128x128xi1>
    %ne3A_1757 = arith.xori %or3A_1749, %ne3A_1756 : vector<128x128xi1>
    %select_n3A_1758 = arith.select %ne3A_1757, %select_n3A_1717, %select_n3A_1731 : vector<128x128xi1>, vector<128x128xf32>
    %select_n3A_1759 = arith.select %ne3A_1757, %select_n3A_1718, %select_n3A_1744 : vector<128x128xi1>, vector<128x128xi32>
    %slice3A_1760 = vector.extract_strided_slice %select_n3A_1758 {offsets = [0, 8], sizes = [128, 120], strides = [1, 1]} : vector<128x128xf32> to vector<128x120xf32>
    %slice3A_1761 = vector.extract_strided_slice %select_n3A_1758 {offsets = [0, 0], sizes = [128, 8], strides = [1, 1]} : vector<128x128xf32> to vector<128x8xf32>
    %concatenate3A_1762 = tpu.concatenate %slice3A_1760, %slice3A_1761 in 1 : vector<128x120xf32>, vector<128x8xf32> -> vector<128x128xf32>
    %slice3A_1763 = vector.extract_strided_slice %select_n3A_1758 {offsets = [0, 120], sizes = [128, 8], strides = [1, 1]} : vector<128x128xf32> to vector<128x8xf32>
    %slice3A_1764 = vector.extract_strided_slice %select_n3A_1758 {offsets = [0, 0], sizes = [128, 120], strides = [1, 1]} : vector<128x128xf32> to vector<128x120xf32>
    %concatenate3A_1765 = tpu.concatenate %slice3A_1763, %slice3A_1764 in 1 : vector<128x8xf32>, vector<128x120xf32> -> vector<128x128xf32>
    %and3A_1766 = arith.constant 8 : i32
    %and3A_1767 = vector.broadcast %and3A_1766 : i32 to vector<128x128xi32>
    %and3A_1768 = arith.andi %iota3A_0, %and3A_1767 : vector<128x128xi32>
    %eq3A_1769 = arith.constant 0 : i32
    %eq3A_1770 = vector.broadcast %eq3A_1769 : i32 to vector<128x128xi32>
    %eq3A_1771 = arith.cmpi eq, %and3A_1768, %eq3A_1770 : vector<128x128xi32>
    %select_n3A_1772 = arith.select %eq3A_1771, %concatenate3A_1762, %concatenate3A_1765 : vector<128x128xi1>, vector<128x128xf32>
    %slice3A_1773 = vector.extract_strided_slice %select_n3A_1759 {offsets = [0, 8], sizes = [128, 120], strides = [1, 1]} : vector<128x128xi32> to vector<128x120xi32>
    %slice3A_1774 = vector.extract_strided_slice %select_n3A_1759 {offsets = [0, 0], sizes = [128, 8], strides = [1, 1]} : vector<128x128xi32> to vector<128x8xi32>
    %concatenate3A_1775 = tpu.concatenate %slice3A_1773, %slice3A_1774 in 1 : vector<128x120xi32>, vector<128x8xi32> -> vector<128x128xi32>
    %slice3A_1776 = vector.extract_strided_slice %select_n3A_1759 {offsets = [0, 120], sizes = [128, 8], strides = [1, 1]} : vector<128x128xi32> to vector<128x8xi32>
    %slice3A_1777 = vector.extract_strided_slice %select_n3A_1759 {offsets = [0, 0], sizes = [128, 120], strides = [1, 1]} : vector<128x128xi32> to vector<128x120xi32>
    %concatenate3A_1778 = tpu.concatenate %slice3A_1776, %slice3A_1777 in 1 : vector<128x8xi32>, vector<128x120xi32> -> vector<128x128xi32>
    %and3A_1779 = arith.constant 8 : i32
    %and3A_1780 = vector.broadcast %and3A_1779 : i32 to vector<128x128xi32>
    %and3A_1781 = arith.andi %iota3A_0, %and3A_1780 : vector<128x128xi32>
    %eq3A_1782 = arith.constant 0 : i32
    %eq3A_1783 = vector.broadcast %eq3A_1782 : i32 to vector<128x128xi32>
    %eq3A_1784 = arith.cmpi eq, %and3A_1781, %eq3A_1783 : vector<128x128xi32>
    %select_n3A_1785 = arith.select %eq3A_1784, %concatenate3A_1775, %concatenate3A_1778 : vector<128x128xi1>, vector<128x128xi32>
    %gt3A_1786 = arith.cmpf ogt, %select_n3A_1758, %select_n3A_1772 : vector<128x128xf32>
    %eq3A_1787 = arith.cmpf oeq, %select_n3A_1758, %select_n3A_1772 : vector<128x128xf32>
    %lt3A_1788 = arith.cmpi slt, %select_n3A_1759, %select_n3A_1785 : vector<128x128xi32>
    %and3A_1789 = arith.andi %eq3A_1787, %lt3A_1788 : vector<128x128xi1>
    %or3A_1790 = arith.ori %gt3A_1786, %and3A_1789 : vector<128x128xi1>
    %and3A_1791 = arith.constant 8 : i32
    %and3A_1792 = vector.broadcast %and3A_1791 : i32 to vector<128x128xi32>
    %and3A_1793 = arith.andi %add3A, %and3A_1792 : vector<128x128xi32>
    %ne3A_1794 = arith.constant 0 : i32
    %ne3A_1795 = vector.broadcast %ne3A_1794 : i32 to vector<128x128xi32>
    %ne3A_1796 = arith.cmpi ne, %and3A_1793, %ne3A_1795 : vector<128x128xi32>
    %ne3A_1797 = arith.xori %ne3A_1796, %eq3A_1554 : vector<128x128xi1>
    %ne3A_1798 = arith.xori %or3A_1790, %ne3A_1797 : vector<128x128xi1>
    %select_n3A_1799 = arith.select %ne3A_1798, %select_n3A_1758, %select_n3A_1772 : vector<128x128xi1>, vector<128x128xf32>
    %select_n3A_1800 = arith.select %ne3A_1798, %select_n3A_1759, %select_n3A_1785 : vector<128x128xi1>, vector<128x128xi32>
    %slice3A_1801 = vector.extract_strided_slice %select_n3A_1799 {offsets = [0, 4], sizes = [128, 124], strides = [1, 1]} : vector<128x128xf32> to vector<128x124xf32>
    %slice3A_1802 = vector.extract_strided_slice %select_n3A_1799 {offsets = [0, 0], sizes = [128, 4], strides = [1, 1]} : vector<128x128xf32> to vector<128x4xf32>
    %concatenate3A_1803 = tpu.concatenate %slice3A_1801, %slice3A_1802 in 1 : vector<128x124xf32>, vector<128x4xf32> -> vector<128x128xf32>
    %slice3A_1804 = vector.extract_strided_slice %select_n3A_1799 {offsets = [0, 124], sizes = [128, 4], strides = [1, 1]} : vector<128x128xf32> to vector<128x4xf32>
    %slice3A_1805 = vector.extract_strided_slice %select_n3A_1799 {offsets = [0, 0], sizes = [128, 124], strides = [1, 1]} : vector<128x128xf32> to vector<128x124xf32>
    %concatenate3A_1806 = tpu.concatenate %slice3A_1804, %slice3A_1805 in 1 : vector<128x4xf32>, vector<128x124xf32> -> vector<128x128xf32>
    %and3A_1807 = arith.constant 4 : i32
    %and3A_1808 = vector.broadcast %and3A_1807 : i32 to vector<128x128xi32>
    %and3A_1809 = arith.andi %iota3A_0, %and3A_1808 : vector<128x128xi32>
    %eq3A_1810 = arith.constant 0 : i32
    %eq3A_1811 = vector.broadcast %eq3A_1810 : i32 to vector<128x128xi32>
    %eq3A_1812 = arith.cmpi eq, %and3A_1809, %eq3A_1811 : vector<128x128xi32>
    %select_n3A_1813 = arith.select %eq3A_1812, %concatenate3A_1803, %concatenate3A_1806 : vector<128x128xi1>, vector<128x128xf32>
    %slice3A_1814 = vector.extract_strided_slice %select_n3A_1800 {offsets = [0, 4], sizes = [128, 124], strides = [1, 1]} : vector<128x128xi32> to vector<128x124xi32>
    %slice3A_1815 = vector.extract_strided_slice %select_n3A_1800 {offsets = [0, 0], sizes = [128, 4], strides = [1, 1]} : vector<128x128xi32> to vector<128x4xi32>
    %concatenate3A_1816 = tpu.concatenate %slice3A_1814, %slice3A_1815 in 1 : vector<128x124xi32>, vector<128x4xi32> -> vector<128x128xi32>
    %slice3A_1817 = vector.extract_strided_slice %select_n3A_1800 {offsets = [0, 124], sizes = [128, 4], strides = [1, 1]} : vector<128x128xi32> to vector<128x4xi32>
    %slice3A_1818 = vector.extract_strided_slice %select_n3A_1800 {offsets = [0, 0], sizes = [128, 124], strides = [1, 1]} : vector<128x128xi32> to vector<128x124xi32>
    %concatenate3A_1819 = tpu.concatenate %slice3A_1817, %slice3A_1818 in 1 : vector<128x4xi32>, vector<128x124xi32> -> vector<128x128xi32>
    %and3A_1820 = arith.constant 4 : i32
    %and3A_1821 = vector.broadcast %and3A_1820 : i32 to vector<128x128xi32>
    %and3A_1822 = arith.andi %iota3A_0, %and3A_1821 : vector<128x128xi32>
    %eq3A_1823 = arith.constant 0 : i32
    %eq3A_1824 = vector.broadcast %eq3A_1823 : i32 to vector<128x128xi32>
    %eq3A_1825 = arith.cmpi eq, %and3A_1822, %eq3A_1824 : vector<128x128xi32>
    %select_n3A_1826 = arith.select %eq3A_1825, %concatenate3A_1816, %concatenate3A_1819 : vector<128x128xi1>, vector<128x128xi32>
    %gt3A_1827 = arith.cmpf ogt, %select_n3A_1799, %select_n3A_1813 : vector<128x128xf32>
    %eq3A_1828 = arith.cmpf oeq, %select_n3A_1799, %select_n3A_1813 : vector<128x128xf32>
    %lt3A_1829 = arith.cmpi slt, %select_n3A_1800, %select_n3A_1826 : vector<128x128xi32>
    %and3A_1830 = arith.andi %eq3A_1828, %lt3A_1829 : vector<128x128xi1>
    %or3A_1831 = arith.ori %gt3A_1827, %and3A_1830 : vector<128x128xi1>
    %and3A_1832 = arith.constant 4 : i32
    %and3A_1833 = vector.broadcast %and3A_1832 : i32 to vector<128x128xi32>
    %and3A_1834 = arith.andi %add3A, %and3A_1833 : vector<128x128xi32>
    %ne3A_1835 = arith.constant 0 : i32
    %ne3A_1836 = vector.broadcast %ne3A_1835 : i32 to vector<128x128xi32>
    %ne3A_1837 = arith.cmpi ne, %and3A_1834, %ne3A_1836 : vector<128x128xi32>
    %ne3A_1838 = arith.xori %ne3A_1837, %eq3A_1554 : vector<128x128xi1>
    %ne3A_1839 = arith.xori %or3A_1831, %ne3A_1838 : vector<128x128xi1>
    %select_n3A_1840 = arith.select %ne3A_1839, %select_n3A_1799, %select_n3A_1813 : vector<128x128xi1>, vector<128x128xf32>
    %select_n3A_1841 = arith.select %ne3A_1839, %select_n3A_1800, %select_n3A_1826 : vector<128x128xi1>, vector<128x128xi32>
    %slice3A_1842 = vector.extract_strided_slice %select_n3A_1840 {offsets = [0, 2], sizes = [128, 126], strides = [1, 1]} : vector<128x128xf32> to vector<128x126xf32>
    %slice3A_1843 = vector.extract_strided_slice %select_n3A_1840 {offsets = [0, 0], sizes = [128, 2], strides = [1, 1]} : vector<128x128xf32> to vector<128x2xf32>
    %concatenate3A_1844 = tpu.concatenate %slice3A_1842, %slice3A_1843 in 1 : vector<128x126xf32>, vector<128x2xf32> -> vector<128x128xf32>
    %slice3A_1845 = vector.extract_strided_slice %select_n3A_1840 {offsets = [0, 126], sizes = [128, 2], strides = [1, 1]} : vector<128x128xf32> to vector<128x2xf32>
    %slice3A_1846 = vector.extract_strided_slice %select_n3A_1840 {offsets = [0, 0], sizes = [128, 126], strides = [1, 1]} : vector<128x128xf32> to vector<128x126xf32>
    %concatenate3A_1847 = tpu.concatenate %slice3A_1845, %slice3A_1846 in 1 : vector<128x2xf32>, vector<128x126xf32> -> vector<128x128xf32>
    %and3A_1848 = arith.constant 2 : i32
    %and3A_1849 = vector.broadcast %and3A_1848 : i32 to vector<128x128xi32>
    %and3A_1850 = arith.andi %iota3A_0, %and3A_1849 : vector<128x128xi32>
    %eq3A_1851 = arith.constant 0 : i32
    %eq3A_1852 = vector.broadcast %eq3A_1851 : i32 to vector<128x128xi32>
    %eq3A_1853 = arith.cmpi eq, %and3A_1850, %eq3A_1852 : vector<128x128xi32>
    %select_n3A_1854 = arith.select %eq3A_1853, %concatenate3A_1844, %concatenate3A_1847 : vector<128x128xi1>, vector<128x128xf32>
    %slice3A_1855 = vector.extract_strided_slice %select_n3A_1841 {offsets = [0, 2], sizes = [128, 126], strides = [1, 1]} : vector<128x128xi32> to vector<128x126xi32>
    %slice3A_1856 = vector.extract_strided_slice %select_n3A_1841 {offsets = [0, 0], sizes = [128, 2], strides = [1, 1]} : vector<128x128xi32> to vector<128x2xi32>
    %concatenate3A_1857 = tpu.concatenate %slice3A_1855, %slice3A_1856 in 1 : vector<128x126xi32>, vector<128x2xi32> -> vector<128x128xi32>
    %slice3A_1858 = vector.extract_strided_slice %select_n3A_1841 {offsets = [0, 126], sizes = [128, 2], strides = [1, 1]} : vector<128x128xi32> to vector<128x2xi32>
    %slice3A_1859 = vector.extract_strided_slice %select_n3A_1841 {offsets = [0, 0], sizes = [128, 126], strides = [1, 1]} : vector<128x128xi32> to vector<128x126xi32>
    %concatenate3A_1860 = tpu.concatenate %slice3A_1858, %slice3A_1859 in 1 : vector<128x2xi32>, vector<128x126xi32> -> vector<128x128xi32>
    %and3A_1861 = arith.constant 2 : i32
    %and3A_1862 = vector.broadcast %and3A_1861 : i32 to vector<128x128xi32>
    %and3A_1863 = arith.andi %iota3A_0, %and3A_1862 : vector<128x128xi32>
    %eq3A_1864 = arith.constant 0 : i32
    %eq3A_1865 = vector.broadcast %eq3A_1864 : i32 to vector<128x128xi32>
    %eq3A_1866 = arith.cmpi eq, %and3A_1863, %eq3A_1865 : vector<128x128xi32>
    %select_n3A_1867 = arith.select %eq3A_1866, %concatenate3A_1857, %concatenate3A_1860 : vector<128x128xi1>, vector<128x128xi32>
    %gt3A_1868 = arith.cmpf ogt, %select_n3A_1840, %select_n3A_1854 : vector<128x128xf32>
    %eq3A_1869 = arith.cmpf oeq, %select_n3A_1840, %select_n3A_1854 : vector<128x128xf32>
    %lt3A_1870 = arith.cmpi slt, %select_n3A_1841, %select_n3A_1867 : vector<128x128xi32>
    %and3A_1871 = arith.andi %eq3A_1869, %lt3A_1870 : vector<128x128xi1>
    %or3A_1872 = arith.ori %gt3A_1868, %and3A_1871 : vector<128x128xi1>
    %and3A_1873 = arith.constant 2 : i32
    %and3A_1874 = vector.broadcast %and3A_1873 : i32 to vector<128x128xi32>
    %and3A_1875 = arith.andi %add3A, %and3A_1874 : vector<128x128xi32>
    %ne3A_1876 = arith.constant 0 : i32
    %ne3A_1877 = vector.broadcast %ne3A_1876 : i32 to vector<128x128xi32>
    %ne3A_1878 = arith.cmpi ne, %and3A_1875, %ne3A_1877 : vector<128x128xi32>
    %ne3A_1879 = arith.xori %ne3A_1878, %eq3A_1554 : vector<128x128xi1>
    %ne3A_1880 = arith.xori %or3A_1872, %ne3A_1879 : vector<128x128xi1>
    %select_n3A_1881 = arith.select %ne3A_1880, %select_n3A_1840, %select_n3A_1854 : vector<128x128xi1>, vector<128x128xf32>
    %select_n3A_1882 = arith.select %ne3A_1880, %select_n3A_1841, %select_n3A_1867 : vector<128x128xi1>, vector<128x128xi32>
    %slice3A_1883 = vector.extract_strided_slice %select_n3A_1881 {offsets = [0, 1], sizes = [128, 127], strides = [1, 1]} : vector<128x128xf32> to vector<128x127xf32>
    %slice3A_1884 = vector.extract_strided_slice %select_n3A_1881 {offsets = [0, 0], sizes = [128, 1], strides = [1, 1]} : vector<128x128xf32> to vector<128x1xf32>
    %concatenate3A_1885 = tpu.concatenate %slice3A_1883, %slice3A_1884 in 1 : vector<128x127xf32>, vector<128x1xf32> -> vector<128x128xf32>
    %slice3A_1886 = vector.extract_strided_slice %select_n3A_1881 {offsets = [0, 127], sizes = [128, 1], strides = [1, 1]} : vector<128x128xf32> to vector<128x1xf32>
    %slice3A_1887 = vector.extract_strided_slice %select_n3A_1881 {offsets = [0, 0], sizes = [128, 127], strides = [1, 1]} : vector<128x128xf32> to vector<128x127xf32>
    %concatenate3A_1888 = tpu.concatenate %slice3A_1886, %slice3A_1887 in 1 : vector<128x1xf32>, vector<128x127xf32> -> vector<128x128xf32>
    %and3A_1889 = arith.constant 1 : i32
    %and3A_1890 = vector.broadcast %and3A_1889 : i32 to vector<128x128xi32>
    %and3A_1891 = arith.andi %iota3A_0, %and3A_1890 : vector<128x128xi32>
    %eq3A_1892 = arith.constant 0 : i32
    %eq3A_1893 = vector.broadcast %eq3A_1892 : i32 to vector<128x128xi32>
    %eq3A_1894 = arith.cmpi eq, %and3A_1891, %eq3A_1893 : vector<128x128xi32>
    %select_n3A_1895 = arith.select %eq3A_1894, %concatenate3A_1885, %concatenate3A_1888 : vector<128x128xi1>, vector<128x128xf32>
    %slice3A_1896 = vector.extract_strided_slice %select_n3A_1882 {offsets = [0, 1], sizes = [128, 127], strides = [1, 1]} : vector<128x128xi32> to vector<128x127xi32>
    %slice3A_1897 = vector.extract_strided_slice %select_n3A_1882 {offsets = [0, 0], sizes = [128, 1], strides = [1, 1]} : vector<128x128xi32> to vector<128x1xi32>
    %concatenate3A_1898 = tpu.concatenate %slice3A_1896, %slice3A_1897 in 1 : vector<128x127xi32>, vector<128x1xi32> -> vector<128x128xi32>
    %slice3A_1899 = vector.extract_strided_slice %select_n3A_1882 {offsets = [0, 127], sizes = [128, 1], strides = [1, 1]} : vector<128x128xi32> to vector<128x1xi32>
    %slice3A_1900 = vector.extract_strided_slice %select_n3A_1882 {offsets = [0, 0], sizes = [128, 127], strides = [1, 1]} : vector<128x128xi32> to vector<128x127xi32>
    %concatenate3A_1901 = tpu.concatenate %slice3A_1899, %slice3A_1900 in 1 : vector<128x1xi32>, vector<128x127xi32> -> vector<128x128xi32>
    %and3A_1902 = arith.constant 1 : i32
    %and3A_1903 = vector.broadcast %and3A_1902 : i32 to vector<128x128xi32>
    %and3A_1904 = arith.andi %iota3A_0, %and3A_1903 : vector<128x128xi32>
    %eq3A_1905 = arith.constant 0 : i32
    %eq3A_1906 = vector.broadcast %eq3A_1905 : i32 to vector<128x128xi32>
    %eq3A_1907 = arith.cmpi eq, %and3A_1904, %eq3A_1906 : vector<128x128xi32>
    %select_n3A_1908 = arith.select %eq3A_1907, %concatenate3A_1898, %concatenate3A_1901 : vector<128x128xi1>, vector<128x128xi32>
    %gt3A_1909 = arith.cmpf ogt, %select_n3A_1881, %select_n3A_1895 : vector<128x128xf32>
    %eq3A_1910 = arith.cmpf oeq, %select_n3A_1881, %select_n3A_1895 : vector<128x128xf32>
    %lt3A_1911 = arith.cmpi slt, %select_n3A_1882, %select_n3A_1908 : vector<128x128xi32>
    %and3A_1912 = arith.andi %eq3A_1910, %lt3A_1911 : vector<128x128xi1>
    %or3A_1913 = arith.ori %gt3A_1909, %and3A_1912 : vector<128x128xi1>
    %and3A_1914 = arith.constant 1 : i32
    %and3A_1915 = vector.broadcast %and3A_1914 : i32 to vector<128x128xi32>
    %and3A_1916 = arith.andi %add3A, %and3A_1915 : vector<128x128xi32>
    %ne3A_1917 = arith.constant 0 : i32
    %ne3A_1918 = vector.broadcast %ne3A_1917 : i32 to vector<128x128xi32>
    %ne3A_1919 = arith.cmpi ne, %and3A_1916, %ne3A_1918 : vector<128x128xi32>
    %ne3A_1920 = arith.xori %ne3A_1919, %eq3A_1554 : vector<128x128xi1>
    %ne3A_1921 = arith.xori %or3A_1913, %ne3A_1920 : vector<128x128xi1>
    %select_n3A_1922 = arith.select %ne3A_1921, %select_n3A_1881, %select_n3A_1895 : vector<128x128xi1>, vector<128x128xf32>
    %select_n3A_1923 = arith.select %ne3A_1921, %select_n3A_1882, %select_n3A_1908 : vector<128x128xi1>, vector<128x128xi32>
    %shift_right_arithmetic3A_1924 = arith.constant 10 : i32
    %shift_right_arithmetic3A_1925 = vector.broadcast %shift_right_arithmetic3A_1924 : i32 to vector<128x128xi32>
    %shift_right_arithmetic3A_1926 = arith.shrsi %add3A, %shift_right_arithmetic3A_1925 : vector<128x128xi32>
    %and3A_1927 = arith.constant 1 : i32
    %and3A_1928 = vector.broadcast %and3A_1927 : i32 to vector<128x128xi32>
    %and3A_1929 = arith.andi %shift_right_arithmetic3A_1926, %and3A_1928 : vector<128x128xi32>
    %eq3A_1930 = arith.constant 1 : i32
    %eq3A_1931 = vector.broadcast %eq3A_1930 : i32 to vector<128x128xi32>
    %eq3A_1932 = arith.cmpi eq, %and3A_1929, %eq3A_1931 : vector<128x128xi32>
    %slice3A_1933 = vector.extract_strided_slice %select_n3A_1922 {offsets = [4, 0], sizes = [124, 128], strides = [1, 1]} : vector<128x128xf32> to vector<124x128xf32>
    %slice3A_1934 = vector.extract_strided_slice %select_n3A_1922 {offsets = [0, 0], sizes = [4, 128], strides = [1, 1]} : vector<128x128xf32> to vector<4x128xf32>
    %concatenate3A_1935 = tpu.concatenate %slice3A_1933, %slice3A_1934 in 0 : vector<124x128xf32>, vector<4x128xf32> -> vector<128x128xf32>
    %slice3A_1936 = vector.extract_strided_slice %select_n3A_1922 {offsets = [124, 0], sizes = [4, 128], strides = [1, 1]} : vector<128x128xf32> to vector<4x128xf32>
    %slice3A_1937 = vector.extract_strided_slice %select_n3A_1922 {offsets = [0, 0], sizes = [124, 128], strides = [1, 1]} : vector<128x128xf32> to vector<124x128xf32>
    %concatenate3A_1938 = tpu.concatenate %slice3A_1936, %slice3A_1937 in 0 : vector<4x128xf32>, vector<124x128xf32> -> vector<128x128xf32>
    %and3A_1939 = arith.constant 4 : i32
    %and3A_1940 = vector.broadcast %and3A_1939 : i32 to vector<128x128xi32>
    %and3A_1941 = arith.andi %and3A_2, %and3A_1940 : vector<128x128xi32>
    %eq3A_1942 = arith.constant 0 : i32
    %eq3A_1943 = vector.broadcast %eq3A_1942 : i32 to vector<128x128xi32>
    %eq3A_1944 = arith.cmpi eq, %and3A_1941, %eq3A_1943 : vector<128x128xi32>
    %select_n3A_1945 = arith.select %eq3A_1944, %concatenate3A_1935, %concatenate3A_1938 : vector<128x128xi1>, vector<128x128xf32>
    %slice3A_1946 = vector.extract_strided_slice %select_n3A_1923 {offsets = [4, 0], sizes = [124, 128], strides = [1, 1]} : vector<128x128xi32> to vector<124x128xi32>
    %slice3A_1947 = vector.extract_strided_slice %select_n3A_1923 {offsets = [0, 0], sizes = [4, 128], strides = [1, 1]} : vector<128x128xi32> to vector<4x128xi32>
    %concatenate3A_1948 = tpu.concatenate %slice3A_1946, %slice3A_1947 in 0 : vector<124x128xi32>, vector<4x128xi32> -> vector<128x128xi32>
    %slice3A_1949 = vector.extract_strided_slice %select_n3A_1923 {offsets = [124, 0], sizes = [4, 128], strides = [1, 1]} : vector<128x128xi32> to vector<4x128xi32>
    %slice3A_1950 = vector.extract_strided_slice %select_n3A_1923 {offsets = [0, 0], sizes = [124, 128], strides = [1, 1]} : vector<128x128xi32> to vector<124x128xi32>
    %concatenate3A_1951 = tpu.concatenate %slice3A_1949, %slice3A_1950 in 0 : vector<4x128xi32>, vector<124x128xi32> -> vector<128x128xi32>
    %and3A_1952 = arith.constant 4 : i32
    %and3A_1953 = vector.broadcast %and3A_1952 : i32 to vector<128x128xi32>
    %and3A_1954 = arith.andi %and3A_2, %and3A_1953 : vector<128x128xi32>
    %eq3A_1955 = arith.constant 0 : i32
    %eq3A_1956 = vector.broadcast %eq3A_1955 : i32 to vector<128x128xi32>
    %eq3A_1957 = arith.cmpi eq, %and3A_1954, %eq3A_1956 : vector<128x128xi32>
    %select_n3A_1958 = arith.select %eq3A_1957, %concatenate3A_1948, %concatenate3A_1951 : vector<128x128xi1>, vector<128x128xi32>
    %gt3A_1959 = arith.cmpf ogt, %select_n3A_1922, %select_n3A_1945 : vector<128x128xf32>
    %eq3A_1960 = arith.cmpf oeq, %select_n3A_1922, %select_n3A_1945 : vector<128x128xf32>
    %lt3A_1961 = arith.cmpi slt, %select_n3A_1923, %select_n3A_1958 : vector<128x128xi32>
    %and3A_1962 = arith.andi %eq3A_1960, %lt3A_1961 : vector<128x128xi1>
    %or3A_1963 = arith.ori %gt3A_1959, %and3A_1962 : vector<128x128xi1>
    %and3A_1964 = arith.constant 512 : i32
    %and3A_1965 = vector.broadcast %and3A_1964 : i32 to vector<128x128xi32>
    %and3A_1966 = arith.andi %add3A, %and3A_1965 : vector<128x128xi32>
    %ne3A_1967 = arith.constant 0 : i32
    %ne3A_1968 = vector.broadcast %ne3A_1967 : i32 to vector<128x128xi32>
    %ne3A_1969 = arith.cmpi ne, %and3A_1966, %ne3A_1968 : vector<128x128xi32>
    %ne3A_1970 = arith.xori %ne3A_1969, %eq3A_1932 : vector<128x128xi1>
    %ne3A_1971 = arith.xori %or3A_1963, %ne3A_1970 : vector<128x128xi1>
    %select_n3A_1972 = arith.select %ne3A_1971, %select_n3A_1922, %select_n3A_1945 : vector<128x128xi1>, vector<128x128xf32>
    %select_n3A_1973 = arith.select %ne3A_1971, %select_n3A_1923, %select_n3A_1958 : vector<128x128xi1>, vector<128x128xi32>
    %slice3A_1974 = vector.extract_strided_slice %select_n3A_1972 {offsets = [2, 0], sizes = [126, 128], strides = [1, 1]} : vector<128x128xf32> to vector<126x128xf32>
    %slice3A_1975 = vector.extract_strided_slice %select_n3A_1972 {offsets = [0, 0], sizes = [2, 128], strides = [1, 1]} : vector<128x128xf32> to vector<2x128xf32>
    %concatenate3A_1976 = tpu.concatenate %slice3A_1974, %slice3A_1975 in 0 : vector<126x128xf32>, vector<2x128xf32> -> vector<128x128xf32>
    %slice3A_1977 = vector.extract_strided_slice %select_n3A_1972 {offsets = [126, 0], sizes = [2, 128], strides = [1, 1]} : vector<128x128xf32> to vector<2x128xf32>
    %slice3A_1978 = vector.extract_strided_slice %select_n3A_1972 {offsets = [0, 0], sizes = [126, 128], strides = [1, 1]} : vector<128x128xf32> to vector<126x128xf32>
    %concatenate3A_1979 = tpu.concatenate %slice3A_1977, %slice3A_1978 in 0 : vector<2x128xf32>, vector<126x128xf32> -> vector<128x128xf32>
    %and3A_1980 = arith.constant 2 : i32
    %and3A_1981 = vector.broadcast %and3A_1980 : i32 to vector<128x128xi32>
    %and3A_1982 = arith.andi %and3A_2, %and3A_1981 : vector<128x128xi32>
    %eq3A_1983 = arith.constant 0 : i32
    %eq3A_1984 = vector.broadcast %eq3A_1983 : i32 to vector<128x128xi32>
    %eq3A_1985 = arith.cmpi eq, %and3A_1982, %eq3A_1984 : vector<128x128xi32>
    %select_n3A_1986 = arith.select %eq3A_1985, %concatenate3A_1976, %concatenate3A_1979 : vector<128x128xi1>, vector<128x128xf32>
    %slice3A_1987 = vector.extract_strided_slice %select_n3A_1973 {offsets = [2, 0], sizes = [126, 128], strides = [1, 1]} : vector<128x128xi32> to vector<126x128xi32>
    %slice3A_1988 = vector.extract_strided_slice %select_n3A_1973 {offsets = [0, 0], sizes = [2, 128], strides = [1, 1]} : vector<128x128xi32> to vector<2x128xi32>
    %concatenate3A_1989 = tpu.concatenate %slice3A_1987, %slice3A_1988 in 0 : vector<126x128xi32>, vector<2x128xi32> -> vector<128x128xi32>
    %slice3A_1990 = vector.extract_strided_slice %select_n3A_1973 {offsets = [126, 0], sizes = [2, 128], strides = [1, 1]} : vector<128x128xi32> to vector<2x128xi32>
    %slice3A_1991 = vector.extract_strided_slice %select_n3A_1973 {offsets = [0, 0], sizes = [126, 128], strides = [1, 1]} : vector<128x128xi32> to vector<126x128xi32>
    %concatenate3A_1992 = tpu.concatenate %slice3A_1990, %slice3A_1991 in 0 : vector<2x128xi32>, vector<126x128xi32> -> vector<128x128xi32>
    %and3A_1993 = arith.constant 2 : i32
    %and3A_1994 = vector.broadcast %and3A_1993 : i32 to vector<128x128xi32>
    %and3A_1995 = arith.andi %and3A_2, %and3A_1994 : vector<128x128xi32>
    %eq3A_1996 = arith.constant 0 : i32
    %eq3A_1997 = vector.broadcast %eq3A_1996 : i32 to vector<128x128xi32>
    %eq3A_1998 = arith.cmpi eq, %and3A_1995, %eq3A_1997 : vector<128x128xi32>
    %select_n3A_1999 = arith.select %eq3A_1998, %concatenate3A_1989, %concatenate3A_1992 : vector<128x128xi1>, vector<128x128xi32>
    %gt3A_2000 = arith.cmpf ogt, %select_n3A_1972, %select_n3A_1986 : vector<128x128xf32>
    %eq3A_2001 = arith.cmpf oeq, %select_n3A_1972, %select_n3A_1986 : vector<128x128xf32>
    %lt3A_2002 = arith.cmpi slt, %select_n3A_1973, %select_n3A_1999 : vector<128x128xi32>
    %and3A_2003 = arith.andi %eq3A_2001, %lt3A_2002 : vector<128x128xi1>
    %or3A_2004 = arith.ori %gt3A_2000, %and3A_2003 : vector<128x128xi1>
    %and3A_2005 = arith.constant 256 : i32
    %and3A_2006 = vector.broadcast %and3A_2005 : i32 to vector<128x128xi32>
    %and3A_2007 = arith.andi %add3A, %and3A_2006 : vector<128x128xi32>
    %ne3A_2008 = arith.constant 0 : i32
    %ne3A_2009 = vector.broadcast %ne3A_2008 : i32 to vector<128x128xi32>
    %ne3A_2010 = arith.cmpi ne, %and3A_2007, %ne3A_2009 : vector<128x128xi32>
    %ne3A_2011 = arith.xori %ne3A_2010, %eq3A_1932 : vector<128x128xi1>
    %ne3A_2012 = arith.xori %or3A_2004, %ne3A_2011 : vector<128x128xi1>
    %select_n3A_2013 = arith.select %ne3A_2012, %select_n3A_1972, %select_n3A_1986 : vector<128x128xi1>, vector<128x128xf32>
    %select_n3A_2014 = arith.select %ne3A_2012, %select_n3A_1973, %select_n3A_1999 : vector<128x128xi1>, vector<128x128xi32>
    %slice3A_2015 = vector.extract_strided_slice %select_n3A_2013 {offsets = [1, 0], sizes = [127, 128], strides = [1, 1]} : vector<128x128xf32> to vector<127x128xf32>
    %slice3A_2016 = vector.extract_strided_slice %select_n3A_2013 {offsets = [0, 0], sizes = [1, 128], strides = [1, 1]} : vector<128x128xf32> to vector<1x128xf32>
    %concatenate3A_2017 = tpu.concatenate %slice3A_2015, %slice3A_2016 in 0 : vector<127x128xf32>, vector<1x128xf32> -> vector<128x128xf32>
    %slice3A_2018 = vector.extract_strided_slice %select_n3A_2013 {offsets = [127, 0], sizes = [1, 128], strides = [1, 1]} : vector<128x128xf32> to vector<1x128xf32>
    %slice3A_2019 = vector.extract_strided_slice %select_n3A_2013 {offsets = [0, 0], sizes = [127, 128], strides = [1, 1]} : vector<128x128xf32> to vector<127x128xf32>
    %concatenate3A_2020 = tpu.concatenate %slice3A_2018, %slice3A_2019 in 0 : vector<1x128xf32>, vector<127x128xf32> -> vector<128x128xf32>
    %and3A_2021 = arith.constant 1 : i32
    %and3A_2022 = vector.broadcast %and3A_2021 : i32 to vector<128x128xi32>
    %and3A_2023 = arith.andi %and3A_2, %and3A_2022 : vector<128x128xi32>
    %eq3A_2024 = arith.constant 0 : i32
    %eq3A_2025 = vector.broadcast %eq3A_2024 : i32 to vector<128x128xi32>
    %eq3A_2026 = arith.cmpi eq, %and3A_2023, %eq3A_2025 : vector<128x128xi32>
    %select_n3A_2027 = arith.select %eq3A_2026, %concatenate3A_2017, %concatenate3A_2020 : vector<128x128xi1>, vector<128x128xf32>
    %slice3A_2028 = vector.extract_strided_slice %select_n3A_2014 {offsets = [1, 0], sizes = [127, 128], strides = [1, 1]} : vector<128x128xi32> to vector<127x128xi32>
    %slice3A_2029 = vector.extract_strided_slice %select_n3A_2014 {offsets = [0, 0], sizes = [1, 128], strides = [1, 1]} : vector<128x128xi32> to vector<1x128xi32>
    %concatenate3A_2030 = tpu.concatenate %slice3A_2028, %slice3A_2029 in 0 : vector<127x128xi32>, vector<1x128xi32> -> vector<128x128xi32>
    %slice3A_2031 = vector.extract_strided_slice %select_n3A_2014 {offsets = [127, 0], sizes = [1, 128], strides = [1, 1]} : vector<128x128xi32> to vector<1x128xi32>
    %slice3A_2032 = vector.extract_strided_slice %select_n3A_2014 {offsets = [0, 0], sizes = [127, 128], strides = [1, 1]} : vector<128x128xi32> to vector<127x128xi32>
    %concatenate3A_2033 = tpu.concatenate %slice3A_2031, %slice3A_2032 in 0 : vector<1x128xi32>, vector<127x128xi32> -> vector<128x128xi32>
    %and3A_2034 = arith.constant 1 : i32
    %and3A_2035 = vector.broadcast %and3A_2034 : i32 to vector<128x128xi32>
    %and3A_2036 = arith.andi %and3A_2, %and3A_2035 : vector<128x128xi32>
    %eq3A_2037 = arith.constant 0 : i32
    %eq3A_2038 = vector.broadcast %eq3A_2037 : i32 to vector<128x128xi32>
    %eq3A_2039 = arith.cmpi eq, %and3A_2036, %eq3A_2038 : vector<128x128xi32>
    %select_n3A_2040 = arith.select %eq3A_2039, %concatenate3A_2030, %concatenate3A_2033 : vector<128x128xi1>, vector<128x128xi32>
    %gt3A_2041 = arith.cmpf ogt, %select_n3A_2013, %select_n3A_2027 : vector<128x128xf32>
    %eq3A_2042 = arith.cmpf oeq, %select_n3A_2013, %select_n3A_2027 : vector<128x128xf32>
    %lt3A_2043 = arith.cmpi slt, %select_n3A_2014, %select_n3A_2040 : vector<128x128xi32>
    %and3A_2044 = arith.andi %eq3A_2042, %lt3A_2043 : vector<128x128xi1>
    %or3A_2045 = arith.ori %gt3A_2041, %and3A_2044 : vector<128x128xi1>
    %and3A_2046 = arith.constant 128 : i32
    %and3A_2047 = vector.broadcast %and3A_2046 : i32 to vector<128x128xi32>
    %and3A_2048 = arith.andi %add3A, %and3A_2047 : vector<128x128xi32>
    %ne3A_2049 = arith.constant 0 : i32
    %ne3A_2050 = vector.broadcast %ne3A_2049 : i32 to vector<128x128xi32>
    %ne3A_2051 = arith.cmpi ne, %and3A_2048, %ne3A_2050 : vector<128x128xi32>
    %ne3A_2052 = arith.xori %ne3A_2051, %eq3A_1932 : vector<128x128xi1>
    %ne3A_2053 = arith.xori %or3A_2045, %ne3A_2052 : vector<128x128xi1>
    %select_n3A_2054 = arith.select %ne3A_2053, %select_n3A_2013, %select_n3A_2027 : vector<128x128xi1>, vector<128x128xf32>
    %select_n3A_2055 = arith.select %ne3A_2053, %select_n3A_2014, %select_n3A_2040 : vector<128x128xi1>, vector<128x128xi32>
    %slice3A_2056 = vector.extract_strided_slice %select_n3A_2054 {offsets = [0, 64], sizes = [128, 64], strides = [1, 1]} : vector<128x128xf32> to vector<128x64xf32>
    %slice3A_2057 = vector.extract_strided_slice %select_n3A_2054 {offsets = [0, 0], sizes = [128, 64], strides = [1, 1]} : vector<128x128xf32> to vector<128x64xf32>
    %concatenate3A_2058 = tpu.concatenate %slice3A_2056, %slice3A_2057 in 1 : vector<128x64xf32>, vector<128x64xf32> -> vector<128x128xf32>
    %slice3A_2059 = vector.extract_strided_slice %select_n3A_2054 {offsets = [0, 64], sizes = [128, 64], strides = [1, 1]} : vector<128x128xf32> to vector<128x64xf32>
    %slice3A_2060 = vector.extract_strided_slice %select_n3A_2054 {offsets = [0, 0], sizes = [128, 64], strides = [1, 1]} : vector<128x128xf32> to vector<128x64xf32>
    %concatenate3A_2061 = tpu.concatenate %slice3A_2059, %slice3A_2060 in 1 : vector<128x64xf32>, vector<128x64xf32> -> vector<128x128xf32>
    %and3A_2062 = arith.constant 64 : i32
    %and3A_2063 = vector.broadcast %and3A_2062 : i32 to vector<128x128xi32>
    %and3A_2064 = arith.andi %iota3A_0, %and3A_2063 : vector<128x128xi32>
    %eq3A_2065 = arith.constant 0 : i32
    %eq3A_2066 = vector.broadcast %eq3A_2065 : i32 to vector<128x128xi32>
    %eq3A_2067 = arith.cmpi eq, %and3A_2064, %eq3A_2066 : vector<128x128xi32>
    %select_n3A_2068 = arith.select %eq3A_2067, %concatenate3A_2058, %concatenate3A_2061 : vector<128x128xi1>, vector<128x128xf32>
    %slice3A_2069 = vector.extract_strided_slice %select_n3A_2055 {offsets = [0, 64], sizes = [128, 64], strides = [1, 1]} : vector<128x128xi32> to vector<128x64xi32>
    %slice3A_2070 = vector.extract_strided_slice %select_n3A_2055 {offsets = [0, 0], sizes = [128, 64], strides = [1, 1]} : vector<128x128xi32> to vector<128x64xi32>
    %concatenate3A_2071 = tpu.concatenate %slice3A_2069, %slice3A_2070 in 1 : vector<128x64xi32>, vector<128x64xi32> -> vector<128x128xi32>
    %slice3A_2072 = vector.extract_strided_slice %select_n3A_2055 {offsets = [0, 64], sizes = [128, 64], strides = [1, 1]} : vector<128x128xi32> to vector<128x64xi32>
    %slice3A_2073 = vector.extract_strided_slice %select_n3A_2055 {offsets = [0, 0], sizes = [128, 64], strides = [1, 1]} : vector<128x128xi32> to vector<128x64xi32>
    %concatenate3A_2074 = tpu.concatenate %slice3A_2072, %slice3A_2073 in 1 : vector<128x64xi32>, vector<128x64xi32> -> vector<128x128xi32>
    %and3A_2075 = arith.constant 64 : i32
    %and3A_2076 = vector.broadcast %and3A_2075 : i32 to vector<128x128xi32>
    %and3A_2077 = arith.andi %iota3A_0, %and3A_2076 : vector<128x128xi32>
    %eq3A_2078 = arith.constant 0 : i32
    %eq3A_2079 = vector.broadcast %eq3A_2078 : i32 to vector<128x128xi32>
    %eq3A_2080 = arith.cmpi eq, %and3A_2077, %eq3A_2079 : vector<128x128xi32>
    %select_n3A_2081 = arith.select %eq3A_2080, %concatenate3A_2071, %concatenate3A_2074 : vector<128x128xi1>, vector<128x128xi32>
    %gt3A_2082 = arith.cmpf ogt, %select_n3A_2054, %select_n3A_2068 : vector<128x128xf32>
    %eq3A_2083 = arith.cmpf oeq, %select_n3A_2054, %select_n3A_2068 : vector<128x128xf32>
    %lt3A_2084 = arith.cmpi slt, %select_n3A_2055, %select_n3A_2081 : vector<128x128xi32>
    %and3A_2085 = arith.andi %eq3A_2083, %lt3A_2084 : vector<128x128xi1>
    %or3A_2086 = arith.ori %gt3A_2082, %and3A_2085 : vector<128x128xi1>
    %and3A_2087 = arith.constant 64 : i32
    %and3A_2088 = vector.broadcast %and3A_2087 : i32 to vector<128x128xi32>
    %and3A_2089 = arith.andi %add3A, %and3A_2088 : vector<128x128xi32>
    %ne3A_2090 = arith.constant 0 : i32
    %ne3A_2091 = vector.broadcast %ne3A_2090 : i32 to vector<128x128xi32>
    %ne3A_2092 = arith.cmpi ne, %and3A_2089, %ne3A_2091 : vector<128x128xi32>
    %ne3A_2093 = arith.xori %ne3A_2092, %eq3A_1932 : vector<128x128xi1>
    %ne3A_2094 = arith.xori %or3A_2086, %ne3A_2093 : vector<128x128xi1>
    %select_n3A_2095 = arith.select %ne3A_2094, %select_n3A_2054, %select_n3A_2068 : vector<128x128xi1>, vector<128x128xf32>
    %select_n3A_2096 = arith.select %ne3A_2094, %select_n3A_2055, %select_n3A_2081 : vector<128x128xi1>, vector<128x128xi32>
    %slice3A_2097 = vector.extract_strided_slice %select_n3A_2095 {offsets = [0, 32], sizes = [128, 96], strides = [1, 1]} : vector<128x128xf32> to vector<128x96xf32>
    %slice3A_2098 = vector.extract_strided_slice %select_n3A_2095 {offsets = [0, 0], sizes = [128, 32], strides = [1, 1]} : vector<128x128xf32> to vector<128x32xf32>
    %concatenate3A_2099 = tpu.concatenate %slice3A_2097, %slice3A_2098 in 1 : vector<128x96xf32>, vector<128x32xf32> -> vector<128x128xf32>
    %slice3A_2100 = vector.extract_strided_slice %select_n3A_2095 {offsets = [0, 96], sizes = [128, 32], strides = [1, 1]} : vector<128x128xf32> to vector<128x32xf32>
    %slice3A_2101 = vector.extract_strided_slice %select_n3A_2095 {offsets = [0, 0], sizes = [128, 96], strides = [1, 1]} : vector<128x128xf32> to vector<128x96xf32>
    %concatenate3A_2102 = tpu.concatenate %slice3A_2100, %slice3A_2101 in 1 : vector<128x32xf32>, vector<128x96xf32> -> vector<128x128xf32>
    %and3A_2103 = arith.constant 32 : i32
    %and3A_2104 = vector.broadcast %and3A_2103 : i32 to vector<128x128xi32>
    %and3A_2105 = arith.andi %iota3A_0, %and3A_2104 : vector<128x128xi32>
    %eq3A_2106 = arith.constant 0 : i32
    %eq3A_2107 = vector.broadcast %eq3A_2106 : i32 to vector<128x128xi32>
    %eq3A_2108 = arith.cmpi eq, %and3A_2105, %eq3A_2107 : vector<128x128xi32>
    %select_n3A_2109 = arith.select %eq3A_2108, %concatenate3A_2099, %concatenate3A_2102 : vector<128x128xi1>, vector<128x128xf32>
    %slice3A_2110 = vector.extract_strided_slice %select_n3A_2096 {offsets = [0, 32], sizes = [128, 96], strides = [1, 1]} : vector<128x128xi32> to vector<128x96xi32>
    %slice3A_2111 = vector.extract_strided_slice %select_n3A_2096 {offsets = [0, 0], sizes = [128, 32], strides = [1, 1]} : vector<128x128xi32> to vector<128x32xi32>
    %concatenate3A_2112 = tpu.concatenate %slice3A_2110, %slice3A_2111 in 1 : vector<128x96xi32>, vector<128x32xi32> -> vector<128x128xi32>
    %slice3A_2113 = vector.extract_strided_slice %select_n3A_2096 {offsets = [0, 96], sizes = [128, 32], strides = [1, 1]} : vector<128x128xi32> to vector<128x32xi32>
    %slice3A_2114 = vector.extract_strided_slice %select_n3A_2096 {offsets = [0, 0], sizes = [128, 96], strides = [1, 1]} : vector<128x128xi32> to vector<128x96xi32>
    %concatenate3A_2115 = tpu.concatenate %slice3A_2113, %slice3A_2114 in 1 : vector<128x32xi32>, vector<128x96xi32> -> vector<128x128xi32>
    %and3A_2116 = arith.constant 32 : i32
    %and3A_2117 = vector.broadcast %and3A_2116 : i32 to vector<128x128xi32>
    %and3A_2118 = arith.andi %iota3A_0, %and3A_2117 : vector<128x128xi32>
    %eq3A_2119 = arith.constant 0 : i32
    %eq3A_2120 = vector.broadcast %eq3A_2119 : i32 to vector<128x128xi32>
    %eq3A_2121 = arith.cmpi eq, %and3A_2118, %eq3A_2120 : vector<128x128xi32>
    %select_n3A_2122 = arith.select %eq3A_2121, %concatenate3A_2112, %concatenate3A_2115 : vector<128x128xi1>, vector<128x128xi32>
    %gt3A_2123 = arith.cmpf ogt, %select_n3A_2095, %select_n3A_2109 : vector<128x128xf32>
    %eq3A_2124 = arith.cmpf oeq, %select_n3A_2095, %select_n3A_2109 : vector<128x128xf32>
    %lt3A_2125 = arith.cmpi slt, %select_n3A_2096, %select_n3A_2122 : vector<128x128xi32>
    %and3A_2126 = arith.andi %eq3A_2124, %lt3A_2125 : vector<128x128xi1>
    %or3A_2127 = arith.ori %gt3A_2123, %and3A_2126 : vector<128x128xi1>
    %and3A_2128 = arith.constant 32 : i32
    %and3A_2129 = vector.broadcast %and3A_2128 : i32 to vector<128x128xi32>
    %and3A_2130 = arith.andi %add3A, %and3A_2129 : vector<128x128xi32>
    %ne3A_2131 = arith.constant 0 : i32
    %ne3A_2132 = vector.broadcast %ne3A_2131 : i32 to vector<128x128xi32>
    %ne3A_2133 = arith.cmpi ne, %and3A_2130, %ne3A_2132 : vector<128x128xi32>
    %ne3A_2134 = arith.xori %ne3A_2133, %eq3A_1932 : vector<128x128xi1>
    %ne3A_2135 = arith.xori %or3A_2127, %ne3A_2134 : vector<128x128xi1>
    %select_n3A_2136 = arith.select %ne3A_2135, %select_n3A_2095, %select_n3A_2109 : vector<128x128xi1>, vector<128x128xf32>
    %select_n3A_2137 = arith.select %ne3A_2135, %select_n3A_2096, %select_n3A_2122 : vector<128x128xi1>, vector<128x128xi32>
    %slice3A_2138 = vector.extract_strided_slice %select_n3A_2136 {offsets = [0, 16], sizes = [128, 112], strides = [1, 1]} : vector<128x128xf32> to vector<128x112xf32>
    %slice3A_2139 = vector.extract_strided_slice %select_n3A_2136 {offsets = [0, 0], sizes = [128, 16], strides = [1, 1]} : vector<128x128xf32> to vector<128x16xf32>
    %concatenate3A_2140 = tpu.concatenate %slice3A_2138, %slice3A_2139 in 1 : vector<128x112xf32>, vector<128x16xf32> -> vector<128x128xf32>
    %slice3A_2141 = vector.extract_strided_slice %select_n3A_2136 {offsets = [0, 112], sizes = [128, 16], strides = [1, 1]} : vector<128x128xf32> to vector<128x16xf32>
    %slice3A_2142 = vector.extract_strided_slice %select_n3A_2136 {offsets = [0, 0], sizes = [128, 112], strides = [1, 1]} : vector<128x128xf32> to vector<128x112xf32>
    %concatenate3A_2143 = tpu.concatenate %slice3A_2141, %slice3A_2142 in 1 : vector<128x16xf32>, vector<128x112xf32> -> vector<128x128xf32>
    %and3A_2144 = arith.constant 16 : i32
    %and3A_2145 = vector.broadcast %and3A_2144 : i32 to vector<128x128xi32>
    %and3A_2146 = arith.andi %iota3A_0, %and3A_2145 : vector<128x128xi32>
    %eq3A_2147 = arith.constant 0 : i32
    %eq3A_2148 = vector.broadcast %eq3A_2147 : i32 to vector<128x128xi32>
    %eq3A_2149 = arith.cmpi eq, %and3A_2146, %eq3A_2148 : vector<128x128xi32>
    %select_n3A_2150 = arith.select %eq3A_2149, %concatenate3A_2140, %concatenate3A_2143 : vector<128x128xi1>, vector<128x128xf32>
    %slice3A_2151 = vector.extract_strided_slice %select_n3A_2137 {offsets = [0, 16], sizes = [128, 112], strides = [1, 1]} : vector<128x128xi32> to vector<128x112xi32>
    %slice3A_2152 = vector.extract_strided_slice %select_n3A_2137 {offsets = [0, 0], sizes = [128, 16], strides = [1, 1]} : vector<128x128xi32> to vector<128x16xi32>
    %concatenate3A_2153 = tpu.concatenate %slice3A_2151, %slice3A_2152 in 1 : vector<128x112xi32>, vector<128x16xi32> -> vector<128x128xi32>
    %slice3A_2154 = vector.extract_strided_slice %select_n3A_2137 {offsets = [0, 112], sizes = [128, 16], strides = [1, 1]} : vector<128x128xi32> to vector<128x16xi32>
    %slice3A_2155 = vector.extract_strided_slice %select_n3A_2137 {offsets = [0, 0], sizes = [128, 112], strides = [1, 1]} : vector<128x128xi32> to vector<128x112xi32>
    %concatenate3A_2156 = tpu.concatenate %slice3A_2154, %slice3A_2155 in 1 : vector<128x16xi32>, vector<128x112xi32> -> vector<128x128xi32>
    %and3A_2157 = arith.constant 16 : i32
    %and3A_2158 = vector.broadcast %and3A_2157 : i32 to vector<128x128xi32>
    %and3A_2159 = arith.andi %iota3A_0, %and3A_2158 : vector<128x128xi32>
    %eq3A_2160 = arith.constant 0 : i32
    %eq3A_2161 = vector.broadcast %eq3A_2160 : i32 to vector<128x128xi32>
    %eq3A_2162 = arith.cmpi eq, %and3A_2159, %eq3A_2161 : vector<128x128xi32>
    %select_n3A_2163 = arith.select %eq3A_2162, %concatenate3A_2153, %concatenate3A_2156 : vector<128x128xi1>, vector<128x128xi32>
    %gt3A_2164 = arith.cmpf ogt, %select_n3A_2136, %select_n3A_2150 : vector<128x128xf32>
    %eq3A_2165 = arith.cmpf oeq, %select_n3A_2136, %select_n3A_2150 : vector<128x128xf32>
    %lt3A_2166 = arith.cmpi slt, %select_n3A_2137, %select_n3A_2163 : vector<128x128xi32>
    %and3A_2167 = arith.andi %eq3A_2165, %lt3A_2166 : vector<128x128xi1>
    %or3A_2168 = arith.ori %gt3A_2164, %and3A_2167 : vector<128x128xi1>
    %and3A_2169 = arith.constant 16 : i32
    %and3A_2170 = vector.broadcast %and3A_2169 : i32 to vector<128x128xi32>
    %and3A_2171 = arith.andi %add3A, %and3A_2170 : vector<128x128xi32>
    %ne3A_2172 = arith.constant 0 : i32
    %ne3A_2173 = vector.broadcast %ne3A_2172 : i32 to vector<128x128xi32>
    %ne3A_2174 = arith.cmpi ne, %and3A_2171, %ne3A_2173 : vector<128x128xi32>
    %ne3A_2175 = arith.xori %ne3A_2174, %eq3A_1932 : vector<128x128xi1>
    %ne3A_2176 = arith.xori %or3A_2168, %ne3A_2175 : vector<128x128xi1>
    %select_n3A_2177 = arith.select %ne3A_2176, %select_n3A_2136, %select_n3A_2150 : vector<128x128xi1>, vector<128x128xf32>
    %select_n3A_2178 = arith.select %ne3A_2176, %select_n3A_2137, %select_n3A_2163 : vector<128x128xi1>, vector<128x128xi32>
    %slice3A_2179 = vector.extract_strided_slice %select_n3A_2177 {offsets = [0, 8], sizes = [128, 120], strides = [1, 1]} : vector<128x128xf32> to vector<128x120xf32>
    %slice3A_2180 = vector.extract_strided_slice %select_n3A_2177 {offsets = [0, 0], sizes = [128, 8], strides = [1, 1]} : vector<128x128xf32> to vector<128x8xf32>
    %concatenate3A_2181 = tpu.concatenate %slice3A_2179, %slice3A_2180 in 1 : vector<128x120xf32>, vector<128x8xf32> -> vector<128x128xf32>
    %slice3A_2182 = vector.extract_strided_slice %select_n3A_2177 {offsets = [0, 120], sizes = [128, 8], strides = [1, 1]} : vector<128x128xf32> to vector<128x8xf32>
    %slice3A_2183 = vector.extract_strided_slice %select_n3A_2177 {offsets = [0, 0], sizes = [128, 120], strides = [1, 1]} : vector<128x128xf32> to vector<128x120xf32>
    %concatenate3A_2184 = tpu.concatenate %slice3A_2182, %slice3A_2183 in 1 : vector<128x8xf32>, vector<128x120xf32> -> vector<128x128xf32>
    %and3A_2185 = arith.constant 8 : i32
    %and3A_2186 = vector.broadcast %and3A_2185 : i32 to vector<128x128xi32>
    %and3A_2187 = arith.andi %iota3A_0, %and3A_2186 : vector<128x128xi32>
    %eq3A_2188 = arith.constant 0 : i32
    %eq3A_2189 = vector.broadcast %eq3A_2188 : i32 to vector<128x128xi32>
    %eq3A_2190 = arith.cmpi eq, %and3A_2187, %eq3A_2189 : vector<128x128xi32>
    %select_n3A_2191 = arith.select %eq3A_2190, %concatenate3A_2181, %concatenate3A_2184 : vector<128x128xi1>, vector<128x128xf32>
    %slice3A_2192 = vector.extract_strided_slice %select_n3A_2178 {offsets = [0, 8], sizes = [128, 120], strides = [1, 1]} : vector<128x128xi32> to vector<128x120xi32>
    %slice3A_2193 = vector.extract_strided_slice %select_n3A_2178 {offsets = [0, 0], sizes = [128, 8], strides = [1, 1]} : vector<128x128xi32> to vector<128x8xi32>
    %concatenate3A_2194 = tpu.concatenate %slice3A_2192, %slice3A_2193 in 1 : vector<128x120xi32>, vector<128x8xi32> -> vector<128x128xi32>
    %slice3A_2195 = vector.extract_strided_slice %select_n3A_2178 {offsets = [0, 120], sizes = [128, 8], strides = [1, 1]} : vector<128x128xi32> to vector<128x8xi32>
    %slice3A_2196 = vector.extract_strided_slice %select_n3A_2178 {offsets = [0, 0], sizes = [128, 120], strides = [1, 1]} : vector<128x128xi32> to vector<128x120xi32>
    %concatenate3A_2197 = tpu.concatenate %slice3A_2195, %slice3A_2196 in 1 : vector<128x8xi32>, vector<128x120xi32> -> vector<128x128xi32>
    %and3A_2198 = arith.constant 8 : i32
    %and3A_2199 = vector.broadcast %and3A_2198 : i32 to vector<128x128xi32>
    %and3A_2200 = arith.andi %iota3A_0, %and3A_2199 : vector<128x128xi32>
    %eq3A_2201 = arith.constant 0 : i32
    %eq3A_2202 = vector.broadcast %eq3A_2201 : i32 to vector<128x128xi32>
    %eq3A_2203 = arith.cmpi eq, %and3A_2200, %eq3A_2202 : vector<128x128xi32>
    %select_n3A_2204 = arith.select %eq3A_2203, %concatenate3A_2194, %concatenate3A_2197 : vector<128x128xi1>, vector<128x128xi32>
    %gt3A_2205 = arith.cmpf ogt, %select_n3A_2177, %select_n3A_2191 : vector<128x128xf32>
    %eq3A_2206 = arith.cmpf oeq, %select_n3A_2177, %select_n3A_2191 : vector<128x128xf32>
    %lt3A_2207 = arith.cmpi slt, %select_n3A_2178, %select_n3A_2204 : vector<128x128xi32>
    %and3A_2208 = arith.andi %eq3A_2206, %lt3A_2207 : vector<128x128xi1>
    %or3A_2209 = arith.ori %gt3A_2205, %and3A_2208 : vector<128x128xi1>
    %and3A_2210 = arith.constant 8 : i32
    %and3A_2211 = vector.broadcast %and3A_2210 : i32 to vector<128x128xi32>
    %and3A_2212 = arith.andi %add3A, %and3A_2211 : vector<128x128xi32>
    %ne3A_2213 = arith.constant 0 : i32
    %ne3A_2214 = vector.broadcast %ne3A_2213 : i32 to vector<128x128xi32>
    %ne3A_2215 = arith.cmpi ne, %and3A_2212, %ne3A_2214 : vector<128x128xi32>
    %ne3A_2216 = arith.xori %ne3A_2215, %eq3A_1932 : vector<128x128xi1>
    %ne3A_2217 = arith.xori %or3A_2209, %ne3A_2216 : vector<128x128xi1>
    %select_n3A_2218 = arith.select %ne3A_2217, %select_n3A_2177, %select_n3A_2191 : vector<128x128xi1>, vector<128x128xf32>
    %select_n3A_2219 = arith.select %ne3A_2217, %select_n3A_2178, %select_n3A_2204 : vector<128x128xi1>, vector<128x128xi32>
    %slice3A_2220 = vector.extract_strided_slice %select_n3A_2218 {offsets = [0, 4], sizes = [128, 124], strides = [1, 1]} : vector<128x128xf32> to vector<128x124xf32>
    %slice3A_2221 = vector.extract_strided_slice %select_n3A_2218 {offsets = [0, 0], sizes = [128, 4], strides = [1, 1]} : vector<128x128xf32> to vector<128x4xf32>
    %concatenate3A_2222 = tpu.concatenate %slice3A_2220, %slice3A_2221 in 1 : vector<128x124xf32>, vector<128x4xf32> -> vector<128x128xf32>
    %slice3A_2223 = vector.extract_strided_slice %select_n3A_2218 {offsets = [0, 124], sizes = [128, 4], strides = [1, 1]} : vector<128x128xf32> to vector<128x4xf32>
    %slice3A_2224 = vector.extract_strided_slice %select_n3A_2218 {offsets = [0, 0], sizes = [128, 124], strides = [1, 1]} : vector<128x128xf32> to vector<128x124xf32>
    %concatenate3A_2225 = tpu.concatenate %slice3A_2223, %slice3A_2224 in 1 : vector<128x4xf32>, vector<128x124xf32> -> vector<128x128xf32>
    %and3A_2226 = arith.constant 4 : i32
    %and3A_2227 = vector.broadcast %and3A_2226 : i32 to vector<128x128xi32>
    %and3A_2228 = arith.andi %iota3A_0, %and3A_2227 : vector<128x128xi32>
    %eq3A_2229 = arith.constant 0 : i32
    %eq3A_2230 = vector.broadcast %eq3A_2229 : i32 to vector<128x128xi32>
    %eq3A_2231 = arith.cmpi eq, %and3A_2228, %eq3A_2230 : vector<128x128xi32>
    %select_n3A_2232 = arith.select %eq3A_2231, %concatenate3A_2222, %concatenate3A_2225 : vector<128x128xi1>, vector<128x128xf32>
    %slice3A_2233 = vector.extract_strided_slice %select_n3A_2219 {offsets = [0, 4], sizes = [128, 124], strides = [1, 1]} : vector<128x128xi32> to vector<128x124xi32>
    %slice3A_2234 = vector.extract_strided_slice %select_n3A_2219 {offsets = [0, 0], sizes = [128, 4], strides = [1, 1]} : vector<128x128xi32> to vector<128x4xi32>
    %concatenate3A_2235 = tpu.concatenate %slice3A_2233, %slice3A_2234 in 1 : vector<128x124xi32>, vector<128x4xi32> -> vector<128x128xi32>
    %slice3A_2236 = vector.extract_strided_slice %select_n3A_2219 {offsets = [0, 124], sizes = [128, 4], strides = [1, 1]} : vector<128x128xi32> to vector<128x4xi32>
    %slice3A_2237 = vector.extract_strided_slice %select_n3A_2219 {offsets = [0, 0], sizes = [128, 124], strides = [1, 1]} : vector<128x128xi32> to vector<128x124xi32>
    %concatenate3A_2238 = tpu.concatenate %slice3A_2236, %slice3A_2237 in 1 : vector<128x4xi32>, vector<128x124xi32> -> vector<128x128xi32>
    %and3A_2239 = arith.constant 4 : i32
    %and3A_2240 = vector.broadcast %and3A_2239 : i32 to vector<128x128xi32>
    %and3A_2241 = arith.andi %iota3A_0, %and3A_2240 : vector<128x128xi32>
    %eq3A_2242 = arith.constant 0 : i32
    %eq3A_2243 = vector.broadcast %eq3A_2242 : i32 to vector<128x128xi32>
    %eq3A_2244 = arith.cmpi eq, %and3A_2241, %eq3A_2243 : vector<128x128xi32>
    %select_n3A_2245 = arith.select %eq3A_2244, %concatenate3A_2235, %concatenate3A_2238 : vector<128x128xi1>, vector<128x128xi32>
    %gt3A_2246 = arith.cmpf ogt, %select_n3A_2218, %select_n3A_2232 : vector<128x128xf32>
    %eq3A_2247 = arith.cmpf oeq, %select_n3A_2218, %select_n3A_2232 : vector<128x128xf32>
    %lt3A_2248 = arith.cmpi slt, %select_n3A_2219, %select_n3A_2245 : vector<128x128xi32>
    %and3A_2249 = arith.andi %eq3A_2247, %lt3A_2248 : vector<128x128xi1>
    %or3A_2250 = arith.ori %gt3A_2246, %and3A_2249 : vector<128x128xi1>
    %and3A_2251 = arith.constant 4 : i32
    %and3A_2252 = vector.broadcast %and3A_2251 : i32 to vector<128x128xi32>
    %and3A_2253 = arith.andi %add3A, %and3A_2252 : vector<128x128xi32>
    %ne3A_2254 = arith.constant 0 : i32
    %ne3A_2255 = vector.broadcast %ne3A_2254 : i32 to vector<128x128xi32>
    %ne3A_2256 = arith.cmpi ne, %and3A_2253, %ne3A_2255 : vector<128x128xi32>
    %ne3A_2257 = arith.xori %ne3A_2256, %eq3A_1932 : vector<128x128xi1>
    %ne3A_2258 = arith.xori %or3A_2250, %ne3A_2257 : vector<128x128xi1>
    %select_n3A_2259 = arith.select %ne3A_2258, %select_n3A_2218, %select_n3A_2232 : vector<128x128xi1>, vector<128x128xf32>
    %select_n3A_2260 = arith.select %ne3A_2258, %select_n3A_2219, %select_n3A_2245 : vector<128x128xi1>, vector<128x128xi32>
    %slice3A_2261 = vector.extract_strided_slice %select_n3A_2259 {offsets = [0, 2], sizes = [128, 126], strides = [1, 1]} : vector<128x128xf32> to vector<128x126xf32>
    %slice3A_2262 = vector.extract_strided_slice %select_n3A_2259 {offsets = [0, 0], sizes = [128, 2], strides = [1, 1]} : vector<128x128xf32> to vector<128x2xf32>
    %concatenate3A_2263 = tpu.concatenate %slice3A_2261, %slice3A_2262 in 1 : vector<128x126xf32>, vector<128x2xf32> -> vector<128x128xf32>
    %slice3A_2264 = vector.extract_strided_slice %select_n3A_2259 {offsets = [0, 126], sizes = [128, 2], strides = [1, 1]} : vector<128x128xf32> to vector<128x2xf32>
    %slice3A_2265 = vector.extract_strided_slice %select_n3A_2259 {offsets = [0, 0], sizes = [128, 126], strides = [1, 1]} : vector<128x128xf32> to vector<128x126xf32>
    %concatenate3A_2266 = tpu.concatenate %slice3A_2264, %slice3A_2265 in 1 : vector<128x2xf32>, vector<128x126xf32> -> vector<128x128xf32>
    %and3A_2267 = arith.constant 2 : i32
    %and3A_2268 = vector.broadcast %and3A_2267 : i32 to vector<128x128xi32>
    %and3A_2269 = arith.andi %iota3A_0, %and3A_2268 : vector<128x128xi32>
    %eq3A_2270 = arith.constant 0 : i32
    %eq3A_2271 = vector.broadcast %eq3A_2270 : i32 to vector<128x128xi32>
    %eq3A_2272 = arith.cmpi eq, %and3A_2269, %eq3A_2271 : vector<128x128xi32>
    %select_n3A_2273 = arith.select %eq3A_2272, %concatenate3A_2263, %concatenate3A_2266 : vector<128x128xi1>, vector<128x128xf32>
    %slice3A_2274 = vector.extract_strided_slice %select_n3A_2260 {offsets = [0, 2], sizes = [128, 126], strides = [1, 1]} : vector<128x128xi32> to vector<128x126xi32>
    %slice3A_2275 = vector.extract_strided_slice %select_n3A_2260 {offsets = [0, 0], sizes = [128, 2], strides = [1, 1]} : vector<128x128xi32> to vector<128x2xi32>
    %concatenate3A_2276 = tpu.concatenate %slice3A_2274, %slice3A_2275 in 1 : vector<128x126xi32>, vector<128x2xi32> -> vector<128x128xi32>
    %slice3A_2277 = vector.extract_strided_slice %select_n3A_2260 {offsets = [0, 126], sizes = [128, 2], strides = [1, 1]} : vector<128x128xi32> to vector<128x2xi32>
    %slice3A_2278 = vector.extract_strided_slice %select_n3A_2260 {offsets = [0, 0], sizes = [128, 126], strides = [1, 1]} : vector<128x128xi32> to vector<128x126xi32>
    %concatenate3A_2279 = tpu.concatenate %slice3A_2277, %slice3A_2278 in 1 : vector<128x2xi32>, vector<128x126xi32> -> vector<128x128xi32>
    %and3A_2280 = arith.constant 2 : i32
    %and3A_2281 = vector.broadcast %and3A_2280 : i32 to vector<128x128xi32>
    %and3A_2282 = arith.andi %iota3A_0, %and3A_2281 : vector<128x128xi32>
    %eq3A_2283 = arith.constant 0 : i32
    %eq3A_2284 = vector.broadcast %eq3A_2283 : i32 to vector<128x128xi32>
    %eq3A_2285 = arith.cmpi eq, %and3A_2282, %eq3A_2284 : vector<128x128xi32>
    %select_n3A_2286 = arith.select %eq3A_2285, %concatenate3A_2276, %concatenate3A_2279 : vector<128x128xi1>, vector<128x128xi32>
    %gt3A_2287 = arith.cmpf ogt, %select_n3A_2259, %select_n3A_2273 : vector<128x128xf32>
    %eq3A_2288 = arith.cmpf oeq, %select_n3A_2259, %select_n3A_2273 : vector<128x128xf32>
    %lt3A_2289 = arith.cmpi slt, %select_n3A_2260, %select_n3A_2286 : vector<128x128xi32>
    %and3A_2290 = arith.andi %eq3A_2288, %lt3A_2289 : vector<128x128xi1>
    %or3A_2291 = arith.ori %gt3A_2287, %and3A_2290 : vector<128x128xi1>
    %and3A_2292 = arith.constant 2 : i32
    %and3A_2293 = vector.broadcast %and3A_2292 : i32 to vector<128x128xi32>
    %and3A_2294 = arith.andi %add3A, %and3A_2293 : vector<128x128xi32>
    %ne3A_2295 = arith.constant 0 : i32
    %ne3A_2296 = vector.broadcast %ne3A_2295 : i32 to vector<128x128xi32>
    %ne3A_2297 = arith.cmpi ne, %and3A_2294, %ne3A_2296 : vector<128x128xi32>
    %ne3A_2298 = arith.xori %ne3A_2297, %eq3A_1932 : vector<128x128xi1>
    %ne3A_2299 = arith.xori %or3A_2291, %ne3A_2298 : vector<128x128xi1>
    %select_n3A_2300 = arith.select %ne3A_2299, %select_n3A_2259, %select_n3A_2273 : vector<128x128xi1>, vector<128x128xf32>
    %select_n3A_2301 = arith.select %ne3A_2299, %select_n3A_2260, %select_n3A_2286 : vector<128x128xi1>, vector<128x128xi32>
    %slice3A_2302 = vector.extract_strided_slice %select_n3A_2300 {offsets = [0, 1], sizes = [128, 127], strides = [1, 1]} : vector<128x128xf32> to vector<128x127xf32>
    %slice3A_2303 = vector.extract_strided_slice %select_n3A_2300 {offsets = [0, 0], sizes = [128, 1], strides = [1, 1]} : vector<128x128xf32> to vector<128x1xf32>
    %concatenate3A_2304 = tpu.concatenate %slice3A_2302, %slice3A_2303 in 1 : vector<128x127xf32>, vector<128x1xf32> -> vector<128x128xf32>
    %slice3A_2305 = vector.extract_strided_slice %select_n3A_2300 {offsets = [0, 127], sizes = [128, 1], strides = [1, 1]} : vector<128x128xf32> to vector<128x1xf32>
    %slice3A_2306 = vector.extract_strided_slice %select_n3A_2300 {offsets = [0, 0], sizes = [128, 127], strides = [1, 1]} : vector<128x128xf32> to vector<128x127xf32>
    %concatenate3A_2307 = tpu.concatenate %slice3A_2305, %slice3A_2306 in 1 : vector<128x1xf32>, vector<128x127xf32> -> vector<128x128xf32>
    %and3A_2308 = arith.constant 1 : i32
    %and3A_2309 = vector.broadcast %and3A_2308 : i32 to vector<128x128xi32>
    %and3A_2310 = arith.andi %iota3A_0, %and3A_2309 : vector<128x128xi32>
    %eq3A_2311 = arith.constant 0 : i32
    %eq3A_2312 = vector.broadcast %eq3A_2311 : i32 to vector<128x128xi32>
    %eq3A_2313 = arith.cmpi eq, %and3A_2310, %eq3A_2312 : vector<128x128xi32>
    %select_n3A_2314 = arith.select %eq3A_2313, %concatenate3A_2304, %concatenate3A_2307 : vector<128x128xi1>, vector<128x128xf32>
    %slice3A_2315 = vector.extract_strided_slice %select_n3A_2301 {offsets = [0, 1], sizes = [128, 127], strides = [1, 1]} : vector<128x128xi32> to vector<128x127xi32>
    %slice3A_2316 = vector.extract_strided_slice %select_n3A_2301 {offsets = [0, 0], sizes = [128, 1], strides = [1, 1]} : vector<128x128xi32> to vector<128x1xi32>
    %concatenate3A_2317 = tpu.concatenate %slice3A_2315, %slice3A_2316 in 1 : vector<128x127xi32>, vector<128x1xi32> -> vector<128x128xi32>
    %slice3A_2318 = vector.extract_strided_slice %select_n3A_2301 {offsets = [0, 127], sizes = [128, 1], strides = [1, 1]} : vector<128x128xi32> to vector<128x1xi32>
    %slice3A_2319 = vector.extract_strided_slice %select_n3A_2301 {offsets = [0, 0], sizes = [128, 127], strides = [1, 1]} : vector<128x128xi32> to vector<128x127xi32>
    %concatenate3A_2320 = tpu.concatenate %slice3A_2318, %slice3A_2319 in 1 : vector<128x1xi32>, vector<128x127xi32> -> vector<128x128xi32>
    %and3A_2321 = arith.constant 1 : i32
    %and3A_2322 = vector.broadcast %and3A_2321 : i32 to vector<128x128xi32>
    %and3A_2323 = arith.andi %iota3A_0, %and3A_2322 : vector<128x128xi32>
    %eq3A_2324 = arith.constant 0 : i32
    %eq3A_2325 = vector.broadcast %eq3A_2324 : i32 to vector<128x128xi32>
    %eq3A_2326 = arith.cmpi eq, %and3A_2323, %eq3A_2325 : vector<128x128xi32>
    %select_n3A_2327 = arith.select %eq3A_2326, %concatenate3A_2317, %concatenate3A_2320 : vector<128x128xi1>, vector<128x128xi32>
    %gt3A_2328 = arith.cmpf ogt, %select_n3A_2300, %select_n3A_2314 : vector<128x128xf32>
    %eq3A_2329 = arith.cmpf oeq, %select_n3A_2300, %select_n3A_2314 : vector<128x128xf32>
    %lt3A_2330 = arith.cmpi slt, %select_n3A_2301, %select_n3A_2327 : vector<128x128xi32>
    %and3A_2331 = arith.andi %eq3A_2329, %lt3A_2330 : vector<128x128xi1>
    %or3A_2332 = arith.ori %gt3A_2328, %and3A_2331 : vector<128x128xi1>
    %and3A_2333 = arith.constant 1 : i32
    %and3A_2334 = vector.broadcast %and3A_2333 : i32 to vector<128x128xi32>
    %and3A_2335 = arith.andi %add3A, %and3A_2334 : vector<128x128xi32>
    %ne3A_2336 = arith.constant 0 : i32
    %ne3A_2337 = vector.broadcast %ne3A_2336 : i32 to vector<128x128xi32>
    %ne3A_2338 = arith.cmpi ne, %and3A_2335, %ne3A_2337 : vector<128x128xi32>
    %ne3A_2339 = arith.xori %ne3A_2338, %eq3A_1932 : vector<128x128xi1>
    %ne3A_2340 = arith.xori %or3A_2332, %ne3A_2339 : vector<128x128xi1>
    %select_n3A_2341 = arith.select %ne3A_2340, %select_n3A_2300, %select_n3A_2314 : vector<128x128xi1>, vector<128x128xf32>
    %select_n3A_2342 = arith.select %ne3A_2340, %select_n3A_2301, %select_n3A_2327 : vector<128x128xi1>, vector<128x128xi32>
    %shift_right_arithmetic3A_2343 = arith.constant 11 : i32
    %shift_right_arithmetic3A_2344 = vector.broadcast %shift_right_arithmetic3A_2343 : i32 to vector<128x128xi32>
    %shift_right_arithmetic3A_2345 = arith.shrsi %add3A, %shift_right_arithmetic3A_2344 : vector<128x128xi32>
    %and3A_2346 = arith.constant 1 : i32
    %and3A_2347 = vector.broadcast %and3A_2346 : i32 to vector<128x128xi32>
    %and3A_2348 = arith.andi %shift_right_arithmetic3A_2345, %and3A_2347 : vector<128x128xi32>
    %eq3A_2349 = arith.constant 1 : i32
    %eq3A_2350 = vector.broadcast %eq3A_2349 : i32 to vector<128x128xi32>
    %eq3A_2351 = arith.cmpi eq, %and3A_2348, %eq3A_2350 : vector<128x128xi32>
    %slice3A_2352 = vector.extract_strided_slice %select_n3A_2341 {offsets = [8, 0], sizes = [120, 128], strides = [1, 1]} : vector<128x128xf32> to vector<120x128xf32>
    %slice3A_2353 = vector.extract_strided_slice %select_n3A_2341 {offsets = [0, 0], sizes = [8, 128], strides = [1, 1]} : vector<128x128xf32> to vector<8x128xf32>
    %concatenate3A_2354 = tpu.concatenate %slice3A_2352, %slice3A_2353 in 0 : vector<120x128xf32>, vector<8x128xf32> -> vector<128x128xf32>
    %slice3A_2355 = vector.extract_strided_slice %select_n3A_2341 {offsets = [120, 0], sizes = [8, 128], strides = [1, 1]} : vector<128x128xf32> to vector<8x128xf32>
    %slice3A_2356 = vector.extract_strided_slice %select_n3A_2341 {offsets = [0, 0], sizes = [120, 128], strides = [1, 1]} : vector<128x128xf32> to vector<120x128xf32>
    %concatenate3A_2357 = tpu.concatenate %slice3A_2355, %slice3A_2356 in 0 : vector<8x128xf32>, vector<120x128xf32> -> vector<128x128xf32>
    %and3A_2358 = arith.constant 8 : i32
    %and3A_2359 = vector.broadcast %and3A_2358 : i32 to vector<128x128xi32>
    %and3A_2360 = arith.andi %and3A_2, %and3A_2359 : vector<128x128xi32>
    %eq3A_2361 = arith.constant 0 : i32
    %eq3A_2362 = vector.broadcast %eq3A_2361 : i32 to vector<128x128xi32>
    %eq3A_2363 = arith.cmpi eq, %and3A_2360, %eq3A_2362 : vector<128x128xi32>
    %select_n3A_2364 = arith.select %eq3A_2363, %concatenate3A_2354, %concatenate3A_2357 : vector<128x128xi1>, vector<128x128xf32>
    %slice3A_2365 = vector.extract_strided_slice %select_n3A_2342 {offsets = [8, 0], sizes = [120, 128], strides = [1, 1]} : vector<128x128xi32> to vector<120x128xi32>
    %slice3A_2366 = vector.extract_strided_slice %select_n3A_2342 {offsets = [0, 0], sizes = [8, 128], strides = [1, 1]} : vector<128x128xi32> to vector<8x128xi32>
    %concatenate3A_2367 = tpu.concatenate %slice3A_2365, %slice3A_2366 in 0 : vector<120x128xi32>, vector<8x128xi32> -> vector<128x128xi32>
    %slice3A_2368 = vector.extract_strided_slice %select_n3A_2342 {offsets = [120, 0], sizes = [8, 128], strides = [1, 1]} : vector<128x128xi32> to vector<8x128xi32>
    %slice3A_2369 = vector.extract_strided_slice %select_n3A_2342 {offsets = [0, 0], sizes = [120, 128], strides = [1, 1]} : vector<128x128xi32> to vector<120x128xi32>
    %concatenate3A_2370 = tpu.concatenate %slice3A_2368, %slice3A_2369 in 0 : vector<8x128xi32>, vector<120x128xi32> -> vector<128x128xi32>
    %and3A_2371 = arith.constant 8 : i32
    %and3A_2372 = vector.broadcast %and3A_2371 : i32 to vector<128x128xi32>
    %and3A_2373 = arith.andi %and3A_2, %and3A_2372 : vector<128x128xi32>
    %eq3A_2374 = arith.constant 0 : i32
    %eq3A_2375 = vector.broadcast %eq3A_2374 : i32 to vector<128x128xi32>
    %eq3A_2376 = arith.cmpi eq, %and3A_2373, %eq3A_2375 : vector<128x128xi32>
    %select_n3A_2377 = arith.select %eq3A_2376, %concatenate3A_2367, %concatenate3A_2370 : vector<128x128xi1>, vector<128x128xi32>
    %gt3A_2378 = arith.cmpf ogt, %select_n3A_2341, %select_n3A_2364 : vector<128x128xf32>
    %eq3A_2379 = arith.cmpf oeq, %select_n3A_2341, %select_n3A_2364 : vector<128x128xf32>
    %lt3A_2380 = arith.cmpi slt, %select_n3A_2342, %select_n3A_2377 : vector<128x128xi32>
    %and3A_2381 = arith.andi %eq3A_2379, %lt3A_2380 : vector<128x128xi1>
    %or3A_2382 = arith.ori %gt3A_2378, %and3A_2381 : vector<128x128xi1>
    %and3A_2383 = arith.constant 1024 : i32
    %and3A_2384 = vector.broadcast %and3A_2383 : i32 to vector<128x128xi32>
    %and3A_2385 = arith.andi %add3A, %and3A_2384 : vector<128x128xi32>
    %ne3A_2386 = arith.constant 0 : i32
    %ne3A_2387 = vector.broadcast %ne3A_2386 : i32 to vector<128x128xi32>
    %ne3A_2388 = arith.cmpi ne, %and3A_2385, %ne3A_2387 : vector<128x128xi32>
    %ne3A_2389 = arith.xori %ne3A_2388, %eq3A_2351 : vector<128x128xi1>
    %ne3A_2390 = arith.xori %or3A_2382, %ne3A_2389 : vector<128x128xi1>
    %select_n3A_2391 = arith.select %ne3A_2390, %select_n3A_2341, %select_n3A_2364 : vector<128x128xi1>, vector<128x128xf32>
    %select_n3A_2392 = arith.select %ne3A_2390, %select_n3A_2342, %select_n3A_2377 : vector<128x128xi1>, vector<128x128xi32>
    %slice3A_2393 = vector.extract_strided_slice %select_n3A_2391 {offsets = [4, 0], sizes = [124, 128], strides = [1, 1]} : vector<128x128xf32> to vector<124x128xf32>
    %slice3A_2394 = vector.extract_strided_slice %select_n3A_2391 {offsets = [0, 0], sizes = [4, 128], strides = [1, 1]} : vector<128x128xf32> to vector<4x128xf32>
    %concatenate3A_2395 = tpu.concatenate %slice3A_2393, %slice3A_2394 in 0 : vector<124x128xf32>, vector<4x128xf32> -> vector<128x128xf32>
    %slice3A_2396 = vector.extract_strided_slice %select_n3A_2391 {offsets = [124, 0], sizes = [4, 128], strides = [1, 1]} : vector<128x128xf32> to vector<4x128xf32>
    %slice3A_2397 = vector.extract_strided_slice %select_n3A_2391 {offsets = [0, 0], sizes = [124, 128], strides = [1, 1]} : vector<128x128xf32> to vector<124x128xf32>
    %concatenate3A_2398 = tpu.concatenate %slice3A_2396, %slice3A_2397 in 0 : vector<4x128xf32>, vector<124x128xf32> -> vector<128x128xf32>
    %and3A_2399 = arith.constant 4 : i32
    %and3A_2400 = vector.broadcast %and3A_2399 : i32 to vector<128x128xi32>
    %and3A_2401 = arith.andi %and3A_2, %and3A_2400 : vector<128x128xi32>
    %eq3A_2402 = arith.constant 0 : i32
    %eq3A_2403 = vector.broadcast %eq3A_2402 : i32 to vector<128x128xi32>
    %eq3A_2404 = arith.cmpi eq, %and3A_2401, %eq3A_2403 : vector<128x128xi32>
    %select_n3A_2405 = arith.select %eq3A_2404, %concatenate3A_2395, %concatenate3A_2398 : vector<128x128xi1>, vector<128x128xf32>
    %slice3A_2406 = vector.extract_strided_slice %select_n3A_2392 {offsets = [4, 0], sizes = [124, 128], strides = [1, 1]} : vector<128x128xi32> to vector<124x128xi32>
    %slice3A_2407 = vector.extract_strided_slice %select_n3A_2392 {offsets = [0, 0], sizes = [4, 128], strides = [1, 1]} : vector<128x128xi32> to vector<4x128xi32>
    %concatenate3A_2408 = tpu.concatenate %slice3A_2406, %slice3A_2407 in 0 : vector<124x128xi32>, vector<4x128xi32> -> vector<128x128xi32>
    %slice3A_2409 = vector.extract_strided_slice %select_n3A_2392 {offsets = [124, 0], sizes = [4, 128], strides = [1, 1]} : vector<128x128xi32> to vector<4x128xi32>
    %slice3A_2410 = vector.extract_strided_slice %select_n3A_2392 {offsets = [0, 0], sizes = [124, 128], strides = [1, 1]} : vector<128x128xi32> to vector<124x128xi32>
    %concatenate3A_2411 = tpu.concatenate %slice3A_2409, %slice3A_2410 in 0 : vector<4x128xi32>, vector<124x128xi32> -> vector<128x128xi32>
    %and3A_2412 = arith.constant 4 : i32
    %and3A_2413 = vector.broadcast %and3A_2412 : i32 to vector<128x128xi32>
    %and3A_2414 = arith.andi %and3A_2, %and3A_2413 : vector<128x128xi32>
    %eq3A_2415 = arith.constant 0 : i32
    %eq3A_2416 = vector.broadcast %eq3A_2415 : i32 to vector<128x128xi32>
    %eq3A_2417 = arith.cmpi eq, %and3A_2414, %eq3A_2416 : vector<128x128xi32>
    %select_n3A_2418 = arith.select %eq3A_2417, %concatenate3A_2408, %concatenate3A_2411 : vector<128x128xi1>, vector<128x128xi32>
    %gt3A_2419 = arith.cmpf ogt, %select_n3A_2391, %select_n3A_2405 : vector<128x128xf32>
    %eq3A_2420 = arith.cmpf oeq, %select_n3A_2391, %select_n3A_2405 : vector<128x128xf32>
    %lt3A_2421 = arith.cmpi slt, %select_n3A_2392, %select_n3A_2418 : vector<128x128xi32>
    %and3A_2422 = arith.andi %eq3A_2420, %lt3A_2421 : vector<128x128xi1>
    %or3A_2423 = arith.ori %gt3A_2419, %and3A_2422 : vector<128x128xi1>
    %and3A_2424 = arith.constant 512 : i32
    %and3A_2425 = vector.broadcast %and3A_2424 : i32 to vector<128x128xi32>
    %and3A_2426 = arith.andi %add3A, %and3A_2425 : vector<128x128xi32>
    %ne3A_2427 = arith.constant 0 : i32
    %ne3A_2428 = vector.broadcast %ne3A_2427 : i32 to vector<128x128xi32>
    %ne3A_2429 = arith.cmpi ne, %and3A_2426, %ne3A_2428 : vector<128x128xi32>
    %ne3A_2430 = arith.xori %ne3A_2429, %eq3A_2351 : vector<128x128xi1>
    %ne3A_2431 = arith.xori %or3A_2423, %ne3A_2430 : vector<128x128xi1>
    %select_n3A_2432 = arith.select %ne3A_2431, %select_n3A_2391, %select_n3A_2405 : vector<128x128xi1>, vector<128x128xf32>
    %select_n3A_2433 = arith.select %ne3A_2431, %select_n3A_2392, %select_n3A_2418 : vector<128x128xi1>, vector<128x128xi32>
    %slice3A_2434 = vector.extract_strided_slice %select_n3A_2432 {offsets = [2, 0], sizes = [126, 128], strides = [1, 1]} : vector<128x128xf32> to vector<126x128xf32>
    %slice3A_2435 = vector.extract_strided_slice %select_n3A_2432 {offsets = [0, 0], sizes = [2, 128], strides = [1, 1]} : vector<128x128xf32> to vector<2x128xf32>
    %concatenate3A_2436 = tpu.concatenate %slice3A_2434, %slice3A_2435 in 0 : vector<126x128xf32>, vector<2x128xf32> -> vector<128x128xf32>
    %slice3A_2437 = vector.extract_strided_slice %select_n3A_2432 {offsets = [126, 0], sizes = [2, 128], strides = [1, 1]} : vector<128x128xf32> to vector<2x128xf32>
    %slice3A_2438 = vector.extract_strided_slice %select_n3A_2432 {offsets = [0, 0], sizes = [126, 128], strides = [1, 1]} : vector<128x128xf32> to vector<126x128xf32>
    %concatenate3A_2439 = tpu.concatenate %slice3A_2437, %slice3A_2438 in 0 : vector<2x128xf32>, vector<126x128xf32> -> vector<128x128xf32>
    %and3A_2440 = arith.constant 2 : i32
    %and3A_2441 = vector.broadcast %and3A_2440 : i32 to vector<128x128xi32>
    %and3A_2442 = arith.andi %and3A_2, %and3A_2441 : vector<128x128xi32>
    %eq3A_2443 = arith.constant 0 : i32
    %eq3A_2444 = vector.broadcast %eq3A_2443 : i32 to vector<128x128xi32>
    %eq3A_2445 = arith.cmpi eq, %and3A_2442, %eq3A_2444 : vector<128x128xi32>
    %select_n3A_2446 = arith.select %eq3A_2445, %concatenate3A_2436, %concatenate3A_2439 : vector<128x128xi1>, vector<128x128xf32>
    %slice3A_2447 = vector.extract_strided_slice %select_n3A_2433 {offsets = [2, 0], sizes = [126, 128], strides = [1, 1]} : vector<128x128xi32> to vector<126x128xi32>
    %slice3A_2448 = vector.extract_strided_slice %select_n3A_2433 {offsets = [0, 0], sizes = [2, 128], strides = [1, 1]} : vector<128x128xi32> to vector<2x128xi32>
    %concatenate3A_2449 = tpu.concatenate %slice3A_2447, %slice3A_2448 in 0 : vector<126x128xi32>, vector<2x128xi32> -> vector<128x128xi32>
    %slice3A_2450 = vector.extract_strided_slice %select_n3A_2433 {offsets = [126, 0], sizes = [2, 128], strides = [1, 1]} : vector<128x128xi32> to vector<2x128xi32>
    %slice3A_2451 = vector.extract_strided_slice %select_n3A_2433 {offsets = [0, 0], sizes = [126, 128], strides = [1, 1]} : vector<128x128xi32> to vector<126x128xi32>
    %concatenate3A_2452 = tpu.concatenate %slice3A_2450, %slice3A_2451 in 0 : vector<2x128xi32>, vector<126x128xi32> -> vector<128x128xi32>
    %and3A_2453 = arith.constant 2 : i32
    %and3A_2454 = vector.broadcast %and3A_2453 : i32 to vector<128x128xi32>
    %and3A_2455 = arith.andi %and3A_2, %and3A_2454 : vector<128x128xi32>
    %eq3A_2456 = arith.constant 0 : i32
    %eq3A_2457 = vector.broadcast %eq3A_2456 : i32 to vector<128x128xi32>
    %eq3A_2458 = arith.cmpi eq, %and3A_2455, %eq3A_2457 : vector<128x128xi32>
    %select_n3A_2459 = arith.select %eq3A_2458, %concatenate3A_2449, %concatenate3A_2452 : vector<128x128xi1>, vector<128x128xi32>
    %gt3A_2460 = arith.cmpf ogt, %select_n3A_2432, %select_n3A_2446 : vector<128x128xf32>
    %eq3A_2461 = arith.cmpf oeq, %select_n3A_2432, %select_n3A_2446 : vector<128x128xf32>
    %lt3A_2462 = arith.cmpi slt, %select_n3A_2433, %select_n3A_2459 : vector<128x128xi32>
    %and3A_2463 = arith.andi %eq3A_2461, %lt3A_2462 : vector<128x128xi1>
    %or3A_2464 = arith.ori %gt3A_2460, %and3A_2463 : vector<128x128xi1>
    %and3A_2465 = arith.constant 256 : i32
    %and3A_2466 = vector.broadcast %and3A_2465 : i32 to vector<128x128xi32>
    %and3A_2467 = arith.andi %add3A, %and3A_2466 : vector<128x128xi32>
    %ne3A_2468 = arith.constant 0 : i32
    %ne3A_2469 = vector.broadcast %ne3A_2468 : i32 to vector<128x128xi32>
    %ne3A_2470 = arith.cmpi ne, %and3A_2467, %ne3A_2469 : vector<128x128xi32>
    %ne3A_2471 = arith.xori %ne3A_2470, %eq3A_2351 : vector<128x128xi1>
    %ne3A_2472 = arith.xori %or3A_2464, %ne3A_2471 : vector<128x128xi1>
    %select_n3A_2473 = arith.select %ne3A_2472, %select_n3A_2432, %select_n3A_2446 : vector<128x128xi1>, vector<128x128xf32>
    %select_n3A_2474 = arith.select %ne3A_2472, %select_n3A_2433, %select_n3A_2459 : vector<128x128xi1>, vector<128x128xi32>
    %slice3A_2475 = vector.extract_strided_slice %select_n3A_2473 {offsets = [1, 0], sizes = [127, 128], strides = [1, 1]} : vector<128x128xf32> to vector<127x128xf32>
    %slice3A_2476 = vector.extract_strided_slice %select_n3A_2473 {offsets = [0, 0], sizes = [1, 128], strides = [1, 1]} : vector<128x128xf32> to vector<1x128xf32>
    %concatenate3A_2477 = tpu.concatenate %slice3A_2475, %slice3A_2476 in 0 : vector<127x128xf32>, vector<1x128xf32> -> vector<128x128xf32>
    %slice3A_2478 = vector.extract_strided_slice %select_n3A_2473 {offsets = [127, 0], sizes = [1, 128], strides = [1, 1]} : vector<128x128xf32> to vector<1x128xf32>
    %slice3A_2479 = vector.extract_strided_slice %select_n3A_2473 {offsets = [0, 0], sizes = [127, 128], strides = [1, 1]} : vector<128x128xf32> to vector<127x128xf32>
    %concatenate3A_2480 = tpu.concatenate %slice3A_2478, %slice3A_2479 in 0 : vector<1x128xf32>, vector<127x128xf32> -> vector<128x128xf32>
    %and3A_2481 = arith.constant 1 : i32
    %and3A_2482 = vector.broadcast %and3A_2481 : i32 to vector<128x128xi32>
    %and3A_2483 = arith.andi %and3A_2, %and3A_2482 : vector<128x128xi32>
    %eq3A_2484 = arith.constant 0 : i32
    %eq3A_2485 = vector.broadcast %eq3A_2484 : i32 to vector<128x128xi32>
    %eq3A_2486 = arith.cmpi eq, %and3A_2483, %eq3A_2485 : vector<128x128xi32>
    %select_n3A_2487 = arith.select %eq3A_2486, %concatenate3A_2477, %concatenate3A_2480 : vector<128x128xi1>, vector<128x128xf32>
    %slice3A_2488 = vector.extract_strided_slice %select_n3A_2474 {offsets = [1, 0], sizes = [127, 128], strides = [1, 1]} : vector<128x128xi32> to vector<127x128xi32>
    %slice3A_2489 = vector.extract_strided_slice %select_n3A_2474 {offsets = [0, 0], sizes = [1, 128], strides = [1, 1]} : vector<128x128xi32> to vector<1x128xi32>
    %concatenate3A_2490 = tpu.concatenate %slice3A_2488, %slice3A_2489 in 0 : vector<127x128xi32>, vector<1x128xi32> -> vector<128x128xi32>
    %slice3A_2491 = vector.extract_strided_slice %select_n3A_2474 {offsets = [127, 0], sizes = [1, 128], strides = [1, 1]} : vector<128x128xi32> to vector<1x128xi32>
    %slice3A_2492 = vector.extract_strided_slice %select_n3A_2474 {offsets = [0, 0], sizes = [127, 128], strides = [1, 1]} : vector<128x128xi32> to vector<127x128xi32>
    %concatenate3A_2493 = tpu.concatenate %slice3A_2491, %slice3A_2492 in 0 : vector<1x128xi32>, vector<127x128xi32> -> vector<128x128xi32>
    %and3A_2494 = arith.constant 1 : i32
    %and3A_2495 = vector.broadcast %and3A_2494 : i32 to vector<128x128xi32>
    %and3A_2496 = arith.andi %and3A_2, %and3A_2495 : vector<128x128xi32>
    %eq3A_2497 = arith.constant 0 : i32
    %eq3A_2498 = vector.broadcast %eq3A_2497 : i32 to vector<128x128xi32>
    %eq3A_2499 = arith.cmpi eq, %and3A_2496, %eq3A_2498 : vector<128x128xi32>
    %select_n3A_2500 = arith.select %eq3A_2499, %concatenate3A_2490, %concatenate3A_2493 : vector<128x128xi1>, vector<128x128xi32>
    %gt3A_2501 = arith.cmpf ogt, %select_n3A_2473, %select_n3A_2487 : vector<128x128xf32>
    %eq3A_2502 = arith.cmpf oeq, %select_n3A_2473, %select_n3A_2487 : vector<128x128xf32>
    %lt3A_2503 = arith.cmpi slt, %select_n3A_2474, %select_n3A_2500 : vector<128x128xi32>
    %and3A_2504 = arith.andi %eq3A_2502, %lt3A_2503 : vector<128x128xi1>
    %or3A_2505 = arith.ori %gt3A_2501, %and3A_2504 : vector<128x128xi1>
    %and3A_2506 = arith.constant 128 : i32
    %and3A_2507 = vector.broadcast %and3A_2506 : i32 to vector<128x128xi32>
    %and3A_2508 = arith.andi %add3A, %and3A_2507 : vector<128x128xi32>
    %ne3A_2509 = arith.constant 0 : i32
    %ne3A_2510 = vector.broadcast %ne3A_2509 : i32 to vector<128x128xi32>
    %ne3A_2511 = arith.cmpi ne, %and3A_2508, %ne3A_2510 : vector<128x128xi32>
    %ne3A_2512 = arith.xori %ne3A_2511, %eq3A_2351 : vector<128x128xi1>
    %ne3A_2513 = arith.xori %or3A_2505, %ne3A_2512 : vector<128x128xi1>
    %select_n3A_2514 = arith.select %ne3A_2513, %select_n3A_2473, %select_n3A_2487 : vector<128x128xi1>, vector<128x128xf32>
    %select_n3A_2515 = arith.select %ne3A_2513, %select_n3A_2474, %select_n3A_2500 : vector<128x128xi1>, vector<128x128xi32>
    %slice3A_2516 = vector.extract_strided_slice %select_n3A_2514 {offsets = [0, 64], sizes = [128, 64], strides = [1, 1]} : vector<128x128xf32> to vector<128x64xf32>
    %slice3A_2517 = vector.extract_strided_slice %select_n3A_2514 {offsets = [0, 0], sizes = [128, 64], strides = [1, 1]} : vector<128x128xf32> to vector<128x64xf32>
    %concatenate3A_2518 = tpu.concatenate %slice3A_2516, %slice3A_2517 in 1 : vector<128x64xf32>, vector<128x64xf32> -> vector<128x128xf32>
    %slice3A_2519 = vector.extract_strided_slice %select_n3A_2514 {offsets = [0, 64], sizes = [128, 64], strides = [1, 1]} : vector<128x128xf32> to vector<128x64xf32>
    %slice3A_2520 = vector.extract_strided_slice %select_n3A_2514 {offsets = [0, 0], sizes = [128, 64], strides = [1, 1]} : vector<128x128xf32> to vector<128x64xf32>
    %concatenate3A_2521 = tpu.concatenate %slice3A_2519, %slice3A_2520 in 1 : vector<128x64xf32>, vector<128x64xf32> -> vector<128x128xf32>
    %and3A_2522 = arith.constant 64 : i32
    %and3A_2523 = vector.broadcast %and3A_2522 : i32 to vector<128x128xi32>
    %and3A_2524 = arith.andi %iota3A_0, %and3A_2523 : vector<128x128xi32>
    %eq3A_2525 = arith.constant 0 : i32
    %eq3A_2526 = vector.broadcast %eq3A_2525 : i32 to vector<128x128xi32>
    %eq3A_2527 = arith.cmpi eq, %and3A_2524, %eq3A_2526 : vector<128x128xi32>
    %select_n3A_2528 = arith.select %eq3A_2527, %concatenate3A_2518, %concatenate3A_2521 : vector<128x128xi1>, vector<128x128xf32>
    %slice3A_2529 = vector.extract_strided_slice %select_n3A_2515 {offsets = [0, 64], sizes = [128, 64], strides = [1, 1]} : vector<128x128xi32> to vector<128x64xi32>
    %slice3A_2530 = vector.extract_strided_slice %select_n3A_2515 {offsets = [0, 0], sizes = [128, 64], strides = [1, 1]} : vector<128x128xi32> to vector<128x64xi32>
    %concatenate3A_2531 = tpu.concatenate %slice3A_2529, %slice3A_2530 in 1 : vector<128x64xi32>, vector<128x64xi32> -> vector<128x128xi32>
    %slice3A_2532 = vector.extract_strided_slice %select_n3A_2515 {offsets = [0, 64], sizes = [128, 64], strides = [1, 1]} : vector<128x128xi32> to vector<128x64xi32>
    %slice3A_2533 = vector.extract_strided_slice %select_n3A_2515 {offsets = [0, 0], sizes = [128, 64], strides = [1, 1]} : vector<128x128xi32> to vector<128x64xi32>
    %concatenate3A_2534 = tpu.concatenate %slice3A_2532, %slice3A_2533 in 1 : vector<128x64xi32>, vector<128x64xi32> -> vector<128x128xi32>
    %and3A_2535 = arith.constant 64 : i32
    %and3A_2536 = vector.broadcast %and3A_2535 : i32 to vector<128x128xi32>
    %and3A_2537 = arith.andi %iota3A_0, %and3A_2536 : vector<128x128xi32>
    %eq3A_2538 = arith.constant 0 : i32
    %eq3A_2539 = vector.broadcast %eq3A_2538 : i32 to vector<128x128xi32>
    %eq3A_2540 = arith.cmpi eq, %and3A_2537, %eq3A_2539 : vector<128x128xi32>
    %select_n3A_2541 = arith.select %eq3A_2540, %concatenate3A_2531, %concatenate3A_2534 : vector<128x128xi1>, vector<128x128xi32>
    %gt3A_2542 = arith.cmpf ogt, %select_n3A_2514, %select_n3A_2528 : vector<128x128xf32>
    %eq3A_2543 = arith.cmpf oeq, %select_n3A_2514, %select_n3A_2528 : vector<128x128xf32>
    %lt3A_2544 = arith.cmpi slt, %select_n3A_2515, %select_n3A_2541 : vector<128x128xi32>
    %and3A_2545 = arith.andi %eq3A_2543, %lt3A_2544 : vector<128x128xi1>
    %or3A_2546 = arith.ori %gt3A_2542, %and3A_2545 : vector<128x128xi1>
    %and3A_2547 = arith.constant 64 : i32
    %and3A_2548 = vector.broadcast %and3A_2547 : i32 to vector<128x128xi32>
    %and3A_2549 = arith.andi %add3A, %and3A_2548 : vector<128x128xi32>
    %ne3A_2550 = arith.constant 0 : i32
    %ne3A_2551 = vector.broadcast %ne3A_2550 : i32 to vector<128x128xi32>
    %ne3A_2552 = arith.cmpi ne, %and3A_2549, %ne3A_2551 : vector<128x128xi32>
    %ne3A_2553 = arith.xori %ne3A_2552, %eq3A_2351 : vector<128x128xi1>
    %ne3A_2554 = arith.xori %or3A_2546, %ne3A_2553 : vector<128x128xi1>
    %select_n3A_2555 = arith.select %ne3A_2554, %select_n3A_2514, %select_n3A_2528 : vector<128x128xi1>, vector<128x128xf32>
    %select_n3A_2556 = arith.select %ne3A_2554, %select_n3A_2515, %select_n3A_2541 : vector<128x128xi1>, vector<128x128xi32>
    %slice3A_2557 = vector.extract_strided_slice %select_n3A_2555 {offsets = [0, 32], sizes = [128, 96], strides = [1, 1]} : vector<128x128xf32> to vector<128x96xf32>
    %slice3A_2558 = vector.extract_strided_slice %select_n3A_2555 {offsets = [0, 0], sizes = [128, 32], strides = [1, 1]} : vector<128x128xf32> to vector<128x32xf32>
    %concatenate3A_2559 = tpu.concatenate %slice3A_2557, %slice3A_2558 in 1 : vector<128x96xf32>, vector<128x32xf32> -> vector<128x128xf32>
    %slice3A_2560 = vector.extract_strided_slice %select_n3A_2555 {offsets = [0, 96], sizes = [128, 32], strides = [1, 1]} : vector<128x128xf32> to vector<128x32xf32>
    %slice3A_2561 = vector.extract_strided_slice %select_n3A_2555 {offsets = [0, 0], sizes = [128, 96], strides = [1, 1]} : vector<128x128xf32> to vector<128x96xf32>
    %concatenate3A_2562 = tpu.concatenate %slice3A_2560, %slice3A_2561 in 1 : vector<128x32xf32>, vector<128x96xf32> -> vector<128x128xf32>
    %and3A_2563 = arith.constant 32 : i32
    %and3A_2564 = vector.broadcast %and3A_2563 : i32 to vector<128x128xi32>
    %and3A_2565 = arith.andi %iota3A_0, %and3A_2564 : vector<128x128xi32>
    %eq3A_2566 = arith.constant 0 : i32
    %eq3A_2567 = vector.broadcast %eq3A_2566 : i32 to vector<128x128xi32>
    %eq3A_2568 = arith.cmpi eq, %and3A_2565, %eq3A_2567 : vector<128x128xi32>
    %select_n3A_2569 = arith.select %eq3A_2568, %concatenate3A_2559, %concatenate3A_2562 : vector<128x128xi1>, vector<128x128xf32>
    %slice3A_2570 = vector.extract_strided_slice %select_n3A_2556 {offsets = [0, 32], sizes = [128, 96], strides = [1, 1]} : vector<128x128xi32> to vector<128x96xi32>
    %slice3A_2571 = vector.extract_strided_slice %select_n3A_2556 {offsets = [0, 0], sizes = [128, 32], strides = [1, 1]} : vector<128x128xi32> to vector<128x32xi32>
    %concatenate3A_2572 = tpu.concatenate %slice3A_2570, %slice3A_2571 in 1 : vector<128x96xi32>, vector<128x32xi32> -> vector<128x128xi32>
    %slice3A_2573 = vector.extract_strided_slice %select_n3A_2556 {offsets = [0, 96], sizes = [128, 32], strides = [1, 1]} : vector<128x128xi32> to vector<128x32xi32>
    %slice3A_2574 = vector.extract_strided_slice %select_n3A_2556 {offsets = [0, 0], sizes = [128, 96], strides = [1, 1]} : vector<128x128xi32> to vector<128x96xi32>
    %concatenate3A_2575 = tpu.concatenate %slice3A_2573, %slice3A_2574 in 1 : vector<128x32xi32>, vector<128x96xi32> -> vector<128x128xi32>
    %and3A_2576 = arith.constant 32 : i32
    %and3A_2577 = vector.broadcast %and3A_2576 : i32 to vector<128x128xi32>
    %and3A_2578 = arith.andi %iota3A_0, %and3A_2577 : vector<128x128xi32>
    %eq3A_2579 = arith.constant 0 : i32
    %eq3A_2580 = vector.broadcast %eq3A_2579 : i32 to vector<128x128xi32>
    %eq3A_2581 = arith.cmpi eq, %and3A_2578, %eq3A_2580 : vector<128x128xi32>
    %select_n3A_2582 = arith.select %eq3A_2581, %concatenate3A_2572, %concatenate3A_2575 : vector<128x128xi1>, vector<128x128xi32>
    %gt3A_2583 = arith.cmpf ogt, %select_n3A_2555, %select_n3A_2569 : vector<128x128xf32>
    %eq3A_2584 = arith.cmpf oeq, %select_n3A_2555, %select_n3A_2569 : vector<128x128xf32>
    %lt3A_2585 = arith.cmpi slt, %select_n3A_2556, %select_n3A_2582 : vector<128x128xi32>
    %and3A_2586 = arith.andi %eq3A_2584, %lt3A_2585 : vector<128x128xi1>
    %or3A_2587 = arith.ori %gt3A_2583, %and3A_2586 : vector<128x128xi1>
    %and3A_2588 = arith.constant 32 : i32
    %and3A_2589 = vector.broadcast %and3A_2588 : i32 to vector<128x128xi32>
    %and3A_2590 = arith.andi %add3A, %and3A_2589 : vector<128x128xi32>
    %ne3A_2591 = arith.constant 0 : i32
    %ne3A_2592 = vector.broadcast %ne3A_2591 : i32 to vector<128x128xi32>
    %ne3A_2593 = arith.cmpi ne, %and3A_2590, %ne3A_2592 : vector<128x128xi32>
    %ne3A_2594 = arith.xori %ne3A_2593, %eq3A_2351 : vector<128x128xi1>
    %ne3A_2595 = arith.xori %or3A_2587, %ne3A_2594 : vector<128x128xi1>
    %select_n3A_2596 = arith.select %ne3A_2595, %select_n3A_2555, %select_n3A_2569 : vector<128x128xi1>, vector<128x128xf32>
    %select_n3A_2597 = arith.select %ne3A_2595, %select_n3A_2556, %select_n3A_2582 : vector<128x128xi1>, vector<128x128xi32>
    %slice3A_2598 = vector.extract_strided_slice %select_n3A_2596 {offsets = [0, 16], sizes = [128, 112], strides = [1, 1]} : vector<128x128xf32> to vector<128x112xf32>
    %slice3A_2599 = vector.extract_strided_slice %select_n3A_2596 {offsets = [0, 0], sizes = [128, 16], strides = [1, 1]} : vector<128x128xf32> to vector<128x16xf32>
    %concatenate3A_2600 = tpu.concatenate %slice3A_2598, %slice3A_2599 in 1 : vector<128x112xf32>, vector<128x16xf32> -> vector<128x128xf32>
    %slice3A_2601 = vector.extract_strided_slice %select_n3A_2596 {offsets = [0, 112], sizes = [128, 16], strides = [1, 1]} : vector<128x128xf32> to vector<128x16xf32>
    %slice3A_2602 = vector.extract_strided_slice %select_n3A_2596 {offsets = [0, 0], sizes = [128, 112], strides = [1, 1]} : vector<128x128xf32> to vector<128x112xf32>
    %concatenate3A_2603 = tpu.concatenate %slice3A_2601, %slice3A_2602 in 1 : vector<128x16xf32>, vector<128x112xf32> -> vector<128x128xf32>
    %and3A_2604 = arith.constant 16 : i32
    %and3A_2605 = vector.broadcast %and3A_2604 : i32 to vector<128x128xi32>
    %and3A_2606 = arith.andi %iota3A_0, %and3A_2605 : vector<128x128xi32>
    %eq3A_2607 = arith.constant 0 : i32
    %eq3A_2608 = vector.broadcast %eq3A_2607 : i32 to vector<128x128xi32>
    %eq3A_2609 = arith.cmpi eq, %and3A_2606, %eq3A_2608 : vector<128x128xi32>
    %select_n3A_2610 = arith.select %eq3A_2609, %concatenate3A_2600, %concatenate3A_2603 : vector<128x128xi1>, vector<128x128xf32>
    %slice3A_2611 = vector.extract_strided_slice %select_n3A_2597 {offsets = [0, 16], sizes = [128, 112], strides = [1, 1]} : vector<128x128xi32> to vector<128x112xi32>
    %slice3A_2612 = vector.extract_strided_slice %select_n3A_2597 {offsets = [0, 0], sizes = [128, 16], strides = [1, 1]} : vector<128x128xi32> to vector<128x16xi32>
    %concatenate3A_2613 = tpu.concatenate %slice3A_2611, %slice3A_2612 in 1 : vector<128x112xi32>, vector<128x16xi32> -> vector<128x128xi32>
    %slice3A_2614 = vector.extract_strided_slice %select_n3A_2597 {offsets = [0, 112], sizes = [128, 16], strides = [1, 1]} : vector<128x128xi32> to vector<128x16xi32>
    %slice3A_2615 = vector.extract_strided_slice %select_n3A_2597 {offsets = [0, 0], sizes = [128, 112], strides = [1, 1]} : vector<128x128xi32> to vector<128x112xi32>
    %concatenate3A_2616 = tpu.concatenate %slice3A_2614, %slice3A_2615 in 1 : vector<128x16xi32>, vector<128x112xi32> -> vector<128x128xi32>
    %and3A_2617 = arith.constant 16 : i32
    %and3A_2618 = vector.broadcast %and3A_2617 : i32 to vector<128x128xi32>
    %and3A_2619 = arith.andi %iota3A_0, %and3A_2618 : vector<128x128xi32>
    %eq3A_2620 = arith.constant 0 : i32
    %eq3A_2621 = vector.broadcast %eq3A_2620 : i32 to vector<128x128xi32>
    %eq3A_2622 = arith.cmpi eq, %and3A_2619, %eq3A_2621 : vector<128x128xi32>
    %select_n3A_2623 = arith.select %eq3A_2622, %concatenate3A_2613, %concatenate3A_2616 : vector<128x128xi1>, vector<128x128xi32>
    %gt3A_2624 = arith.cmpf ogt, %select_n3A_2596, %select_n3A_2610 : vector<128x128xf32>
    %eq3A_2625 = arith.cmpf oeq, %select_n3A_2596, %select_n3A_2610 : vector<128x128xf32>
    %lt3A_2626 = arith.cmpi slt, %select_n3A_2597, %select_n3A_2623 : vector<128x128xi32>
    %and3A_2627 = arith.andi %eq3A_2625, %lt3A_2626 : vector<128x128xi1>
    %or3A_2628 = arith.ori %gt3A_2624, %and3A_2627 : vector<128x128xi1>
    %and3A_2629 = arith.constant 16 : i32
    %and3A_2630 = vector.broadcast %and3A_2629 : i32 to vector<128x128xi32>
    %and3A_2631 = arith.andi %add3A, %and3A_2630 : vector<128x128xi32>
    %ne3A_2632 = arith.constant 0 : i32
    %ne3A_2633 = vector.broadcast %ne3A_2632 : i32 to vector<128x128xi32>
    %ne3A_2634 = arith.cmpi ne, %and3A_2631, %ne3A_2633 : vector<128x128xi32>
    %ne3A_2635 = arith.xori %ne3A_2634, %eq3A_2351 : vector<128x128xi1>
    %ne3A_2636 = arith.xori %or3A_2628, %ne3A_2635 : vector<128x128xi1>
    %select_n3A_2637 = arith.select %ne3A_2636, %select_n3A_2596, %select_n3A_2610 : vector<128x128xi1>, vector<128x128xf32>
    %select_n3A_2638 = arith.select %ne3A_2636, %select_n3A_2597, %select_n3A_2623 : vector<128x128xi1>, vector<128x128xi32>
    %slice3A_2639 = vector.extract_strided_slice %select_n3A_2637 {offsets = [0, 8], sizes = [128, 120], strides = [1, 1]} : vector<128x128xf32> to vector<128x120xf32>
    %slice3A_2640 = vector.extract_strided_slice %select_n3A_2637 {offsets = [0, 0], sizes = [128, 8], strides = [1, 1]} : vector<128x128xf32> to vector<128x8xf32>
    %concatenate3A_2641 = tpu.concatenate %slice3A_2639, %slice3A_2640 in 1 : vector<128x120xf32>, vector<128x8xf32> -> vector<128x128xf32>
    %slice3A_2642 = vector.extract_strided_slice %select_n3A_2637 {offsets = [0, 120], sizes = [128, 8], strides = [1, 1]} : vector<128x128xf32> to vector<128x8xf32>
    %slice3A_2643 = vector.extract_strided_slice %select_n3A_2637 {offsets = [0, 0], sizes = [128, 120], strides = [1, 1]} : vector<128x128xf32> to vector<128x120xf32>
    %concatenate3A_2644 = tpu.concatenate %slice3A_2642, %slice3A_2643 in 1 : vector<128x8xf32>, vector<128x120xf32> -> vector<128x128xf32>
    %and3A_2645 = arith.constant 8 : i32
    %and3A_2646 = vector.broadcast %and3A_2645 : i32 to vector<128x128xi32>
    %and3A_2647 = arith.andi %iota3A_0, %and3A_2646 : vector<128x128xi32>
    %eq3A_2648 = arith.constant 0 : i32
    %eq3A_2649 = vector.broadcast %eq3A_2648 : i32 to vector<128x128xi32>
    %eq3A_2650 = arith.cmpi eq, %and3A_2647, %eq3A_2649 : vector<128x128xi32>
    %select_n3A_2651 = arith.select %eq3A_2650, %concatenate3A_2641, %concatenate3A_2644 : vector<128x128xi1>, vector<128x128xf32>
    %slice3A_2652 = vector.extract_strided_slice %select_n3A_2638 {offsets = [0, 8], sizes = [128, 120], strides = [1, 1]} : vector<128x128xi32> to vector<128x120xi32>
    %slice3A_2653 = vector.extract_strided_slice %select_n3A_2638 {offsets = [0, 0], sizes = [128, 8], strides = [1, 1]} : vector<128x128xi32> to vector<128x8xi32>
    %concatenate3A_2654 = tpu.concatenate %slice3A_2652, %slice3A_2653 in 1 : vector<128x120xi32>, vector<128x8xi32> -> vector<128x128xi32>
    %slice3A_2655 = vector.extract_strided_slice %select_n3A_2638 {offsets = [0, 120], sizes = [128, 8], strides = [1, 1]} : vector<128x128xi32> to vector<128x8xi32>
    %slice3A_2656 = vector.extract_strided_slice %select_n3A_2638 {offsets = [0, 0], sizes = [128, 120], strides = [1, 1]} : vector<128x128xi32> to vector<128x120xi32>
    %concatenate3A_2657 = tpu.concatenate %slice3A_2655, %slice3A_2656 in 1 : vector<128x8xi32>, vector<128x120xi32> -> vector<128x128xi32>
    %and3A_2658 = arith.constant 8 : i32
    %and3A_2659 = vector.broadcast %and3A_2658 : i32 to vector<128x128xi32>
    %and3A_2660 = arith.andi %iota3A_0, %and3A_2659 : vector<128x128xi32>
    %eq3A_2661 = arith.constant 0 : i32
    %eq3A_2662 = vector.broadcast %eq3A_2661 : i32 to vector<128x128xi32>
    %eq3A_2663 = arith.cmpi eq, %and3A_2660, %eq3A_2662 : vector<128x128xi32>
    %select_n3A_2664 = arith.select %eq3A_2663, %concatenate3A_2654, %concatenate3A_2657 : vector<128x128xi1>, vector<128x128xi32>
    %gt3A_2665 = arith.cmpf ogt, %select_n3A_2637, %select_n3A_2651 : vector<128x128xf32>
    %eq3A_2666 = arith.cmpf oeq, %select_n3A_2637, %select_n3A_2651 : vector<128x128xf32>
    %lt3A_2667 = arith.cmpi slt, %select_n3A_2638, %select_n3A_2664 : vector<128x128xi32>
    %and3A_2668 = arith.andi %eq3A_2666, %lt3A_2667 : vector<128x128xi1>
    %or3A_2669 = arith.ori %gt3A_2665, %and3A_2668 : vector<128x128xi1>
    %and3A_2670 = arith.constant 8 : i32
    %and3A_2671 = vector.broadcast %and3A_2670 : i32 to vector<128x128xi32>
    %and3A_2672 = arith.andi %add3A, %and3A_2671 : vector<128x128xi32>
    %ne3A_2673 = arith.constant 0 : i32
    %ne3A_2674 = vector.broadcast %ne3A_2673 : i32 to vector<128x128xi32>
    %ne3A_2675 = arith.cmpi ne, %and3A_2672, %ne3A_2674 : vector<128x128xi32>
    %ne3A_2676 = arith.xori %ne3A_2675, %eq3A_2351 : vector<128x128xi1>
    %ne3A_2677 = arith.xori %or3A_2669, %ne3A_2676 : vector<128x128xi1>
    %select_n3A_2678 = arith.select %ne3A_2677, %select_n3A_2637, %select_n3A_2651 : vector<128x128xi1>, vector<128x128xf32>
    %select_n3A_2679 = arith.select %ne3A_2677, %select_n3A_2638, %select_n3A_2664 : vector<128x128xi1>, vector<128x128xi32>
    %slice3A_2680 = vector.extract_strided_slice %select_n3A_2678 {offsets = [0, 4], sizes = [128, 124], strides = [1, 1]} : vector<128x128xf32> to vector<128x124xf32>
    %slice3A_2681 = vector.extract_strided_slice %select_n3A_2678 {offsets = [0, 0], sizes = [128, 4], strides = [1, 1]} : vector<128x128xf32> to vector<128x4xf32>
    %concatenate3A_2682 = tpu.concatenate %slice3A_2680, %slice3A_2681 in 1 : vector<128x124xf32>, vector<128x4xf32> -> vector<128x128xf32>
    %slice3A_2683 = vector.extract_strided_slice %select_n3A_2678 {offsets = [0, 124], sizes = [128, 4], strides = [1, 1]} : vector<128x128xf32> to vector<128x4xf32>
    %slice3A_2684 = vector.extract_strided_slice %select_n3A_2678 {offsets = [0, 0], sizes = [128, 124], strides = [1, 1]} : vector<128x128xf32> to vector<128x124xf32>
    %concatenate3A_2685 = tpu.concatenate %slice3A_2683, %slice3A_2684 in 1 : vector<128x4xf32>, vector<128x124xf32> -> vector<128x128xf32>
    %and3A_2686 = arith.constant 4 : i32
    %and3A_2687 = vector.broadcast %and3A_2686 : i32 to vector<128x128xi32>
    %and3A_2688 = arith.andi %iota3A_0, %and3A_2687 : vector<128x128xi32>
    %eq3A_2689 = arith.constant 0 : i32
    %eq3A_2690 = vector.broadcast %eq3A_2689 : i32 to vector<128x128xi32>
    %eq3A_2691 = arith.cmpi eq, %and3A_2688, %eq3A_2690 : vector<128x128xi32>
    %select_n3A_2692 = arith.select %eq3A_2691, %concatenate3A_2682, %concatenate3A_2685 : vector<128x128xi1>, vector<128x128xf32>
    %slice3A_2693 = vector.extract_strided_slice %select_n3A_2679 {offsets = [0, 4], sizes = [128, 124], strides = [1, 1]} : vector<128x128xi32> to vector<128x124xi32>
    %slice3A_2694 = vector.extract_strided_slice %select_n3A_2679 {offsets = [0, 0], sizes = [128, 4], strides = [1, 1]} : vector<128x128xi32> to vector<128x4xi32>
    %concatenate3A_2695 = tpu.concatenate %slice3A_2693, %slice3A_2694 in 1 : vector<128x124xi32>, vector<128x4xi32> -> vector<128x128xi32>
    %slice3A_2696 = vector.extract_strided_slice %select_n3A_2679 {offsets = [0, 124], sizes = [128, 4], strides = [1, 1]} : vector<128x128xi32> to vector<128x4xi32>
    %slice3A_2697 = vector.extract_strided_slice %select_n3A_2679 {offsets = [0, 0], sizes = [128, 124], strides = [1, 1]} : vector<128x128xi32> to vector<128x124xi32>
    %concatenate3A_2698 = tpu.concatenate %slice3A_2696, %slice3A_2697 in 1 : vector<128x4xi32>, vector<128x124xi32> -> vector<128x128xi32>
    %and3A_2699 = arith.constant 4 : i32
    %and3A_2700 = vector.broadcast %and3A_2699 : i32 to vector<128x128xi32>
    %and3A_2701 = arith.andi %iota3A_0, %and3A_2700 : vector<128x128xi32>
    %eq3A_2702 = arith.constant 0 : i32
    %eq3A_2703 = vector.broadcast %eq3A_2702 : i32 to vector<128x128xi32>
    %eq3A_2704 = arith.cmpi eq, %and3A_2701, %eq3A_2703 : vector<128x128xi32>
    %select_n3A_2705 = arith.select %eq3A_2704, %concatenate3A_2695, %concatenate3A_2698 : vector<128x128xi1>, vector<128x128xi32>
    %gt3A_2706 = arith.cmpf ogt, %select_n3A_2678, %select_n3A_2692 : vector<128x128xf32>
    %eq3A_2707 = arith.cmpf oeq, %select_n3A_2678, %select_n3A_2692 : vector<128x128xf32>
    %lt3A_2708 = arith.cmpi slt, %select_n3A_2679, %select_n3A_2705 : vector<128x128xi32>
    %and3A_2709 = arith.andi %eq3A_2707, %lt3A_2708 : vector<128x128xi1>
    %or3A_2710 = arith.ori %gt3A_2706, %and3A_2709 : vector<128x128xi1>
    %and3A_2711 = arith.constant 4 : i32
    %and3A_2712 = vector.broadcast %and3A_2711 : i32 to vector<128x128xi32>
    %and3A_2713 = arith.andi %add3A, %and3A_2712 : vector<128x128xi32>
    %ne3A_2714 = arith.constant 0 : i32
    %ne3A_2715 = vector.broadcast %ne3A_2714 : i32 to vector<128x128xi32>
    %ne3A_2716 = arith.cmpi ne, %and3A_2713, %ne3A_2715 : vector<128x128xi32>
    %ne3A_2717 = arith.xori %ne3A_2716, %eq3A_2351 : vector<128x128xi1>
    %ne3A_2718 = arith.xori %or3A_2710, %ne3A_2717 : vector<128x128xi1>
    %select_n3A_2719 = arith.select %ne3A_2718, %select_n3A_2678, %select_n3A_2692 : vector<128x128xi1>, vector<128x128xf32>
    %select_n3A_2720 = arith.select %ne3A_2718, %select_n3A_2679, %select_n3A_2705 : vector<128x128xi1>, vector<128x128xi32>
    %slice3A_2721 = vector.extract_strided_slice %select_n3A_2719 {offsets = [0, 2], sizes = [128, 126], strides = [1, 1]} : vector<128x128xf32> to vector<128x126xf32>
    %slice3A_2722 = vector.extract_strided_slice %select_n3A_2719 {offsets = [0, 0], sizes = [128, 2], strides = [1, 1]} : vector<128x128xf32> to vector<128x2xf32>
    %concatenate3A_2723 = tpu.concatenate %slice3A_2721, %slice3A_2722 in 1 : vector<128x126xf32>, vector<128x2xf32> -> vector<128x128xf32>
    %slice3A_2724 = vector.extract_strided_slice %select_n3A_2719 {offsets = [0, 126], sizes = [128, 2], strides = [1, 1]} : vector<128x128xf32> to vector<128x2xf32>
    %slice3A_2725 = vector.extract_strided_slice %select_n3A_2719 {offsets = [0, 0], sizes = [128, 126], strides = [1, 1]} : vector<128x128xf32> to vector<128x126xf32>
    %concatenate3A_2726 = tpu.concatenate %slice3A_2724, %slice3A_2725 in 1 : vector<128x2xf32>, vector<128x126xf32> -> vector<128x128xf32>
    %and3A_2727 = arith.constant 2 : i32
    %and3A_2728 = vector.broadcast %and3A_2727 : i32 to vector<128x128xi32>
    %and3A_2729 = arith.andi %iota3A_0, %and3A_2728 : vector<128x128xi32>
    %eq3A_2730 = arith.constant 0 : i32
    %eq3A_2731 = vector.broadcast %eq3A_2730 : i32 to vector<128x128xi32>
    %eq3A_2732 = arith.cmpi eq, %and3A_2729, %eq3A_2731 : vector<128x128xi32>
    %select_n3A_2733 = arith.select %eq3A_2732, %concatenate3A_2723, %concatenate3A_2726 : vector<128x128xi1>, vector<128x128xf32>
    %slice3A_2734 = vector.extract_strided_slice %select_n3A_2720 {offsets = [0, 2], sizes = [128, 126], strides = [1, 1]} : vector<128x128xi32> to vector<128x126xi32>
    %slice3A_2735 = vector.extract_strided_slice %select_n3A_2720 {offsets = [0, 0], sizes = [128, 2], strides = [1, 1]} : vector<128x128xi32> to vector<128x2xi32>
    %concatenate3A_2736 = tpu.concatenate %slice3A_2734, %slice3A_2735 in 1 : vector<128x126xi32>, vector<128x2xi32> -> vector<128x128xi32>
    %slice3A_2737 = vector.extract_strided_slice %select_n3A_2720 {offsets = [0, 126], sizes = [128, 2], strides = [1, 1]} : vector<128x128xi32> to vector<128x2xi32>
    %slice3A_2738 = vector.extract_strided_slice %select_n3A_2720 {offsets = [0, 0], sizes = [128, 126], strides = [1, 1]} : vector<128x128xi32> to vector<128x126xi32>
    %concatenate3A_2739 = tpu.concatenate %slice3A_2737, %slice3A_2738 in 1 : vector<128x2xi32>, vector<128x126xi32> -> vector<128x128xi32>
    %and3A_2740 = arith.constant 2 : i32
    %and3A_2741 = vector.broadcast %and3A_2740 : i32 to vector<128x128xi32>
    %and3A_2742 = arith.andi %iota3A_0, %and3A_2741 : vector<128x128xi32>
    %eq3A_2743 = arith.constant 0 : i32
    %eq3A_2744 = vector.broadcast %eq3A_2743 : i32 to vector<128x128xi32>
    %eq3A_2745 = arith.cmpi eq, %and3A_2742, %eq3A_2744 : vector<128x128xi32>
    %select_n3A_2746 = arith.select %eq3A_2745, %concatenate3A_2736, %concatenate3A_2739 : vector<128x128xi1>, vector<128x128xi32>
    %gt3A_2747 = arith.cmpf ogt, %select_n3A_2719, %select_n3A_2733 : vector<128x128xf32>
    %eq3A_2748 = arith.cmpf oeq, %select_n3A_2719, %select_n3A_2733 : vector<128x128xf32>
    %lt3A_2749 = arith.cmpi slt, %select_n3A_2720, %select_n3A_2746 : vector<128x128xi32>
    %and3A_2750 = arith.andi %eq3A_2748, %lt3A_2749 : vector<128x128xi1>
    %or3A_2751 = arith.ori %gt3A_2747, %and3A_2750 : vector<128x128xi1>
    %and3A_2752 = arith.constant 2 : i32
    %and3A_2753 = vector.broadcast %and3A_2752 : i32 to vector<128x128xi32>
    %and3A_2754 = arith.andi %add3A, %and3A_2753 : vector<128x128xi32>
    %ne3A_2755 = arith.constant 0 : i32
    %ne3A_2756 = vector.broadcast %ne3A_2755 : i32 to vector<128x128xi32>
    %ne3A_2757 = arith.cmpi ne, %and3A_2754, %ne3A_2756 : vector<128x128xi32>
    %ne3A_2758 = arith.xori %ne3A_2757, %eq3A_2351 : vector<128x128xi1>
    %ne3A_2759 = arith.xori %or3A_2751, %ne3A_2758 : vector<128x128xi1>
    %select_n3A_2760 = arith.select %ne3A_2759, %select_n3A_2719, %select_n3A_2733 : vector<128x128xi1>, vector<128x128xf32>
    %select_n3A_2761 = arith.select %ne3A_2759, %select_n3A_2720, %select_n3A_2746 : vector<128x128xi1>, vector<128x128xi32>
    %slice3A_2762 = vector.extract_strided_slice %select_n3A_2760 {offsets = [0, 1], sizes = [128, 127], strides = [1, 1]} : vector<128x128xf32> to vector<128x127xf32>
    %slice3A_2763 = vector.extract_strided_slice %select_n3A_2760 {offsets = [0, 0], sizes = [128, 1], strides = [1, 1]} : vector<128x128xf32> to vector<128x1xf32>
    %concatenate3A_2764 = tpu.concatenate %slice3A_2762, %slice3A_2763 in 1 : vector<128x127xf32>, vector<128x1xf32> -> vector<128x128xf32>
    %slice3A_2765 = vector.extract_strided_slice %select_n3A_2760 {offsets = [0, 127], sizes = [128, 1], strides = [1, 1]} : vector<128x128xf32> to vector<128x1xf32>
    %slice3A_2766 = vector.extract_strided_slice %select_n3A_2760 {offsets = [0, 0], sizes = [128, 127], strides = [1, 1]} : vector<128x128xf32> to vector<128x127xf32>
    %concatenate3A_2767 = tpu.concatenate %slice3A_2765, %slice3A_2766 in 1 : vector<128x1xf32>, vector<128x127xf32> -> vector<128x128xf32>
    %and3A_2768 = arith.constant 1 : i32
    %and3A_2769 = vector.broadcast %and3A_2768 : i32 to vector<128x128xi32>
    %and3A_2770 = arith.andi %iota3A_0, %and3A_2769 : vector<128x128xi32>
    %eq3A_2771 = arith.constant 0 : i32
    %eq3A_2772 = vector.broadcast %eq3A_2771 : i32 to vector<128x128xi32>
    %eq3A_2773 = arith.cmpi eq, %and3A_2770, %eq3A_2772 : vector<128x128xi32>
    %select_n3A_2774 = arith.select %eq3A_2773, %concatenate3A_2764, %concatenate3A_2767 : vector<128x128xi1>, vector<128x128xf32>
    %slice3A_2775 = vector.extract_strided_slice %select_n3A_2761 {offsets = [0, 1], sizes = [128, 127], strides = [1, 1]} : vector<128x128xi32> to vector<128x127xi32>
    %slice3A_2776 = vector.extract_strided_slice %select_n3A_2761 {offsets = [0, 0], sizes = [128, 1], strides = [1, 1]} : vector<128x128xi32> to vector<128x1xi32>
    %concatenate3A_2777 = tpu.concatenate %slice3A_2775, %slice3A_2776 in 1 : vector<128x127xi32>, vector<128x1xi32> -> vector<128x128xi32>
    %slice3A_2778 = vector.extract_strided_slice %select_n3A_2761 {offsets = [0, 127], sizes = [128, 1], strides = [1, 1]} : vector<128x128xi32> to vector<128x1xi32>
    %slice3A_2779 = vector.extract_strided_slice %select_n3A_2761 {offsets = [0, 0], sizes = [128, 127], strides = [1, 1]} : vector<128x128xi32> to vector<128x127xi32>
    %concatenate3A_2780 = tpu.concatenate %slice3A_2778, %slice3A_2779 in 1 : vector<128x1xi32>, vector<128x127xi32> -> vector<128x128xi32>
    %and3A_2781 = arith.constant 1 : i32
    %and3A_2782 = vector.broadcast %and3A_2781 : i32 to vector<128x128xi32>
    %and3A_2783 = arith.andi %iota3A_0, %and3A_2782 : vector<128x128xi32>
    %eq3A_2784 = arith.constant 0 : i32
    %eq3A_2785 = vector.broadcast %eq3A_2784 : i32 to vector<128x128xi32>
    %eq3A_2786 = arith.cmpi eq, %and3A_2783, %eq3A_2785 : vector<128x128xi32>
    %select_n3A_2787 = arith.select %eq3A_2786, %concatenate3A_2777, %concatenate3A_2780 : vector<128x128xi1>, vector<128x128xi32>
    %gt3A_2788 = arith.cmpf ogt, %select_n3A_2760, %select_n3A_2774 : vector<128x128xf32>
    %eq3A_2789 = arith.cmpf oeq, %select_n3A_2760, %select_n3A_2774 : vector<128x128xf32>
    %lt3A_2790 = arith.cmpi slt, %select_n3A_2761, %select_n3A_2787 : vector<128x128xi32>
    %and3A_2791 = arith.andi %eq3A_2789, %lt3A_2790 : vector<128x128xi1>
    %or3A_2792 = arith.ori %gt3A_2788, %and3A_2791 : vector<128x128xi1>
    %and3A_2793 = arith.constant 1 : i32
    %and3A_2794 = vector.broadcast %and3A_2793 : i32 to vector<128x128xi32>
    %and3A_2795 = arith.andi %add3A, %and3A_2794 : vector<128x128xi32>
    %ne3A_2796 = arith.constant 0 : i32
    %ne3A_2797 = vector.broadcast %ne3A_2796 : i32 to vector<128x128xi32>
    %ne3A_2798 = arith.cmpi ne, %and3A_2795, %ne3A_2797 : vector<128x128xi32>
    %ne3A_2799 = arith.xori %ne3A_2798, %eq3A_2351 : vector<128x128xi1>
    %ne3A_2800 = arith.xori %or3A_2792, %ne3A_2799 : vector<128x128xi1>
    %select_n3A_2801 = arith.select %ne3A_2800, %select_n3A_2760, %select_n3A_2774 : vector<128x128xi1>, vector<128x128xf32>
    %select_n3A_2802 = arith.select %ne3A_2800, %select_n3A_2761, %select_n3A_2787 : vector<128x128xi1>, vector<128x128xi32>
    %shift_right_arithmetic3A_2803 = arith.constant 12 : i32
    %shift_right_arithmetic3A_2804 = vector.broadcast %shift_right_arithmetic3A_2803 : i32 to vector<128x128xi32>
    %shift_right_arithmetic3A_2805 = arith.shrsi %add3A, %shift_right_arithmetic3A_2804 : vector<128x128xi32>
    %and3A_2806 = arith.constant 1 : i32
    %and3A_2807 = vector.broadcast %and3A_2806 : i32 to vector<128x128xi32>
    %and3A_2808 = arith.andi %shift_right_arithmetic3A_2805, %and3A_2807 : vector<128x128xi32>
    %eq3A_2809 = arith.constant 1 : i32
    %eq3A_2810 = vector.broadcast %eq3A_2809 : i32 to vector<128x128xi32>
    %eq3A_2811 = arith.cmpi eq, %and3A_2808, %eq3A_2810 : vector<128x128xi32>
    %slice3A_2812 = vector.extract_strided_slice %select_n3A_2801 {offsets = [16, 0], sizes = [112, 128], strides = [1, 1]} : vector<128x128xf32> to vector<112x128xf32>
    %slice3A_2813 = vector.extract_strided_slice %select_n3A_2801 {offsets = [0, 0], sizes = [16, 128], strides = [1, 1]} : vector<128x128xf32> to vector<16x128xf32>
    %concatenate3A_2814 = tpu.concatenate %slice3A_2812, %slice3A_2813 in 0 : vector<112x128xf32>, vector<16x128xf32> -> vector<128x128xf32>
    %slice3A_2815 = vector.extract_strided_slice %select_n3A_2801 {offsets = [112, 0], sizes = [16, 128], strides = [1, 1]} : vector<128x128xf32> to vector<16x128xf32>
    %slice3A_2816 = vector.extract_strided_slice %select_n3A_2801 {offsets = [0, 0], sizes = [112, 128], strides = [1, 1]} : vector<128x128xf32> to vector<112x128xf32>
    %concatenate3A_2817 = tpu.concatenate %slice3A_2815, %slice3A_2816 in 0 : vector<16x128xf32>, vector<112x128xf32> -> vector<128x128xf32>
    %and3A_2818 = arith.constant 16 : i32
    %and3A_2819 = vector.broadcast %and3A_2818 : i32 to vector<128x128xi32>
    %and3A_2820 = arith.andi %and3A_2, %and3A_2819 : vector<128x128xi32>
    %eq3A_2821 = arith.constant 0 : i32
    %eq3A_2822 = vector.broadcast %eq3A_2821 : i32 to vector<128x128xi32>
    %eq3A_2823 = arith.cmpi eq, %and3A_2820, %eq3A_2822 : vector<128x128xi32>
    %select_n3A_2824 = arith.select %eq3A_2823, %concatenate3A_2814, %concatenate3A_2817 : vector<128x128xi1>, vector<128x128xf32>
    %slice3A_2825 = vector.extract_strided_slice %select_n3A_2802 {offsets = [16, 0], sizes = [112, 128], strides = [1, 1]} : vector<128x128xi32> to vector<112x128xi32>
    %slice3A_2826 = vector.extract_strided_slice %select_n3A_2802 {offsets = [0, 0], sizes = [16, 128], strides = [1, 1]} : vector<128x128xi32> to vector<16x128xi32>
    %concatenate3A_2827 = tpu.concatenate %slice3A_2825, %slice3A_2826 in 0 : vector<112x128xi32>, vector<16x128xi32> -> vector<128x128xi32>
    %slice3A_2828 = vector.extract_strided_slice %select_n3A_2802 {offsets = [112, 0], sizes = [16, 128], strides = [1, 1]} : vector<128x128xi32> to vector<16x128xi32>
    %slice3A_2829 = vector.extract_strided_slice %select_n3A_2802 {offsets = [0, 0], sizes = [112, 128], strides = [1, 1]} : vector<128x128xi32> to vector<112x128xi32>
    %concatenate3A_2830 = tpu.concatenate %slice3A_2828, %slice3A_2829 in 0 : vector<16x128xi32>, vector<112x128xi32> -> vector<128x128xi32>
    %and3A_2831 = arith.constant 16 : i32
    %and3A_2832 = vector.broadcast %and3A_2831 : i32 to vector<128x128xi32>
    %and3A_2833 = arith.andi %and3A_2, %and3A_2832 : vector<128x128xi32>
    %eq3A_2834 = arith.constant 0 : i32
    %eq3A_2835 = vector.broadcast %eq3A_2834 : i32 to vector<128x128xi32>
    %eq3A_2836 = arith.cmpi eq, %and3A_2833, %eq3A_2835 : vector<128x128xi32>
    %select_n3A_2837 = arith.select %eq3A_2836, %concatenate3A_2827, %concatenate3A_2830 : vector<128x128xi1>, vector<128x128xi32>
    %gt3A_2838 = arith.cmpf ogt, %select_n3A_2801, %select_n3A_2824 : vector<128x128xf32>
    %eq3A_2839 = arith.cmpf oeq, %select_n3A_2801, %select_n3A_2824 : vector<128x128xf32>
    %lt3A_2840 = arith.cmpi slt, %select_n3A_2802, %select_n3A_2837 : vector<128x128xi32>
    %and3A_2841 = arith.andi %eq3A_2839, %lt3A_2840 : vector<128x128xi1>
    %or3A_2842 = arith.ori %gt3A_2838, %and3A_2841 : vector<128x128xi1>
    %and3A_2843 = arith.constant 2048 : i32
    %and3A_2844 = vector.broadcast %and3A_2843 : i32 to vector<128x128xi32>
    %and3A_2845 = arith.andi %add3A, %and3A_2844 : vector<128x128xi32>
    %ne3A_2846 = arith.constant 0 : i32
    %ne3A_2847 = vector.broadcast %ne3A_2846 : i32 to vector<128x128xi32>
    %ne3A_2848 = arith.cmpi ne, %and3A_2845, %ne3A_2847 : vector<128x128xi32>
    %ne3A_2849 = arith.xori %ne3A_2848, %eq3A_2811 : vector<128x128xi1>
    %ne3A_2850 = arith.xori %or3A_2842, %ne3A_2849 : vector<128x128xi1>
    %select_n3A_2851 = arith.select %ne3A_2850, %select_n3A_2801, %select_n3A_2824 : vector<128x128xi1>, vector<128x128xf32>
    %select_n3A_2852 = arith.select %ne3A_2850, %select_n3A_2802, %select_n3A_2837 : vector<128x128xi1>, vector<128x128xi32>
    %slice3A_2853 = vector.extract_strided_slice %select_n3A_2851 {offsets = [8, 0], sizes = [120, 128], strides = [1, 1]} : vector<128x128xf32> to vector<120x128xf32>
    %slice3A_2854 = vector.extract_strided_slice %select_n3A_2851 {offsets = [0, 0], sizes = [8, 128], strides = [1, 1]} : vector<128x128xf32> to vector<8x128xf32>
    %concatenate3A_2855 = tpu.concatenate %slice3A_2853, %slice3A_2854 in 0 : vector<120x128xf32>, vector<8x128xf32> -> vector<128x128xf32>
    %slice3A_2856 = vector.extract_strided_slice %select_n3A_2851 {offsets = [120, 0], sizes = [8, 128], strides = [1, 1]} : vector<128x128xf32> to vector<8x128xf32>
    %slice3A_2857 = vector.extract_strided_slice %select_n3A_2851 {offsets = [0, 0], sizes = [120, 128], strides = [1, 1]} : vector<128x128xf32> to vector<120x128xf32>
    %concatenate3A_2858 = tpu.concatenate %slice3A_2856, %slice3A_2857 in 0 : vector<8x128xf32>, vector<120x128xf32> -> vector<128x128xf32>
    %and3A_2859 = arith.constant 8 : i32
    %and3A_2860 = vector.broadcast %and3A_2859 : i32 to vector<128x128xi32>
    %and3A_2861 = arith.andi %and3A_2, %and3A_2860 : vector<128x128xi32>
    %eq3A_2862 = arith.constant 0 : i32
    %eq3A_2863 = vector.broadcast %eq3A_2862 : i32 to vector<128x128xi32>
    %eq3A_2864 = arith.cmpi eq, %and3A_2861, %eq3A_2863 : vector<128x128xi32>
    %select_n3A_2865 = arith.select %eq3A_2864, %concatenate3A_2855, %concatenate3A_2858 : vector<128x128xi1>, vector<128x128xf32>
    %slice3A_2866 = vector.extract_strided_slice %select_n3A_2852 {offsets = [8, 0], sizes = [120, 128], strides = [1, 1]} : vector<128x128xi32> to vector<120x128xi32>
    %slice3A_2867 = vector.extract_strided_slice %select_n3A_2852 {offsets = [0, 0], sizes = [8, 128], strides = [1, 1]} : vector<128x128xi32> to vector<8x128xi32>
    %concatenate3A_2868 = tpu.concatenate %slice3A_2866, %slice3A_2867 in 0 : vector<120x128xi32>, vector<8x128xi32> -> vector<128x128xi32>
    %slice3A_2869 = vector.extract_strided_slice %select_n3A_2852 {offsets = [120, 0], sizes = [8, 128], strides = [1, 1]} : vector<128x128xi32> to vector<8x128xi32>
    %slice3A_2870 = vector.extract_strided_slice %select_n3A_2852 {offsets = [0, 0], sizes = [120, 128], strides = [1, 1]} : vector<128x128xi32> to vector<120x128xi32>
    %concatenate3A_2871 = tpu.concatenate %slice3A_2869, %slice3A_2870 in 0 : vector<8x128xi32>, vector<120x128xi32> -> vector<128x128xi32>
    %and3A_2872 = arith.constant 8 : i32
    %and3A_2873 = vector.broadcast %and3A_2872 : i32 to vector<128x128xi32>
    %and3A_2874 = arith.andi %and3A_2, %and3A_2873 : vector<128x128xi32>
    %eq3A_2875 = arith.constant 0 : i32
    %eq3A_2876 = vector.broadcast %eq3A_2875 : i32 to vector<128x128xi32>
    %eq3A_2877 = arith.cmpi eq, %and3A_2874, %eq3A_2876 : vector<128x128xi32>
    %select_n3A_2878 = arith.select %eq3A_2877, %concatenate3A_2868, %concatenate3A_2871 : vector<128x128xi1>, vector<128x128xi32>
    %gt3A_2879 = arith.cmpf ogt, %select_n3A_2851, %select_n3A_2865 : vector<128x128xf32>
    %eq3A_2880 = arith.cmpf oeq, %select_n3A_2851, %select_n3A_2865 : vector<128x128xf32>
    %lt3A_2881 = arith.cmpi slt, %select_n3A_2852, %select_n3A_2878 : vector<128x128xi32>
    %and3A_2882 = arith.andi %eq3A_2880, %lt3A_2881 : vector<128x128xi1>
    %or3A_2883 = arith.ori %gt3A_2879, %and3A_2882 : vector<128x128xi1>
    %and3A_2884 = arith.constant 1024 : i32
    %and3A_2885 = vector.broadcast %and3A_2884 : i32 to vector<128x128xi32>
    %and3A_2886 = arith.andi %add3A, %and3A_2885 : vector<128x128xi32>
    %ne3A_2887 = arith.constant 0 : i32
    %ne3A_2888 = vector.broadcast %ne3A_2887 : i32 to vector<128x128xi32>
    %ne3A_2889 = arith.cmpi ne, %and3A_2886, %ne3A_2888 : vector<128x128xi32>
    %ne3A_2890 = arith.xori %ne3A_2889, %eq3A_2811 : vector<128x128xi1>
    %ne3A_2891 = arith.xori %or3A_2883, %ne3A_2890 : vector<128x128xi1>
    %select_n3A_2892 = arith.select %ne3A_2891, %select_n3A_2851, %select_n3A_2865 : vector<128x128xi1>, vector<128x128xf32>
    %select_n3A_2893 = arith.select %ne3A_2891, %select_n3A_2852, %select_n3A_2878 : vector<128x128xi1>, vector<128x128xi32>
    %slice3A_2894 = vector.extract_strided_slice %select_n3A_2892 {offsets = [4, 0], sizes = [124, 128], strides = [1, 1]} : vector<128x128xf32> to vector<124x128xf32>
    %slice3A_2895 = vector.extract_strided_slice %select_n3A_2892 {offsets = [0, 0], sizes = [4, 128], strides = [1, 1]} : vector<128x128xf32> to vector<4x128xf32>
    %concatenate3A_2896 = tpu.concatenate %slice3A_2894, %slice3A_2895 in 0 : vector<124x128xf32>, vector<4x128xf32> -> vector<128x128xf32>
    %slice3A_2897 = vector.extract_strided_slice %select_n3A_2892 {offsets = [124, 0], sizes = [4, 128], strides = [1, 1]} : vector<128x128xf32> to vector<4x128xf32>
    %slice3A_2898 = vector.extract_strided_slice %select_n3A_2892 {offsets = [0, 0], sizes = [124, 128], strides = [1, 1]} : vector<128x128xf32> to vector<124x128xf32>
    %concatenate3A_2899 = tpu.concatenate %slice3A_2897, %slice3A_2898 in 0 : vector<4x128xf32>, vector<124x128xf32> -> vector<128x128xf32>
    %and3A_2900 = arith.constant 4 : i32
    %and3A_2901 = vector.broadcast %and3A_2900 : i32 to vector<128x128xi32>
    %and3A_2902 = arith.andi %and3A_2, %and3A_2901 : vector<128x128xi32>
    %eq3A_2903 = arith.constant 0 : i32
    %eq3A_2904 = vector.broadcast %eq3A_2903 : i32 to vector<128x128xi32>
    %eq3A_2905 = arith.cmpi eq, %and3A_2902, %eq3A_2904 : vector<128x128xi32>
    %select_n3A_2906 = arith.select %eq3A_2905, %concatenate3A_2896, %concatenate3A_2899 : vector<128x128xi1>, vector<128x128xf32>
    %slice3A_2907 = vector.extract_strided_slice %select_n3A_2893 {offsets = [4, 0], sizes = [124, 128], strides = [1, 1]} : vector<128x128xi32> to vector<124x128xi32>
    %slice3A_2908 = vector.extract_strided_slice %select_n3A_2893 {offsets = [0, 0], sizes = [4, 128], strides = [1, 1]} : vector<128x128xi32> to vector<4x128xi32>
    %concatenate3A_2909 = tpu.concatenate %slice3A_2907, %slice3A_2908 in 0 : vector<124x128xi32>, vector<4x128xi32> -> vector<128x128xi32>
    %slice3A_2910 = vector.extract_strided_slice %select_n3A_2893 {offsets = [124, 0], sizes = [4, 128], strides = [1, 1]} : vector<128x128xi32> to vector<4x128xi32>
    %slice3A_2911 = vector.extract_strided_slice %select_n3A_2893 {offsets = [0, 0], sizes = [124, 128], strides = [1, 1]} : vector<128x128xi32> to vector<124x128xi32>
    %concatenate3A_2912 = tpu.concatenate %slice3A_2910, %slice3A_2911 in 0 : vector<4x128xi32>, vector<124x128xi32> -> vector<128x128xi32>
    %and3A_2913 = arith.constant 4 : i32
    %and3A_2914 = vector.broadcast %and3A_2913 : i32 to vector<128x128xi32>
    %and3A_2915 = arith.andi %and3A_2, %and3A_2914 : vector<128x128xi32>
    %eq3A_2916 = arith.constant 0 : i32
    %eq3A_2917 = vector.broadcast %eq3A_2916 : i32 to vector<128x128xi32>
    %eq3A_2918 = arith.cmpi eq, %and3A_2915, %eq3A_2917 : vector<128x128xi32>
    %select_n3A_2919 = arith.select %eq3A_2918, %concatenate3A_2909, %concatenate3A_2912 : vector<128x128xi1>, vector<128x128xi32>
    %gt3A_2920 = arith.cmpf ogt, %select_n3A_2892, %select_n3A_2906 : vector<128x128xf32>
    %eq3A_2921 = arith.cmpf oeq, %select_n3A_2892, %select_n3A_2906 : vector<128x128xf32>
    %lt3A_2922 = arith.cmpi slt, %select_n3A_2893, %select_n3A_2919 : vector<128x128xi32>
    %and3A_2923 = arith.andi %eq3A_2921, %lt3A_2922 : vector<128x128xi1>
    %or3A_2924 = arith.ori %gt3A_2920, %and3A_2923 : vector<128x128xi1>
    %and3A_2925 = arith.constant 512 : i32
    %and3A_2926 = vector.broadcast %and3A_2925 : i32 to vector<128x128xi32>
    %and3A_2927 = arith.andi %add3A, %and3A_2926 : vector<128x128xi32>
    %ne3A_2928 = arith.constant 0 : i32
    %ne3A_2929 = vector.broadcast %ne3A_2928 : i32 to vector<128x128xi32>
    %ne3A_2930 = arith.cmpi ne, %and3A_2927, %ne3A_2929 : vector<128x128xi32>
    %ne3A_2931 = arith.xori %ne3A_2930, %eq3A_2811 : vector<128x128xi1>
    %ne3A_2932 = arith.xori %or3A_2924, %ne3A_2931 : vector<128x128xi1>
    %select_n3A_2933 = arith.select %ne3A_2932, %select_n3A_2892, %select_n3A_2906 : vector<128x128xi1>, vector<128x128xf32>
    %select_n3A_2934 = arith.select %ne3A_2932, %select_n3A_2893, %select_n3A_2919 : vector<128x128xi1>, vector<128x128xi32>
    %slice3A_2935 = vector.extract_strided_slice %select_n3A_2933 {offsets = [2, 0], sizes = [126, 128], strides = [1, 1]} : vector<128x128xf32> to vector<126x128xf32>
    %slice3A_2936 = vector.extract_strided_slice %select_n3A_2933 {offsets = [0, 0], sizes = [2, 128], strides = [1, 1]} : vector<128x128xf32> to vector<2x128xf32>
    %concatenate3A_2937 = tpu.concatenate %slice3A_2935, %slice3A_2936 in 0 : vector<126x128xf32>, vector<2x128xf32> -> vector<128x128xf32>
    %slice3A_2938 = vector.extract_strided_slice %select_n3A_2933 {offsets = [126, 0], sizes = [2, 128], strides = [1, 1]} : vector<128x128xf32> to vector<2x128xf32>
    %slice3A_2939 = vector.extract_strided_slice %select_n3A_2933 {offsets = [0, 0], sizes = [126, 128], strides = [1, 1]} : vector<128x128xf32> to vector<126x128xf32>
    %concatenate3A_2940 = tpu.concatenate %slice3A_2938, %slice3A_2939 in 0 : vector<2x128xf32>, vector<126x128xf32> -> vector<128x128xf32>
    %and3A_2941 = arith.constant 2 : i32
    %and3A_2942 = vector.broadcast %and3A_2941 : i32 to vector<128x128xi32>
    %and3A_2943 = arith.andi %and3A_2, %and3A_2942 : vector<128x128xi32>
    %eq3A_2944 = arith.constant 0 : i32
    %eq3A_2945 = vector.broadcast %eq3A_2944 : i32 to vector<128x128xi32>
    %eq3A_2946 = arith.cmpi eq, %and3A_2943, %eq3A_2945 : vector<128x128xi32>
    %select_n3A_2947 = arith.select %eq3A_2946, %concatenate3A_2937, %concatenate3A_2940 : vector<128x128xi1>, vector<128x128xf32>
    %slice3A_2948 = vector.extract_strided_slice %select_n3A_2934 {offsets = [2, 0], sizes = [126, 128], strides = [1, 1]} : vector<128x128xi32> to vector<126x128xi32>
    %slice3A_2949 = vector.extract_strided_slice %select_n3A_2934 {offsets = [0, 0], sizes = [2, 128], strides = [1, 1]} : vector<128x128xi32> to vector<2x128xi32>
    %concatenate3A_2950 = tpu.concatenate %slice3A_2948, %slice3A_2949 in 0 : vector<126x128xi32>, vector<2x128xi32> -> vector<128x128xi32>
    %slice3A_2951 = vector.extract_strided_slice %select_n3A_2934 {offsets = [126, 0], sizes = [2, 128], strides = [1, 1]} : vector<128x128xi32> to vector<2x128xi32>
    %slice3A_2952 = vector.extract_strided_slice %select_n3A_2934 {offsets = [0, 0], sizes = [126, 128], strides = [1, 1]} : vector<128x128xi32> to vector<126x128xi32>
    %concatenate3A_2953 = tpu.concatenate %slice3A_2951, %slice3A_2952 in 0 : vector<2x128xi32>, vector<126x128xi32> -> vector<128x128xi32>
    %and3A_2954 = arith.constant 2 : i32
    %and3A_2955 = vector.broadcast %and3A_2954 : i32 to vector<128x128xi32>
    %and3A_2956 = arith.andi %and3A_2, %and3A_2955 : vector<128x128xi32>
    %eq3A_2957 = arith.constant 0 : i32
    %eq3A_2958 = vector.broadcast %eq3A_2957 : i32 to vector<128x128xi32>
    %eq3A_2959 = arith.cmpi eq, %and3A_2956, %eq3A_2958 : vector<128x128xi32>
    %select_n3A_2960 = arith.select %eq3A_2959, %concatenate3A_2950, %concatenate3A_2953 : vector<128x128xi1>, vector<128x128xi32>
    %gt3A_2961 = arith.cmpf ogt, %select_n3A_2933, %select_n3A_2947 : vector<128x128xf32>
    %eq3A_2962 = arith.cmpf oeq, %select_n3A_2933, %select_n3A_2947 : vector<128x128xf32>
    %lt3A_2963 = arith.cmpi slt, %select_n3A_2934, %select_n3A_2960 : vector<128x128xi32>
    %and3A_2964 = arith.andi %eq3A_2962, %lt3A_2963 : vector<128x128xi1>
    %or3A_2965 = arith.ori %gt3A_2961, %and3A_2964 : vector<128x128xi1>
    %and3A_2966 = arith.constant 256 : i32
    %and3A_2967 = vector.broadcast %and3A_2966 : i32 to vector<128x128xi32>
    %and3A_2968 = arith.andi %add3A, %and3A_2967 : vector<128x128xi32>
    %ne3A_2969 = arith.constant 0 : i32
    %ne3A_2970 = vector.broadcast %ne3A_2969 : i32 to vector<128x128xi32>
    %ne3A_2971 = arith.cmpi ne, %and3A_2968, %ne3A_2970 : vector<128x128xi32>
    %ne3A_2972 = arith.xori %ne3A_2971, %eq3A_2811 : vector<128x128xi1>
    %ne3A_2973 = arith.xori %or3A_2965, %ne3A_2972 : vector<128x128xi1>
    %select_n3A_2974 = arith.select %ne3A_2973, %select_n3A_2933, %select_n3A_2947 : vector<128x128xi1>, vector<128x128xf32>
    %select_n3A_2975 = arith.select %ne3A_2973, %select_n3A_2934, %select_n3A_2960 : vector<128x128xi1>, vector<128x128xi32>
    %slice3A_2976 = vector.extract_strided_slice %select_n3A_2974 {offsets = [1, 0], sizes = [127, 128], strides = [1, 1]} : vector<128x128xf32> to vector<127x128xf32>
    %slice3A_2977 = vector.extract_strided_slice %select_n3A_2974 {offsets = [0, 0], sizes = [1, 128], strides = [1, 1]} : vector<128x128xf32> to vector<1x128xf32>
    %concatenate3A_2978 = tpu.concatenate %slice3A_2976, %slice3A_2977 in 0 : vector<127x128xf32>, vector<1x128xf32> -> vector<128x128xf32>
    %slice3A_2979 = vector.extract_strided_slice %select_n3A_2974 {offsets = [127, 0], sizes = [1, 128], strides = [1, 1]} : vector<128x128xf32> to vector<1x128xf32>
    %slice3A_2980 = vector.extract_strided_slice %select_n3A_2974 {offsets = [0, 0], sizes = [127, 128], strides = [1, 1]} : vector<128x128xf32> to vector<127x128xf32>
    %concatenate3A_2981 = tpu.concatenate %slice3A_2979, %slice3A_2980 in 0 : vector<1x128xf32>, vector<127x128xf32> -> vector<128x128xf32>
    %and3A_2982 = arith.constant 1 : i32
    %and3A_2983 = vector.broadcast %and3A_2982 : i32 to vector<128x128xi32>
    %and3A_2984 = arith.andi %and3A_2, %and3A_2983 : vector<128x128xi32>
    %eq3A_2985 = arith.constant 0 : i32
    %eq3A_2986 = vector.broadcast %eq3A_2985 : i32 to vector<128x128xi32>
    %eq3A_2987 = arith.cmpi eq, %and3A_2984, %eq3A_2986 : vector<128x128xi32>
    %select_n3A_2988 = arith.select %eq3A_2987, %concatenate3A_2978, %concatenate3A_2981 : vector<128x128xi1>, vector<128x128xf32>
    %slice3A_2989 = vector.extract_strided_slice %select_n3A_2975 {offsets = [1, 0], sizes = [127, 128], strides = [1, 1]} : vector<128x128xi32> to vector<127x128xi32>
    %slice3A_2990 = vector.extract_strided_slice %select_n3A_2975 {offsets = [0, 0], sizes = [1, 128], strides = [1, 1]} : vector<128x128xi32> to vector<1x128xi32>
    %concatenate3A_2991 = tpu.concatenate %slice3A_2989, %slice3A_2990 in 0 : vector<127x128xi32>, vector<1x128xi32> -> vector<128x128xi32>
    %slice3A_2992 = vector.extract_strided_slice %select_n3A_2975 {offsets = [127, 0], sizes = [1, 128], strides = [1, 1]} : vector<128x128xi32> to vector<1x128xi32>
    %slice3A_2993 = vector.extract_strided_slice %select_n3A_2975 {offsets = [0, 0], sizes = [127, 128], strides = [1, 1]} : vector<128x128xi32> to vector<127x128xi32>
    %concatenate3A_2994 = tpu.concatenate %slice3A_2992, %slice3A_2993 in 0 : vector<1x128xi32>, vector<127x128xi32> -> vector<128x128xi32>
    %and3A_2995 = arith.constant 1 : i32
    %and3A_2996 = vector.broadcast %and3A_2995 : i32 to vector<128x128xi32>
    %and3A_2997 = arith.andi %and3A_2, %and3A_2996 : vector<128x128xi32>
    %eq3A_2998 = arith.constant 0 : i32
    %eq3A_2999 = vector.broadcast %eq3A_2998 : i32 to vector<128x128xi32>
    %eq3A_3000 = arith.cmpi eq, %and3A_2997, %eq3A_2999 : vector<128x128xi32>
    %select_n3A_3001 = arith.select %eq3A_3000, %concatenate3A_2991, %concatenate3A_2994 : vector<128x128xi1>, vector<128x128xi32>
    %gt3A_3002 = arith.cmpf ogt, %select_n3A_2974, %select_n3A_2988 : vector<128x128xf32>
    %eq3A_3003 = arith.cmpf oeq, %select_n3A_2974, %select_n3A_2988 : vector<128x128xf32>
    %lt3A_3004 = arith.cmpi slt, %select_n3A_2975, %select_n3A_3001 : vector<128x128xi32>
    %and3A_3005 = arith.andi %eq3A_3003, %lt3A_3004 : vector<128x128xi1>
    %or3A_3006 = arith.ori %gt3A_3002, %and3A_3005 : vector<128x128xi1>
    %and3A_3007 = arith.constant 128 : i32
    %and3A_3008 = vector.broadcast %and3A_3007 : i32 to vector<128x128xi32>
    %and3A_3009 = arith.andi %add3A, %and3A_3008 : vector<128x128xi32>
    %ne3A_3010 = arith.constant 0 : i32
    %ne3A_3011 = vector.broadcast %ne3A_3010 : i32 to vector<128x128xi32>
    %ne3A_3012 = arith.cmpi ne, %and3A_3009, %ne3A_3011 : vector<128x128xi32>
    %ne3A_3013 = arith.xori %ne3A_3012, %eq3A_2811 : vector<128x128xi1>
    %ne3A_3014 = arith.xori %or3A_3006, %ne3A_3013 : vector<128x128xi1>
    %select_n3A_3015 = arith.select %ne3A_3014, %select_n3A_2974, %select_n3A_2988 : vector<128x128xi1>, vector<128x128xf32>
    %select_n3A_3016 = arith.select %ne3A_3014, %select_n3A_2975, %select_n3A_3001 : vector<128x128xi1>, vector<128x128xi32>
    %slice3A_3017 = vector.extract_strided_slice %select_n3A_3015 {offsets = [0, 64], sizes = [128, 64], strides = [1, 1]} : vector<128x128xf32> to vector<128x64xf32>
    %slice3A_3018 = vector.extract_strided_slice %select_n3A_3015 {offsets = [0, 0], sizes = [128, 64], strides = [1, 1]} : vector<128x128xf32> to vector<128x64xf32>
    %concatenate3A_3019 = tpu.concatenate %slice3A_3017, %slice3A_3018 in 1 : vector<128x64xf32>, vector<128x64xf32> -> vector<128x128xf32>
    %slice3A_3020 = vector.extract_strided_slice %select_n3A_3015 {offsets = [0, 64], sizes = [128, 64], strides = [1, 1]} : vector<128x128xf32> to vector<128x64xf32>
    %slice3A_3021 = vector.extract_strided_slice %select_n3A_3015 {offsets = [0, 0], sizes = [128, 64], strides = [1, 1]} : vector<128x128xf32> to vector<128x64xf32>
    %concatenate3A_3022 = tpu.concatenate %slice3A_3020, %slice3A_3021 in 1 : vector<128x64xf32>, vector<128x64xf32> -> vector<128x128xf32>
    %and3A_3023 = arith.constant 64 : i32
    %and3A_3024 = vector.broadcast %and3A_3023 : i32 to vector<128x128xi32>
    %and3A_3025 = arith.andi %iota3A_0, %and3A_3024 : vector<128x128xi32>
    %eq3A_3026 = arith.constant 0 : i32
    %eq3A_3027 = vector.broadcast %eq3A_3026 : i32 to vector<128x128xi32>
    %eq3A_3028 = arith.cmpi eq, %and3A_3025, %eq3A_3027 : vector<128x128xi32>
    %select_n3A_3029 = arith.select %eq3A_3028, %concatenate3A_3019, %concatenate3A_3022 : vector<128x128xi1>, vector<128x128xf32>
    %slice3A_3030 = vector.extract_strided_slice %select_n3A_3016 {offsets = [0, 64], sizes = [128, 64], strides = [1, 1]} : vector<128x128xi32> to vector<128x64xi32>
    %slice3A_3031 = vector.extract_strided_slice %select_n3A_3016 {offsets = [0, 0], sizes = [128, 64], strides = [1, 1]} : vector<128x128xi32> to vector<128x64xi32>
    %concatenate3A_3032 = tpu.concatenate %slice3A_3030, %slice3A_3031 in 1 : vector<128x64xi32>, vector<128x64xi32> -> vector<128x128xi32>
    %slice3A_3033 = vector.extract_strided_slice %select_n3A_3016 {offsets = [0, 64], sizes = [128, 64], strides = [1, 1]} : vector<128x128xi32> to vector<128x64xi32>
    %slice3A_3034 = vector.extract_strided_slice %select_n3A_3016 {offsets = [0, 0], sizes = [128, 64], strides = [1, 1]} : vector<128x128xi32> to vector<128x64xi32>
    %concatenate3A_3035 = tpu.concatenate %slice3A_3033, %slice3A_3034 in 1 : vector<128x64xi32>, vector<128x64xi32> -> vector<128x128xi32>
    %and3A_3036 = arith.constant 64 : i32
    %and3A_3037 = vector.broadcast %and3A_3036 : i32 to vector<128x128xi32>
    %and3A_3038 = arith.andi %iota3A_0, %and3A_3037 : vector<128x128xi32>
    %eq3A_3039 = arith.constant 0 : i32
    %eq3A_3040 = vector.broadcast %eq3A_3039 : i32 to vector<128x128xi32>
    %eq3A_3041 = arith.cmpi eq, %and3A_3038, %eq3A_3040 : vector<128x128xi32>
    %select_n3A_3042 = arith.select %eq3A_3041, %concatenate3A_3032, %concatenate3A_3035 : vector<128x128xi1>, vector<128x128xi32>
    %gt3A_3043 = arith.cmpf ogt, %select_n3A_3015, %select_n3A_3029 : vector<128x128xf32>
    %eq3A_3044 = arith.cmpf oeq, %select_n3A_3015, %select_n3A_3029 : vector<128x128xf32>
    %lt3A_3045 = arith.cmpi slt, %select_n3A_3016, %select_n3A_3042 : vector<128x128xi32>
    %and3A_3046 = arith.andi %eq3A_3044, %lt3A_3045 : vector<128x128xi1>
    %or3A_3047 = arith.ori %gt3A_3043, %and3A_3046 : vector<128x128xi1>
    %and3A_3048 = arith.constant 64 : i32
    %and3A_3049 = vector.broadcast %and3A_3048 : i32 to vector<128x128xi32>
    %and3A_3050 = arith.andi %add3A, %and3A_3049 : vector<128x128xi32>
    %ne3A_3051 = arith.constant 0 : i32
    %ne3A_3052 = vector.broadcast %ne3A_3051 : i32 to vector<128x128xi32>
    %ne3A_3053 = arith.cmpi ne, %and3A_3050, %ne3A_3052 : vector<128x128xi32>
    %ne3A_3054 = arith.xori %ne3A_3053, %eq3A_2811 : vector<128x128xi1>
    %ne3A_3055 = arith.xori %or3A_3047, %ne3A_3054 : vector<128x128xi1>
    %select_n3A_3056 = arith.select %ne3A_3055, %select_n3A_3015, %select_n3A_3029 : vector<128x128xi1>, vector<128x128xf32>
    %select_n3A_3057 = arith.select %ne3A_3055, %select_n3A_3016, %select_n3A_3042 : vector<128x128xi1>, vector<128x128xi32>
    %slice3A_3058 = vector.extract_strided_slice %select_n3A_3056 {offsets = [0, 32], sizes = [128, 96], strides = [1, 1]} : vector<128x128xf32> to vector<128x96xf32>
    %slice3A_3059 = vector.extract_strided_slice %select_n3A_3056 {offsets = [0, 0], sizes = [128, 32], strides = [1, 1]} : vector<128x128xf32> to vector<128x32xf32>
    %concatenate3A_3060 = tpu.concatenate %slice3A_3058, %slice3A_3059 in 1 : vector<128x96xf32>, vector<128x32xf32> -> vector<128x128xf32>
    %slice3A_3061 = vector.extract_strided_slice %select_n3A_3056 {offsets = [0, 96], sizes = [128, 32], strides = [1, 1]} : vector<128x128xf32> to vector<128x32xf32>
    %slice3A_3062 = vector.extract_strided_slice %select_n3A_3056 {offsets = [0, 0], sizes = [128, 96], strides = [1, 1]} : vector<128x128xf32> to vector<128x96xf32>
    %concatenate3A_3063 = tpu.concatenate %slice3A_3061, %slice3A_3062 in 1 : vector<128x32xf32>, vector<128x96xf32> -> vector<128x128xf32>
    %and3A_3064 = arith.constant 32 : i32
    %and3A_3065 = vector.broadcast %and3A_3064 : i32 to vector<128x128xi32>
    %and3A_3066 = arith.andi %iota3A_0, %and3A_3065 : vector<128x128xi32>
    %eq3A_3067 = arith.constant 0 : i32
    %eq3A_3068 = vector.broadcast %eq3A_3067 : i32 to vector<128x128xi32>
    %eq3A_3069 = arith.cmpi eq, %and3A_3066, %eq3A_3068 : vector<128x128xi32>
    %select_n3A_3070 = arith.select %eq3A_3069, %concatenate3A_3060, %concatenate3A_3063 : vector<128x128xi1>, vector<128x128xf32>
    %slice3A_3071 = vector.extract_strided_slice %select_n3A_3057 {offsets = [0, 32], sizes = [128, 96], strides = [1, 1]} : vector<128x128xi32> to vector<128x96xi32>
    %slice3A_3072 = vector.extract_strided_slice %select_n3A_3057 {offsets = [0, 0], sizes = [128, 32], strides = [1, 1]} : vector<128x128xi32> to vector<128x32xi32>
    %concatenate3A_3073 = tpu.concatenate %slice3A_3071, %slice3A_3072 in 1 : vector<128x96xi32>, vector<128x32xi32> -> vector<128x128xi32>
    %slice3A_3074 = vector.extract_strided_slice %select_n3A_3057 {offsets = [0, 96], sizes = [128, 32], strides = [1, 1]} : vector<128x128xi32> to vector<128x32xi32>
    %slice3A_3075 = vector.extract_strided_slice %select_n3A_3057 {offsets = [0, 0], sizes = [128, 96], strides = [1, 1]} : vector<128x128xi32> to vector<128x96xi32>
    %concatenate3A_3076 = tpu.concatenate %slice3A_3074, %slice3A_3075 in 1 : vector<128x32xi32>, vector<128x96xi32> -> vector<128x128xi32>
    %and3A_3077 = arith.constant 32 : i32
    %and3A_3078 = vector.broadcast %and3A_3077 : i32 to vector<128x128xi32>
    %and3A_3079 = arith.andi %iota3A_0, %and3A_3078 : vector<128x128xi32>
    %eq3A_3080 = arith.constant 0 : i32
    %eq3A_3081 = vector.broadcast %eq3A_3080 : i32 to vector<128x128xi32>
    %eq3A_3082 = arith.cmpi eq, %and3A_3079, %eq3A_3081 : vector<128x128xi32>
    %select_n3A_3083 = arith.select %eq3A_3082, %concatenate3A_3073, %concatenate3A_3076 : vector<128x128xi1>, vector<128x128xi32>
    %gt3A_3084 = arith.cmpf ogt, %select_n3A_3056, %select_n3A_3070 : vector<128x128xf32>
    %eq3A_3085 = arith.cmpf oeq, %select_n3A_3056, %select_n3A_3070 : vector<128x128xf32>
    %lt3A_3086 = arith.cmpi slt, %select_n3A_3057, %select_n3A_3083 : vector<128x128xi32>
    %and3A_3087 = arith.andi %eq3A_3085, %lt3A_3086 : vector<128x128xi1>
    %or3A_3088 = arith.ori %gt3A_3084, %and3A_3087 : vector<128x128xi1>
    %and3A_3089 = arith.constant 32 : i32
    %and3A_3090 = vector.broadcast %and3A_3089 : i32 to vector<128x128xi32>
    %and3A_3091 = arith.andi %add3A, %and3A_3090 : vector<128x128xi32>
    %ne3A_3092 = arith.constant 0 : i32
    %ne3A_3093 = vector.broadcast %ne3A_3092 : i32 to vector<128x128xi32>
    %ne3A_3094 = arith.cmpi ne, %and3A_3091, %ne3A_3093 : vector<128x128xi32>
    %ne3A_3095 = arith.xori %ne3A_3094, %eq3A_2811 : vector<128x128xi1>
    %ne3A_3096 = arith.xori %or3A_3088, %ne3A_3095 : vector<128x128xi1>
    %select_n3A_3097 = arith.select %ne3A_3096, %select_n3A_3056, %select_n3A_3070 : vector<128x128xi1>, vector<128x128xf32>
    %select_n3A_3098 = arith.select %ne3A_3096, %select_n3A_3057, %select_n3A_3083 : vector<128x128xi1>, vector<128x128xi32>
    %slice3A_3099 = vector.extract_strided_slice %select_n3A_3097 {offsets = [0, 16], sizes = [128, 112], strides = [1, 1]} : vector<128x128xf32> to vector<128x112xf32>
    %slice3A_3100 = vector.extract_strided_slice %select_n3A_3097 {offsets = [0, 0], sizes = [128, 16], strides = [1, 1]} : vector<128x128xf32> to vector<128x16xf32>
    %concatenate3A_3101 = tpu.concatenate %slice3A_3099, %slice3A_3100 in 1 : vector<128x112xf32>, vector<128x16xf32> -> vector<128x128xf32>
    %slice3A_3102 = vector.extract_strided_slice %select_n3A_3097 {offsets = [0, 112], sizes = [128, 16], strides = [1, 1]} : vector<128x128xf32> to vector<128x16xf32>
    %slice3A_3103 = vector.extract_strided_slice %select_n3A_3097 {offsets = [0, 0], sizes = [128, 112], strides = [1, 1]} : vector<128x128xf32> to vector<128x112xf32>
    %concatenate3A_3104 = tpu.concatenate %slice3A_3102, %slice3A_3103 in 1 : vector<128x16xf32>, vector<128x112xf32> -> vector<128x128xf32>
    %and3A_3105 = arith.constant 16 : i32
    %and3A_3106 = vector.broadcast %and3A_3105 : i32 to vector<128x128xi32>
    %and3A_3107 = arith.andi %iota3A_0, %and3A_3106 : vector<128x128xi32>
    %eq3A_3108 = arith.constant 0 : i32
    %eq3A_3109 = vector.broadcast %eq3A_3108 : i32 to vector<128x128xi32>
    %eq3A_3110 = arith.cmpi eq, %and3A_3107, %eq3A_3109 : vector<128x128xi32>
    %select_n3A_3111 = arith.select %eq3A_3110, %concatenate3A_3101, %concatenate3A_3104 : vector<128x128xi1>, vector<128x128xf32>
    %slice3A_3112 = vector.extract_strided_slice %select_n3A_3098 {offsets = [0, 16], sizes = [128, 112], strides = [1, 1]} : vector<128x128xi32> to vector<128x112xi32>
    %slice3A_3113 = vector.extract_strided_slice %select_n3A_3098 {offsets = [0, 0], sizes = [128, 16], strides = [1, 1]} : vector<128x128xi32> to vector<128x16xi32>
    %concatenate3A_3114 = tpu.concatenate %slice3A_3112, %slice3A_3113 in 1 : vector<128x112xi32>, vector<128x16xi32> -> vector<128x128xi32>
    %slice3A_3115 = vector.extract_strided_slice %select_n3A_3098 {offsets = [0, 112], sizes = [128, 16], strides = [1, 1]} : vector<128x128xi32> to vector<128x16xi32>
    %slice3A_3116 = vector.extract_strided_slice %select_n3A_3098 {offsets = [0, 0], sizes = [128, 112], strides = [1, 1]} : vector<128x128xi32> to vector<128x112xi32>
    %concatenate3A_3117 = tpu.concatenate %slice3A_3115, %slice3A_3116 in 1 : vector<128x16xi32>, vector<128x112xi32> -> vector<128x128xi32>
    %and3A_3118 = arith.constant 16 : i32
    %and3A_3119 = vector.broadcast %and3A_3118 : i32 to vector<128x128xi32>
    %and3A_3120 = arith.andi %iota3A_0, %and3A_3119 : vector<128x128xi32>
    %eq3A_3121 = arith.constant 0 : i32
    %eq3A_3122 = vector.broadcast %eq3A_3121 : i32 to vector<128x128xi32>
    %eq3A_3123 = arith.cmpi eq, %and3A_3120, %eq3A_3122 : vector<128x128xi32>
    %select_n3A_3124 = arith.select %eq3A_3123, %concatenate3A_3114, %concatenate3A_3117 : vector<128x128xi1>, vector<128x128xi32>
    %gt3A_3125 = arith.cmpf ogt, %select_n3A_3097, %select_n3A_3111 : vector<128x128xf32>
    %eq3A_3126 = arith.cmpf oeq, %select_n3A_3097, %select_n3A_3111 : vector<128x128xf32>
    %lt3A_3127 = arith.cmpi slt, %select_n3A_3098, %select_n3A_3124 : vector<128x128xi32>
    %and3A_3128 = arith.andi %eq3A_3126, %lt3A_3127 : vector<128x128xi1>
    %or3A_3129 = arith.ori %gt3A_3125, %and3A_3128 : vector<128x128xi1>
    %and3A_3130 = arith.constant 16 : i32
    %and3A_3131 = vector.broadcast %and3A_3130 : i32 to vector<128x128xi32>
    %and3A_3132 = arith.andi %add3A, %and3A_3131 : vector<128x128xi32>
    %ne3A_3133 = arith.constant 0 : i32
    %ne3A_3134 = vector.broadcast %ne3A_3133 : i32 to vector<128x128xi32>
    %ne3A_3135 = arith.cmpi ne, %and3A_3132, %ne3A_3134 : vector<128x128xi32>
    %ne3A_3136 = arith.xori %ne3A_3135, %eq3A_2811 : vector<128x128xi1>
    %ne3A_3137 = arith.xori %or3A_3129, %ne3A_3136 : vector<128x128xi1>
    %select_n3A_3138 = arith.select %ne3A_3137, %select_n3A_3097, %select_n3A_3111 : vector<128x128xi1>, vector<128x128xf32>
    %select_n3A_3139 = arith.select %ne3A_3137, %select_n3A_3098, %select_n3A_3124 : vector<128x128xi1>, vector<128x128xi32>
    %slice3A_3140 = vector.extract_strided_slice %select_n3A_3138 {offsets = [0, 8], sizes = [128, 120], strides = [1, 1]} : vector<128x128xf32> to vector<128x120xf32>
    %slice3A_3141 = vector.extract_strided_slice %select_n3A_3138 {offsets = [0, 0], sizes = [128, 8], strides = [1, 1]} : vector<128x128xf32> to vector<128x8xf32>
    %concatenate3A_3142 = tpu.concatenate %slice3A_3140, %slice3A_3141 in 1 : vector<128x120xf32>, vector<128x8xf32> -> vector<128x128xf32>
    %slice3A_3143 = vector.extract_strided_slice %select_n3A_3138 {offsets = [0, 120], sizes = [128, 8], strides = [1, 1]} : vector<128x128xf32> to vector<128x8xf32>
    %slice3A_3144 = vector.extract_strided_slice %select_n3A_3138 {offsets = [0, 0], sizes = [128, 120], strides = [1, 1]} : vector<128x128xf32> to vector<128x120xf32>
    %concatenate3A_3145 = tpu.concatenate %slice3A_3143, %slice3A_3144 in 1 : vector<128x8xf32>, vector<128x120xf32> -> vector<128x128xf32>
    %and3A_3146 = arith.constant 8 : i32
    %and3A_3147 = vector.broadcast %and3A_3146 : i32 to vector<128x128xi32>
    %and3A_3148 = arith.andi %iota3A_0, %and3A_3147 : vector<128x128xi32>
    %eq3A_3149 = arith.constant 0 : i32
    %eq3A_3150 = vector.broadcast %eq3A_3149 : i32 to vector<128x128xi32>
    %eq3A_3151 = arith.cmpi eq, %and3A_3148, %eq3A_3150 : vector<128x128xi32>
    %select_n3A_3152 = arith.select %eq3A_3151, %concatenate3A_3142, %concatenate3A_3145 : vector<128x128xi1>, vector<128x128xf32>
    %slice3A_3153 = vector.extract_strided_slice %select_n3A_3139 {offsets = [0, 8], sizes = [128, 120], strides = [1, 1]} : vector<128x128xi32> to vector<128x120xi32>
    %slice3A_3154 = vector.extract_strided_slice %select_n3A_3139 {offsets = [0, 0], sizes = [128, 8], strides = [1, 1]} : vector<128x128xi32> to vector<128x8xi32>
    %concatenate3A_3155 = tpu.concatenate %slice3A_3153, %slice3A_3154 in 1 : vector<128x120xi32>, vector<128x8xi32> -> vector<128x128xi32>
    %slice3A_3156 = vector.extract_strided_slice %select_n3A_3139 {offsets = [0, 120], sizes = [128, 8], strides = [1, 1]} : vector<128x128xi32> to vector<128x8xi32>
    %slice3A_3157 = vector.extract_strided_slice %select_n3A_3139 {offsets = [0, 0], sizes = [128, 120], strides = [1, 1]} : vector<128x128xi32> to vector<128x120xi32>
    %concatenate3A_3158 = tpu.concatenate %slice3A_3156, %slice3A_3157 in 1 : vector<128x8xi32>, vector<128x120xi32> -> vector<128x128xi32>
    %and3A_3159 = arith.constant 8 : i32
    %and3A_3160 = vector.broadcast %and3A_3159 : i32 to vector<128x128xi32>
    %and3A_3161 = arith.andi %iota3A_0, %and3A_3160 : vector<128x128xi32>
    %eq3A_3162 = arith.constant 0 : i32
    %eq3A_3163 = vector.broadcast %eq3A_3162 : i32 to vector<128x128xi32>
    %eq3A_3164 = arith.cmpi eq, %and3A_3161, %eq3A_3163 : vector<128x128xi32>
    %select_n3A_3165 = arith.select %eq3A_3164, %concatenate3A_3155, %concatenate3A_3158 : vector<128x128xi1>, vector<128x128xi32>
    %gt3A_3166 = arith.cmpf ogt, %select_n3A_3138, %select_n3A_3152 : vector<128x128xf32>
    %eq3A_3167 = arith.cmpf oeq, %select_n3A_3138, %select_n3A_3152 : vector<128x128xf32>
    %lt3A_3168 = arith.cmpi slt, %select_n3A_3139, %select_n3A_3165 : vector<128x128xi32>
    %and3A_3169 = arith.andi %eq3A_3167, %lt3A_3168 : vector<128x128xi1>
    %or3A_3170 = arith.ori %gt3A_3166, %and3A_3169 : vector<128x128xi1>
    %and3A_3171 = arith.constant 8 : i32
    %and3A_3172 = vector.broadcast %and3A_3171 : i32 to vector<128x128xi32>
    %and3A_3173 = arith.andi %add3A, %and3A_3172 : vector<128x128xi32>
    %ne3A_3174 = arith.constant 0 : i32
    %ne3A_3175 = vector.broadcast %ne3A_3174 : i32 to vector<128x128xi32>
    %ne3A_3176 = arith.cmpi ne, %and3A_3173, %ne3A_3175 : vector<128x128xi32>
    %ne3A_3177 = arith.xori %ne3A_3176, %eq3A_2811 : vector<128x128xi1>
    %ne3A_3178 = arith.xori %or3A_3170, %ne3A_3177 : vector<128x128xi1>
    %select_n3A_3179 = arith.select %ne3A_3178, %select_n3A_3138, %select_n3A_3152 : vector<128x128xi1>, vector<128x128xf32>
    %select_n3A_3180 = arith.select %ne3A_3178, %select_n3A_3139, %select_n3A_3165 : vector<128x128xi1>, vector<128x128xi32>
    %slice3A_3181 = vector.extract_strided_slice %select_n3A_3179 {offsets = [0, 4], sizes = [128, 124], strides = [1, 1]} : vector<128x128xf32> to vector<128x124xf32>
    %slice3A_3182 = vector.extract_strided_slice %select_n3A_3179 {offsets = [0, 0], sizes = [128, 4], strides = [1, 1]} : vector<128x128xf32> to vector<128x4xf32>
    %concatenate3A_3183 = tpu.concatenate %slice3A_3181, %slice3A_3182 in 1 : vector<128x124xf32>, vector<128x4xf32> -> vector<128x128xf32>
    %slice3A_3184 = vector.extract_strided_slice %select_n3A_3179 {offsets = [0, 124], sizes = [128, 4], strides = [1, 1]} : vector<128x128xf32> to vector<128x4xf32>
    %slice3A_3185 = vector.extract_strided_slice %select_n3A_3179 {offsets = [0, 0], sizes = [128, 124], strides = [1, 1]} : vector<128x128xf32> to vector<128x124xf32>
    %concatenate3A_3186 = tpu.concatenate %slice3A_3184, %slice3A_3185 in 1 : vector<128x4xf32>, vector<128x124xf32> -> vector<128x128xf32>
    %and3A_3187 = arith.constant 4 : i32
    %and3A_3188 = vector.broadcast %and3A_3187 : i32 to vector<128x128xi32>
    %and3A_3189 = arith.andi %iota3A_0, %and3A_3188 : vector<128x128xi32>
    %eq3A_3190 = arith.constant 0 : i32
    %eq3A_3191 = vector.broadcast %eq3A_3190 : i32 to vector<128x128xi32>
    %eq3A_3192 = arith.cmpi eq, %and3A_3189, %eq3A_3191 : vector<128x128xi32>
    %select_n3A_3193 = arith.select %eq3A_3192, %concatenate3A_3183, %concatenate3A_3186 : vector<128x128xi1>, vector<128x128xf32>
    %slice3A_3194 = vector.extract_strided_slice %select_n3A_3180 {offsets = [0, 4], sizes = [128, 124], strides = [1, 1]} : vector<128x128xi32> to vector<128x124xi32>
    %slice3A_3195 = vector.extract_strided_slice %select_n3A_3180 {offsets = [0, 0], sizes = [128, 4], strides = [1, 1]} : vector<128x128xi32> to vector<128x4xi32>
    %concatenate3A_3196 = tpu.concatenate %slice3A_3194, %slice3A_3195 in 1 : vector<128x124xi32>, vector<128x4xi32> -> vector<128x128xi32>
    %slice3A_3197 = vector.extract_strided_slice %select_n3A_3180 {offsets = [0, 124], sizes = [128, 4], strides = [1, 1]} : vector<128x128xi32> to vector<128x4xi32>
    %slice3A_3198 = vector.extract_strided_slice %select_n3A_3180 {offsets = [0, 0], sizes = [128, 124], strides = [1, 1]} : vector<128x128xi32> to vector<128x124xi32>
    %concatenate3A_3199 = tpu.concatenate %slice3A_3197, %slice3A_3198 in 1 : vector<128x4xi32>, vector<128x124xi32> -> vector<128x128xi32>
    %and3A_3200 = arith.constant 4 : i32
    %and3A_3201 = vector.broadcast %and3A_3200 : i32 to vector<128x128xi32>
    %and3A_3202 = arith.andi %iota3A_0, %and3A_3201 : vector<128x128xi32>
    %eq3A_3203 = arith.constant 0 : i32
    %eq3A_3204 = vector.broadcast %eq3A_3203 : i32 to vector<128x128xi32>
    %eq3A_3205 = arith.cmpi eq, %and3A_3202, %eq3A_3204 : vector<128x128xi32>
    %select_n3A_3206 = arith.select %eq3A_3205, %concatenate3A_3196, %concatenate3A_3199 : vector<128x128xi1>, vector<128x128xi32>
    %gt3A_3207 = arith.cmpf ogt, %select_n3A_3179, %select_n3A_3193 : vector<128x128xf32>
    %eq3A_3208 = arith.cmpf oeq, %select_n3A_3179, %select_n3A_3193 : vector<128x128xf32>
    %lt3A_3209 = arith.cmpi slt, %select_n3A_3180, %select_n3A_3206 : vector<128x128xi32>
    %and3A_3210 = arith.andi %eq3A_3208, %lt3A_3209 : vector<128x128xi1>
    %or3A_3211 = arith.ori %gt3A_3207, %and3A_3210 : vector<128x128xi1>
    %and3A_3212 = arith.constant 4 : i32
    %and3A_3213 = vector.broadcast %and3A_3212 : i32 to vector<128x128xi32>
    %and3A_3214 = arith.andi %add3A, %and3A_3213 : vector<128x128xi32>
    %ne3A_3215 = arith.constant 0 : i32
    %ne3A_3216 = vector.broadcast %ne3A_3215 : i32 to vector<128x128xi32>
    %ne3A_3217 = arith.cmpi ne, %and3A_3214, %ne3A_3216 : vector<128x128xi32>
    %ne3A_3218 = arith.xori %ne3A_3217, %eq3A_2811 : vector<128x128xi1>
    %ne3A_3219 = arith.xori %or3A_3211, %ne3A_3218 : vector<128x128xi1>
    %select_n3A_3220 = arith.select %ne3A_3219, %select_n3A_3179, %select_n3A_3193 : vector<128x128xi1>, vector<128x128xf32>
    %select_n3A_3221 = arith.select %ne3A_3219, %select_n3A_3180, %select_n3A_3206 : vector<128x128xi1>, vector<128x128xi32>
    %slice3A_3222 = vector.extract_strided_slice %select_n3A_3220 {offsets = [0, 2], sizes = [128, 126], strides = [1, 1]} : vector<128x128xf32> to vector<128x126xf32>
    %slice3A_3223 = vector.extract_strided_slice %select_n3A_3220 {offsets = [0, 0], sizes = [128, 2], strides = [1, 1]} : vector<128x128xf32> to vector<128x2xf32>
    %concatenate3A_3224 = tpu.concatenate %slice3A_3222, %slice3A_3223 in 1 : vector<128x126xf32>, vector<128x2xf32> -> vector<128x128xf32>
    %slice3A_3225 = vector.extract_strided_slice %select_n3A_3220 {offsets = [0, 126], sizes = [128, 2], strides = [1, 1]} : vector<128x128xf32> to vector<128x2xf32>
    %slice3A_3226 = vector.extract_strided_slice %select_n3A_3220 {offsets = [0, 0], sizes = [128, 126], strides = [1, 1]} : vector<128x128xf32> to vector<128x126xf32>
    %concatenate3A_3227 = tpu.concatenate %slice3A_3225, %slice3A_3226 in 1 : vector<128x2xf32>, vector<128x126xf32> -> vector<128x128xf32>
    %and3A_3228 = arith.constant 2 : i32
    %and3A_3229 = vector.broadcast %and3A_3228 : i32 to vector<128x128xi32>
    %and3A_3230 = arith.andi %iota3A_0, %and3A_3229 : vector<128x128xi32>
    %eq3A_3231 = arith.constant 0 : i32
    %eq3A_3232 = vector.broadcast %eq3A_3231 : i32 to vector<128x128xi32>
    %eq3A_3233 = arith.cmpi eq, %and3A_3230, %eq3A_3232 : vector<128x128xi32>
    %select_n3A_3234 = arith.select %eq3A_3233, %concatenate3A_3224, %concatenate3A_3227 : vector<128x128xi1>, vector<128x128xf32>
    %slice3A_3235 = vector.extract_strided_slice %select_n3A_3221 {offsets = [0, 2], sizes = [128, 126], strides = [1, 1]} : vector<128x128xi32> to vector<128x126xi32>
    %slice3A_3236 = vector.extract_strided_slice %select_n3A_3221 {offsets = [0, 0], sizes = [128, 2], strides = [1, 1]} : vector<128x128xi32> to vector<128x2xi32>
    %concatenate3A_3237 = tpu.concatenate %slice3A_3235, %slice3A_3236 in 1 : vector<128x126xi32>, vector<128x2xi32> -> vector<128x128xi32>
    %slice3A_3238 = vector.extract_strided_slice %select_n3A_3221 {offsets = [0, 126], sizes = [128, 2], strides = [1, 1]} : vector<128x128xi32> to vector<128x2xi32>
    %slice3A_3239 = vector.extract_strided_slice %select_n3A_3221 {offsets = [0, 0], sizes = [128, 126], strides = [1, 1]} : vector<128x128xi32> to vector<128x126xi32>
    %concatenate3A_3240 = tpu.concatenate %slice3A_3238, %slice3A_3239 in 1 : vector<128x2xi32>, vector<128x126xi32> -> vector<128x128xi32>
    %and3A_3241 = arith.constant 2 : i32
    %and3A_3242 = vector.broadcast %and3A_3241 : i32 to vector<128x128xi32>
    %and3A_3243 = arith.andi %iota3A_0, %and3A_3242 : vector<128x128xi32>
    %eq3A_3244 = arith.constant 0 : i32
    %eq3A_3245 = vector.broadcast %eq3A_3244 : i32 to vector<128x128xi32>
    %eq3A_3246 = arith.cmpi eq, %and3A_3243, %eq3A_3245 : vector<128x128xi32>
    %select_n3A_3247 = arith.select %eq3A_3246, %concatenate3A_3237, %concatenate3A_3240 : vector<128x128xi1>, vector<128x128xi32>
    %gt3A_3248 = arith.cmpf ogt, %select_n3A_3220, %select_n3A_3234 : vector<128x128xf32>
    %eq3A_3249 = arith.cmpf oeq, %select_n3A_3220, %select_n3A_3234 : vector<128x128xf32>
    %lt3A_3250 = arith.cmpi slt, %select_n3A_3221, %select_n3A_3247 : vector<128x128xi32>
    %and3A_3251 = arith.andi %eq3A_3249, %lt3A_3250 : vector<128x128xi1>
    %or3A_3252 = arith.ori %gt3A_3248, %and3A_3251 : vector<128x128xi1>
    %and3A_3253 = arith.constant 2 : i32
    %and3A_3254 = vector.broadcast %and3A_3253 : i32 to vector<128x128xi32>
    %and3A_3255 = arith.andi %add3A, %and3A_3254 : vector<128x128xi32>
    %ne3A_3256 = arith.constant 0 : i32
    %ne3A_3257 = vector.broadcast %ne3A_3256 : i32 to vector<128x128xi32>
    %ne3A_3258 = arith.cmpi ne, %and3A_3255, %ne3A_3257 : vector<128x128xi32>
    %ne3A_3259 = arith.xori %ne3A_3258, %eq3A_2811 : vector<128x128xi1>
    %ne3A_3260 = arith.xori %or3A_3252, %ne3A_3259 : vector<128x128xi1>
    %select_n3A_3261 = arith.select %ne3A_3260, %select_n3A_3220, %select_n3A_3234 : vector<128x128xi1>, vector<128x128xf32>
    %select_n3A_3262 = arith.select %ne3A_3260, %select_n3A_3221, %select_n3A_3247 : vector<128x128xi1>, vector<128x128xi32>
    %slice3A_3263 = vector.extract_strided_slice %select_n3A_3261 {offsets = [0, 1], sizes = [128, 127], strides = [1, 1]} : vector<128x128xf32> to vector<128x127xf32>
    %slice3A_3264 = vector.extract_strided_slice %select_n3A_3261 {offsets = [0, 0], sizes = [128, 1], strides = [1, 1]} : vector<128x128xf32> to vector<128x1xf32>
    %concatenate3A_3265 = tpu.concatenate %slice3A_3263, %slice3A_3264 in 1 : vector<128x127xf32>, vector<128x1xf32> -> vector<128x128xf32>
    %slice3A_3266 = vector.extract_strided_slice %select_n3A_3261 {offsets = [0, 127], sizes = [128, 1], strides = [1, 1]} : vector<128x128xf32> to vector<128x1xf32>
    %slice3A_3267 = vector.extract_strided_slice %select_n3A_3261 {offsets = [0, 0], sizes = [128, 127], strides = [1, 1]} : vector<128x128xf32> to vector<128x127xf32>
    %concatenate3A_3268 = tpu.concatenate %slice3A_3266, %slice3A_3267 in 1 : vector<128x1xf32>, vector<128x127xf32> -> vector<128x128xf32>
    %and3A_3269 = arith.constant 1 : i32
    %and3A_3270 = vector.broadcast %and3A_3269 : i32 to vector<128x128xi32>
    %and3A_3271 = arith.andi %iota3A_0, %and3A_3270 : vector<128x128xi32>
    %eq3A_3272 = arith.constant 0 : i32
    %eq3A_3273 = vector.broadcast %eq3A_3272 : i32 to vector<128x128xi32>
    %eq3A_3274 = arith.cmpi eq, %and3A_3271, %eq3A_3273 : vector<128x128xi32>
    %select_n3A_3275 = arith.select %eq3A_3274, %concatenate3A_3265, %concatenate3A_3268 : vector<128x128xi1>, vector<128x128xf32>
    %slice3A_3276 = vector.extract_strided_slice %select_n3A_3262 {offsets = [0, 1], sizes = [128, 127], strides = [1, 1]} : vector<128x128xi32> to vector<128x127xi32>
    %slice3A_3277 = vector.extract_strided_slice %select_n3A_3262 {offsets = [0, 0], sizes = [128, 1], strides = [1, 1]} : vector<128x128xi32> to vector<128x1xi32>
    %concatenate3A_3278 = tpu.concatenate %slice3A_3276, %slice3A_3277 in 1 : vector<128x127xi32>, vector<128x1xi32> -> vector<128x128xi32>
    %slice3A_3279 = vector.extract_strided_slice %select_n3A_3262 {offsets = [0, 127], sizes = [128, 1], strides = [1, 1]} : vector<128x128xi32> to vector<128x1xi32>
    %slice3A_3280 = vector.extract_strided_slice %select_n3A_3262 {offsets = [0, 0], sizes = [128, 127], strides = [1, 1]} : vector<128x128xi32> to vector<128x127xi32>
    %concatenate3A_3281 = tpu.concatenate %slice3A_3279, %slice3A_3280 in 1 : vector<128x1xi32>, vector<128x127xi32> -> vector<128x128xi32>
    %and3A_3282 = arith.constant 1 : i32
    %and3A_3283 = vector.broadcast %and3A_3282 : i32 to vector<128x128xi32>
    %and3A_3284 = arith.andi %iota3A_0, %and3A_3283 : vector<128x128xi32>
    %eq3A_3285 = arith.constant 0 : i32
    %eq3A_3286 = vector.broadcast %eq3A_3285 : i32 to vector<128x128xi32>
    %eq3A_3287 = arith.cmpi eq, %and3A_3284, %eq3A_3286 : vector<128x128xi32>
    %select_n3A_3288 = arith.select %eq3A_3287, %concatenate3A_3278, %concatenate3A_3281 : vector<128x128xi1>, vector<128x128xi32>
    %gt3A_3289 = arith.cmpf ogt, %select_n3A_3261, %select_n3A_3275 : vector<128x128xf32>
    %eq3A_3290 = arith.cmpf oeq, %select_n3A_3261, %select_n3A_3275 : vector<128x128xf32>
    %lt3A_3291 = arith.cmpi slt, %select_n3A_3262, %select_n3A_3288 : vector<128x128xi32>
    %and3A_3292 = arith.andi %eq3A_3290, %lt3A_3291 : vector<128x128xi1>
    %or3A_3293 = arith.ori %gt3A_3289, %and3A_3292 : vector<128x128xi1>
    %and3A_3294 = arith.constant 1 : i32
    %and3A_3295 = vector.broadcast %and3A_3294 : i32 to vector<128x128xi32>
    %and3A_3296 = arith.andi %add3A, %and3A_3295 : vector<128x128xi32>
    %ne3A_3297 = arith.constant 0 : i32
    %ne3A_3298 = vector.broadcast %ne3A_3297 : i32 to vector<128x128xi32>
    %ne3A_3299 = arith.cmpi ne, %and3A_3296, %ne3A_3298 : vector<128x128xi32>
    %ne3A_3300 = arith.xori %ne3A_3299, %eq3A_2811 : vector<128x128xi1>
    %ne3A_3301 = arith.xori %or3A_3293, %ne3A_3300 : vector<128x128xi1>
    %select_n3A_3302 = arith.select %ne3A_3301, %select_n3A_3261, %select_n3A_3275 : vector<128x128xi1>, vector<128x128xf32>
    %select_n3A_3303 = arith.select %ne3A_3301, %select_n3A_3262, %select_n3A_3288 : vector<128x128xi1>, vector<128x128xi32>
    %slice3A_3304 = vector.extract_strided_slice %select_n3A_3302 {offsets = [0, 0], sizes = [16, 128], strides = [1, 1]} : vector<128x128xf32> to vector<16x128xf32>
    %slice3A_3305 = vector.extract_strided_slice %select_n3A_3302 {offsets = [32, 0], sizes = [16, 128], strides = [1, 1]} : vector<128x128xf32> to vector<16x128xf32>
    %slice3A_3306 = vector.extract_strided_slice %select_n3A_3302 {offsets = [64, 0], sizes = [16, 128], strides = [1, 1]} : vector<128x128xf32> to vector<16x128xf32>
    %slice3A_3307 = vector.extract_strided_slice %select_n3A_3302 {offsets = [96, 0], sizes = [16, 128], strides = [1, 1]} : vector<128x128xf32> to vector<16x128xf32>
    %concatenate3A_3308 = tpu.concatenate %slice3A_3304, %slice3A_3305, %slice3A_3306, %slice3A_3307 in 0 : vector<16x128xf32>, vector<16x128xf32>, vector<16x128xf32>, vector<16x128xf32> -> vector<64x128xf32>
    %swap3A = arith.constant 0 : index
    %swap3A_3309 = arith.constant 0 : index
    %swap3A_3310 = vector.load %arg5[%swap3A, %swap3A_3309] : memref<64x128xf32, #tpu.memory_space<vmem>>, vector<64x128xf32>
    tpu.vector_store %arg5[%swap3A, %swap3A_3309], %concatenate3A_3308 {strides = array<i32>} : memref<64x128xf32, #tpu.memory_space<vmem>>, vector<64x128xf32>,
    %slice3A_3311 = vector.extract_strided_slice %select_n3A_3303 {offsets = [0, 0], sizes = [16, 128], strides = [1, 1]} : vector<128x128xi32> to vector<16x128xi32>
    %slice3A_3312 = vector.extract_strided_slice %select_n3A_3303 {offsets = [32, 0], sizes = [16, 128], strides = [1, 1]} : vector<128x128xi32> to vector<16x128xi32>
    %slice3A_3313 = vector.extract_strided_slice %select_n3A_3303 {offsets = [64, 0], sizes = [16, 128], strides = [1, 1]} : vector<128x128xi32> to vector<16x128xi32>
    %slice3A_3314 = vector.extract_strided_slice %select_n3A_3303 {offsets = [96, 0], sizes = [16, 128], strides = [1, 1]} : vector<128x128xi32> to vector<16x128xi32>
    %concatenate3A_3315 = tpu.concatenate %slice3A_3311, %slice3A_3312, %slice3A_3313, %slice3A_3314 in 0 : vector<16x128xi32>, vector<16x128xi32>, vector<16x128xi32>, vector<16x128xi32> -> vector<64x128xi32>
    %swap3A_3316 = arith.constant 0 : index
    %swap3A_3317 = arith.constant 0 : index
    %swap3A_3318 = vector.load %arg6[%swap3A_3316, %swap3A_3317] : memref<64x128xi32, #tpu.memory_space<vmem>>, vector<64x128xi32>
    tpu.vector_store %arg6[%swap3A_3316, %swap3A_3317], %concatenate3A_3315 {strides = array<i32>} : memref<64x128xi32, #tpu.memory_space<vmem>>, vector<64x128xi32>,
    %get3A_3319 = arith.constant 0 : index
    %get3A_3320 = arith.constant 0 : index
    %get3A_3321 = vector.load %arg1[%get3A_3319, %get3A_3320] : memref<128x128xf32, #tpu.memory_space<vmem>>, vector<128x128xf32>
    %ge3A = arith.constant 1 : i32
    %ge3A_3322 = vector.broadcast %ge3A : i32 to vector<128x128xi32>
    %ge3A_3323 = arith.cmpi sge, %iota3A_0, %ge3A_3322 : vector<128x128xi32>
    %slice3A_3324 = vector.extract_strided_slice %get3A_3321 {offsets = [0, 127], sizes = [128, 1], strides = [1, 1]} : vector<128x128xf32> to vector<128x1xf32>
    %slice3A_3325 = vector.extract_strided_slice %get3A_3321 {offsets = [0, 0], sizes = [128, 127], strides = [1, 1]} : vector<128x128xf32> to vector<128x127xf32>
    %concatenate3A_3326 = tpu.concatenate %slice3A_3324, %slice3A_3325 in 1 : vector<128x1xf32>, vector<128x127xf32> -> vector<128x128xf32>
    %jit3A = arith.constant 0.000000e+00 : f32
    %broadcast_in_dim3A = vector.broadcast %jit3A : f32 to vector<128x128xf32>
    %select_n3A_3327 = arith.select %ge3A_3323, %concatenate3A_3326, %broadcast_in_dim3A : vector<128x128xi1>, vector<128x128xf32>
    %add3A_3328 = arith.addf %get3A_3321, %select_n3A_3327 : vector<128x128xf32>
    %ge3A_3329 = arith.constant 2 : i32
    %ge3A_3330 = vector.broadcast %ge3A_3329 : i32 to vector<128x128xi32>
    %ge3A_3331 = arith.cmpi sge, %iota3A_0, %ge3A_3330 : vector<128x128xi32>
    %slice3A_3332 = vector.extract_strided_slice %add3A_3328 {offsets = [0, 126], sizes = [128, 2], strides = [1, 1]} : vector<128x128xf32> to vector<128x2xf32>
    %slice3A_3333 = vector.extract_strided_slice %add3A_3328 {offsets = [0, 0], sizes = [128, 126], strides = [1, 1]} : vector<128x128xf32> to vector<128x126xf32>
    %concatenate3A_3334 = tpu.concatenate %slice3A_3332, %slice3A_3333 in 1 : vector<128x2xf32>, vector<128x126xf32> -> vector<128x128xf32>
    %jit3A_3335 = arith.constant 0.000000e+00 : f32
    %broadcast_in_dim3A_3336 = vector.broadcast %jit3A_3335 : f32 to vector<128x128xf32>
    %select_n3A_3337 = arith.select %ge3A_3331, %concatenate3A_3334, %broadcast_in_dim3A_3336 : vector<128x128xi1>, vector<128x128xf32>
    %add3A_3338 = arith.addf %add3A_3328, %select_n3A_3337 : vector<128x128xf32>
    %ge3A_3339 = arith.constant 4 : i32
    %ge3A_3340 = vector.broadcast %ge3A_3339 : i32 to vector<128x128xi32>
    %ge3A_3341 = arith.cmpi sge, %iota3A_0, %ge3A_3340 : vector<128x128xi32>
    %slice3A_3342 = vector.extract_strided_slice %add3A_3338 {offsets = [0, 124], sizes = [128, 4], strides = [1, 1]} : vector<128x128xf32> to vector<128x4xf32>
    %slice3A_3343 = vector.extract_strided_slice %add3A_3338 {offsets = [0, 0], sizes = [128, 124], strides = [1, 1]} : vector<128x128xf32> to vector<128x124xf32>
    %concatenate3A_3344 = tpu.concatenate %slice3A_3342, %slice3A_3343 in 1 : vector<128x4xf32>, vector<128x124xf32> -> vector<128x128xf32>
    %jit3A_3345 = arith.constant 0.000000e+00 : f32
    %broadcast_in_dim3A_3346 = vector.broadcast %jit3A_3345 : f32 to vector<128x128xf32>
    %select_n3A_3347 = arith.select %ge3A_3341, %concatenate3A_3344, %broadcast_in_dim3A_3346 : vector<128x128xi1>, vector<128x128xf32>
    %add3A_3348 = arith.addf %add3A_3338, %select_n3A_3347 : vector<128x128xf32>
    %ge3A_3349 = arith.constant 8 : i32
    %ge3A_3350 = vector.broadcast %ge3A_3349 : i32 to vector<128x128xi32>
    %ge3A_3351 = arith.cmpi sge, %iota3A_0, %ge3A_3350 : vector<128x128xi32>
    %slice3A_3352 = vector.extract_strided_slice %add3A_3348 {offsets = [0, 120], sizes = [128, 8], strides = [1, 1]} : vector<128x128xf32> to vector<128x8xf32>
    %slice3A_3353 = vector.extract_strided_slice %add3A_3348 {offsets = [0, 0], sizes = [128, 120], strides = [1, 1]} : vector<128x128xf32> to vector<128x120xf32>
    %concatenate3A_3354 = tpu.concatenate %slice3A_3352, %slice3A_3353 in 1 : vector<128x8xf32>, vector<128x120xf32> -> vector<128x128xf32>
    %jit3A_3355 = arith.constant 0.000000e+00 : f32
    %broadcast_in_dim3A_3356 = vector.broadcast %jit3A_3355 : f32 to vector<128x128xf32>
    %select_n3A_3357 = arith.select %ge3A_3351, %concatenate3A_3354, %broadcast_in_dim3A_3356 : vector<128x128xi1>, vector<128x128xf32>
    %add3A_3358 = arith.addf %add3A_3348, %select_n3A_3357 : vector<128x128xf32>
    %ge3A_3359 = arith.constant 16 : i32
    %ge3A_3360 = vector.broadcast %ge3A_3359 : i32 to vector<128x128xi32>
    %ge3A_3361 = arith.cmpi sge, %iota3A_0, %ge3A_3360 : vector<128x128xi32>
    %slice3A_3362 = vector.extract_strided_slice %add3A_3358 {offsets = [0, 112], sizes = [128, 16], strides = [1, 1]} : vector<128x128xf32> to vector<128x16xf32>
    %slice3A_3363 = vector.extract_strided_slice %add3A_3358 {offsets = [0, 0], sizes = [128, 112], strides = [1, 1]} : vector<128x128xf32> to vector<128x112xf32>
    %concatenate3A_3364 = tpu.concatenate %slice3A_3362, %slice3A_3363 in 1 : vector<128x16xf32>, vector<128x112xf32> -> vector<128x128xf32>
    %jit3A_3365 = arith.constant 0.000000e+00 : f32
    %broadcast_in_dim3A_3366 = vector.broadcast %jit3A_3365 : f32 to vector<128x128xf32>
    %select_n3A_3367 = arith.select %ge3A_3361, %concatenate3A_3364, %broadcast_in_dim3A_3366 : vector<128x128xi1>, vector<128x128xf32>
    %add3A_3368 = arith.addf %add3A_3358, %select_n3A_3367 : vector<128x128xf32>
    %ge3A_3369 = arith.constant 32 : i32
    %ge3A_3370 = vector.broadcast %ge3A_3369 : i32 to vector<128x128xi32>
    %ge3A_3371 = arith.cmpi sge, %iota3A_0, %ge3A_3370 : vector<128x128xi32>
    %slice3A_3372 = vector.extract_strided_slice %add3A_3368 {offsets = [0, 96], sizes = [128, 32], strides = [1, 1]} : vector<128x128xf32> to vector<128x32xf32>
    %slice3A_3373 = vector.extract_strided_slice %add3A_3368 {offsets = [0, 0], sizes = [128, 96], strides = [1, 1]} : vector<128x128xf32> to vector<128x96xf32>
    %concatenate3A_3374 = tpu.concatenate %slice3A_3372, %slice3A_3373 in 1 : vector<128x32xf32>, vector<128x96xf32> -> vector<128x128xf32>
    %jit3A_3375 = arith.constant 0.000000e+00 : f32
    %broadcast_in_dim3A_3376 = vector.broadcast %jit3A_3375 : f32 to vector<128x128xf32>
    %select_n3A_3377 = arith.select %ge3A_3371, %concatenate3A_3374, %broadcast_in_dim3A_3376 : vector<128x128xi1>, vector<128x128xf32>
    %add3A_3378 = arith.addf %add3A_3368, %select_n3A_3377 : vector<128x128xf32>
    %ge3A_3379 = arith.constant 64 : i32
    %ge3A_3380 = vector.broadcast %ge3A_3379 : i32 to vector<128x128xi32>
    %ge3A_3381 = arith.cmpi sge, %iota3A_0, %ge3A_3380 : vector<128x128xi32>
    %slice3A_3382 = vector.extract_strided_slice %add3A_3378 {offsets = [0, 64], sizes = [128, 64], strides = [1, 1]} : vector<128x128xf32> to vector<128x64xf32>
    %slice3A_3383 = vector.extract_strided_slice %add3A_3378 {offsets = [0, 0], sizes = [128, 64], strides = [1, 1]} : vector<128x128xf32> to vector<128x64xf32>
    %concatenate3A_3384 = tpu.concatenate %slice3A_3382, %slice3A_3383 in 1 : vector<128x64xf32>, vector<128x64xf32> -> vector<128x128xf32>
    %jit3A_3385 = arith.constant 0.000000e+00 : f32
    %broadcast_in_dim3A_3386 = vector.broadcast %jit3A_3385 : f32 to vector<128x128xf32>
    %select_n3A_3387 = arith.select %ge3A_3381, %concatenate3A_3384, %broadcast_in_dim3A_3386 : vector<128x128xi1>, vector<128x128xf32>
    %add3A_3388 = arith.addf %add3A_3378, %select_n3A_3387 : vector<128x128xf32>
    %slice3A_3389 = vector.extract_strided_slice %add3A_3388 {offsets = [0, 127], sizes = [128, 1], strides = [1, 1]} : vector<128x128xf32> to vector<128x1xf32>
    %broadcast_in_dim3A_3390 = vector.shape_cast %slice3A_3389 : vector<128x1xf32> to vector<128x1xf32>
    %broadcast_in_dim3A_3391 = vector.broadcast %broadcast_in_dim3A_3390 : vector<128x1xf32> to vector<128x128xf32>
    %ge3A_3392 = arith.constant 1 : i32
    %ge3A_3393 = vector.broadcast %ge3A_3392 : i32 to vector<128x128xi32>
    %ge3A_3394 = arith.cmpi sge, %and3A_2, %ge3A_3393 : vector<128x128xi32>
    %slice3A_3395 = vector.extract_strided_slice %broadcast_in_dim3A_3391 {offsets = [127, 0], sizes = [1, 128], strides = [1, 1]} : vector<128x128xf32> to vector<1x128xf32>
    %slice3A_3396 = vector.extract_strided_slice %broadcast_in_dim3A_3391 {offsets = [0, 0], sizes = [127, 128], strides = [1, 1]} : vector<128x128xf32> to vector<127x128xf32>
    %concatenate3A_3397 = tpu.concatenate %slice3A_3395, %slice3A_3396 in 0 : vector<1x128xf32>, vector<127x128xf32> -> vector<128x128xf32>
    %jit3A_3398 = arith.constant 0.000000e+00 : f32
    %broadcast_in_dim3A_3399 = vector.broadcast %jit3A_3398 : f32 to vector<128x128xf32>
    %select_n3A_3400 = arith.select %ge3A_3394, %concatenate3A_3397, %broadcast_in_dim3A_3399 : vector<128x128xi1>, vector<128x128xf32>
    %add3A_3401 = arith.addf %broadcast_in_dim3A_3391, %select_n3A_3400 : vector<128x128xf32>
    %ge3A_3402 = arith.constant 2 : i32
    %ge3A_3403 = vector.broadcast %ge3A_3402 : i32 to vector<128x128xi32>
    %ge3A_3404 = arith.cmpi sge, %and3A_2, %ge3A_3403 : vector<128x128xi32>
    %slice3A_3405 = vector.extract_strided_slice %add3A_3401 {offsets = [126, 0], sizes = [2, 128], strides = [1, 1]} : vector<128x128xf32> to vector<2x128xf32>
    %slice3A_3406 = vector.extract_strided_slice %add3A_3401 {offsets = [0, 0], sizes = [126, 128], strides = [1, 1]} : vector<128x128xf32> to vector<126x128xf32>
    %concatenate3A_3407 = tpu.concatenate %slice3A_3405, %slice3A_3406 in 0 : vector<2x128xf32>, vector<126x128xf32> -> vector<128x128xf32>
    %jit3A_3408 = arith.constant 0.000000e+00 : f32
    %broadcast_in_dim3A_3409 = vector.broadcast %jit3A_3408 : f32 to vector<128x128xf32>
    %select_n3A_3410 = arith.select %ge3A_3404, %concatenate3A_3407, %broadcast_in_dim3A_3409 : vector<128x128xi1>, vector<128x128xf32>
    %add3A_3411 = arith.addf %add3A_3401, %select_n3A_3410 : vector<128x128xf32>
    %ge3A_3412 = arith.constant 4 : i32
    %ge3A_3413 = vector.broadcast %ge3A_3412 : i32 to vector<128x128xi32>
    %ge3A_3414 = arith.cmpi sge, %and3A_2, %ge3A_3413 : vector<128x128xi32>
    %slice3A_3415 = vector.extract_strided_slice %add3A_3411 {offsets = [124, 0], sizes = [4, 128], strides = [1, 1]} : vector<128x128xf32> to vector<4x128xf32>
    %slice3A_3416 = vector.extract_strided_slice %add3A_3411 {offsets = [0, 0], sizes = [124, 128], strides = [1, 1]} : vector<128x128xf32> to vector<124x128xf32>
    %concatenate3A_3417 = tpu.concatenate %slice3A_3415, %slice3A_3416 in 0 : vector<4x128xf32>, vector<124x128xf32> -> vector<128x128xf32>
    %jit3A_3418 = arith.constant 0.000000e+00 : f32
    %broadcast_in_dim3A_3419 = vector.broadcast %jit3A_3418 : f32 to vector<128x128xf32>
    %select_n3A_3420 = arith.select %ge3A_3414, %concatenate3A_3417, %broadcast_in_dim3A_3419 : vector<128x128xi1>, vector<128x128xf32>
    %add3A_3421 = arith.addf %add3A_3411, %select_n3A_3420 : vector<128x128xf32>
    %ge3A_3422 = arith.constant 8 : i32
    %ge3A_3423 = vector.broadcast %ge3A_3422 : i32 to vector<128x128xi32>
    %ge3A_3424 = arith.cmpi sge, %and3A_2, %ge3A_3423 : vector<128x128xi32>
    %slice3A_3425 = vector.extract_strided_slice %add3A_3421 {offsets = [120, 0], sizes = [8, 128], strides = [1, 1]} : vector<128x128xf32> to vector<8x128xf32>
    %slice3A_3426 = vector.extract_strided_slice %add3A_3421 {offsets = [0, 0], sizes = [120, 128], strides = [1, 1]} : vector<128x128xf32> to vector<120x128xf32>
    %concatenate3A_3427 = tpu.concatenate %slice3A_3425, %slice3A_3426 in 0 : vector<8x128xf32>, vector<120x128xf32> -> vector<128x128xf32>
    %jit3A_3428 = arith.constant 0.000000e+00 : f32
    %broadcast_in_dim3A_3429 = vector.broadcast %jit3A_3428 : f32 to vector<128x128xf32>
    %select_n3A_3430 = arith.select %ge3A_3424, %concatenate3A_3427, %broadcast_in_dim3A_3429 : vector<128x128xi1>, vector<128x128xf32>
    %add3A_3431 = arith.addf %add3A_3421, %select_n3A_3430 : vector<128x128xf32>
    %ge3A_3432 = arith.constant 16 : i32
    %ge3A_3433 = vector.broadcast %ge3A_3432 : i32 to vector<128x128xi32>
    %ge3A_3434 = arith.cmpi sge, %and3A_2, %ge3A_3433 : vector<128x128xi32>
    %slice3A_3435 = vector.extract_strided_slice %add3A_3431 {offsets = [112, 0], sizes = [16, 128], strides = [1, 1]} : vector<128x128xf32> to vector<16x128xf32>
    %slice3A_3436 = vector.extract_strided_slice %add3A_3431 {offsets = [0, 0], sizes = [112, 128], strides = [1, 1]} : vector<128x128xf32> to vector<112x128xf32>
    %concatenate3A_3437 = tpu.concatenate %slice3A_3435, %slice3A_3436 in 0 : vector<16x128xf32>, vector<112x128xf32> -> vector<128x128xf32>
    %jit3A_3438 = arith.constant 0.000000e+00 : f32
    %broadcast_in_dim3A_3439 = vector.broadcast %jit3A_3438 : f32 to vector<128x128xf32>
    %select_n3A_3440 = arith.select %ge3A_3434, %concatenate3A_3437, %broadcast_in_dim3A_3439 : vector<128x128xi1>, vector<128x128xf32>
    %add3A_3441 = arith.addf %add3A_3431, %select_n3A_3440 : vector<128x128xf32>
    %sub3A = arith.subf %add3A_3441, %broadcast_in_dim3A_3391 : vector<128x128xf32>
    %add3A_3442 = arith.addf %add3A_3388, %sub3A : vector<128x128xf32>
    %ge3A_3443 = arith.constant 100 : i32
    %ge3A_3444 = vector.broadcast %ge3A_3443 : i32 to vector<128x128xi32>
    %ge3A_3445 = arith.cmpi sge, %iota3A_0, %ge3A_3444 : vector<128x128xi32>
    %slice3A_3446 = vector.extract_strided_slice %add3A_3442 {offsets = [0, 28], sizes = [128, 100], strides = [1, 1]} : vector<128x128xf32> to vector<128x100xf32>
    %slice3A_3447 = vector.extract_strided_slice %add3A_3442 {offsets = [0, 0], sizes = [128, 28], strides = [1, 1]} : vector<128x128xf32> to vector<128x28xf32>
    %concatenate3A_3448 = tpu.concatenate %slice3A_3446, %slice3A_3447 in 1 : vector<128x100xf32>, vector<128x28xf32> -> vector<128x128xf32>
    %slice3A_3449 = vector.extract_strided_slice %add3A_3442 {offsets = [127, 0], sizes = [1, 128], strides = [1, 1]} : vector<128x128xf32> to vector<1x128xf32>
    %slice3A_3450 = vector.extract_strided_slice %add3A_3442 {offsets = [0, 0], sizes = [127, 128], strides = [1, 1]} : vector<128x128xf32> to vector<127x128xf32>
    %concatenate3A_3451 = tpu.concatenate %slice3A_3449, %slice3A_3450 in 0 : vector<1x128xf32>, vector<127x128xf32> -> vector<128x128xf32>
    %slice3A_3452 = vector.extract_strided_slice %concatenate3A_3451 {offsets = [0, 28], sizes = [128, 100], strides = [1, 1]} : vector<128x128xf32> to vector<128x100xf32>
    %slice3A_3453 = vector.extract_strided_slice %concatenate3A_3451 {offsets = [0, 0], sizes = [128, 28], strides = [1, 1]} : vector<128x128xf32> to vector<128x28xf32>
    %concatenate3A_3454 = tpu.concatenate %slice3A_3452, %slice3A_3453 in 1 : vector<128x100xf32>, vector<128x28xf32> -> vector<128x128xf32>
    %select_n3A_3455 = arith.select %ge3A_3445, %concatenate3A_3448, %concatenate3A_3454 : vector<128x128xi1>, vector<128x128xf32>
    %get3A_3456 = arith.constant 0 : index
    %get3A_3457 = arith.constant 0 : index
    %get3A_3458 = vector.load %arg2[%get3A_3456, %get3A_3457] : memref<128x128xf32, #tpu.memory_space<vmem>>, vector<128x128xf32>
    %ge3A_3459 = arith.constant 100 : i32
    %ge3A_3460 = vector.broadcast %ge3A_3459 : i32 to vector<128x128xi32>
    %ge3A_3461 = arith.cmpi sge, %add3A, %ge3A_3460 : vector<128x128xi32>
    %sub3A_3462 = arith.subf %add3A_3442, %select_n3A_3455 : vector<128x128xf32>
    %mul3A_3463 = arith.constant 0.00999999977 : f32
    %mul3A_3464 = vector.broadcast %mul3A_3463 : f32 to vector<128x128xf32>
    %mul3A_3465 = arith.mulf %sub3A_3462, %mul3A_3464 : vector<128x128xf32>
    %sub3A_3466 = arith.constant 99 : i32
    %sub3A_3467 = vector.broadcast %sub3A_3466 : i32 to vector<128x128xi32>
    %sub3A_3468 = arith.subi %sub3A_3467, %add3A : vector<128x128xi32>
    %convert_element_type3A = arith.sitofp %sub3A_3468 : vector<128x128xi32> to vector<128x128xf32>
    %mul3A_3469 = arith.mulf %convert_element_type3A, %get3A_3458 : vector<128x128xf32>
    %add3A_3470 = arith.addf %add3A_3442, %mul3A_3469 : vector<128x128xf32>
    %mul3A_3471 = arith.constant 0.00999999977 : f32
    %mul3A_3472 = vector.broadcast %mul3A_3471 : f32 to vector<128x128xf32>
    %mul3A_3473 = arith.mulf %add3A_3470, %mul3A_3472 : vector<128x128xf32>
    %select_n3A_3474 = arith.select %ge3A_3461, %mul3A_3465, %mul3A_3473 : vector<128x128xi1>, vector<128x128xf32>
    %get3A_3475 = arith.constant 0 : index
    %get3A_3476 = arith.constant 0 : index
    %get3A_3477 = vector.load %arg3[%get3A_3475, %get3A_3476] : memref<1x1xf32, #tpu.memory_space<vmem>>, vector<1x1xf32>
    %get3A_3478 = vector.extract %get3A_3477[0, 0] : f32 from vector<1x1xf32>
    %mul3A_3479 = vector.broadcast %get3A_3478 : f32 to vector<128x128xf32>
    %mul3A_3480 = arith.mulf %mul3A_3479, %select_n3A_3474 : vector<128x128xf32>
    %sub3A_3481 = arith.subf %get3A_3321, %mul3A_3480 : vector<128x128xf32>
    %get3A_3482 = arith.constant 0 : index
    %get3A_3483 = arith.constant 0 : index
    %get3A_3484 = vector.load %arg4[%get3A_3482, %get3A_3483] : memref<1x1xf32, #tpu.memory_space<vmem>>, vector<1x1xf32>
    %get3A_3485 = vector.extract %get3A_3484[0, 0] : f32 from vector<1x1xf32>
    %mul3A_3486 = vector.broadcast %get3A_3485 : f32 to vector<128x128xf32>
    %mul3A_3487 = arith.mulf %mul3A_3486, %sub3A_3481 : vector<128x128xf32>
    %neg3A = arith.constant 0.000000e+00 : f32
    %neg3A_3488 = vector.broadcast %neg3A : f32 to vector<128x128xf32>
    %neg3A_3489 = arith.subf %neg3A_3488, %mul3A_3487 : vector<128x128xf32>
    %exp3A = math.exp %neg3A_3489 : vector<128x128xf32>
    %add3A_3490 = arith.constant 1.000000e+00 : f32
    %add3A_3491 = vector.broadcast %add3A_3490 : f32 to vector<128x128xf32>
    %add3A_3492 = arith.addf %add3A_3491, %exp3A : vector<128x128xf32>
    %div3A = arith.constant 1.000000e+00 : f32
    %div3A_3493 = vector.broadcast %div3A : f32 to vector<128x128xf32>
    %div3A_3494 = arith.divf %div3A_3493, %add3A_3492 : vector<128x128xf32>
    %reduce_sum3A = vector.shape_cast %div3A_3494 : vector<128x128xf32> to vector<1x128x128xf32>
    %reduce_sum3A_3495 = arith.constant dense<0.000000e+00> : vector<1xf32>
    %reduce_sum3A_3496 = vector.multi_reduction <add>, %reduce_sum3A, %reduce_sum3A_3495 [1, 2] : vector<1x128x128xf32> to vector<1xf32>
    %reduce_sum3A_3497 = vector.shape_cast %reduce_sum3A_3496 : vector<1xf32> to vector<1x1x1xf32>
    %reduce_sum3A_3498 = vector.extract %reduce_sum3A_3497[0, 0, 0] : f32 from vector<1x1x1xf32>
    %broadcast_in_dim3A_3499 = vector.broadcast %reduce_sum3A_3498 : f32 to vector<1x1xf32>
    %mul3A_3500 = arith.constant 6.10351563E-5 : f32
    %mul3A_3501 = vector.broadcast %mul3A_3500 : f32 to vector<1x1xf32>
    %mul3A_3502 = arith.mulf %broadcast_in_dim3A_3499, %mul3A_3501 : vector<1x1xf32>
    %swap3A_3503 = arith.constant 0 : index
    %swap3A_3504 = arith.constant 0 : index
    %swap3A_3505 = vector.load %arg7[%swap3A_3503, %swap3A_3504] : memref<1x1xf32, #tpu.memory_space<vmem>>, vector<1x1xf32>
    tpu.vector_store %arg7[%swap3A_3503, %swap3A_3504], %mul3A_3502 {strides = array<i32>} : memref<1x1xf32, #tpu.memory_space<vmem>>, vector<1x1xf32>,
    return
  }
}

</mosaic_0001>

<sc_bundles>
// kernel: kernel.5.cloned.1.call-start
scs
__scs_entry_jumppad:
0x0: {  	(pc) =	sbr.rel $0x88, $3  }
0x1: {  	(tag) =	ssettag $0x0;
	lr =	simm.s32 $0x1  }
0x2: {  	[smem:$0x3F96] =	sst lr;
	_ =	strace $0xD0000000  }
0x3: {  	_ = 	snop  }
0x4: {  	_ = 	snop  }
0x5: {  	_ = 	snop  }
0x6: {  	_ = 	snop  }
0x7: {  	_ = 	snop  }
__scs_overlays_trampoline_lowered:
0x8: {  	[smem:$0x3FA5] =	sst s0  }
0x9: {  	[smem:$0x3FA6] =	sst s1  }
0xa: {  	[smem:$0x3FA7] =	sst s2  }
0xb: {  	[smem:$0x3FA8] =	sst s3  }
0xc: {  	[smem:$0x3FA9] =	sst s4  }
0xd: {  	[smem:$0x3FAA] =	sst s5  }
0xe: {  	[smem:$0x3FAB] =	sst s6  }
0xf: {  	[smem:$0x3FAC] =	sst s7  }
0x10: {  	[smem:$0x3FAD] =	sst s8  }
0x11: {  	[smem:$0x3FAE] =	sst s9;
	s0 =	simm.s32 @!p0 $0x0  }
0x12: {  	s1 =	sld [smem:$0x3F94];
	s0 =	simm.s32 @p0 $0x1  }
0x13: {  	[smem:$0x3FAF] =	sst s0;
	s0 =	simm.s32 @!p1 $0x0  }
0x14: {  	s2 =	sld [smem:$0x3F93];
	s0 =	simm.s32 @p1 $0x1  }
0x15: {  	[smem:$0x3FB0] =	sst s0;
	s0 =	simm.s32 @!p2 $0x0  }
0x16: {  	s3 =	sld [smem:$0x3FDB];
	s0 =	simm.s32 @p2 $0x1  }
0x17: {  	s4 =	simm.s32 $0x1BF5;
	[smem:$0x3FB2] =	sst s0  }
0x18: {  	s0 =	sld [smem:$0x3F95];
	_ =	swait.ge [sflag:s4], $0x0  }
0x19: {  	s7 =	sld [smem:$0x3F96]  }
0x1a: {  	s8 =	sadd.s32 $0xFFFFE003, lr  }
0x1b: {  	s9 =	sadd.s32 $0xFFFFFEF7, lr;
	s5 =	simm.s32 $0xFFFFFFFF;
	p2 =	slt.u32 s8, $0xFFFFF086  }
0x1c: {  	p1 =	slt.u32 s9, $0xF7A;
	s5 =	simm.s32 @!p2 $0x0  }
0x1d: {  	s5 =	simm.s32 @p1 $0x1;
	p0 =	seq.s32 s7, s2  }
0x1e: {  	s7 =	smul.u32 @!p0 $0xF7A, s2;
	p2 =	seq.s32 @!p0 s5, $0x0  }
0x1f: {  	s9 =	smul.u32 $0xF7A, s1;
	s8 =	simm.s32 @!p0 $0x1BF5;
	p2 =	por !p2, p0  }
0x20: {  	[sflag:s8] =	ssyncset.s32 @!p0 $0xFFFFF086;
	s6 =	sadd.s32 @!p0 s3, s7;
	s7 =	simm.s32 @!p0 $0x108  }
0x21: {  	s3 =	sadd.s32 s3, s9;
	s6 =	sadd.s32 @!p0 $0x88, s6;
	s7 =	simm.s32 @p2 $0x1082  }
0x22: {  	[simem:s7], [sflag:s8] =	dma.local @!p0 [hbm:s6], $0xF7A  }
0x23: {  	s9 =	sor.u32 $0xD0000000, s2;
	s6 =	simm.s32 $0x108;
	_ =	swait.ge @!p0 [sflag:s8], $0x0  }
0x24: {  	s3 =	sadd.s32 $0x88, s3;
	s6 =	simm.s32 @!p1 $0x1082;
	[sflag:s4] =	ssyncset.s32 $0xFFFFF086  }
0x25: {  	[simem:s6], [sflag:s4] =	dma.local [hbm:s3], $0xF7A  }
0x26: {  	[smem:$0x3F96] =	sst s1;
	(tag) =	ssettag s2;
	_ =	strace s9  }
0x27: {  	s1 =	sld [smem:$0x3FA6]  }
0x28: {  	s2 =	sld [smem:$0x3FA7]  }
0x29: {  	s4 =	sld [smem:$0x3FA9]  }
0x2a: {  	p0 =	seq.s32 s5, $0x0;
	s5 =	sld [smem:$0x3FAA]  }
0x2b: {  	s6 =	sld [smem:$0x3FAB]  }
0x2c: {  	s7 =	sld [smem:$0x3FAC]  }
0x2d: {  	s3 =	simm.s32 $0x108;
	s8 =	sld [smem:$0x3FAD]  }
0x2e: {  	s3 =	simm.s32 @!p0 $0x1082;
	s9 =	sld [smem:$0x3FAE]  }
0x2f: {  	lr =	sadd.s32 s0, s3;
	s0 =	sld [smem:$0x3FA5]  }
0x30: {  	s3 =	sld [smem:$0x3FA8]  }
0x31: {  	[smem:$0x3FB1] =	sst s10  }
0x32: {  	s10 =	sld [smem:$0x3FAF];
	_ =	sdelay $0x3  }
0x33: {  	p0 =	seq.s32 s10, $0x1;
	s10 =	sld [smem:$0x3FB1];
	_ =	sdelay $0x3  }
0x34: {  	[smem:$0x3FB1] =	sst s10  }
0x35: {  	s10 =	sld [smem:$0x3FB0];
	_ =	sdelay $0x3  }
0x36: {  	p1 =	seq.s32 s10, $0x1;
	s10 =	sld [smem:$0x3FB1];
	_ =	sdelay $0x3  }
0x37: {  	[smem:$0x3FB1] =	sst s10  }
0x38: {  	s10 =	sld [smem:$0x3FB2]  }
0x39: {  	_ = 	snop;
	(pc) =	sbr.ind lr, $3  }
0x3a: {  	_ = 	snop  }
0x3b: {  	_ = 	snop  }
0x3c: {  	p2 =	seq.s32 s10, $0x1;
	s10 =	sld [smem:$0x3FB1]  }
0x3d: {  	_ =	shalt  }
0x3e: {  	_ =	shalt  }
0x3f: {  	_ =	shalt  }
0x40: {  	_ =	shalt  }
0x41: {  	_ =	shalt  }
0x42: {  	_ =	shalt  }
0x43: {  	_ =	shalt  }
0x44: {  	_ =	shalt  }
0x45: {  	_ =	shalt  }
0x46: {  	_ =	shalt  }
0x47: {  	_ =	shalt  }
0x48: {  	_ =	shalt  }
0x49: {  	_ =	shalt  }
0x4a: {  	_ =	shalt  }
0x4b: {  	_ =	shalt  }
0x4c: {  	_ =	shalt  }
0x4d: {  	_ =	shalt  }
0x4e: {  	_ =	shalt  }
0x4f: {  	_ =	shalt  }
0x50: {  	_ =	shalt  }
0x51: {  	_ =	shalt  }
0x52: {  	_ =	shalt  }
0x53: {  	_ =	shalt  }
0x54: {  	_ =	shalt  }
0x55: {  	_ =	shalt  }
0x56: {  	_ =	shalt  }
0x57: {  	_ =	shalt  }
0x58: {  	_ =	shalt  }
0x59: {  	_ =	shalt  }
0x5a: {  	_ =	shalt  }
0x5b: {  	_ =	shalt  }
0x5c: {  	_ =	shalt  }
0x5d: {  	_ =	shalt  }
0x5e: {  	_ =	shalt  }
0x5f: {  	_ =	shalt  }
0x60: {  	_ =	shalt  }
0x61: {  	_ =	shalt  }
0x62: {  	_ =	shalt  }
0x63: {  	_ =	shalt  }
0x64: {  	_ =	shalt  }
0x65: {  	_ =	shalt  }
0x66: {  	_ =	shalt  }
0x67: {  	_ =	shalt  }
0x68: {  	_ =	shalt  }
0x69: {  	_ =	shalt  }
0x6a: {  	_ =	shalt  }
0x6b: {  	_ =	shalt  }
0x6c: {  	_ =	shalt  }
0x6d: {  	_ =	shalt  }
0x6e: {  	_ =	shalt  }
0x6f: {  	_ =	shalt  }
0x70: {  	_ =	shalt  }
0x71: {  	_ =	shalt  }
0x72: {  	_ =	shalt  }
0x73: {  	_ =	shalt  }
0x74: {  	_ =	shalt  }
0x75: {  	_ =	shalt  }
0x76: {  	_ =	shalt  }
0x77: {  	_ =	shalt  }
0x78: {  	_ =	shalt  }
0x79: {  	_ =	shalt  }
0x7a: {  	_ =	shalt  }
0x7b: {  	_ =	shalt  }
0x7c: {  	_ =	shalt  }
0x7d: {  	_ =	shalt  }
0x7e: {  	_ =	shalt  }
0x7f: {  	_ =	shalt  }
0x80: {  	_ =	shalt  }
0x81: {  	_ =	shalt  }
0x82: {  	_ =	shalt  }
0x83: {  	_ =	shalt  }
0x84: {  	_ =	shalt  }
0x85: {  	_ =	shalt  }
0x86: {  	_ =	shalt  }
0x87: {  	_ =	shalt  }
.Lfunc_end0:
.L_simem_size_0:
called_computation_lowered:
.L_overlay_start_0:
0x88: {  	s2 =	sld [smem:$0x3FD9]  }
0x89: {  	s3 =	sld [smem:$0x3FFE];
	_ =	sdelay $0x1  }
0x8a: {  	s1 =	srdreg.scid  }
0x8b: {  	s0 =	sand.u32 $0x1, s1  }
0x8c: {  	s14 =	sshll.u32 s0, $0xA;
	s2 =	sadd.s32 s3, s2  }
0x8d: {  	s2 =	sadd.s32 s2, s14  }
0x8e: {  	[smem:$0x3FBD] =	sst s2  }
0x8f: {  	_ = 	snop  }
0x90: {  	s2 =	sld [smem:$0x3FD0];
	_ =	sdelay $0x2  }
0x91: {  	s4 =	simm.s32 $0xA;
	s5 =	simm.s32 $0x10;
	s15 =	sld [smem:$0x3FC9]  }
0x92: {  	[smem:s5], [sflag:s4] =	dma.local [hbm:s2], $0x1  }
0x93: {  	_ =	swait.eq [sflag:s4], $0x1  }
0x94: {  	[sflag:s4] =	ssyncset.done $0x0  }
0x95: {  	[sflag:s4] =	ssyncadd.s32 $0xFFFFFFFF  }
0x96: {  	s16 =	sld [smem:$0x10];
	(tm) =	ssettm $0x1  }
0x97: {  	s17 =	sld [smem:$0x3FFB];
	_ =	sdelay $0x3  }
0x98: {  	_ =	strace s17  }
0x99: {  	s4 =	sld [smem:$0x3FFC];
	_ =	sdelay $0x3  }
0x9a: {  	_ =	strace s4  }
0x9b: {  	s4 =	sld [smem:$0x3FFD];
	_ =	sdelay $0x3  }
0x9c: {  	_ =	strace s4  }
0x9d: {  	_ =	strace $0x8FFFFFFF  }
0x9e: {  	s18 =	sld [smem:$0x3FDB];
	_ =	sdelay $0x1  }
0x9f: {  	s19 =	simm.s32 $_scs_section_size  }
0xa0: {  	s6 =	simm.s32 $_size__tile_overlayer_lowered;
	s7 =	simm.s32 $_tile_overlayer_lowered  }
0xa1: {  	s22 =	simm.s32 $0x1BFF;
	s21 =	sshll.u32 s7, $0x1;
	s4 =	sadd.s32 s19, s18  }
0xa2: {  	s8 =	simm.s32 $0x0;
	s20 =	sshll.u32 s6, $0x1;
	s6 =	sadd.s32 s21, s4  }
0xa3: {  	[timem:s8], [sflag:s22] =	dma.local [hbm:s6], s20  }
0xa4: {  	_ =	swait.ge [sflag:s22], s20  }
0xa5: {  	s5 =	ssub.s32 $0x0, s20;
	[sflag:s22] =	ssyncset.done $0x0  }
0xa6: {  	[sflag:s22] =	ssyncadd.s32 s5;
	_ =	sdelay $0x1  }
0xa7: {  	s23 =	simm.s32 $0x1B8B  }
0xa8: {  	_ =	swait.ge [sflag:s23], $0x1  }
0xa9: {  	[sflag:s23] =	ssyncset.done $0x0  }
0xaa: {  	s25 =	simm.s32 $0x1B8E;
	s24 =	sld [smem:$0x3FFE];
	[sflag:s23] =	ssyncadd.s32 $0xFFFFFFFF  }
0xab: {  	s26 =	simm.s32 $execute0_lowered;
	[smem:$0x3FD2] =	sst s25  }
0xac: {  	s6 =	sshll.u32 s26, $0x1;
	_ =	strace $0x80000046;
	[dreg:$0x1] =	wrdreg $0xFFFFFFFF  }
0xad: {  	s28 =	simm.s32 $_size_execute0_lowered;
	s4 =	sadd.s32 s4, s6;
	[dreg:$0x0] =	wrdreg $0x0  }
0xae: {  	s6 =	sshll.u32 s28, $0x1;
	[dreg:$0x2] =	wrdreg s4  }
0xaf: {  	[dreg:$0x3] =	wrdreg s6  }
0xb0: {  	[dreg:$0x4] =	wrdreg $0xC0  }
0xb1: {  	_ =	task [dreg:s8], $0x5FFFF  }
0xb2: {  	[dreg:$0x1] =	wrdreg $0xFFFFFFFF  }
0xb3: {  	[dreg:$0x0] =	wrdreg $0x60  }
0xb4: {  	[dreg:$0x2] =	wrdreg s15  }
0xb5: {  	[dreg:$0x3] =	wrdreg s24  }
0xb6: {  	[dreg:$0x4] =	wrdreg s16  }
0xb7: {  	[dreg:$0x5] =	wrdreg $0x9  }
0xb8: {  	_ =	task.clear_ibuf [dreg:s8], $0x6FFFF;
	_ =	strace $0x90000046  }
0xb9: {  	s29 =	simm.s32 $0x9;
	_ =	strace $0x80000048  }
0xba: {  	_ =	swait.ge [sflag:s29], $0x1  }
0xbb: {  	[sflag:s29] =	ssyncadd.s32 $0xFFFFFFFF  }
0xbc: {  	_ =	strace $0x90000048  }
0xbd: {  	_ =	sfence  }
0xbe: {  	s30 =	sld [smem:$0x0];
	_ =	sdelay $0x2  }
0xbf: {  	s31 =	sshll.u32 s1, $0xD;
	s1 =	sshrl.u32 s1, $0x2  }
0xc0: {  	s3 =	sand.u32 $0x4000, s31;
	s1 =	sadd.s32 s1, s30  }
0xc1: {  	s0 =	sor.u32 s3, s0;
	s1 =	sshll.u32 s1, $0x11  }
0xc2: {  	s0 =	sor.u32 s1, s0  }
0xc3: {  	s0 =	sadd.s32 $0x8F2B, s0  }
0xc4: {  	[sflag:s0] =	ssyncadd.remote.s32 $0x1  }
0xc5: {  	_ =	sfence.sel $0xFFFF  }
0xc6: {  	[dreg:$0x0] =	wrdreg $0xFFFFFFFF;
	(pc) =	sbr.abs _section_cstart, $3  }
0xc7: {  	[dreg:$0x1] =	wrdreg $0xFFFFFFFF  }
0xc8: {  	_ =	task.clear_ibuf [dreg:s8], $0x2FFFF;
	_ =	strace $0x9FFFFFFF  }
0xc9: {  	(tm) =	ssettm $0x7FFFFFFF  }
tec
execute0_lowered:
.L_overlay_start_1:
0x0: {  	(tag) =	ssettag $0x1  }
0x1: {  	s1 =	rddreg [dreg:$0x0]  }
0x2: {  	s0 =	srdreg.scid;
	s2 =	rddreg [dreg:$0x1]  }
0x3: {  	s3 =	stileid.u32;
	s5 =	rddreg [dreg:$0x2]  }
0x4: {  	s9 =	simm.s32 $0x3;
	s10 =	simm.s32 $0x100;
	s28 =	simm.s32 $0x2900  }
0x5: {  	s29 =	simm.s32 $0x3100;
	s30 =	simm.s32 $0x3900;
	s31 =	simm.s32 $0x4100  }
0x6: {  	s17 =	simm.s32 $0x4900;
	s16 =	simm.s32 $0x5100;
	s0 =	sand.u32 $0x1, s0  }
0x7: {  	s11 =	simm.s32 $0x6100;
	s3 =	sshll.u32 s3, $0x9;
	s4 =	sshll.u32 s0, $0x8  }
0x8: {  	s12 =	simm.s32 $0x6900;
	s13 =	simm.s32 $0x7100;
	s4 =	sor.u32 s4, s3  }
0x9: {  	s3 =	simm.s32 $0x0;
	s6 =	sshrl.u32 s4, $0x3;
	s4 =	sshll.u32 s4, $0x7  }
0xa: {  	[smem:$0x7FF] =	sst s3;
	s2 =	sadd.s32 s6, s2;
	s18 =	sadd.s32 s5, s4  }
0xb: {  	_ =	strace $0x80000047;
	s2 =	sadd.s32 $0x400, s2;
	[dreg:$0xc] =	wrdreg s18  }
0xc: {  	s14 =	simm.s32 $0x7900;
	s19 =	sadd.s32 $0x1000, s18;
	[dreg:$0x4] =	wrdreg s2  }
0xd: {  	s7 =	sadd.s32 $0x300, s1;
	s20 =	sadd.s32 $0x2000, s18;
	[dreg:$0x5] =	wrdreg s19  }
0xe: {  	s0 =	ssub.s32 $0x2, s0;
	s21 =	sadd.s32 $0x3000, s18;
	[dreg:$0x6] =	wrdreg s20  }
0xf: {  	s23 =	sshrl.u32 s0, $0x1;
	s22 =	sadd.s32 $0x4000, s18;
	[dreg:$0x7] =	wrdreg s21  }
0x10: {  	s0 =	ssub.s32 s0, s23;
	s24 =	sadd.s32 $0x5000, s18;
	[dreg:$0x8] =	wrdreg s22  }
0x11: {  	s23 =	simm.s32 $0x1100;
	s25 =	sadd.s32 $0x6000, s18;
	[dreg:$0x9] =	wrdreg s24  }
0x12: {  	s5 =	sadd.s32 $0x100, s1;
	s26 =	sadd.s32 $0x7000, s18;
	[dreg:$0xa] =	wrdreg s25  }
0x13: {  	v2 =	vlaneseq.u32;
	s6 =	sadd.s32 $0x200, s1;
	s8 =	smax.u32 s0, $0x1;
	[dreg:$0xb] =	wrdreg s26  }
0x14: {  	vm0 =	vmmov $0xffff;
	v1 =	vshrl.u32 v2, $0x3;
	s26 =	simm.s32 $0x8100;
	s19 =	simm.s32 $0x1;
	s20 =	simm.s32 $0x2  }
0x15: {  	v0 =	vand.u32 $0x7, v2;
	v2 =	vor.u32 $0x8, v2;
	v1 =	vmul.u32 $0x8, v1;
	s22 =	simm.s32 $0x900;
	s24 =	simm.s32 $0x1900;
	s25 =	simm.s32 $0x2100  }
.LBB2_1:
0x16: {  	s21 =	rddreg [dreg:$0x4]  }
0x17: {  	[tilespmem:s3], [sflag:$0x3] =	stream.linear.gather [hbm4b:s21+s3], $0x100, $0x38;
	[tilespmem:$0x10100] =	vst v63  }
0x18: {  	_ =	swait.ge [sflag:s9], $0x100  }
0x19: {  	[sflag:s9] =	ssyncset.done $0x0  }
0x1a: {  	[sflag:s9] =	ssyncadd.s32 $0xFFFFFF00  }
0x1b: {  	v3 =	vld [tilespmem:$0x0];
	_ =	sdelay $0x4  }
0x1c: {  	v4 =	vshll.u32 v3, $0x3  }
0x1d: {  	v3 =	vand.u32 $0x7, v3;
	v4 =	vand.u32 $0xFFFFFFC0, v4  }
0x1e: {  	v3 =	vor.u32 v3, v4  }
0x1f: {  	v4 =	vperm.xlane v3, v0;
	_ =	sdelay $0x1  }
0x20: {  	v4 =	vadd.s32 v1, v4;
	_ =	sdelay $0x4  }
0x21: {  	[tilespmem:s10], [sflag:$0x1] =	stream.indirect_vreg.gather [hbm4b:s1+s3], $0x80, v4, vm0, $0xb8;
	[tilespmem:$0x10100] =	vst v63  }
0x22: {  	v3 =	vperm.xlane v3, v2  }
0x23: {  	[tilespmem:s22], [sflag:$0x1] =	stream.indirect_vreg.gather [hbm4b:s5+s3], $0x80, v4, vm0, $0xb8;
	[tilespmem:$0x10100] =	vst v63  }
0x24: {  	v3 =	vadd.s32 v1, v3  }
0x25: {  	[tilespmem:s23], [sflag:$0x1] =	stream.indirect_vreg.gather [hbm4b:s6+s3], $0x80, v4, vm0, $0xb8;
	[tilespmem:$0x10100] =	vst v63  }
0x26: {  	_ = 	snop  }
0x27: {  	[tilespmem:s24], [sflag:$0x1] =	stream.indirect_vreg.gather [hbm4b:s7+s3], $0x80, v4, vm0, $0xb8;
	[tilespmem:$0x10100] =	vst v63  }
0x28: {  	_ = 	snop  }
0x29: {  	[tilespmem:s25], [sflag:$0x1] =	stream.indirect_vreg.gather [hbm4b:s1+s3], $0x80, v3, vm0, $0xb8;
	[tilespmem:$0x10100] =	vst v63  }
0x2a: {  	_ = 	snop  }
0x2b: {  	[tilespmem:s28], [sflag:$0x1] =	stream.indirect_vreg.gather [hbm4b:s5+s3], $0x80, v3, vm0, $0xb8;
	[tilespmem:$0x10100] =	vst v63  }
0x2c: {  	_ = 	snop  }
0x2d: {  	[tilespmem:s29], [sflag:$0x1] =	stream.indirect_vreg.gather [hbm4b:s6+s3], $0x80, v3, vm0, $0xb8;
	[tilespmem:$0x10100] =	vst v63  }
0x2e: {  	_ = 	snop  }
0x2f: {  	[tilespmem:s30], [sflag:$0x1] =	stream.indirect_vreg.gather [hbm4b:s7+s3], $0x80, v3, vm0, $0xb8;
	[tilespmem:$0x10100] =	vst v63  }
0x30: {  	v3 =	vld [tilespmem:$0x10];
	_ =	sdelay $0x4  }
0x31: {  	v49 =	vshll.u32 v3, $0x3  }
0x32: {  	v3 =	vand.u32 $0x7, v3;
	v4 =	vand.u32 $0xFFFFFFC0, v49  }
0x33: {  	v3 =	vor.u32 v3, v4  }
0x34: {  	v4 =	vperm.xlane v3, v0;
	_ =	sdelay $0x1  }
0x35: {  	v4 =	vadd.s32 v1, v4;
	_ =	sdelay $0x4  }
0x36: {  	[tilespmem:s31], [sflag:$0x1] =	stream.indirect_vreg.gather [hbm4b:s1+s3], $0x80, v4, vm0, $0xb8;
	[tilespmem:$0x10100] =	vst v63  }
0x37: {  	v3 =	vperm.xlane v3, v2  }
0x38: {  	[tilespmem:s17], [sflag:$0x1] =	stream.indirect_vreg.gather [hbm4b:s5+s3], $0x80, v4, vm0, $0xb8;
	[tilespmem:$0x10100] =	vst v63  }
0x39: {  	v3 =	vadd.s32 v1, v3  }
0x3a: {  	[tilespmem:s16], [sflag:$0x1] =	stream.indirect_vreg.gather [hbm4b:s6+s3], $0x80, v4, vm0, $0xb8;
	[tilespmem:$0x10100] =	vst v63  }
0x3b: {  	s4 =	simm.s32 $0x5900  }
0x3c: {  	[tilespmem:s4], [sflag:$0x1] =	stream.indirect_vreg.gather [hbm4b:s7+s3], $0x80, v4, vm0, $0xb8;
	[tilespmem:$0x10100] =	vst v63  }
0x3d: {  	_ = 	snop  }
0x3e: {  	[tilespmem:s11], [sflag:$0x1] =	stream.indirect_vreg.gather [hbm4b:s1+s3], $0x80, v3, vm0, $0xb8;
	[tilespmem:$0x10100] =	vst v63  }
0x3f: {  	_ = 	snop  }
0x40: {  	[tilespmem:s12], [sflag:$0x1] =	stream.indirect_vreg.gather [hbm4b:s5+s3], $0x80, v3, vm0, $0xb8;
	[tilespmem:$0x10100] =	vst v63  }
0x41: {  	_ = 	snop  }
0x42: {  	[tilespmem:s13], [sflag:$0x1] =	stream.indirect_vreg.gather [hbm4b:s6+s3], $0x80, v3, vm0, $0xb8;
	[tilespmem:$0x10100] =	vst v63  }
0x43: {  	_ = 	snop  }
0x44: {  	[tilespmem:s14], [sflag:$0x1] =	stream.indirect_vreg.gather [hbm4b:s7+s3], $0x80, v3, vm0, $0xb8;
	[tilespmem:$0x10100] =	vst v63  }
0x45: {  	v3 =	vld [tilespmem:$0x20];
	_ =	sdelay $0x4  }
0x46: {  	v50 =	vshll.u32 v3, $0x3  }
0x47: {  	v3 =	vand.u32 $0x7, v3;
	v4 =	vand.u32 $0xFFFFFFC0, v50  }
0x48: {  	v3 =	vor.u32 v3, v4  }
0x49: {  	v4 =	vperm.xlane v3, v0;
	_ =	sdelay $0x1  }
0x4a: {  	v4 =	vadd.s32 v1, v4;
	_ =	sdelay $0x4  }
0x4b: {  	[tilespmem:s26], [sflag:$0x2] =	stream.indirect_vreg.gather [hbm4b:s1+s3], $0x80, v4, vm0, $0xb8;
	[tilespmem:$0x10100] =	vst v63  }
0x4c: {  	s15 =	simm.s32 $0x8900;
	v3 =	vperm.xlane v3, v2  }
0x4d: {  	[tilespmem:s15], [sflag:$0x2] =	stream.indirect_vreg.gather [hbm4b:s5+s3], $0x80, v4, vm0, $0xb8;
	[tilespmem:$0x10100] =	vst v63  }
0x4e: {  	s18 =	simm.s32 $0x9100;
	v3 =	vadd.s32 v1, v3  }
0x4f: {  	[tilespmem:s18], [sflag:$0x2] =	stream.indirect_vreg.gather [hbm4b:s6+s3], $0x80, v4, vm0, $0xb8;
	[tilespmem:$0x10100] =	vst v63  }
0x50: {  	s21 =	simm.s32 $0x9900  }
0x51: {  	[tilespmem:s21], [sflag:$0x2] =	stream.indirect_vreg.gather [hbm4b:s7+s3], $0x80, v4, vm0, $0xb8;
	[tilespmem:$0x10100] =	vst v63  }
0x52: {  	s2 =	simm.s32 $0xA100  }
0x53: {  	[tilespmem:s2], [sflag:$0x2] =	stream.indirect_vreg.gather [hbm4b:s1+s3], $0x80, v3, vm0, $0xb8;
	[tilespmem:$0x10100] =	vst v63  }
0x54: {  	s18 =	simm.s32 $0xA900  }
0x55: {  	[tilespmem:s18], [sflag:$0x2] =	stream.indirect_vreg.gather [hbm4b:s5+s3], $0x80, v3, vm0, $0xb8;
	[tilespmem:$0x10100] =	vst v63  }
0x56: {  	s2 =	simm.s32 $0xB100  }
0x57: {  	[tilespmem:s2], [sflag:$0x2] =	stream.indirect_vreg.gather [hbm4b:s6+s3], $0x80, v3, vm0, $0xb8;
	[tilespmem:$0x10100] =	vst v63  }
0x58: {  	s15 =	simm.s32 $0xB900  }
0x59: {  	[tilespmem:s15], [sflag:$0x2] =	stream.indirect_vreg.gather [hbm4b:s7+s3], $0x80, v3, vm0, $0xb8;
	[tilespmem:$0x10100] =	vst v63  }
0x5a: {  	v3 =	vld [tilespmem:$0x30];
	_ =	sdelay $0x4  }
0x5b: {  	v51 =	vshll.u32 v3, $0x3  }
0x5c: {  	v3 =	vand.u32 $0x7, v3;
	v4 =	vand.u32 $0xFFFFFFC0, v51  }
0x5d: {  	v3 =	vor.u32 v3, v4  }
0x5e: {  	v4 =	vperm.xlane v3, v0;
	_ =	sdelay $0x1  }
0x5f: {  	v4 =	vadd.s32 v1, v4;
	_ =	sdelay $0x3  }
0x60: {  	s18 =	simm.s32 $0xC100  }
0x61: {  	[tilespmem:s18], [sflag:$0x2] =	stream.indirect_vreg.gather [hbm4b:s1+s3], $0x80, v4, vm0, $0xb8;
	[tilespmem:$0x10100] =	vst v63  }
0x62: {  	s2 =	simm.s32 $0xC900;
	v3 =	vperm.xlane v3, v2  }
0x63: {  	[tilespmem:s2], [sflag:$0x2] =	stream.indirect_vreg.gather [hbm4b:s5+s3], $0x80, v4, vm0, $0xb8;
	[tilespmem:$0x10100] =	vst v63  }
0x64: {  	v3 =	vadd.s32 v1, v3;
	s2 =	simm.s32 $0xD100  }
0x65: {  	[tilespmem:s2], [sflag:$0x2] =	stream.indirect_vreg.gather [hbm4b:s6+s3], $0x80, v4, vm0, $0xb8;
	[tilespmem:$0x10100] =	vst v63  }
0x66: {  	s2 =	simm.s32 $0xD900  }
0x67: {  	[tilespmem:s2], [sflag:$0x2] =	stream.indirect_vreg.gather [hbm4b:s7+s3], $0x80, v4, vm0, $0xb8;
	[tilespmem:$0x10100] =	vst v63  }
0x68: {  	s2 =	simm.s32 $0xE100  }
0x69: {  	[tilespmem:s2], [sflag:$0x2] =	stream.indirect_vreg.gather [hbm4b:s1+s3], $0x80, v3, vm0, $0xb8;
	[tilespmem:$0x10100] =	vst v63  }
0x6a: {  	s2 =	simm.s32 $0xE900  }
0x6b: {  	[tilespmem:s2], [sflag:$0x2] =	stream.indirect_vreg.gather [hbm4b:s5+s3], $0x80, v3, vm0, $0xb8;
	[tilespmem:$0x10100] =	vst v63  }
0x6c: {  	s2 =	simm.s32 $0xF100  }
0x6d: {  	[tilespmem:s2], [sflag:$0x2] =	stream.indirect_vreg.gather [hbm4b:s6+s3], $0x80, v3, vm0, $0xb8;
	[tilespmem:$0x10100] =	vst v63  }
0x6e: {  	s2 =	simm.s32 $0xF900  }
0x6f: {  	[tilespmem:s2], [sflag:$0x2] =	stream.indirect_vreg.gather [hbm4b:s7+s3], $0x80, v3, vm0, $0xb8;
	[tilespmem:$0x10100] =	vst v63  }
0x70: {  	_ =	swait.ge [sflag:s19], $0x8000  }
0x71: {  	[sflag:s19] =	ssyncset.done $0x0  }
0x72: {  	s2 =	rddreg [dreg:$0xc];
	[sflag:s19] =	ssyncadd.s32 $0xFFFF8000  }
0x73: {  	[hbm4b:s2+s3] =	stream.linear.scatter [tilespmem:s10], [sflag:$0x3], $0x8000, $0x38;
	[tilespmem:$0x10100] =	vst v63  }
0x74: {  	_ =	swait.ge [sflag:s9], $0x8000  }
0x75: {  	[sflag:s9] =	ssyncset.done $0x0  }
0x76: {  	[sflag:s9] =	ssyncadd.s32 $0xFFFF8000  }
0x77: {  	v3 =	vld [tilespmem:$0x40];
	_ =	sdelay $0x4  }
0x78: {  	v52 =	vshll.u32 v3, $0x3  }
0x79: {  	v3 =	vand.u32 $0x7, v3;
	v4 =	vand.u32 $0xFFFFFFC0, v52  }
0x7a: {  	v3 =	vor.u32 v3, v4  }
0x7b: {  	v4 =	vperm.xlane v3, v0;
	_ =	sdelay $0x1  }
0x7c: {  	v4 =	vadd.s32 v1, v4;
	_ =	sdelay $0x4  }
0x7d: {  	[tilespmem:s10], [sflag:$0x1] =	stream.indirect_vreg.gather [hbm4b:s1+s3], $0x80, v4, vm0, $0xb8;
	[tilespmem:$0x10100] =	vst v63  }
0x7e: {  	v3 =	vperm.xlane v3, v2  }
0x7f: {  	[tilespmem:s22], [sflag:$0x1] =	stream.indirect_vreg.gather [hbm4b:s5+s3], $0x80, v4, vm0, $0xb8;
	[tilespmem:$0x10100] =	vst v63  }
0x80: {  	v3 =	vadd.s32 v1, v3  }
0x81: {  	[tilespmem:s23], [sflag:$0x1] =	stream.indirect_vreg.gather [hbm4b:s6+s3], $0x80, v4, vm0, $0xb8;
	[tilespmem:$0x10100] =	vst v63  }
0x82: {  	_ = 	snop  }
0x83: {  	[tilespmem:s24], [sflag:$0x1] =	stream.indirect_vreg.gather [hbm4b:s7+s3], $0x80, v4, vm0, $0xb8;
	[tilespmem:$0x10100] =	vst v63  }
0x84: {  	_ = 	snop  }
0x85: {  	[tilespmem:s25], [sflag:$0x1] =	stream.indirect_vreg.gather [hbm4b:s1+s3], $0x80, v3, vm0, $0xb8;
	[tilespmem:$0x10100] =	vst v63  }
0x86: {  	_ = 	snop  }
0x87: {  	[tilespmem:s28], [sflag:$0x1] =	stream.indirect_vreg.gather [hbm4b:s5+s3], $0x80, v3, vm0, $0xb8;
	[tilespmem:$0x10100] =	vst v63  }
0x88: {  	_ = 	snop  }
0x89: {  	[tilespmem:s29], [sflag:$0x1] =	stream.indirect_vreg.gather [hbm4b:s6+s3], $0x80, v3, vm0, $0xb8;
	[tilespmem:$0x10100] =	vst v63  }
0x8a: {  	_ = 	snop  }
0x8b: {  	[tilespmem:s30], [sflag:$0x1] =	stream.indirect_vreg.gather [hbm4b:s7+s3], $0x80, v3, vm0, $0xb8;
	[tilespmem:$0x10100] =	vst v63  }
0x8c: {  	v3 =	vld [tilespmem:$0x50];
	_ =	sdelay $0x4  }
0x8d: {  	v53 =	vshll.u32 v3, $0x3  }
0x8e: {  	v3 =	vand.u32 $0x7, v3;
	v4 =	vand.u32 $0xFFFFFFC0, v53  }
0x8f: {  	v3 =	vor.u32 v3, v4  }
0x90: {  	v4 =	vperm.xlane v3, v0;
	_ =	sdelay $0x1  }
0x91: {  	v4 =	vadd.s32 v1, v4;
	_ =	sdelay $0x4  }
0x92: {  	[tilespmem:s31], [sflag:$0x1] =	stream.indirect_vreg.gather [hbm4b:s1+s3], $0x80, v4, vm0, $0xb8;
	[tilespmem:$0x10100] =	vst v63  }
0x93: {  	v3 =	vperm.xlane v3, v2  }
0x94: {  	[tilespmem:s17], [sflag:$0x1] =	stream.indirect_vreg.gather [hbm4b:s5+s3], $0x80, v4, vm0, $0xb8;
	[tilespmem:$0x10100] =	vst v63  }
0x95: {  	v3 =	vadd.s32 v1, v3  }
0x96: {  	[tilespmem:s16], [sflag:$0x1] =	stream.indirect_vreg.gather [hbm4b:s6+s3], $0x80, v4, vm0, $0xb8;
	[tilespmem:$0x10100] =	vst v63  }
0x97: {  	_ = 	snop  }
0x98: {  	[tilespmem:s4], [sflag:$0x1] =	stream.indirect_vreg.gather [hbm4b:s7+s3], $0x80, v4, vm0, $0xb8;
	[tilespmem:$0x10100] =	vst v63  }
0x99: {  	_ = 	snop  }
0x9a: {  	[tilespmem:s11], [sflag:$0x1] =	stream.indirect_vreg.gather [hbm4b:s1+s3], $0x80, v3, vm0, $0xb8;
	[tilespmem:$0x10100] =	vst v63  }
0x9b: {  	_ = 	snop  }
0x9c: {  	[tilespmem:s12], [sflag:$0x1] =	stream.indirect_vreg.gather [hbm4b:s5+s3], $0x80, v3, vm0, $0xb8;
	[tilespmem:$0x10100] =	vst v63  }
0x9d: {  	_ = 	snop  }
0x9e: {  	[tilespmem:s13], [sflag:$0x1] =	stream.indirect_vreg.gather [hbm4b:s6+s3], $0x80, v3, vm0, $0xb8;
	[tilespmem:$0x10100] =	vst v63  }
0x9f: {  	_ = 	snop  }
0xa0: {  	[tilespmem:s14], [sflag:$0x1] =	stream.indirect_vreg.gather [hbm4b:s7+s3], $0x80, v3, vm0, $0xb8;
	[tilespmem:$0x10100] =	vst v63  }
0xa1: {  	_ =	swait.ge [sflag:s20], $0x8000  }
0xa2: {  	[sflag:s20] =	ssyncset.done $0x0  }
0xa3: {  	s2 =	rddreg [dreg:$0x5];
	[sflag:s20] =	ssyncadd.s32 $0xFFFF8000  }
0xa4: {  	[hbm4b:s2+s3] =	stream.linear.scatter [tilespmem:s26], [sflag:$0x3], $0x8000, $0x38;
	[tilespmem:$0x10100] =	vst v63  }
0xa5: {  	_ =	swait.ge [sflag:s9], $0x8000  }
0xa6: {  	[sflag:s9] =	ssyncset.done $0x0  }
0xa7: {  	[sflag:s9] =	ssyncadd.s32 $0xFFFF8000  }
0xa8: {  	v3 =	vld [tilespmem:$0x60];
	_ =	sdelay $0x4  }
0xa9: {  	v54 =	vshll.u32 v3, $0x3  }
0xaa: {  	v3 =	vand.u32 $0x7, v3;
	v4 =	vand.u32 $0xFFFFFFC0, v54  }
0xab: {  	v3 =	vor.u32 v3, v4  }
0xac: {  	v4 =	vperm.xlane v3, v0;
	_ =	sdelay $0x1  }
0xad: {  	v4 =	vadd.s32 v1, v4;
	_ =	sdelay $0x4  }
0xae: {  	[tilespmem:s26], [sflag:$0x2] =	stream.indirect_vreg.gather [hbm4b:s1+s3], $0x80, v4, vm0, $0xb8;
	[tilespmem:$0x10100] =	vst v63  }
0xaf: {  	s0 =	simm.s32 $0x8900;
	v3 =	vperm.xlane v3, v2  }
0xb0: {  	[tilespmem:s0], [sflag:$0x2] =	stream.indirect_vreg.gather [hbm4b:s5+s3], $0x80, v4, vm0, $0xb8;
	[tilespmem:$0x10100] =	vst v63  }
0xb1: {  	v3 =	vadd.s32 v1, v3;
	s0 =	simm.s32 $0x9100  }
0xb2: {  	[tilespmem:s0], [sflag:$0x2] =	stream.indirect_vreg.gather [hbm4b:s6+s3], $0x80, v4, vm0, $0xb8;
	[tilespmem:$0x10100] =	vst v63  }
0xb3: {  	s2 =	simm.s32 $0x9900  }
0xb4: {  	[tilespmem:s2], [sflag:$0x2] =	stream.indirect_vreg.gather [hbm4b:s7+s3], $0x80, v4, vm0, $0xb8;
	[tilespmem:$0x10100] =	vst v63  }
0xb5: {  	s21 =	simm.s32 $0xA100  }
0xb6: {  	[tilespmem:s21], [sflag:$0x2] =	stream.indirect_vreg.gather [hbm4b:s1+s3], $0x80, v3, vm0, $0xb8;
	[tilespmem:$0x10100] =	vst v63  }
0xb7: {  	s21 =	simm.s32 $0xA900  }
0xb8: {  	[tilespmem:s21], [sflag:$0x2] =	stream.indirect_vreg.gather [hbm4b:s5+s3], $0x80, v3, vm0, $0xb8;
	[tilespmem:$0x10100] =	vst v63  }
0xb9: {  	s21 =	simm.s32 $0xB100  }
0xba: {  	[tilespmem:s21], [sflag:$0x2] =	stream.indirect_vreg.gather [hbm4b:s6+s3], $0x80, v3, vm0, $0xb8;
	[tilespmem:$0x10100] =	vst v63  }
0xbb: {  	s15 =	simm.s32 $0xB900  }
0xbc: {  	[tilespmem:s15], [sflag:$0x2] =	stream.indirect_vreg.gather [hbm4b:s7+s3], $0x80, v3, vm0, $0xb8;
	[tilespmem:$0x10100] =	vst v63  }
0xbd: {  	v3 =	vld [tilespmem:$0x70];
	_ =	sdelay $0x4  }
0xbe: {  	v55 =	vshll.u32 v3, $0x3  }
0xbf: {  	v3 =	vand.u32 $0x7, v3;
	v4 =	vand.u32 $0xFFFFFFC0, v55  }
0xc0: {  	v3 =	vor.u32 v3, v4  }
0xc1: {  	v4 =	vperm.xlane v3, v0;
	_ =	sdelay $0x1  }
0xc2: {  	v4 =	vadd.s32 v1, v4;
	_ =	sdelay $0x3  }
0xc3: {  	s18 =	simm.s32 $0xC100  }
0xc4: {  	[tilespmem:s18], [sflag:$0x2] =	stream.indirect_vreg.gather [hbm4b:s1+s3], $0x80, v4, vm0, $0xb8;
	[tilespmem:$0x10100] =	vst v63  }
0xc5: {  	s21 =	simm.s32 $0xC900;
	v3 =	vperm.xlane v3, v2  }
0xc6: {  	[tilespmem:s21], [sflag:$0x2] =	stream.indirect_vreg.gather [hbm4b:s5+s3], $0x80, v4, vm0, $0xb8;
	[tilespmem:$0x10100] =	vst v63  }
0xc7: {  	v3 =	vadd.s32 v1, v3;
	s18 =	simm.s32 $0xD100  }
0xc8: {  	[tilespmem:s18], [sflag:$0x2] =	stream.indirect_vreg.gather [hbm4b:s6+s3], $0x80, v4, vm0, $0xb8;
	[tilespmem:$0x10100] =	vst v63  }
0xc9: {  	s21 =	simm.s32 $0xD900  }
0xca: {  	[tilespmem:s21], [sflag:$0x2] =	stream.indirect_vreg.gather [hbm4b:s7+s3], $0x80, v4, vm0, $0xb8;
	[tilespmem:$0x10100] =	vst v63  }
0xcb: {  	s18 =	simm.s32 $0xE100  }
0xcc: {  	[tilespmem:s18], [sflag:$0x2] =	stream.indirect_vreg.gather [hbm4b:s1+s3], $0x80, v3, vm0, $0xb8;
	[tilespmem:$0x10100] =	vst v63  }
0xcd: {  	s21 =	simm.s32 $0xE900  }
0xce: {  	[tilespmem:s21], [sflag:$0x2] =	stream.indirect_vreg.gather [hbm4b:s5+s3], $0x80, v3, vm0, $0xb8;
	[tilespmem:$0x10100] =	vst v63  }
0xcf: {  	s18 =	simm.s32 $0xF100  }
0xd0: {  	[tilespmem:s18], [sflag:$0x2] =	stream.indirect_vreg.gather [hbm4b:s6+s3], $0x80, v3, vm0, $0xb8;
	[tilespmem:$0x10100] =	vst v63  }
0xd1: {  	s21 =	simm.s32 $0xF900  }
0xd2: {  	[tilespmem:s21], [sflag:$0x2] =	stream.indirect_vreg.gather [hbm4b:s7+s3], $0x80, v3, vm0, $0xb8;
	[tilespmem:$0x10100] =	vst v63  }
0xd3: {  	_ =	swait.ge [sflag:s19], $0x8000  }
0xd4: {  	[sflag:s19] =	ssyncset.done $0x0  }
0xd5: {  	s18 =	rddreg [dreg:$0x6];
	[sflag:s19] =	ssyncadd.s32 $0xFFFF8000  }
0xd6: {  	[hbm4b:s18+s3] =	stream.linear.scatter [tilespmem:s10], [sflag:$0x3], $0x8000, $0x38;
	[tilespmem:$0x10100] =	vst v63  }
0xd7: {  	_ =	swait.ge [sflag:s9], $0x8000  }
0xd8: {  	[sflag:s9] =	ssyncset.done $0x0  }
0xd9: {  	[sflag:s9] =	ssyncadd.s32 $0xFFFF8000  }
0xda: {  	v3 =	vld [tilespmem:$0x80];
	_ =	sdelay $0x4  }
0xdb: {  	v56 =	vshll.u32 v3, $0x3  }
0xdc: {  	v3 =	vand.u32 $0x7, v3;
	v4 =	vand.u32 $0xFFFFFFC0, v56  }
0xdd: {  	v3 =	vor.u32 v3, v4  }
0xde: {  	v4 =	vperm.xlane v3, v0;
	_ =	sdelay $0x1  }
0xdf: {  	v4 =	vadd.s32 v1, v4;
	_ =	sdelay $0x4  }
0xe0: {  	[tilespmem:s10], [sflag:$0x1] =	stream.indirect_vreg.gather [hbm4b:s1+s3], $0x80, v4, vm0, $0xb8;
	[tilespmem:$0x10100] =	vst v63  }
0xe1: {  	v3 =	vperm.xlane v3, v2  }
0xe2: {  	[tilespmem:s22], [sflag:$0x1] =	stream.indirect_vreg.gather [hbm4b:s5+s3], $0x80, v4, vm0, $0xb8;
	[tilespmem:$0x10100] =	vst v63  }
0xe3: {  	v3 =	vadd.s32 v1, v3  }
0xe4: {  	[tilespmem:s23], [sflag:$0x1] =	stream.indirect_vreg.gather [hbm4b:s6+s3], $0x80, v4, vm0, $0xb8;
	[tilespmem:$0x10100] =	vst v63  }
0xe5: {  	_ = 	snop  }
0xe6: {  	[tilespmem:s24], [sflag:$0x1] =	stream.indirect_vreg.gather [hbm4b:s7+s3], $0x80, v4, vm0, $0xb8;
	[tilespmem:$0x10100] =	vst v63  }
0xe7: {  	_ = 	snop  }
0xe8: {  	[tilespmem:s25], [sflag:$0x1] =	stream.indirect_vreg.gather [hbm4b:s1+s3], $0x80, v3, vm0, $0xb8;
	[tilespmem:$0x10100] =	vst v63  }
0xe9: {  	_ = 	snop  }
0xea: {  	[tilespmem:s28], [sflag:$0x1] =	stream.indirect_vreg.gather [hbm4b:s5+s3], $0x80, v3, vm0, $0xb8;
	[tilespmem:$0x10100] =	vst v63  }
0xeb: {  	_ = 	snop  }
0xec: {  	[tilespmem:s29], [sflag:$0x1] =	stream.indirect_vreg.gather [hbm4b:s6+s3], $0x80, v3, vm0, $0xb8;
	[tilespmem:$0x10100] =	vst v63  }
0xed: {  	_ = 	snop  }
0xee: {  	[tilespmem:s30], [sflag:$0x1] =	stream.indirect_vreg.gather [hbm4b:s7+s3], $0x80, v3, vm0, $0xb8;
	[tilespmem:$0x10100] =	vst v63  }
0xef: {  	v3 =	vld [tilespmem:$0x90];
	_ =	sdelay $0x4  }
0xf0: {  	v57 =	vshll.u32 v3, $0x3  }
0xf1: {  	v3 =	vand.u32 $0x7, v3;
	v4 =	vand.u32 $0xFFFFFFC0, v57  }
0xf2: {  	v3 =	vor.u32 v3, v4  }
0xf3: {  	v4 =	vperm.xlane v3, v0;
	_ =	sdelay $0x1  }
0xf4: {  	v4 =	vadd.s32 v1, v4;
	_ =	sdelay $0x4  }
0xf5: {  	[tilespmem:s31], [sflag:$0x1] =	stream.indirect_vreg.gather [hbm4b:s1+s3], $0x80, v4, vm0, $0xb8;
	[tilespmem:$0x10100] =	vst v63  }
0xf6: {  	v3 =	vperm.xlane v3, v2  }
0xf7: {  	[tilespmem:s17], [sflag:$0x1] =	stream.indirect_vreg.gather [hbm4b:s5+s3], $0x80, v4, vm0, $0xb8;
	[tilespmem:$0x10100] =	vst v63  }
0xf8: {  	v3 =	vadd.s32 v1, v3  }
0xf9: {  	[tilespmem:s16], [sflag:$0x1] =	stream.indirect_vreg.gather [hbm4b:s6+s3], $0x80, v4, vm0, $0xb8;
	[tilespmem:$0x10100] =	vst v63  }
0xfa: {  	_ = 	snop  }
0xfb: {  	[tilespmem:s4], [sflag:$0x1] =	stream.indirect_vreg.gather [hbm4b:s7+s3], $0x80, v4, vm0, $0xb8;
	[tilespmem:$0x10100] =	vst v63  }
0xfc: {  	_ = 	snop  }
0xfd: {  	[tilespmem:s11], [sflag:$0x1] =	stream.indirect_vreg.gather [hbm4b:s1+s3], $0x80, v3, vm0, $0xb8;
	[tilespmem:$0x10100] =	vst v63  }
0xfe: {  	_ = 	snop  }
0xff: {  	[tilespmem:s12], [sflag:$0x1] =	stream.indirect_vreg.gather [hbm4b:s5+s3], $0x80, v3, vm0, $0xb8;
	[tilespmem:$0x10100] =	vst v63  }
0x100: {  	_ = 	snop  }
0x101: {  	[tilespmem:s13], [sflag:$0x1] =	stream.indirect_vreg.gather [hbm4b:s6+s3], $0x80, v3, vm0, $0xb8;
	[tilespmem:$0x10100] =	vst v63  }
0x102: {  	_ = 	snop  }
0x103: {  	[tilespmem:s14], [sflag:$0x1] =	stream.indirect_vreg.gather [hbm4b:s7+s3], $0x80, v3, vm0, $0xb8;
	[tilespmem:$0x10100] =	vst v63  }
0x104: {  	_ =	swait.ge [sflag:s20], $0x8000  }
0x105: {  	[sflag:s20] =	ssyncset.done $0x0  }
0x106: {  	s15 =	rddreg [dreg:$0x7];
	[sflag:s20] =	ssyncadd.s32 $0xFFFF8000  }
0x107: {  	[hbm4b:s15+s3] =	stream.linear.scatter [tilespmem:s26], [sflag:$0x3], $0x8000, $0x38;
	[tilespmem:$0x10100] =	vst v63  }
0x108: {  	_ =	swait.ge [sflag:s9], $0x8000  }
0x109: {  	[sflag:s9] =	ssyncset.done $0x0  }
0x10a: {  	[sflag:s9] =	ssyncadd.s32 $0xFFFF8000  }
0x10b: {  	v3 =	vld [tilespmem:$0xA0];
	_ =	sdelay $0x4  }
0x10c: {  	v58 =	vshll.u32 v3, $0x3  }
0x10d: {  	v3 =	vand.u32 $0x7, v3;
	v4 =	vand.u32 $0xFFFFFFC0, v58  }
0x10e: {  	v3 =	vor.u32 v3, v4  }
0x10f: {  	v4 =	vperm.xlane v3, v0;
	_ =	sdelay $0x1  }
0x110: {  	v4 =	vadd.s32 v1, v4;
	_ =	sdelay $0x4  }
0x111: {  	[tilespmem:s26], [sflag:$0x2] =	stream.indirect_vreg.gather [hbm4b:s1+s3], $0x80, v4, vm0, $0xb8;
	[tilespmem:$0x10100] =	vst v63  }
0x112: {  	s18 =	simm.s32 $0x8900;
	v3 =	vperm.xlane v3, v2  }
0x113: {  	[tilespmem:s18], [sflag:$0x2] =	stream.indirect_vreg.gather [hbm4b:s5+s3], $0x80, v4, vm0, $0xb8;
	[tilespmem:$0x10100] =	vst v63  }
0x114: {  	v3 =	vadd.s32 v1, v3  }
0x115: {  	[tilespmem:s0], [sflag:$0x2] =	stream.indirect_vreg.gather [hbm4b:s6+s3], $0x80, v4, vm0, $0xb8;
	[tilespmem:$0x10100] =	vst v63  }
0x116: {  	_ = 	snop  }
0x117: {  	[tilespmem:s2], [sflag:$0x2] =	stream.indirect_vreg.gather [hbm4b:s7+s3], $0x80, v4, vm0, $0xb8;
	[tilespmem:$0x10100] =	vst v63  }
0x118: {  	s21 =	simm.s32 $0xA100  }
0x119: {  	[tilespmem:s21], [sflag:$0x2] =	stream.indirect_vreg.gather [hbm4b:s1+s3], $0x80, v3, vm0, $0xb8;
	[tilespmem:$0x10100] =	vst v63  }
0x11a: {  	s18 =	simm.s32 $0xA900  }
0x11b: {  	[tilespmem:s18], [sflag:$0x2] =	stream.indirect_vreg.gather [hbm4b:s5+s3], $0x80, v3, vm0, $0xb8;
	[tilespmem:$0x10100] =	vst v63  }
0x11c: {  	s21 =	simm.s32 $0xB100  }
0x11d: {  	[tilespmem:s21], [sflag:$0x2] =	stream.indirect_vreg.gather [hbm4b:s6+s3], $0x80, v3, vm0, $0xb8;
	[tilespmem:$0x10100] =	vst v63  }
0x11e: {  	s21 =	simm.s32 $0xB900  }
0x11f: {  	[tilespmem:s21], [sflag:$0x2] =	stream.indirect_vreg.gather [hbm4b:s7+s3], $0x80, v3, vm0, $0xb8;
	[tilespmem:$0x10100] =	vst v63  }
0x120: {  	v3 =	vld [tilespmem:$0xB0];
	_ =	sdelay $0x4  }
0x121: {  	v59 =	vshll.u32 v3, $0x3  }
0x122: {  	v3 =	vand.u32 $0x7, v3;
	v4 =	vand.u32 $0xFFFFFFC0, v59  }
0x123: {  	v3 =	vor.u32 v3, v4  }
0x124: {  	v4 =	vperm.xlane v3, v0;
	_ =	sdelay $0x1  }
0x125: {  	v4 =	vadd.s32 v1, v4;
	_ =	sdelay $0x3  }
0x126: {  	s21 =	simm.s32 $0xC100  }
0x127: {  	[tilespmem:s21], [sflag:$0x2] =	stream.indirect_vreg.gather [hbm4b:s1+s3], $0x80, v4, vm0, $0xb8;
	[tilespmem:$0x10100] =	vst v63  }
0x128: {  	v3 =	vperm.xlane v3, v2;
	s21 =	simm.s32 $0xC900  }
0x129: {  	[tilespmem:s21], [sflag:$0x2] =	stream.indirect_vreg.gather [hbm4b:s5+s3], $0x80, v4, vm0, $0xb8;
	[tilespmem:$0x10100] =	vst v63  }
0x12a: {  	v3 =	vadd.s32 v1, v3;
	s21 =	simm.s32 $0xD100  }
0x12b: {  	[tilespmem:s21], [sflag:$0x2] =	stream.indirect_vreg.gather [hbm4b:s6+s3], $0x80, v4, vm0, $0xb8;
	[tilespmem:$0x10100] =	vst v63  }
0x12c: {  	s21 =	simm.s32 $0xD900  }
0x12d: {  	[tilespmem:s21], [sflag:$0x2] =	stream.indirect_vreg.gather [hbm4b:s7+s3], $0x80, v4, vm0, $0xb8;
	[tilespmem:$0x10100] =	vst v63  }
0x12e: {  	s21 =	simm.s32 $0xE100  }
0x12f: {  	[tilespmem:s21], [sflag:$0x2] =	stream.indirect_vreg.gather [hbm4b:s1+s3], $0x80, v3, vm0, $0xb8;
	[tilespmem:$0x10100] =	vst v63  }
0x130: {  	s21 =	simm.s32 $0xE900  }
0x131: {  	[tilespmem:s21], [sflag:$0x2] =	stream.indirect_vreg.gather [hbm4b:s5+s3], $0x80, v3, vm0, $0xb8;
	[tilespmem:$0x10100] =	vst v63  }
0x132: {  	s21 =	simm.s32 $0xF100  }
0x133: {  	[tilespmem:s21], [sflag:$0x2] =	stream.indirect_vreg.gather [hbm4b:s6+s3], $0x80, v3, vm0, $0xb8;
	[tilespmem:$0x10100] =	vst v63  }
0x134: {  	s21 =	simm.s32 $0xF900  }
0x135: {  	[tilespmem:s21], [sflag:$0x2] =	stream.indirect_vreg.gather [hbm4b:s7+s3], $0x80, v3, vm0, $0xb8;
	[tilespmem:$0x10100] =	vst v63  }
0x136: {  	_ =	swait.ge [sflag:s19], $0x8000  }
0x137: {  	[sflag:s19] =	ssyncset.done $0x0  }
0x138: {  	s21 =	rddreg [dreg:$0x8];
	[sflag:s19] =	ssyncadd.s32 $0xFFFF8000  }
0x139: {  	[hbm4b:s21+s3] =	stream.linear.scatter [tilespmem:s10], [sflag:$0x3], $0x8000, $0x38;
	[tilespmem:$0x10100] =	vst v63  }
0x13a: {  	_ =	swait.ge [sflag:s9], $0x8000  }
0x13b: {  	[sflag:s9] =	ssyncset.done $0x0  }
0x13c: {  	[sflag:s9] =	ssyncadd.s32 $0xFFFF8000  }
0x13d: {  	v3 =	vld [tilespmem:$0xC0];
	_ =	sdelay $0x4  }
0x13e: {  	v60 =	vshll.u32 v3, $0x3  }
0x13f: {  	v3 =	vand.u32 $0x7, v3;
	v4 =	vand.u32 $0xFFFFFFC0, v60  }
0x140: {  	v3 =	vor.u32 v3, v4  }
0x141: {  	v4 =	vperm.xlane v3, v0;
	_ =	sdelay $0x1  }
0x142: {  	v4 =	vadd.s32 v1, v4;
	_ =	sdelay $0x4  }
0x143: {  	[tilespmem:s10], [sflag:$0x1] =	stream.indirect_vreg.gather [hbm4b:s1+s3], $0x80, v4, vm0, $0xb8;
	[tilespmem:$0x10100] =	vst v63  }
0x144: {  	v3 =	vperm.xlane v3, v2  }
0x145: {  	[tilespmem:s22], [sflag:$0x1] =	stream.indirect_vreg.gather [hbm4b:s5+s3], $0x80, v4, vm0, $0xb8;
	[tilespmem:$0x10100] =	vst v63  }
0x146: {  	v3 =	vadd.s32 v1, v3  }
0x147: {  	[tilespmem:s23], [sflag:$0x1] =	stream.indirect_vreg.gather [hbm4b:s6+s3], $0x80, v4, vm0, $0xb8;
	[tilespmem:$0x10100] =	vst v63  }
0x148: {  	_ = 	snop  }
0x149: {  	[tilespmem:s24], [sflag:$0x1] =	stream.indirect_vreg.gather [hbm4b:s7+s3], $0x80, v4, vm0, $0xb8;
	[tilespmem:$0x10100] =	vst v63  }
0x14a: {  	_ = 	snop  }
0x14b: {  	[tilespmem:s25], [sflag:$0x1] =	stream.indirect_vreg.gather [hbm4b:s1+s3], $0x80, v3, vm0, $0xb8;
	[tilespmem:$0x10100] =	vst v63  }
0x14c: {  	_ = 	snop  }
0x14d: {  	[tilespmem:s28], [sflag:$0x1] =	stream.indirect_vreg.gather [hbm4b:s5+s3], $0x80, v3, vm0, $0xb8;
	[tilespmem:$0x10100] =	vst v63  }
0x14e: {  	_ = 	snop  }
0x14f: {  	[tilespmem:s29], [sflag:$0x1] =	stream.indirect_vreg.gather [hbm4b:s6+s3], $0x80, v3, vm0, $0xb8;
	[tilespmem:$0x10100] =	vst v63  }
0x150: {  	_ = 	snop  }
0x151: {  	[tilespmem:s30], [sflag:$0x1] =	stream.indirect_vreg.gather [hbm4b:s7+s3], $0x80, v3, vm0, $0xb8;
	[tilespmem:$0x10100] =	vst v63  }
0x152: {  	v3 =	vld [tilespmem:$0xD0];
	_ =	sdelay $0x4  }
0x153: {  	v61 =	vshll.u32 v3, $0x3  }
0x154: {  	v3 =	vand.u32 $0x7, v3;
	v4 =	vand.u32 $0xFFFFFFC0, v61  }
0x155: {  	v3 =	vor.u32 v3, v4  }
0x156: {  	v4 =	vperm.xlane v3, v0;
	_ =	sdelay $0x1  }
0x157: {  	v4 =	vadd.s32 v1, v4;
	_ =	sdelay $0x4  }
0x158: {  	[tilespmem:s31], [sflag:$0x1] =	stream.indirect_vreg.gather [hbm4b:s1+s3], $0x80, v4, vm0, $0xb8;
	[tilespmem:$0x10100] =	vst v63  }
0x159: {  	v3 =	vperm.xlane v3, v2  }
0x15a: {  	[tilespmem:s17], [sflag:$0x1] =	stream.indirect_vreg.gather [hbm4b:s5+s3], $0x80, v4, vm0, $0xb8;
	[tilespmem:$0x10100] =	vst v63  }
0x15b: {  	v3 =	vadd.s32 v1, v3  }
0x15c: {  	[tilespmem:s16], [sflag:$0x1] =	stream.indirect_vreg.gather [hbm4b:s6+s3], $0x80, v4, vm0, $0xb8;
	[tilespmem:$0x10100] =	vst v63  }
0x15d: {  	_ = 	snop  }
0x15e: {  	[tilespmem:s4], [sflag:$0x1] =	stream.indirect_vreg.gather [hbm4b:s7+s3], $0x80, v4, vm0, $0xb8;
	[tilespmem:$0x10100] =	vst v63  }
0x15f: {  	_ = 	snop  }
0x160: {  	[tilespmem:s11], [sflag:$0x1] =	stream.indirect_vreg.gather [hbm4b:s1+s3], $0x80, v3, vm0, $0xb8;
	[tilespmem:$0x10100] =	vst v63  }
0x161: {  	_ = 	snop  }
0x162: {  	[tilespmem:s12], [sflag:$0x1] =	stream.indirect_vreg.gather [hbm4b:s5+s3], $0x80, v3, vm0, $0xb8;
	[tilespmem:$0x10100] =	vst v63  }
0x163: {  	_ = 	snop  }
0x164: {  	[tilespmem:s13], [sflag:$0x1] =	stream.indirect_vreg.gather [hbm4b:s6+s3], $0x80, v3, vm0, $0xb8;
	[tilespmem:$0x10100] =	vst v63  }
0x165: {  	_ = 	snop  }
0x166: {  	[tilespmem:s14], [sflag:$0x1] =	stream.indirect_vreg.gather [hbm4b:s7+s3], $0x80, v3, vm0, $0xb8;
	[tilespmem:$0x10100] =	vst v63  }
0x167: {  	_ =	swait.ge [sflag:s20], $0x8000  }
0x168: {  	[sflag:s20] =	ssyncset.done $0x0  }
0x169: {  	s4 =	rddreg [dreg:$0x9];
	[sflag:s20] =	ssyncadd.s32 $0xFFFF8000  }
0x16a: {  	[hbm4b:s4+s3] =	stream.linear.scatter [tilespmem:s26], [sflag:$0x3], $0x8000, $0x38;
	[tilespmem:$0x10100] =	vst v63  }
0x16b: {  	_ =	swait.ge [sflag:s9], $0x8000  }
0x16c: {  	[sflag:s9] =	ssyncset.done $0x0  }
0x16d: {  	[sflag:s9] =	ssyncadd.s32 $0xFFFF8000  }
0x16e: {  	v3 =	vld [tilespmem:$0xE0];
	_ =	sdelay $0x4  }
0x16f: {  	v62 =	vshll.u32 v3, $0x3  }
0x170: {  	v3 =	vand.u32 $0x7, v3;
	v4 =	vand.u32 $0xFFFFFFC0, v62  }
0x171: {  	v3 =	vor.u32 v3, v4  }
0x172: {  	v4 =	vperm.xlane v3, v0;
	_ =	sdelay $0x1  }
0x173: {  	v4 =	vadd.s32 v1, v4;
	_ =	sdelay $0x4  }
0x174: {  	[tilespmem:s26], [sflag:$0x2] =	stream.indirect_vreg.gather [hbm4b:s1+s3], $0x80, v4, vm0, $0xb8;
	[tilespmem:$0x10100] =	vst v63  }
0x175: {  	s21 =	simm.s32 $0x8900;
	v3 =	vperm.xlane v3, v2  }
0x176: {  	[tilespmem:s21], [sflag:$0x2] =	stream.indirect_vreg.gather [hbm4b:s5+s3], $0x80, v4, vm0, $0xb8;
	[tilespmem:$0x10100] =	vst v63  }
0x177: {  	s0 =	simm.s32 $0x9100;
	v3 =	vadd.s32 v1, v3  }
0x178: {  	[tilespmem:s0], [sflag:$0x2] =	stream.indirect_vreg.gather [hbm4b:s6+s3], $0x80, v4, vm0, $0xb8;
	[tilespmem:$0x10100] =	vst v63  }
0x179: {  	s2 =	simm.s32 $0x9900  }
0x17a: {  	[tilespmem:s2], [sflag:$0x2] =	stream.indirect_vreg.gather [hbm4b:s7+s3], $0x80, v4, vm0, $0xb8;
	[tilespmem:$0x10100] =	vst v63  }
0x17b: {  	s4 =	simm.s32 $0xA100  }
0x17c: {  	[tilespmem:s4], [sflag:$0x2] =	stream.indirect_vreg.gather [hbm4b:s1+s3], $0x80, v3, vm0, $0xb8;
	[tilespmem:$0x10100] =	vst v63  }
0x17d: {  	s15 =	simm.s32 $0xA900  }
0x17e: {  	[tilespmem:s15], [sflag:$0x2] =	stream.indirect_vreg.gather [hbm4b:s5+s3], $0x80, v3, vm0, $0xb8;
	[tilespmem:$0x10100] =	vst v63  }
0x17f: {  	s18 =	simm.s32 $0xB100  }
0x180: {  	[tilespmem:s18], [sflag:$0x2] =	stream.indirect_vreg.gather [hbm4b:s6+s3], $0x80, v3, vm0, $0xb8;
	[tilespmem:$0x10100] =	vst v63  }
0x181: {  	s18 =	simm.s32 $0xB900  }
0x182: {  	[tilespmem:s18], [sflag:$0x2] =	stream.indirect_vreg.gather [hbm4b:s7+s3], $0x80, v3, vm0, $0xb8;
	[tilespmem:$0x10100] =	vst v63  }
0x183: {  	v3 =	vld [tilespmem:$0xF0];
	_ =	sdelay $0x4  }
0x184: {  	v63 =	vshll.u32 v3, $0x3  }
0x185: {  	v3 =	vand.u32 $0x7, v3;
	v4 =	vand.u32 $0xFFFFFFC0, v63  }
0x186: {  	v3 =	vor.u32 v3, v4  }
0x187: {  	v4 =	vperm.xlane v3, v0;
	_ =	sdelay $0x1  }
0x188: {  	v4 =	vadd.s32 v1, v4;
	_ =	sdelay $0x3  }
0x189: {  	s21 =	simm.s32 $0xC100  }
0x18a: {  	[tilespmem:s21], [sflag:$0x2] =	stream.indirect_vreg.gather [hbm4b:s1+s3], $0x80, v4, vm0, $0xb8;
	[tilespmem:$0x10100] =	vst v63  }
0x18b: {  	s2 =	simm.s32 $0xC900;
	v3 =	vperm.xlane v3, v2  }
0x18c: {  	[tilespmem:s2], [sflag:$0x2] =	stream.indirect_vreg.gather [hbm4b:s5+s3], $0x80, v4, vm0, $0xb8;
	[tilespmem:$0x10100] =	vst v63  }
0x18d: {  	s4 =	simm.s32 $0xD100;
	v3 =	vadd.s32 v1, v3  }
0x18e: {  	[tilespmem:s4], [sflag:$0x2] =	stream.indirect_vreg.gather [hbm4b:s6+s3], $0x80, v4, vm0, $0xb8;
	[tilespmem:$0x10100] =	vst v63  }
0x18f: {  	s15 =	simm.s32 $0xD900  }
0x190: {  	[tilespmem:s15], [sflag:$0x2] =	stream.indirect_vreg.gather [hbm4b:s7+s3], $0x80, v4, vm0, $0xb8;
	[tilespmem:$0x10100] =	vst v63  }
0x191: {  	s18 =	simm.s32 $0xE100  }
0x192: {  	[tilespmem:s18], [sflag:$0x2] =	stream.indirect_vreg.gather [hbm4b:s1+s3], $0x80, v3, vm0, $0xb8;
	[tilespmem:$0x10100] =	vst v63  }
0x193: {  	s21 =	simm.s32 $0xE900  }
0x194: {  	[tilespmem:s21], [sflag:$0x2] =	stream.indirect_vreg.gather [hbm4b:s5+s3], $0x80, v3, vm0, $0xb8;
	[tilespmem:$0x10100] =	vst v63  }
0x195: {  	s2 =	simm.s32 $0xF100  }
0x196: {  	[tilespmem:s2], [sflag:$0x2] =	stream.indirect_vreg.gather [hbm4b:s6+s3], $0x80, v3, vm0, $0xb8;
	[tilespmem:$0x10100] =	vst v63  }
0x197: {  	s4 =	simm.s32 $0xF900  }
0x198: {  	[tilespmem:s4], [sflag:$0x2] =	stream.indirect_vreg.gather [hbm4b:s7+s3], $0x80, v3, vm0, $0xb8;
	[tilespmem:$0x10100] =	vst v63  }
0x199: {  	_ =	swait.ge [sflag:s19], $0x8000  }
0x19a: {  	[sflag:s19] =	ssyncset.done $0x0  }
0x19b: {  	s15 =	rddreg [dreg:$0xa];
	[sflag:s19] =	ssyncadd.s32 $0xFFFF8000  }
0x19c: {  	[hbm4b:s15+s3] =	stream.linear.scatter [tilespmem:s10], [sflag:$0x3], $0x8000, $0x38;
	[tilespmem:$0x10100] =	vst v63  }
0x19d: {  	_ =	swait.ge [sflag:s9], $0x8000  }
0x19e: {  	[sflag:s9] =	ssyncset.done $0x0  }
0x19f: {  	[sflag:s9] =	ssyncadd.s32 $0xFFFF8000  }
0x1a0: {  	_ =	swait.ge [sflag:s20], $0x8000  }
0x1a1: {  	p0 =	sne.s32 s8, $0x1;
	[sflag:s20] =	ssyncset.done $0x0  }
.Ltmp0:
0x1a2: {  	s18 =	rddreg [dreg:$0xb];
	[sflag:s20] =	ssyncadd.s32 $0xFFFF8000;
	(pc) =	sbr.rel @p0 .LBB2_1-.Ltmp0, $4  }
0x1a3: {  	[hbm4b:s18+s3] =	stream.linear.scatter [tilespmem:s26], [sflag:$0x3], $0x8000, $0x38;
	[tilespmem:$0x10100] =	vst v63  }
0x1a4: {  	_ =	swait.ge [sflag:s9], $0x8000  }
0x1a5: {  	[sflag:s9] =	ssyncset.done $0x0  }
0x1a6: {  	s8 =	sadd.s32 $0xFFFFFFFF, s8;
	[sflag:s9] =	ssyncadd.s32 $0xFFFF8000  }
0x1a7: {  	_ =	sfence.sel $0x180000  }
0x1a8: {  	[bflag:$0x0] =	sbarrier.arrive $0xFFFF  }
0x1a9: {  	_ =	strace $0x90000047  }
0x1aa: {  	s0 =	stileid.u32;
	[bflag:$0x2] =	sbarrier.arrive $0xFFFF  }
0x1ab: {  	p0 =	sne.s32 s0, $0x0;
	s0 =	rddreg [dreg:$0x3]  }
0x1ac: {  	s0 =	sadd.s32 @!p0 $0x100000, s0  }
0x1ad: {  	[sflag:s0] =	ssyncadd.tile.s32 @!p0 $0x1;
	_ =	shalt  }
.Lfunc_end2:
_tile_overlayer_lowered:
.L_overlay_start_2:
0x1ae: {  	(tag) =	ssettag $0x2  }
0x1af: {  	s0 =	rddreg [dreg:$0x0];
	s2 =	stileid.u32  }
0x1b0: {  	s1 =	rddreg [dreg:$0x1];
	p0 =	sne.s32 s2, $0x0  }
0x1b1: {  	s3 =	rddreg [dreg:$0x2];
	[bflag:$0x3] =	sbarrier.arrive $0xFFFF;
	s2 =	simm.s32 @!p0 $0x1C03  }
0x1b2: {  	[timem:s3], [sflag:s2] =	dma.local @!p0 [hbm:s0], s1  }
0x1b3: {  	s0 =	simm.s32 @!p0 $0x3  }
0x1b4: {  	_ =	swait.ge @!p0 [sflag:s0], s1  }
0x1b5: {  	s1 =	ssub.s32 @!p0 $0x0, s1;
	[sflag:s0] =	ssyncset.done @!p0 $0x0  }
0x1b6: {  	[sflag:s0] =	ssyncadd.s32 @!p0 s1  }
0x1b7: {  	[bflag:$0x3] =	sbarrier.arrive $0xFFFF  }
0x1b8: {  	_ =	shalt  }

</sc_bundles>
